<compile_context>
chip_gen: v7x
topology: tpu7x:2x2x1
jax: 0.10.2.dev20260603
libtpu: 0.0.44.dev20260713+nightly
codegen_flags: <defaults>
</compile_context>

<pallas_src>
import jax
import jax.numpy as jnp
from jax import lax
from jax.experimental import pallas as pl
from jax.experimental.pallas import tpu as pltpu
from jax.experimental.pallas import tpu_sc as plsc

N_NODES = 10000
N_PAD = 10240
D = 128
DH = D // 2
N_EDGES = 320000
CHUNK = 128
NT = 16
CH_PER_T = 160
NCH_TOT = NT * (CH_PER_T + 4)
DUMMY = N_NODES + 200
RPW = N_PAD // NT
BLK = 1024


def _make_sc_agg(with_counts: bool):
    mesh = plsc.VectorSubcoreMesh(core_axis_name="c", subcore_axis_name="s")
    out_type = [jax.ShapeDtypeStruct((2 * N_PAD, DH), jnp.float32)]
    if with_counts:
        out_type.append(jax.ShapeDtypeStruct((NT * N_PAD,), jnp.float32))
    scratch = [
        pltpu.VMEM_SHARED((N_PAD, DH), jnp.float32),
        pltpu.VMEM_SHARED((N_PAD, DH), jnp.float32),
        [pltpu.VMEM((CHUNK, DH), jnp.float32) for _ in range(4)],
        [pltpu.VMEM((2, CHUNK), jnp.int32) for _ in range(6)],
        [pltpu.SemaphoreType.DMA for _ in range(4)],
        [pltpu.SemaphoreType.DMA for _ in range(4)],
        [pltpu.SemaphoreType.DMA for _ in range(6)],
    ]
    if with_counts:
        scratch.append(pltpu.VMEM((N_PAD,), jnp.float32))

    def body(z, edges, *rest):
        if with_counts:
            out, cnt_out = rest[0], rest[1]
            acc, tab, rows, ei, gsem, ssem, isem, cnt_v = rest[2:]
        else:
            out = rest[0]
            cnt_out = cnt_v = None
            acc, tab, rows, ei, gsem, ssem, isem = rest[1:]

        cid = lax.axis_index("c")
        sid = lax.axis_index("s")

        zeros16 = jnp.zeros((16,), jnp.float32)

        pltpu.sync_copy(z.at[pl.ds(cid * N_PAD + sid * RPW, RPW)],
                        tab.at[pl.ds(sid * RPW, RPW)])

        @pl.loop(0, CHUNK)
        def _zero_zbuf(i):
            for j in range(DH // 16):
                rows[0][i, pl.ds(j * 16, 16)] = zeros16

        for r in range(RPW // CHUNK):
            pltpu.sync_copy(rows[0],
                            acc.at[pl.ds(sid * RPW + r * CHUNK, CHUNK)])

        if with_counts:
            @pl.loop(0, N_PAD // 16)
            def _zero_cnt(i):
                cnt_v[pl.ds(i * 16, 16)] = zeros16

        plsc.subcore_barrier()

        ones16 = jnp.ones((16,), jnp.float32)

        def idx_start(cn, p=None):
            p = cn if p is None else p
            pltpu.async_copy(edges.at[sid + NT * cn], ei[p % 6], isem[p % 6])

        def idx_wait(c):
            pltpu.make_async_copy(edges.at[0], ei[c % 6], isem[c % 6]).wait()

        def gather_start(c):
            pltpu.async_copy(tab.at[ei[c % 6].at[0]], rows[c % 4],
                             gsem[c % 4])

        def gather_wait(c):
            pltpu.make_async_copy(tab.at[ei[c % 6].at[0]], rows[c % 4],
                                  gsem[c % 4]).wait()

        def scatter_start(c):
            pltpu.async_copy(rows[c % 4], acc.at[ei[c % 6].at[1]],
                             ssem[c % 4], add=True)
            if with_counts:
                @pl.when(cid == 0)
                def _():
                    for j in range(CHUNK // 16):
                        plsc.addupdate_scatter(
                            cnt_v, [ei[c % 6][1, pl.ds(j * 16, 16)]], ones16)

        def scatter_wait(c):
            pltpu.make_async_copy(rows[c % 4], acc.at[ei[c % 6].at[1]],
                                  ssem[c % 4]).wait()

        def steady(c, cc=None):
            idx_wait(c + 2)
            scatter_wait(c - 2)
            gather_start(c + 2)
            idx_start((c if cc is None else cc) + 4, c + 4)
            gather_wait(c)
            scatter_start(c)

        for c in range(4):
            idx_start(c)
        idx_wait(0)
        gather_start(0)
        idx_wait(1)
        gather_start(1)
        for c in range(2):
            idx_wait(c + 2)
            gather_start(c + 2)
            idx_start(c + 4)
            gather_wait(c)
            scatter_start(c)

        @pl.loop(0, (CH_PER_T - 4) // 12)
        def _chunks(h):
            for j in range(12):
                c = 2 + j
                steady(c, cc=12 * h + c)

        for c in range(CH_PER_T - 2, CH_PER_T):
            scatter_wait(c - 2)
            gather_wait(c)
            scatter_start(c)
        scatter_wait(CH_PER_T - 2)
        scatter_wait(CH_PER_T - 1)
        idx_wait(CH_PER_T)
        idx_wait(CH_PER_T + 1)

        plsc.subcore_barrier()
        pltpu.sync_copy(acc.at[pl.ds(sid * RPW, RPW)],
                        out.at[pl.ds(cid * N_PAD + sid * RPW, RPW)])
        if with_counts:
            @pl.when(cid == 0)
            def _():
                pltpu.sync_copy(cnt_v, cnt_out.at[pl.ds(sid * N_PAD, N_PAD)])

    return pl.kernel(body, out_type=tuple(out_type), mesh=mesh,
                     scratch_types=tuple(scratch),
                     compiler_params=pltpu.CompilerParams(
                         needs_layout_passes=False,
                         use_tc_tiling_on_sc=False))


_sc_agg_counts = _make_sc_agg(True)
_sc_agg = _make_sc_agg(False)


def _tc_linear2(x, Wa, Wb):
    def body(x_ref, wa_ref, wb_ref, z_ref, y_ref):
        xb = x_ref[...]
        dn = (((1,), (1,)), ((), ()))
        z = lax.dot_general(xb, wa_ref[...], dn,
                            preferred_element_type=jnp.float32)
        z_ref[0] = z[:, :DH]
        z_ref[1] = z[:, DH:]
        y_ref[...] = lax.dot_general(xb, wb_ref[...], dn,
                                     preferred_element_type=jnp.float32)

    return pl.pallas_call(
        body,
        grid=(N_PAD // BLK,),
        in_specs=[pl.BlockSpec((BLK, D), lambda i: (i, 0)),
                  pl.BlockSpec((D, D), lambda i: (0, 0)),
                  pl.BlockSpec((D, D), lambda i: (0, 0))],
        out_specs=[pl.BlockSpec((2, BLK, DH), lambda i: (0, i, 0)),
                   pl.BlockSpec((BLK, D), lambda i: (i, 0))],
        out_shape=[jax.ShapeDtypeStruct((2, N_PAD, DH), jnp.float32),
                   jax.ShapeDtypeStruct((N_PAD, D), jnp.float32)],
    )(x, Wa, Wb)


def _tc_mid(psum, cnt_p, y1, b1l, W2l, W2r):
    def body(p_ref, c_ref, y_ref, b_ref, wa_ref, wb_ref, z_ref, y2_ref):
        cnt = jnp.sum(c_ref[...], axis=0)
        s = jnp.concatenate([p_ref[0], p_ref[1]], axis=1)
        mean = s / jnp.clip(cnt, 1.0, None)[:, None]
        h = jnp.maximum(mean + b_ref[...] + y_ref[...], 0.0)
        dn = (((1,), (1,)), ((), ()))
        z = lax.dot_general(h, wa_ref[...], dn,
                            preferred_element_type=jnp.float32)
        z_ref[0] = z[:, :DH]
        z_ref[1] = z[:, DH:]
        y2_ref[...] = lax.dot_general(h, wb_ref[...], dn,
                                      preferred_element_type=jnp.float32)

    return pl.pallas_call(
        body,
        grid=(N_PAD // BLK,),
        in_specs=[pl.BlockSpec((2, BLK, DH), lambda i: (0, i, 0)),
                  pl.BlockSpec((NT, BLK), lambda i: (0, i)),
                  pl.BlockSpec((BLK, D), lambda i: (i, 0)),
                  pl.BlockSpec((1, D), lambda i: (0, 0)),
                  pl.BlockSpec((D, D), lambda i: (0, 0)),
                  pl.BlockSpec((D, D), lambda i: (0, 0))],
        out_specs=[pl.BlockSpec((2, BLK, DH), lambda i: (0, i, 0)),
                   pl.BlockSpec((BLK, D), lambda i: (i, 0))],
        out_shape=[jax.ShapeDtypeStruct((2, N_PAD, DH), jnp.float32),
                   jax.ShapeDtypeStruct((N_PAD, D), jnp.float32)],
    )(psum, cnt_p, y1, b1l, W2l, W2r)


def _tc_out(psum, cnt_p, y2, b2l):
    def body(p_ref, c_ref, y_ref, b_ref, o_ref):
        cnt = jnp.sum(c_ref[...], axis=0)
        s = jnp.concatenate([p_ref[0], p_ref[1]], axis=1)
        mean = s / jnp.clip(cnt, 1.0, None)[:, None]
        o_ref[...] = mean + b_ref[...] + y_ref[...]

    return pl.pallas_call(
        body,
        grid=(N_PAD // BLK,),
        in_specs=[pl.BlockSpec((2, BLK, DH), lambda i: (0, i, 0)),
                  pl.BlockSpec((NT, BLK), lambda i: (0, i)),
                  pl.BlockSpec((BLK, D), lambda i: (i, 0)),
                  pl.BlockSpec((1, D), lambda i: (0, 0))],
        out_specs=pl.BlockSpec((BLK, D), lambda i: (i, 0)),
        out_shape=jax.ShapeDtypeStruct((N_PAD, D), jnp.float32),
    )(psum, cnt_p, y2, b2l)


def kernel(x, edge_index, W1l, b1l, W1r, W2l, b2l, W2r):
    n = x.shape[0]
    e = edge_index.shape[1]
    e_alloc = NCH_TOT * CHUNK
    src = edge_index[0].astype(jnp.int32)
    dst = edge_index[1].astype(jnp.int32)
    src_p = jnp.concatenate([src, jnp.zeros((e_alloc - e,), jnp.int32)])
    dst_p = jnp.concatenate([dst, jnp.full((e_alloc - e,), DUMMY, jnp.int32)])
    edges = jnp.stack([src_p.reshape(NCH_TOT, CHUNK),
                       dst_p.reshape(NCH_TOT, CHUNK)], axis=1)
    x_p = jnp.pad(x.astype(jnp.float32), ((0, N_PAD - n), (0, 0)))

    z1, y1 = _tc_linear2(x_p, W1l, W1r)
    p1_flat, cnt_flat = _sc_agg_counts(z1.reshape(2 * N_PAD, DH), edges)
    p1 = p1_flat.reshape(2, N_PAD, DH)
    cnt_p = cnt_flat.reshape(NT, N_PAD)
    z2, y2 = _tc_mid(p1, cnt_p, y1, b1l.reshape(1, D), W2l, W2r)
    p2 = _sc_agg(z2.reshape(2 * N_PAD, DH), edges)[0].reshape(2, N_PAD, DH)
    out = _tc_out(p2, cnt_p, y2, b2l.reshape(1, D))
    return out[:n]

# --- scband reference (transcript-rebuilt; emitter-appended) ---
"""Pipeline reference for scband-graph-sageencoder-79096117723243 (READ-ONLY COPY).

The authoritative reference and input builder live on the scoring server;
editing this copy changes nothing except your own understanding.
"""

import jax, jax.numpy as jnp
import numpy as np

N_NODES = 10000
N_EDGES = 320000
D_IN = 128
D_HID = 128
D_OUT = 128


def setup_inputs(seed: int = 0) -> dict:
    key = jax.random.key(seed)
    k_x, k_ei, k1, k2, k3, k4 = jax.random.split(key, 6)
    x = jax.random.normal(k_x, (N_NODES, D_IN), dtype=jnp.float32)
    edge_index = jax.random.randint(k_ei, (2, N_EDGES), 0, N_NODES, dtype=jnp.int64)
    # SAGEConv layer 1 params: lin_l (aggregated, with bias), lin_r (root, no bias)
    s1 = 1.0 / np.sqrt(D_IN)
    W1l = jax.random.uniform(k1, (D_HID, D_IN), dtype=jnp.float32, minval=-s1, maxval=s1)
    b1l = jnp.zeros((D_HID,), dtype=jnp.float32)
    W1r = jax.random.uniform(k2, (D_HID, D_IN), dtype=jnp.float32, minval=-s1, maxval=s1)
    # SAGEConv layer 2 params
    s2 = 1.0 / np.sqrt(D_HID)
    W2l = jax.random.uniform(k3, (D_OUT, D_HID), dtype=jnp.float32, minval=-s2, maxval=s2)
    b2l = jnp.zeros((D_OUT,), dtype=jnp.float32)
    W2r = jax.random.uniform(k4, (D_OUT, D_HID), dtype=jnp.float32, minval=-s2, maxval=s2)
    return {"x": x, "edge_index": edge_index,
            "W1l": W1l, "b1l": b1l, "W1r": W1r,
            "W2l": W2l, "b2l": b2l, "W2r": W2r}


def _sage_conv(x, edge_index, Wl, bl, Wr):
    src = edge_index[0]
    dst = edge_index[1]
    # message: gather source node features along edges
    msgs = jnp.take(x, src, axis=0)
    # mean aggregation via scatter-add (segment_sum) into destination nodes
    summed = jax.ops.segment_sum(msgs, dst, num_segments=x.shape[0])
    counts = jax.ops.segment_sum(jnp.ones((edge_index.shape[1],), dtype=x.dtype), dst, num_segments=x.shape[0])
    mean_aggr = summed / jnp.clip(counts, 1.0, None)[:, None]
    # out = lin_l(mean_aggr) + lin_r(x)
    return mean_aggr @ Wl.T + bl + x @ Wr.T


def reference(x, edge_index, W1l, b1l, W1r, W2l, b2l, W2r):
    h = _sage_conv(x, edge_index, W1l, b1l, W1r)
    h = jax.nn.relu(h)
    out = _sage_conv(h, edge_index, W2l, b2l, W2r)
    return out

if __name__ == "__main__":
    import jax
    _d = setup_inputs()
    print(jax.jit(kernel)(*tuple(_d.values())))

</pallas_src>

<mosaic_0001>
#map = affine_map<(d0, d1) -> (0, 0)>
#map1 = affine_map<(d0, d1) -> (0, 0, 0)>
#map2 = affine_map<(d0, d1) -> (0)>
module attributes {stable_mosaic.version = 14 : i64} {
  func.func @body(%arg0: i32, %arg1: i32, %arg2: memref<20480x64xf32, #tpu.memory_space<hbm>>, %arg3: memref<2624x2x128xi32, #tpu.memory_space<hbm>>, %arg4: memref<20480x64xf32, #tpu.memory_space<hbm>>, %arg5: memref<163840xf32, #tpu.memory_space<hbm>>, %arg6: memref<10240x64xf32, #tpu.memory_space<vmem_shared>>, %arg7: memref<10240x64xf32, #tpu.memory_space<vmem_shared>>, %arg8: memref<128x64xf32, #tpu.memory_space<vmem>>, %arg9: memref<128x64xf32, #tpu.memory_space<vmem>>, %arg10: memref<128x64xf32, #tpu.memory_space<vmem>>, %arg11: memref<128x64xf32, #tpu.memory_space<vmem>>, %arg12: memref<2x128xi32, #tpu.memory_space<vmem>>, %arg13: memref<2x128xi32, #tpu.memory_space<vmem>>, %arg14: memref<2x128xi32, #tpu.memory_space<vmem>>, %arg15: memref<2x128xi32, #tpu.memory_space<vmem>>, %arg16: memref<2x128xi32, #tpu.memory_space<vmem>>, %arg17: memref<2x128xi32, #tpu.memory_space<vmem>>, %arg18: memref<!tpu.dma_semaphore, #tpu.memory_space<semaphore_mem>>, %arg19: memref<!tpu.dma_semaphore, #tpu.memory_space<semaphore_mem>>, %arg20: memref<!tpu.dma_semaphore, #tpu.memory_space<semaphore_mem>>, %arg21: memref<!tpu.dma_semaphore, #tpu.memory_space<semaphore_mem>>, %arg22: memref<!tpu.dma_semaphore, #tpu.memory_space<semaphore_mem>>, %arg23: memref<!tpu.dma_semaphore, #tpu.memory_space<semaphore_mem>>, %arg24: memref<!tpu.dma_semaphore, #tpu.memory_space<semaphore_mem>>, %arg25: memref<!tpu.dma_semaphore, #tpu.memory_space<semaphore_mem>>, %arg26: memref<!tpu.dma_semaphore, #tpu.memory_space<semaphore_mem>>, %arg27: memref<!tpu.dma_semaphore, #tpu.memory_space<semaphore_mem>>, %arg28: memref<!tpu.dma_semaphore, #tpu.memory_space<semaphore_mem>>, %arg29: memref<!tpu.dma_semaphore, #tpu.memory_space<semaphore_mem>>, %arg30: memref<!tpu.dma_semaphore, #tpu.memory_space<semaphore_mem>>, %arg31: memref<!tpu.dma_semaphore, #tpu.memory_space<semaphore_mem>>, %arg32: memref<10240xf32, #tpu.memory_space<vmem>>) attributes {dimension_semantics = [#tpu.dimension_semantics<core_parallel>, #tpu.dimension_semantics<subcore_parallel>], iteration_bounds = array<i64: 2, 16>, scalar_prefetch = 0 : i64, scratch_operands = 27 : i64, tpu.core_type = #tpu.core_type<sc_vector_subcore>, window_params = [{transform_indices = #map}, {transform_indices = #map1}, {transform_indices = #map}, {transform_indices = #map2}]} {
    %broadcast_in_dim3A = arith.constant 0.000000e+00 : f32
    %broadcast_in_dim3A_0 = vector.broadcast %broadcast_in_dim3A : f32 to vector<16xf32>
    %mul3A = arith.constant 10240 : i32
    %mul3A_1 = arith.muli %arg0, %mul3A : i32
    %mul3A_2 = arith.constant 640 : i32
    %mul3A_3 = arith.muli %arg1, %mul3A_2 : i32
    %add3A = arith.addi %mul3A_1, %mul3A_3 : i32
    %mul3A_4 = arith.constant 640 : i32
    %mul3A_5 = arith.muli %arg1, %mul3A_4 : i32
    "tpu.region"() ({
      %run_scoped3A = tpu.sem_alloc : memref<!tpu.dma_semaphore, #tpu.memory_space<semaphore_mem>>
      %dma_start3A_296 = arith.constant 0 : i32
      %dma_start3A_297 = tpu.memref_slice %arg7[%mul3A_5, %dma_start3A_296] : memref<10240x64xf32, #tpu.memory_space<vmem_shared>> -> memref<640x64xf32, #tpu.memory_space<vmem_shared>>
      %dma_start3A_298 = arith.constant 0 : i32
      %dma_start3A_299 = tpu.memref_slice %arg2[%add3A, %dma_start3A_298] : memref<20480x64xf32, #tpu.memory_space<hbm>> -> memref<640x64xf32, #tpu.memory_space<hbm>>
      tpu.enqueue_dma source(%dma_start3A_299 : memref<640x64xf32, #tpu.memory_space<hbm>>) target(%dma_start3A_297 : memref<640x64xf32, #tpu.memory_space<vmem_shared>>) target_semaphore(%run_scoped3A : memref<!tpu.dma_semaphore, #tpu.memory_space<semaphore_mem>>)
      %dma_wait3A_300 = arith.constant 0 : i32
      %dma_wait3A_301 = tpu.memref_slice %arg7[%mul3A_5, %dma_wait3A_300] : memref<10240x64xf32, #tpu.memory_space<vmem_shared>> -> memref<640x64xf32, #tpu.memory_space<vmem_shared>>
      %dma_wait3A_302 = arith.constant 0 : i32
      %dma_wait3A_303 = tpu.memref_slice %arg2[%add3A, %dma_wait3A_302] : memref<20480x64xf32, #tpu.memory_space<hbm>> -> memref<640x64xf32, #tpu.memory_space<hbm>>
      tpu.wait_dma2 semaphore(%run_scoped3A : memref<!tpu.dma_semaphore, #tpu.memory_space<semaphore_mem>>) src(%dma_wait3A_303 : memref<640x64xf32, #tpu.memory_space<hbm>>) dst(%dma_wait3A_301 : memref<640x64xf32, #tpu.memory_space<vmem_shared>>)
      tpu.yield
    }) : () -> ()
    %scan3A = arith.constant 0 : i32
    %scan3A_6 = arith.constant 128 : i32
    %scan3A_7 = arith.addi %scan3A, %scan3A_6 : i32
    %scan3A_8 = arith.constant 1 : i32
    scf.for %scan3A_296 = %scan3A to %scan3A_7 step %scan3A_8  : i32 {
      %mul3A_297 = arith.constant 1 : i32
      %mul3A_298 = arith.muli %scan3A_296, %mul3A_297 : i32
      %add3A_299 = arith.constant 0 : i32
      %add3A_300 = arith.addi %add3A_299, %mul3A_298 : i32
      %swap3A = arith.index_cast %add3A_300 : i32 to index
      %swap3A_301 = arith.constant 0 : index
      %swap3A_302 = tpu.vector_load %arg8[%swap3A, %swap3A_301] {strides = array<i32>} : memref<128x64xf32, #tpu.memory_space<vmem>>, vector<16xf32>,
      tpu.vector_store %arg8[%swap3A, %swap3A_301], %broadcast_in_dim3A_0 {strides = array<i32>} : memref<128x64xf32, #tpu.memory_space<vmem>>, vector<16xf32>,
      %swap3A_303 = arith.index_cast %add3A_300 : i32 to index
      %swap3A_304 = arith.constant 16 : index
      %swap3A_305 = tpu.vector_load %arg8[%swap3A_303, %swap3A_304] {strides = array<i32>} : memref<128x64xf32, #tpu.memory_space<vmem>>, vector<16xf32>,
      tpu.vector_store %arg8[%swap3A_303, %swap3A_304], %broadcast_in_dim3A_0 {strides = array<i32>} : memref<128x64xf32, #tpu.memory_space<vmem>>, vector<16xf32>,
      %swap3A_306 = arith.index_cast %add3A_300 : i32 to index
      %swap3A_307 = arith.constant 32 : index
      %swap3A_308 = tpu.vector_load %arg8[%swap3A_306, %swap3A_307] {strides = array<i32>} : memref<128x64xf32, #tpu.memory_space<vmem>>, vector<16xf32>,
      tpu.vector_store %arg8[%swap3A_306, %swap3A_307], %broadcast_in_dim3A_0 {strides = array<i32>} : memref<128x64xf32, #tpu.memory_space<vmem>>, vector<16xf32>,
      %swap3A_309 = arith.index_cast %add3A_300 : i32 to index
      %swap3A_310 = arith.constant 48 : index
      %swap3A_311 = tpu.vector_load %arg8[%swap3A_309, %swap3A_310] {strides = array<i32>} : memref<128x64xf32, #tpu.memory_space<vmem>>, vector<16xf32>,
      tpu.vector_store %arg8[%swap3A_309, %swap3A_310], %broadcast_in_dim3A_0 {strides = array<i32>} : memref<128x64xf32, #tpu.memory_space<vmem>>, vector<16xf32>,
    }
    %scan3A_9 = arith.constant 128 : i32
    %mul3A_10 = arith.constant 640 : i32
    %mul3A_11 = arith.muli %arg1, %mul3A_10 : i32
    %add3A_12 = arith.constant 0 : i32
    %add3A_13 = arith.addi %mul3A_11, %add3A_12 : i32
    "tpu.region"() ({
      %run_scoped3A = tpu.sem_alloc : memref<!tpu.dma_semaphore, #tpu.memory_space<semaphore_mem>>
      %dma_start3A_296 = arith.constant 0 : i32
      %dma_start3A_297 = tpu.memref_slice %arg6[%add3A_13, %dma_start3A_296] : memref<10240x64xf32, #tpu.memory_space<vmem_shared>> -> memref<128x64xf32, #tpu.memory_space<vmem_shared>>
      %dma_start3A_298 = arith.constant 0 : i32
      %dma_start3A_299 = tpu.memref_slice %arg6[%add3A_13, %dma_start3A_298] : memref<10240x64xf32, #tpu.memory_space<vmem_shared>> -> memref<128x64xf32, #tpu.memory_space<vmem_shared>>
      tpu.enqueue_dma source(%arg8 : memref<128x64xf32, #tpu.memory_space<vmem>>) target(%dma_start3A_299 : memref<128x64xf32, #tpu.memory_space<vmem_shared>>) target_semaphore(%run_scoped3A : memref<!tpu.dma_semaphore, #tpu.memory_space<semaphore_mem>>)
      %dma_wait3A_300 = arith.constant 0 : i32
      %dma_wait3A_301 = tpu.memref_slice %arg6[%add3A_13, %dma_wait3A_300] : memref<10240x64xf32, #tpu.memory_space<vmem_shared>> -> memref<128x64xf32, #tpu.memory_space<vmem_shared>>
      %dma_wait3A_302 = arith.constant 0 : i32
      %dma_wait3A_303 = tpu.memref_slice %arg6[%add3A_13, %dma_wait3A_302] : memref<10240x64xf32, #tpu.memory_space<vmem_shared>> -> memref<128x64xf32, #tpu.memory_space<vmem_shared>>
      tpu.wait_dma2 semaphore(%run_scoped3A : memref<!tpu.dma_semaphore, #tpu.memory_space<semaphore_mem>>) src(%arg8 : memref<128x64xf32, #tpu.memory_space<vmem>>) dst(%dma_wait3A_303 : memref<128x64xf32, #tpu.memory_space<vmem_shared>>)
      tpu.yield
    }) : () -> ()
    %mul3A_14 = arith.constant 640 : i32
    %mul3A_15 = arith.muli %arg1, %mul3A_14 : i32
    %add3A_16 = arith.constant 128 : i32
    %add3A_17 = arith.addi %mul3A_15, %add3A_16 : i32
    "tpu.region"() ({
      %run_scoped3A = tpu.sem_alloc : memref<!tpu.dma_semaphore, #tpu.memory_space<semaphore_mem>>
      %dma_start3A_296 = arith.constant 0 : i32
      %dma_start3A_297 = tpu.memref_slice %arg6[%add3A_17, %dma_start3A_296] : memref<10240x64xf32, #tpu.memory_space<vmem_shared>> -> memref<128x64xf32, #tpu.memory_space<vmem_shared>>
      %dma_start3A_298 = arith.constant 0 : i32
      %dma_start3A_299 = tpu.memref_slice %arg6[%add3A_17, %dma_start3A_298] : memref<10240x64xf32, #tpu.memory_space<vmem_shared>> -> memref<128x64xf32, #tpu.memory_space<vmem_shared>>
      tpu.enqueue_dma source(%arg8 : memref<128x64xf32, #tpu.memory_space<vmem>>) target(%dma_start3A_299 : memref<128x64xf32, #tpu.memory_space<vmem_shared>>) target_semaphore(%run_scoped3A : memref<!tpu.dma_semaphore, #tpu.memory_space<semaphore_mem>>)
      %dma_wait3A_300 = arith.constant 0 : i32
      %dma_wait3A_301 = tpu.memref_slice %arg6[%add3A_17, %dma_wait3A_300] : memref<10240x64xf32, #tpu.memory_space<vmem_shared>> -> memref<128x64xf32, #tpu.memory_space<vmem_shared>>
      %dma_wait3A_302 = arith.constant 0 : i32
      %dma_wait3A_303 = tpu.memref_slice %arg6[%add3A_17, %dma_wait3A_302] : memref<10240x64xf32, #tpu.memory_space<vmem_shared>> -> memref<128x64xf32, #tpu.memory_space<vmem_shared>>
      tpu.wait_dma2 semaphore(%run_scoped3A : memref<!tpu.dma_semaphore, #tpu.memory_space<semaphore_mem>>) src(%arg8 : memref<128x64xf32, #tpu.memory_space<vmem>>) dst(%dma_wait3A_303 : memref<128x64xf32, #tpu.memory_space<vmem_shared>>)
      tpu.yield
    }) : () -> ()
    %mul3A_18 = arith.constant 640 : i32
    %mul3A_19 = arith.muli %arg1, %mul3A_18 : i32
    %add3A_20 = arith.constant 256 : i32
    %add3A_21 = arith.addi %mul3A_19, %add3A_20 : i32
    "tpu.region"() ({
      %run_scoped3A = tpu.sem_alloc : memref<!tpu.dma_semaphore, #tpu.memory_space<semaphore_mem>>
      %dma_start3A_296 = arith.constant 0 : i32
      %dma_start3A_297 = tpu.memref_slice %arg6[%add3A_21, %dma_start3A_296] : memref<10240x64xf32, #tpu.memory_space<vmem_shared>> -> memref<128x64xf32, #tpu.memory_space<vmem_shared>>
      %dma_start3A_298 = arith.constant 0 : i32
      %dma_start3A_299 = tpu.memref_slice %arg6[%add3A_21, %dma_start3A_298] : memref<10240x64xf32, #tpu.memory_space<vmem_shared>> -> memref<128x64xf32, #tpu.memory_space<vmem_shared>>
      tpu.enqueue_dma source(%arg8 : memref<128x64xf32, #tpu.memory_space<vmem>>) target(%dma_start3A_299 : memref<128x64xf32, #tpu.memory_space<vmem_shared>>) target_semaphore(%run_scoped3A : memref<!tpu.dma_semaphore, #tpu.memory_space<semaphore_mem>>)
      %dma_wait3A_300 = arith.constant 0 : i32
      %dma_wait3A_301 = tpu.memref_slice %arg6[%add3A_21, %dma_wait3A_300] : memref<10240x64xf32, #tpu.memory_space<vmem_shared>> -> memref<128x64xf32, #tpu.memory_space<vmem_shared>>
      %dma_wait3A_302 = arith.constant 0 : i32
      %dma_wait3A_303 = tpu.memref_slice %arg6[%add3A_21, %dma_wait3A_302] : memref<10240x64xf32, #tpu.memory_space<vmem_shared>> -> memref<128x64xf32, #tpu.memory_space<vmem_shared>>
      tpu.wait_dma2 semaphore(%run_scoped3A : memref<!tpu.dma_semaphore, #tpu.memory_space<semaphore_mem>>) src(%arg8 : memref<128x64xf32, #tpu.memory_space<vmem>>) dst(%dma_wait3A_303 : memref<128x64xf32, #tpu.memory_space<vmem_shared>>)
      tpu.yield
    }) : () -> ()
    %mul3A_22 = arith.constant 640 : i32
    %mul3A_23 = arith.muli %arg1, %mul3A_22 : i32
    %add3A_24 = arith.constant 384 : i32
    %add3A_25 = arith.addi %mul3A_23, %add3A_24 : i32
    "tpu.region"() ({
      %run_scoped3A = tpu.sem_alloc : memref<!tpu.dma_semaphore, #tpu.memory_space<semaphore_mem>>
      %dma_start3A_296 = arith.constant 0 : i32
      %dma_start3A_297 = tpu.memref_slice %arg6[%add3A_25, %dma_start3A_296] : memref<10240x64xf32, #tpu.memory_space<vmem_shared>> -> memref<128x64xf32, #tpu.memory_space<vmem_shared>>
      %dma_start3A_298 = arith.constant 0 : i32
      %dma_start3A_299 = tpu.memref_slice %arg6[%add3A_25, %dma_start3A_298] : memref<10240x64xf32, #tpu.memory_space<vmem_shared>> -> memref<128x64xf32, #tpu.memory_space<vmem_shared>>
      tpu.enqueue_dma source(%arg8 : memref<128x64xf32, #tpu.memory_space<vmem>>) target(%dma_start3A_299 : memref<128x64xf32, #tpu.memory_space<vmem_shared>>) target_semaphore(%run_scoped3A : memref<!tpu.dma_semaphore, #tpu.memory_space<semaphore_mem>>)
      %dma_wait3A_300 = arith.constant 0 : i32
      %dma_wait3A_301 = tpu.memref_slice %arg6[%add3A_25, %dma_wait3A_300] : memref<10240x64xf32, #tpu.memory_space<vmem_shared>> -> memref<128x64xf32, #tpu.memory_space<vmem_shared>>
      %dma_wait3A_302 = arith.constant 0 : i32
      %dma_wait3A_303 = tpu.memref_slice %arg6[%add3A_25, %dma_wait3A_302] : memref<10240x64xf32, #tpu.memory_space<vmem_shared>> -> memref<128x64xf32, #tpu.memory_space<vmem_shared>>
      tpu.wait_dma2 semaphore(%run_scoped3A : memref<!tpu.dma_semaphore, #tpu.memory_space<semaphore_mem>>) src(%arg8 : memref<128x64xf32, #tpu.memory_space<vmem>>) dst(%dma_wait3A_303 : memref<128x64xf32, #tpu.memory_space<vmem_shared>>)
      tpu.yield
    }) : () -> ()
    %mul3A_26 = arith.constant 640 : i32
    %mul3A_27 = arith.muli %arg1, %mul3A_26 : i32
    %add3A_28 = arith.constant 512 : i32
    %add3A_29 = arith.addi %mul3A_27, %add3A_28 : i32
    "tpu.region"() ({
      %run_scoped3A = tpu.sem_alloc : memref<!tpu.dma_semaphore, #tpu.memory_space<semaphore_mem>>
      %dma_start3A_296 = arith.constant 0 : i32
      %dma_start3A_297 = tpu.memref_slice %arg6[%add3A_29, %dma_start3A_296] : memref<10240x64xf32, #tpu.memory_space<vmem_shared>> -> memref<128x64xf32, #tpu.memory_space<vmem_shared>>
      %dma_start3A_298 = arith.constant 0 : i32
      %dma_start3A_299 = tpu.memref_slice %arg6[%add3A_29, %dma_start3A_298] : memref<10240x64xf32, #tpu.memory_space<vmem_shared>> -> memref<128x64xf32, #tpu.memory_space<vmem_shared>>
      tpu.enqueue_dma source(%arg8 : memref<128x64xf32, #tpu.memory_space<vmem>>) target(%dma_start3A_299 : memref<128x64xf32, #tpu.memory_space<vmem_shared>>) target_semaphore(%run_scoped3A : memref<!tpu.dma_semaphore, #tpu.memory_space<semaphore_mem>>)
      %dma_wait3A_300 = arith.constant 0 : i32
      %dma_wait3A_301 = tpu.memref_slice %arg6[%add3A_29, %dma_wait3A_300] : memref<10240x64xf32, #tpu.memory_space<vmem_shared>> -> memref<128x64xf32, #tpu.memory_space<vmem_shared>>
      %dma_wait3A_302 = arith.constant 0 : i32
      %dma_wait3A_303 = tpu.memref_slice %arg6[%add3A_29, %dma_wait3A_302] : memref<10240x64xf32, #tpu.memory_space<vmem_shared>> -> memref<128x64xf32, #tpu.memory_space<vmem_shared>>
      tpu.wait_dma2 semaphore(%run_scoped3A : memref<!tpu.dma_semaphore, #tpu.memory_space<semaphore_mem>>) src(%arg8 : memref<128x64xf32, #tpu.memory_space<vmem>>) dst(%dma_wait3A_303 : memref<128x64xf32, #tpu.memory_space<vmem_shared>>)
      tpu.yield
    }) : () -> ()
    %scan3A_30 = arith.constant 0 : i32
    %scan3A_31 = arith.constant 640 : i32
    %scan3A_32 = arith.addi %scan3A_30, %scan3A_31 : i32
    %scan3A_33 = arith.constant 1 : i32
    scf.for %scan3A_296 = %scan3A_30 to %scan3A_32 step %scan3A_33  : i32 {
      %mul3A_297 = arith.constant 1 : i32
      %mul3A_298 = arith.muli %scan3A_296, %mul3A_297 : i32
      %add3A_299 = arith.constant 0 : i32
      %add3A_300 = arith.addi %add3A_299, %mul3A_298 : i32
      %mul3A_301 = arith.constant 16 : i32
      %mul3A_302 = arith.muli %add3A_300, %mul3A_301 : i32
      %swap3A = arith.index_cast %mul3A_302 : i32 to index
      %swap3A_303 = tpu.vector_load %arg32[%swap3A] {strides = array<i32>} : memref<10240xf32, #tpu.memory_space<vmem>>, vector<16xf32>,
      tpu.vector_store %arg32[%swap3A], %broadcast_in_dim3A_0 {strides = array<i32>} : memref<10240xf32, #tpu.memory_space<vmem>>, vector<16xf32>,
    }
    %scan3A_34 = arith.constant 640 : i32
    %barrier3A = arith.constant 0 : index
    tpu.barrier barrier_id(%barrier3A)
    %broadcast_in_dim3A_35 = arith.constant 1.000000e+00 : f32
    %broadcast_in_dim3A_36 = vector.broadcast %broadcast_in_dim3A_35 : f32 to vector<16xf32>
    %add3A_37 = arith.constant 0 : i32
    %add3A_38 = arith.addi %arg1, %add3A_37 : i32
    %dma_start3A = arith.constant 0 : i32
    %dma_start3A_39 = arith.constant 0 : i32
    %dma_start3A_40 = tpu.memref_slice %arg3[%add3A_38, %dma_start3A, %dma_start3A_39] : memref<2624x2x128xi32, #tpu.memory_space<hbm>> -> memref<1x2x128xi32, #tpu.memory_space<hbm>>
    %dma_start3A_41 = tpu.memref_squeeze %dma_start3A_40 : memref<1x2x128xi32, #tpu.memory_space<hbm>> -> memref<2x128xi32, #tpu.memory_space<hbm>>
    %dma_start3A_42 = arith.constant 0 : i32
    %dma_start3A_43 = arith.constant 0 : i32
    %dma_start3A_44 = tpu.memref_slice %arg3[%add3A_38, %dma_start3A_42, %dma_start3A_43] : memref<2624x2x128xi32, #tpu.memory_space<hbm>> -> memref<1x2x128xi32, #tpu.memory_space<hbm>>
    %dma_start3A_45 = tpu.memref_squeeze %dma_start3A_44 : memref<1x2x128xi32, #tpu.memory_space<hbm>> -> memref<2x128xi32, #tpu.memory_space<hbm>>
    tpu.enqueue_dma source(%dma_start3A_45 : memref<2x128xi32, #tpu.memory_space<hbm>>) target(%arg12 : memref<2x128xi32, #tpu.memory_space<vmem>>) target_semaphore(%arg26 : memref<!tpu.dma_semaphore, #tpu.memory_space<semaphore_mem>>)
    %add3A_46 = arith.constant 16 : i32
    %add3A_47 = arith.addi %arg1, %add3A_46 : i32
    %dma_start3A_48 = arith.constant 0 : i32
    %dma_start3A_49 = arith.constant 0 : i32
    %dma_start3A_50 = tpu.memref_slice %arg3[%add3A_47, %dma_start3A_48, %dma_start3A_49] : memref<2624x2x128xi32, #tpu.memory_space<hbm>> -> memref<1x2x128xi32, #tpu.memory_space<hbm>>
    %dma_start3A_51 = tpu.memref_squeeze %dma_start3A_50 : memref<1x2x128xi32, #tpu.memory_space<hbm>> -> memref<2x128xi32, #tpu.memory_space<hbm>>
    %dma_start3A_52 = arith.constant 0 : i32
    %dma_start3A_53 = arith.constant 0 : i32
    %dma_start3A_54 = tpu.memref_slice %arg3[%add3A_47, %dma_start3A_52, %dma_start3A_53] : memref<2624x2x128xi32, #tpu.memory_space<hbm>> -> memref<1x2x128xi32, #tpu.memory_space<hbm>>
    %dma_start3A_55 = tpu.memref_squeeze %dma_start3A_54 : memref<1x2x128xi32, #tpu.memory_space<hbm>> -> memref<2x128xi32, #tpu.memory_space<hbm>>
    tpu.enqueue_dma source(%dma_start3A_55 : memref<2x128xi32, #tpu.memory_space<hbm>>) target(%arg13 : memref<2x128xi32, #tpu.memory_space<vmem>>) target_semaphore(%arg27 : memref<!tpu.dma_semaphore, #tpu.memory_space<semaphore_mem>>)
    %add3A_56 = arith.constant 32 : i32
    %add3A_57 = arith.addi %arg1, %add3A_56 : i32
    %dma_start3A_58 = arith.constant 0 : i32
    %dma_start3A_59 = arith.constant 0 : i32
    %dma_start3A_60 = tpu.memref_slice %arg3[%add3A_57, %dma_start3A_58, %dma_start3A_59] : memref<2624x2x128xi32, #tpu.memory_space<hbm>> -> memref<1x2x128xi32, #tpu.memory_space<hbm>>
    %dma_start3A_61 = tpu.memref_squeeze %dma_start3A_60 : memref<1x2x128xi32, #tpu.memory_space<hbm>> -> memref<2x128xi32, #tpu.memory_space<hbm>>
    %dma_start3A_62 = arith.constant 0 : i32
    %dma_start3A_63 = arith.constant 0 : i32
    %dma_start3A_64 = tpu.memref_slice %arg3[%add3A_57, %dma_start3A_62, %dma_start3A_63] : memref<2624x2x128xi32, #tpu.memory_space<hbm>> -> memref<1x2x128xi32, #tpu.memory_space<hbm>>
    %dma_start3A_65 = tpu.memref_squeeze %dma_start3A_64 : memref<1x2x128xi32, #tpu.memory_space<hbm>> -> memref<2x128xi32, #tpu.memory_space<hbm>>
    tpu.enqueue_dma source(%dma_start3A_65 : memref<2x128xi32, #tpu.memory_space<hbm>>) target(%arg14 : memref<2x128xi32, #tpu.memory_space<vmem>>) target_semaphore(%arg28 : memref<!tpu.dma_semaphore, #tpu.memory_space<semaphore_mem>>)
    %add3A_66 = arith.constant 48 : i32
    %add3A_67 = arith.addi %arg1, %add3A_66 : i32
    %dma_start3A_68 = arith.constant 0 : i32
    %dma_start3A_69 = arith.constant 0 : i32
    %dma_start3A_70 = tpu.memref_slice %arg3[%add3A_67, %dma_start3A_68, %dma_start3A_69] : memref<2624x2x128xi32, #tpu.memory_space<hbm>> -> memref<1x2x128xi32, #tpu.memory_space<hbm>>
    %dma_start3A_71 = tpu.memref_squeeze %dma_start3A_70 : memref<1x2x128xi32, #tpu.memory_space<hbm>> -> memref<2x128xi32, #tpu.memory_space<hbm>>
    %dma_start3A_72 = arith.constant 0 : i32
    %dma_start3A_73 = arith.constant 0 : i32
    %dma_start3A_74 = tpu.memref_slice %arg3[%add3A_67, %dma_start3A_72, %dma_start3A_73] : memref<2624x2x128xi32, #tpu.memory_space<hbm>> -> memref<1x2x128xi32, #tpu.memory_space<hbm>>
    %dma_start3A_75 = tpu.memref_squeeze %dma_start3A_74 : memref<1x2x128xi32, #tpu.memory_space<hbm>> -> memref<2x128xi32, #tpu.memory_space<hbm>>
    tpu.enqueue_dma source(%dma_start3A_75 : memref<2x128xi32, #tpu.memory_space<hbm>>) target(%arg15 : memref<2x128xi32, #tpu.memory_space<vmem>>) target_semaphore(%arg29 : memref<!tpu.dma_semaphore, #tpu.memory_space<semaphore_mem>>)
    %dma_wait3A = arith.constant 0 : i32
    %dma_wait3A_76 = arith.constant 0 : i32
    %dma_wait3A_77 = arith.constant 0 : i32
    %dma_wait3A_78 = tpu.memref_slice %arg3[%dma_wait3A, %dma_wait3A_76, %dma_wait3A_77] : memref<2624x2x128xi32, #tpu.memory_space<hbm>> -> memref<1x2x128xi32, #tpu.memory_space<hbm>>
    %dma_wait3A_79 = tpu.memref_squeeze %dma_wait3A_78 : memref<1x2x128xi32, #tpu.memory_space<hbm>> -> memref<2x128xi32, #tpu.memory_space<hbm>>
    %dma_wait3A_80 = arith.constant 0 : i32
    %dma_wait3A_81 = arith.constant 0 : i32
    %dma_wait3A_82 = tpu.memref_slice %arg3[%dma_wait3A, %dma_wait3A_80, %dma_wait3A_81] : memref<2624x2x128xi32, #tpu.memory_space<hbm>> -> memref<1x2x128xi32, #tpu.memory_space<hbm>>
    %dma_wait3A_83 = tpu.memref_squeeze %dma_wait3A_82 : memref<1x2x128xi32, #tpu.memory_space<hbm>> -> memref<2x128xi32, #tpu.memory_space<hbm>>
    tpu.wait_dma2 semaphore(%arg26 : memref<!tpu.dma_semaphore, #tpu.memory_space<semaphore_mem>>) src(%dma_wait3A_83 : memref<2x128xi32, #tpu.memory_space<hbm>>) dst(%arg12 : memref<2x128xi32, #tpu.memory_space<vmem>>)
    %dma_start3A_84 = arith.constant 0 : i32
    %dma_start3A_85 = arith.constant 0 : i32
    %dma_start3A_86 = tpu.memref_slice %arg12[%dma_start3A_84, %dma_start3A_85] : memref<2x128xi32, #tpu.memory_space<vmem>> -> memref<1x128xi32, #tpu.memory_space<vmem>>
    %dma_start3A_87 = tpu.memref_squeeze %dma_start3A_86 : memref<1x128xi32, #tpu.memory_space<vmem>> -> memref<128xi32, #tpu.memory_space<vmem>>
    %dma_start3A_88 = arith.constant 0 : i32
    %dma_start3A_89 = arith.constant 0 : i32
    %dma_start3A_90 = tpu.memref_slice %arg7[%dma_start3A_88, %dma_start3A_89] : memref<10240x64xf32, #tpu.memory_space<vmem_shared>> -> memref<10240x64xf32, #tpu.memory_space<vmem_shared>>
    tpu.enqueue_indirect_dma source(%dma_start3A_90 : memref<10240x64xf32, #tpu.memory_space<vmem_shared>>) target(%arg8 : memref<128x64xf32, #tpu.memory_space<vmem>>) offsets(%dma_start3A_87 : memref<128xi32, #tpu.memory_space<vmem>>) semaphore(%arg18 : memref<!tpu.dma_semaphore, #tpu.memory_space<semaphore_mem>>)
    %dma_wait3A_91 = arith.constant 0 : i32
    %dma_wait3A_92 = arith.constant 0 : i32
    %dma_wait3A_93 = arith.constant 0 : i32
    %dma_wait3A_94 = tpu.memref_slice %arg3[%dma_wait3A_91, %dma_wait3A_92, %dma_wait3A_93] : memref<2624x2x128xi32, #tpu.memory_space<hbm>> -> memref<1x2x128xi32, #tpu.memory_space<hbm>>
    %dma_wait3A_95 = tpu.memref_squeeze %dma_wait3A_94 : memref<1x2x128xi32, #tpu.memory_space<hbm>> -> memref<2x128xi32, #tpu.memory_space<hbm>>
    %dma_wait3A_96 = arith.constant 0 : i32
    %dma_wait3A_97 = arith.constant 0 : i32
    %dma_wait3A_98 = tpu.memref_slice %arg3[%dma_wait3A_91, %dma_wait3A_96, %dma_wait3A_97] : memref<2624x2x128xi32, #tpu.memory_space<hbm>> -> memref<1x2x128xi32, #tpu.memory_space<hbm>>
    %dma_wait3A_99 = tpu.memref_squeeze %dma_wait3A_98 : memref<1x2x128xi32, #tpu.memory_space<hbm>> -> memref<2x128xi32, #tpu.memory_space<hbm>>
    tpu.wait_dma2 semaphore(%arg27 : memref<!tpu.dma_semaphore, #tpu.memory_space<semaphore_mem>>) src(%dma_wait3A_99 : memref<2x128xi32, #tpu.memory_space<hbm>>) dst(%arg13 : memref<2x128xi32, #tpu.memory_space<vmem>>)
    %dma_start3A_100 = arith.constant 0 : i32
    %dma_start3A_101 = arith.constant 0 : i32
    %dma_start3A_102 = tpu.memref_slice %arg13[%dma_start3A_100, %dma_start3A_101] : memref<2x128xi32, #tpu.memory_space<vmem>> -> memref<1x128xi32, #tpu.memory_space<vmem>>
    %dma_start3A_103 = tpu.memref_squeeze %dma_start3A_102 : memref<1x128xi32, #tpu.memory_space<vmem>> -> memref<128xi32, #tpu.memory_space<vmem>>
    %dma_start3A_104 = arith.constant 0 : i32
    %dma_start3A_105 = arith.constant 0 : i32
    %dma_start3A_106 = tpu.memref_slice %arg7[%dma_start3A_104, %dma_start3A_105] : memref<10240x64xf32, #tpu.memory_space<vmem_shared>> -> memref<10240x64xf32, #tpu.memory_space<vmem_shared>>
    tpu.enqueue_indirect_dma source(%dma_start3A_106 : memref<10240x64xf32, #tpu.memory_space<vmem_shared>>) target(%arg9 : memref<128x64xf32, #tpu.memory_space<vmem>>) offsets(%dma_start3A_103 : memref<128xi32, #tpu.memory_space<vmem>>) semaphore(%arg19 : memref<!tpu.dma_semaphore, #tpu.memory_space<semaphore_mem>>)
    %dma_wait3A_107 = arith.constant 0 : i32
    %dma_wait3A_108 = arith.constant 0 : i32
    %dma_wait3A_109 = arith.constant 0 : i32
    %dma_wait3A_110 = tpu.memref_slice %arg3[%dma_wait3A_107, %dma_wait3A_108, %dma_wait3A_109] : memref<2624x2x128xi32, #tpu.memory_space<hbm>> -> memref<1x2x128xi32, #tpu.memory_space<hbm>>
    %dma_wait3A_111 = tpu.memref_squeeze %dma_wait3A_110 : memref<1x2x128xi32, #tpu.memory_space<hbm>> -> memref<2x128xi32, #tpu.memory_space<hbm>>
    %dma_wait3A_112 = arith.constant 0 : i32
    %dma_wait3A_113 = arith.constant 0 : i32
    %dma_wait3A_114 = tpu.memref_slice %arg3[%dma_wait3A_107, %dma_wait3A_112, %dma_wait3A_113] : memref<2624x2x128xi32, #tpu.memory_space<hbm>> -> memref<1x2x128xi32, #tpu.memory_space<hbm>>
    %dma_wait3A_115 = tpu.memref_squeeze %dma_wait3A_114 : memref<1x2x128xi32, #tpu.memory_space<hbm>> -> memref<2x128xi32, #tpu.memory_space<hbm>>
    tpu.wait_dma2 semaphore(%arg28 : memref<!tpu.dma_semaphore, #tpu.memory_space<semaphore_mem>>) src(%dma_wait3A_115 : memref<2x128xi32, #tpu.memory_space<hbm>>) dst(%arg14 : memref<2x128xi32, #tpu.memory_space<vmem>>)
    %dma_start3A_116 = arith.constant 0 : i32
    %dma_start3A_117 = arith.constant 0 : i32
    %dma_start3A_118 = tpu.memref_slice %arg14[%dma_start3A_116, %dma_start3A_117] : memref<2x128xi32, #tpu.memory_space<vmem>> -> memref<1x128xi32, #tpu.memory_space<vmem>>
    %dma_start3A_119 = tpu.memref_squeeze %dma_start3A_118 : memref<1x128xi32, #tpu.memory_space<vmem>> -> memref<128xi32, #tpu.memory_space<vmem>>
    %dma_start3A_120 = arith.constant 0 : i32
    %dma_start3A_121 = arith.constant 0 : i32
    %dma_start3A_122 = tpu.memref_slice %arg7[%dma_start3A_120, %dma_start3A_121] : memref<10240x64xf32, #tpu.memory_space<vmem_shared>> -> memref<10240x64xf32, #tpu.memory_space<vmem_shared>>
    tpu.enqueue_indirect_dma source(%dma_start3A_122 : memref<10240x64xf32, #tpu.memory_space<vmem_shared>>) target(%arg10 : memref<128x64xf32, #tpu.memory_space<vmem>>) offsets(%dma_start3A_119 : memref<128xi32, #tpu.memory_space<vmem>>) semaphore(%arg20 : memref<!tpu.dma_semaphore, #tpu.memory_space<semaphore_mem>>)
    %add3A_123 = arith.constant 64 : i32
    %add3A_124 = arith.addi %arg1, %add3A_123 : i32
    %dma_start3A_125 = arith.constant 0 : i32
    %dma_start3A_126 = arith.constant 0 : i32
    %dma_start3A_127 = tpu.memref_slice %arg3[%add3A_124, %dma_start3A_125, %dma_start3A_126] : memref<2624x2x128xi32, #tpu.memory_space<hbm>> -> memref<1x2x128xi32, #tpu.memory_space<hbm>>
    %dma_start3A_128 = tpu.memref_squeeze %dma_start3A_127 : memref<1x2x128xi32, #tpu.memory_space<hbm>> -> memref<2x128xi32, #tpu.memory_space<hbm>>
    %dma_start3A_129 = arith.constant 0 : i32
    %dma_start3A_130 = arith.constant 0 : i32
    %dma_start3A_131 = tpu.memref_slice %arg3[%add3A_124, %dma_start3A_129, %dma_start3A_130] : memref<2624x2x128xi32, #tpu.memory_space<hbm>> -> memref<1x2x128xi32, #tpu.memory_space<hbm>>
    %dma_start3A_132 = tpu.memref_squeeze %dma_start3A_131 : memref<1x2x128xi32, #tpu.memory_space<hbm>> -> memref<2x128xi32, #tpu.memory_space<hbm>>
    tpu.enqueue_dma source(%dma_start3A_132 : memref<2x128xi32, #tpu.memory_space<hbm>>) target(%arg16 : memref<2x128xi32, #tpu.memory_space<vmem>>) target_semaphore(%arg30 : memref<!tpu.dma_semaphore, #tpu.memory_space<semaphore_mem>>)
    %dma_wait3A_133 = arith.constant 0 : i32
    %dma_wait3A_134 = arith.constant 0 : i32
    %dma_wait3A_135 = tpu.memref_slice %arg12[%dma_wait3A_133, %dma_wait3A_134] : memref<2x128xi32, #tpu.memory_space<vmem>> -> memref<1x128xi32, #tpu.memory_space<vmem>>
    %dma_wait3A_136 = tpu.memref_squeeze %dma_wait3A_135 : memref<1x128xi32, #tpu.memory_space<vmem>> -> memref<128xi32, #tpu.memory_space<vmem>>
    %dma_wait3A_137 = arith.constant 0 : i32
    %dma_wait3A_138 = arith.constant 0 : i32
    %dma_wait3A_139 = tpu.memref_slice %arg7[%dma_wait3A_137, %dma_wait3A_138] : memref<10240x64xf32, #tpu.memory_space<vmem_shared>> -> memref<10240x64xf32, #tpu.memory_space<vmem_shared>>
    tpu.wait_indirect_dma semaphore(%arg18 : memref<!tpu.dma_semaphore, #tpu.memory_space<semaphore_mem>>) src(%dma_wait3A_139 : memref<10240x64xf32, #tpu.memory_space<vmem_shared>>) dst(%arg8 : memref<128x64xf32, #tpu.memory_space<vmem>>)
    %dma_start3A_140 = arith.constant 1 : i32
    %dma_start3A_141 = arith.constant 0 : i32
    %dma_start3A_142 = tpu.memref_slice %arg12[%dma_start3A_140, %dma_start3A_141] : memref<2x128xi32, #tpu.memory_space<vmem>> -> memref<1x128xi32, #tpu.memory_space<vmem>>
    %dma_start3A_143 = tpu.memref_squeeze %dma_start3A_142 : memref<1x128xi32, #tpu.memory_space<vmem>> -> memref<128xi32, #tpu.memory_space<vmem>>
    %dma_start3A_144 = arith.constant 0 : i32
    %dma_start3A_145 = arith.constant 0 : i32
    %dma_start3A_146 = tpu.memref_slice %arg6[%dma_start3A_144, %dma_start3A_145] : memref<10240x64xf32, #tpu.memory_space<vmem_shared>> -> memref<10240x64xf32, #tpu.memory_space<vmem_shared>>
    tpu.enqueue_indirect_dma source(%arg8 : memref<128x64xf32, #tpu.memory_space<vmem>>) target(%dma_start3A_146 : memref<10240x64xf32, #tpu.memory_space<vmem_shared>>) offsets(%dma_start3A_143 : memref<128xi32, #tpu.memory_space<vmem>>) semaphore(%arg22 : memref<!tpu.dma_semaphore, #tpu.memory_space<semaphore_mem>>) {add = true}
    %eq3A = arith.constant 0 : i32
    %eq3A_147 = arith.cmpi eq, %arg0, %eq3A : i32
    %convert_element_type3A = arith.extui %eq3A_147 : i1 to i32
    %cond3A = arith.constant 0 : i32
    %cond3A_148 = arith.cmpi ne, %convert_element_type3A, %cond3A : i32
    scf.if %cond3A_148 {
      %get3A = arith.constant 1 : i32
      %get3A_296 = arith.index_cast %get3A : i32 to index
      %get3A_297 = arith.constant 0 : index
      %get3A_298 = tpu.vector_load %arg12[%get3A_296, %get3A_297] {strides = array<i32>} : memref<2x128xi32, #tpu.memory_space<vmem>>, vector<16xi32>,
      tpu.vector_store_idx %arg32[%get3A_298], %broadcast_in_dim3A_36 {add = true} : memref<10240xf32, #tpu.memory_space<vmem>>[vector<16xi32>], vector<16xf32>,
      %get3A_299 = arith.constant 1 : i32
      %get3A_300 = arith.index_cast %get3A_299 : i32 to index
      %get3A_301 = arith.constant 16 : index
      %get3A_302 = tpu.vector_load %arg12[%get3A_300, %get3A_301] {strides = array<i32>} : memref<2x128xi32, #tpu.memory_space<vmem>>, vector<16xi32>,
      tpu.vector_store_idx %arg32[%get3A_302], %broadcast_in_dim3A_36 {add = true} : memref<10240xf32, #tpu.memory_space<vmem>>[vector<16xi32>], vector<16xf32>,
      %get3A_303 = arith.constant 1 : i32
      %get3A_304 = arith.index_cast %get3A_303 : i32 to index
      %get3A_305 = arith.constant 32 : index
      %get3A_306 = tpu.vector_load %arg12[%get3A_304, %get3A_305] {strides = array<i32>} : memref<2x128xi32, #tpu.memory_space<vmem>>, vector<16xi32>,
      tpu.vector_store_idx %arg32[%get3A_306], %broadcast_in_dim3A_36 {add = true} : memref<10240xf32, #tpu.memory_space<vmem>>[vector<16xi32>], vector<16xf32>,
      %get3A_307 = arith.constant 1 : i32
      %get3A_308 = arith.index_cast %get3A_307 : i32 to index
      %get3A_309 = arith.constant 48 : index
      %get3A_310 = tpu.vector_load %arg12[%get3A_308, %get3A_309] {strides = array<i32>} : memref<2x128xi32, #tpu.memory_space<vmem>>, vector<16xi32>,
      tpu.vector_store_idx %arg32[%get3A_310], %broadcast_in_dim3A_36 {add = true} : memref<10240xf32, #tpu.memory_space<vmem>>[vector<16xi32>], vector<16xf32>,
      %get3A_311 = arith.constant 1 : i32
      %get3A_312 = arith.index_cast %get3A_311 : i32 to index
      %get3A_313 = arith.constant 64 : index
      %get3A_314 = tpu.vector_load %arg12[%get3A_312, %get3A_313] {strides = array<i32>} : memref<2x128xi32, #tpu.memory_space<vmem>>, vector<16xi32>,
      tpu.vector_store_idx %arg32[%get3A_314], %broadcast_in_dim3A_36 {add = true} : memref<10240xf32, #tpu.memory_space<vmem>>[vector<16xi32>], vector<16xf32>,
      %get3A_315 = arith.constant 1 : i32
      %get3A_316 = arith.index_cast %get3A_315 : i32 to index
      %get3A_317 = arith.constant 80 : index
      %get3A_318 = tpu.vector_load %arg12[%get3A_316, %get3A_317] {strides = array<i32>} : memref<2x128xi32, #tpu.memory_space<vmem>>, vector<16xi32>,
      tpu.vector_store_idx %arg32[%get3A_318], %broadcast_in_dim3A_36 {add = true} : memref<10240xf32, #tpu.memory_space<vmem>>[vector<16xi32>], vector<16xf32>,
      %get3A_319 = arith.constant 1 : i32
      %get3A_320 = arith.index_cast %get3A_319 : i32 to index
      %get3A_321 = arith.constant 96 : index
      %get3A_322 = tpu.vector_load %arg12[%get3A_320, %get3A_321] {strides = array<i32>} : memref<2x128xi32, #tpu.memory_space<vmem>>, vector<16xi32>,
      tpu.vector_store_idx %arg32[%get3A_322], %broadcast_in_dim3A_36 {add = true} : memref<10240xf32, #tpu.memory_space<vmem>>[vector<16xi32>], vector<16xf32>,
      %get3A_323 = arith.constant 1 : i32
      %get3A_324 = arith.index_cast %get3A_323 : i32 to index
      %get3A_325 = arith.constant 112 : index
      %get3A_326 = tpu.vector_load %arg12[%get3A_324, %get3A_325] {strides = array<i32>} : memref<2x128xi32, #tpu.memory_space<vmem>>, vector<16xi32>,
      tpu.vector_store_idx %arg32[%get3A_326], %broadcast_in_dim3A_36 {add = true} : memref<10240xf32, #tpu.memory_space<vmem>>[vector<16xi32>], vector<16xf32>,
    } else {
    }
    %dma_wait3A_149 = arith.constant 0 : i32
    %dma_wait3A_150 = arith.constant 0 : i32
    %dma_wait3A_151 = arith.constant 0 : i32
    %dma_wait3A_152 = tpu.memref_slice %arg3[%dma_wait3A_149, %dma_wait3A_150, %dma_wait3A_151] : memref<2624x2x128xi32, #tpu.memory_space<hbm>> -> memref<1x2x128xi32, #tpu.memory_space<hbm>>
    %dma_wait3A_153 = tpu.memref_squeeze %dma_wait3A_152 : memref<1x2x128xi32, #tpu.memory_space<hbm>> -> memref<2x128xi32, #tpu.memory_space<hbm>>
    %dma_wait3A_154 = arith.constant 0 : i32
    %dma_wait3A_155 = arith.constant 0 : i32
    %dma_wait3A_156 = tpu.memref_slice %arg3[%dma_wait3A_149, %dma_wait3A_154, %dma_wait3A_155] : memref<2624x2x128xi32, #tpu.memory_space<hbm>> -> memref<1x2x128xi32, #tpu.memory_space<hbm>>
    %dma_wait3A_157 = tpu.memref_squeeze %dma_wait3A_156 : memref<1x2x128xi32, #tpu.memory_space<hbm>> -> memref<2x128xi32, #tpu.memory_space<hbm>>
    tpu.wait_dma2 semaphore(%arg29 : memref<!tpu.dma_semaphore, #tpu.memory_space<semaphore_mem>>) src(%dma_wait3A_157 : memref<2x128xi32, #tpu.memory_space<hbm>>) dst(%arg15 : memref<2x128xi32, #tpu.memory_space<vmem>>)
    %dma_start3A_158 = arith.constant 0 : i32
    %dma_start3A_159 = arith.constant 0 : i32
    %dma_start3A_160 = tpu.memref_slice %arg15[%dma_start3A_158, %dma_start3A_159] : memref<2x128xi32, #tpu.memory_space<vmem>> -> memref<1x128xi32, #tpu.memory_space<vmem>>
    %dma_start3A_161 = tpu.memref_squeeze %dma_start3A_160 : memref<1x128xi32, #tpu.memory_space<vmem>> -> memref<128xi32, #tpu.memory_space<vmem>>
    %dma_start3A_162 = arith.constant 0 : i32
    %dma_start3A_163 = arith.constant 0 : i32
    %dma_start3A_164 = tpu.memref_slice %arg7[%dma_start3A_162, %dma_start3A_163] : memref<10240x64xf32, #tpu.memory_space<vmem_shared>> -> memref<10240x64xf32, #tpu.memory_space<vmem_shared>>
    tpu.enqueue_indirect_dma source(%dma_start3A_164 : memref<10240x64xf32, #tpu.memory_space<vmem_shared>>) target(%arg11 : memref<128x64xf32, #tpu.memory_space<vmem>>) offsets(%dma_start3A_161 : memref<128xi32, #tpu.memory_space<vmem>>) semaphore(%arg21 : memref<!tpu.dma_semaphore, #tpu.memory_space<semaphore_mem>>)
    %add3A_165 = arith.constant 80 : i32
    %add3A_166 = arith.addi %arg1, %add3A_165 : i32
    %dma_start3A_167 = arith.constant 0 : i32
    %dma_start3A_168 = arith.constant 0 : i32
    %dma_start3A_169 = tpu.memref_slice %arg3[%add3A_166, %dma_start3A_167, %dma_start3A_168] : memref<2624x2x128xi32, #tpu.memory_space<hbm>> -> memref<1x2x128xi32, #tpu.memory_space<hbm>>
    %dma_start3A_170 = tpu.memref_squeeze %dma_start3A_169 : memref<1x2x128xi32, #tpu.memory_space<hbm>> -> memref<2x128xi32, #tpu.memory_space<hbm>>
    %dma_start3A_171 = arith.constant 0 : i32
    %dma_start3A_172 = arith.constant 0 : i32
    %dma_start3A_173 = tpu.memref_slice %arg3[%add3A_166, %dma_start3A_171, %dma_start3A_172] : memref<2624x2x128xi32, #tpu.memory_space<hbm>> -> memref<1x2x128xi32, #tpu.memory_space<hbm>>
    %dma_start3A_174 = tpu.memref_squeeze %dma_start3A_173 : memref<1x2x128xi32, #tpu.memory_space<hbm>> -> memref<2x128xi32, #tpu.memory_space<hbm>>
    tpu.enqueue_dma source(%dma_start3A_174 : memref<2x128xi32, #tpu.memory_space<hbm>>) target(%arg17 : memref<2x128xi32, #tpu.memory_space<vmem>>) target_semaphore(%arg31 : memref<!tpu.dma_semaphore, #tpu.memory_space<semaphore_mem>>)
    %dma_wait3A_175 = arith.constant 0 : i32
    %dma_wait3A_176 = arith.constant 0 : i32
    %dma_wait3A_177 = tpu.memref_slice %arg13[%dma_wait3A_175, %dma_wait3A_176] : memref<2x128xi32, #tpu.memory_space<vmem>> -> memref<1x128xi32, #tpu.memory_space<vmem>>
    %dma_wait3A_178 = tpu.memref_squeeze %dma_wait3A_177 : memref<1x128xi32, #tpu.memory_space<vmem>> -> memref<128xi32, #tpu.memory_space<vmem>>
    %dma_wait3A_179 = arith.constant 0 : i32
    %dma_wait3A_180 = arith.constant 0 : i32
    %dma_wait3A_181 = tpu.memref_slice %arg7[%dma_wait3A_179, %dma_wait3A_180] : memref<10240x64xf32, #tpu.memory_space<vmem_shared>> -> memref<10240x64xf32, #tpu.memory_space<vmem_shared>>
    tpu.wait_indirect_dma semaphore(%arg19 : memref<!tpu.dma_semaphore, #tpu.memory_space<semaphore_mem>>) src(%dma_wait3A_181 : memref<10240x64xf32, #tpu.memory_space<vmem_shared>>) dst(%arg9 : memref<128x64xf32, #tpu.memory_space<vmem>>)
    %dma_start3A_182 = arith.constant 1 : i32
    %dma_start3A_183 = arith.constant 0 : i32
    %dma_start3A_184 = tpu.memref_slice %arg13[%dma_start3A_182, %dma_start3A_183] : memref<2x128xi32, #tpu.memory_space<vmem>> -> memref<1x128xi32, #tpu.memory_space<vmem>>
    %dma_start3A_185 = tpu.memref_squeeze %dma_start3A_184 : memref<1x128xi32, #tpu.memory_space<vmem>> -> memref<128xi32, #tpu.memory_space<vmem>>
    %dma_start3A_186 = arith.constant 0 : i32
    %dma_start3A_187 = arith.constant 0 : i32
    %dma_start3A_188 = tpu.memref_slice %arg6[%dma_start3A_186, %dma_start3A_187] : memref<10240x64xf32, #tpu.memory_space<vmem_shared>> -> memref<10240x64xf32, #tpu.memory_space<vmem_shared>>
    tpu.enqueue_indirect_dma source(%arg9 : memref<128x64xf32, #tpu.memory_space<vmem>>) target(%dma_start3A_188 : memref<10240x64xf32, #tpu.memory_space<vmem_shared>>) offsets(%dma_start3A_185 : memref<128xi32, #tpu.memory_space<vmem>>) semaphore(%arg23 : memref<!tpu.dma_semaphore, #tpu.memory_space<semaphore_mem>>) {add = true}
    %eq3A_189 = arith.constant 0 : i32
    %eq3A_190 = arith.cmpi eq, %arg0, %eq3A_189 : i32
    %convert_element_type3A_191 = arith.extui %eq3A_190 : i1 to i32
    %cond3A_192 = arith.constant 0 : i32
    %cond3A_193 = arith.cmpi ne, %convert_element_type3A_191, %cond3A_192 : i32
    scf.if %cond3A_193 {
      %get3A = arith.constant 1 : i32
      %get3A_296 = arith.index_cast %get3A : i32 to index
      %get3A_297 = arith.constant 0 : index
      %get3A_298 = tpu.vector_load %arg13[%get3A_296, %get3A_297] {strides = array<i32>} : memref<2x128xi32, #tpu.memory_space<vmem>>, vector<16xi32>,
      tpu.vector_store_idx %arg32[%get3A_298], %broadcast_in_dim3A_36 {add = true} : memref<10240xf32, #tpu.memory_space<vmem>>[vector<16xi32>], vector<16xf32>,
      %get3A_299 = arith.constant 1 : i32
      %get3A_300 = arith.index_cast %get3A_299 : i32 to index
      %get3A_301 = arith.constant 16 : index
      %get3A_302 = tpu.vector_load %arg13[%get3A_300, %get3A_301] {strides = array<i32>} : memref<2x128xi32, #tpu.memory_space<vmem>>, vector<16xi32>,
      tpu.vector_store_idx %arg32[%get3A_302], %broadcast_in_dim3A_36 {add = true} : memref<10240xf32, #tpu.memory_space<vmem>>[vector<16xi32>], vector<16xf32>,
      %get3A_303 = arith.constant 1 : i32
      %get3A_304 = arith.index_cast %get3A_303 : i32 to index
      %get3A_305 = arith.constant 32 : index
      %get3A_306 = tpu.vector_load %arg13[%get3A_304, %get3A_305] {strides = array<i32>} : memref<2x128xi32, #tpu.memory_space<vmem>>, vector<16xi32>,
      tpu.vector_store_idx %arg32[%get3A_306], %broadcast_in_dim3A_36 {add = true} : memref<10240xf32, #tpu.memory_space<vmem>>[vector<16xi32>], vector<16xf32>,
      %get3A_307 = arith.constant 1 : i32
      %get3A_308 = arith.index_cast %get3A_307 : i32 to index
      %get3A_309 = arith.constant 48 : index
      %get3A_310 = tpu.vector_load %arg13[%get3A_308, %get3A_309] {strides = array<i32>} : memref<2x128xi32, #tpu.memory_space<vmem>>, vector<16xi32>,
      tpu.vector_store_idx %arg32[%get3A_310], %broadcast_in_dim3A_36 {add = true} : memref<10240xf32, #tpu.memory_space<vmem>>[vector<16xi32>], vector<16xf32>,
      %get3A_311 = arith.constant 1 : i32
      %get3A_312 = arith.index_cast %get3A_311 : i32 to index
      %get3A_313 = arith.constant 64 : index
      %get3A_314 = tpu.vector_load %arg13[%get3A_312, %get3A_313] {strides = array<i32>} : memref<2x128xi32, #tpu.memory_space<vmem>>, vector<16xi32>,
      tpu.vector_store_idx %arg32[%get3A_314], %broadcast_in_dim3A_36 {add = true} : memref<10240xf32, #tpu.memory_space<vmem>>[vector<16xi32>], vector<16xf32>,
      %get3A_315 = arith.constant 1 : i32
      %get3A_316 = arith.index_cast %get3A_315 : i32 to index
      %get3A_317 = arith.constant 80 : index
      %get3A_318 = tpu.vector_load %arg13[%get3A_316, %get3A_317] {strides = array<i32>} : memref<2x128xi32, #tpu.memory_space<vmem>>, vector<16xi32>,
      tpu.vector_store_idx %arg32[%get3A_318], %broadcast_in_dim3A_36 {add = true} : memref<10240xf32, #tpu.memory_space<vmem>>[vector<16xi32>], vector<16xf32>,
      %get3A_319 = arith.constant 1 : i32
      %get3A_320 = arith.index_cast %get3A_319 : i32 to index
      %get3A_321 = arith.constant 96 : index
      %get3A_322 = tpu.vector_load %arg13[%get3A_320, %get3A_321] {strides = array<i32>} : memref<2x128xi32, #tpu.memory_space<vmem>>, vector<16xi32>,
      tpu.vector_store_idx %arg32[%get3A_322], %broadcast_in_dim3A_36 {add = true} : memref<10240xf32, #tpu.memory_space<vmem>>[vector<16xi32>], vector<16xf32>,
      %get3A_323 = arith.constant 1 : i32
      %get3A_324 = arith.index_cast %get3A_323 : i32 to index
      %get3A_325 = arith.constant 112 : index
      %get3A_326 = tpu.vector_load %arg13[%get3A_324, %get3A_325] {strides = array<i32>} : memref<2x128xi32, #tpu.memory_space<vmem>>, vector<16xi32>,
      tpu.vector_store_idx %arg32[%get3A_326], %broadcast_in_dim3A_36 {add = true} : memref<10240xf32, #tpu.memory_space<vmem>>[vector<16xi32>], vector<16xf32>,
    } else {
    }
    %scan3A_194 = arith.constant 0 : i32
    %scan3A_195 = arith.constant 13 : i32
    %scan3A_196 = arith.addi %scan3A_194, %scan3A_195 : i32
    %scan3A_197 = arith.constant 1 : i32
    scf.for %scan3A_296 = %scan3A_194 to %scan3A_196 step %scan3A_197  : i32 {
      %mul3A_297 = arith.constant 1 : i32
      %mul3A_298 = arith.muli %scan3A_296, %mul3A_297 : i32
      %add3A_299 = arith.constant 0 : i32
      %add3A_300 = arith.addi %add3A_299, %mul3A_298 : i32
      %mul3A_301 = arith.constant 12 : i32
      %mul3A_302 = arith.muli %mul3A_301, %add3A_300 : i32
      %add3A_303 = arith.constant 2 : i32
      %add3A_304 = arith.addi %mul3A_302, %add3A_303 : i32
      %dma_wait3A_305 = arith.constant 0 : i32
      %dma_wait3A_306 = arith.constant 0 : i32
      %dma_wait3A_307 = arith.constant 0 : i32
      %dma_wait3A_308 = tpu.memref_slice %arg3[%dma_wait3A_305, %dma_wait3A_306, %dma_wait3A_307] : memref<2624x2x128xi32, #tpu.memory_space<hbm>> -> memref<1x2x128xi32, #tpu.memory_space<hbm>>
      %dma_wait3A_309 = tpu.memref_squeeze %dma_wait3A_308 : memref<1x2x128xi32, #tpu.memory_space<hbm>> -> memref<2x128xi32, #tpu.memory_space<hbm>>
      %dma_wait3A_310 = arith.constant 0 : i32
      %dma_wait3A_311 = arith.constant 0 : i32
      %dma_wait3A_312 = tpu.memref_slice %arg3[%dma_wait3A_305, %dma_wait3A_310, %dma_wait3A_311] : memref<2624x2x128xi32, #tpu.memory_space<hbm>> -> memref<1x2x128xi32, #tpu.memory_space<hbm>>
      %dma_wait3A_313 = tpu.memref_squeeze %dma_wait3A_312 : memref<1x2x128xi32, #tpu.memory_space<hbm>> -> memref<2x128xi32, #tpu.memory_space<hbm>>
      tpu.wait_dma2 semaphore(%arg30 : memref<!tpu.dma_semaphore, #tpu.memory_space<semaphore_mem>>) src(%dma_wait3A_313 : memref<2x128xi32, #tpu.memory_space<hbm>>) dst(%arg16 : memref<2x128xi32, #tpu.memory_space<vmem>>)
      %dma_wait3A_314 = arith.constant 1 : i32
      %dma_wait3A_315 = arith.constant 0 : i32
      %dma_wait3A_316 = tpu.memref_slice %arg12[%dma_wait3A_314, %dma_wait3A_315] : memref<2x128xi32, #tpu.memory_space<vmem>> -> memref<1x128xi32, #tpu.memory_space<vmem>>
      %dma_wait3A_317 = tpu.memref_squeeze %dma_wait3A_316 : memref<1x128xi32, #tpu.memory_space<vmem>> -> memref<128xi32, #tpu.memory_space<vmem>>
      %dma_wait3A_318 = arith.constant 0 : i32
      %dma_wait3A_319 = arith.constant 0 : i32
      %dma_wait3A_320 = tpu.memref_slice %arg6[%dma_wait3A_318, %dma_wait3A_319] : memref<10240x64xf32, #tpu.memory_space<vmem_shared>> -> memref<10240x64xf32, #tpu.memory_space<vmem_shared>>
      tpu.wait_indirect_dma semaphore(%arg22 : memref<!tpu.dma_semaphore, #tpu.memory_space<semaphore_mem>>) src(%arg8 : memref<128x64xf32, #tpu.memory_space<vmem>>) dst(%dma_wait3A_320 : memref<10240x64xf32, #tpu.memory_space<vmem_shared>>)
      %dma_start3A_321 = arith.constant 0 : i32
      %dma_start3A_322 = arith.constant 0 : i32
      %dma_start3A_323 = tpu.memref_slice %arg16[%dma_start3A_321, %dma_start3A_322] : memref<2x128xi32, #tpu.memory_space<vmem>> -> memref<1x128xi32, #tpu.memory_space<vmem>>
      %dma_start3A_324 = tpu.memref_squeeze %dma_start3A_323 : memref<1x128xi32, #tpu.memory_space<vmem>> -> memref<128xi32, #tpu.memory_space<vmem>>
      %dma_start3A_325 = arith.constant 0 : i32
      %dma_start3A_326 = arith.constant 0 : i32
      %dma_start3A_327 = tpu.memref_slice %arg7[%dma_start3A_325, %dma_start3A_326] : memref<10240x64xf32, #tpu.memory_space<vmem_shared>> -> memref<10240x64xf32, #tpu.memory_space<vmem_shared>>
      tpu.enqueue_indirect_dma source(%dma_start3A_327 : memref<10240x64xf32, #tpu.memory_space<vmem_shared>>) target(%arg8 : memref<128x64xf32, #tpu.memory_space<vmem>>) offsets(%dma_start3A_324 : memref<128xi32, #tpu.memory_space<vmem>>) semaphore(%arg18 : memref<!tpu.dma_semaphore, #tpu.memory_space<semaphore_mem>>)
      %add3A_328 = arith.constant 4 : i32
      %add3A_329 = arith.addi %add3A_304, %add3A_328 : i32
      %mul3A_330 = arith.constant 16 : i32
      %mul3A_331 = arith.muli %mul3A_330, %add3A_329 : i32
      %add3A_332 = arith.addi %arg1, %mul3A_331 : i32
      %dma_start3A_333 = arith.constant 0 : i32
      %dma_start3A_334 = arith.constant 0 : i32
      %dma_start3A_335 = tpu.memref_slice %arg3[%add3A_332, %dma_start3A_333, %dma_start3A_334] : memref<2624x2x128xi32, #tpu.memory_space<hbm>> -> memref<1x2x128xi32, #tpu.memory_space<hbm>>
      %dma_start3A_336 = tpu.memref_squeeze %dma_start3A_335 : memref<1x2x128xi32, #tpu.memory_space<hbm>> -> memref<2x128xi32, #tpu.memory_space<hbm>>
      %dma_start3A_337 = arith.constant 0 : i32
      %dma_start3A_338 = arith.constant 0 : i32
      %dma_start3A_339 = tpu.memref_slice %arg3[%add3A_332, %dma_start3A_337, %dma_start3A_338] : memref<2624x2x128xi32, #tpu.memory_space<hbm>> -> memref<1x2x128xi32, #tpu.memory_space<hbm>>
      %dma_start3A_340 = tpu.memref_squeeze %dma_start3A_339 : memref<1x2x128xi32, #tpu.memory_space<hbm>> -> memref<2x128xi32, #tpu.memory_space<hbm>>
      tpu.enqueue_dma source(%dma_start3A_340 : memref<2x128xi32, #tpu.memory_space<hbm>>) target(%arg12 : memref<2x128xi32, #tpu.memory_space<vmem>>) target_semaphore(%arg26 : memref<!tpu.dma_semaphore, #tpu.memory_space<semaphore_mem>>)
      %dma_wait3A_341 = arith.constant 0 : i32
      %dma_wait3A_342 = arith.constant 0 : i32
      %dma_wait3A_343 = tpu.memref_slice %arg14[%dma_wait3A_341, %dma_wait3A_342] : memref<2x128xi32, #tpu.memory_space<vmem>> -> memref<1x128xi32, #tpu.memory_space<vmem>>
      %dma_wait3A_344 = tpu.memref_squeeze %dma_wait3A_343 : memref<1x128xi32, #tpu.memory_space<vmem>> -> memref<128xi32, #tpu.memory_space<vmem>>
      %dma_wait3A_345 = arith.constant 0 : i32
      %dma_wait3A_346 = arith.constant 0 : i32
      %dma_wait3A_347 = tpu.memref_slice %arg7[%dma_wait3A_345, %dma_wait3A_346] : memref<10240x64xf32, #tpu.memory_space<vmem_shared>> -> memref<10240x64xf32, #tpu.memory_space<vmem_shared>>
      tpu.wait_indirect_dma semaphore(%arg20 : memref<!tpu.dma_semaphore, #tpu.memory_space<semaphore_mem>>) src(%dma_wait3A_347 : memref<10240x64xf32, #tpu.memory_space<vmem_shared>>) dst(%arg10 : memref<128x64xf32, #tpu.memory_space<vmem>>)
      %dma_start3A_348 = arith.constant 1 : i32
      %dma_start3A_349 = arith.constant 0 : i32
      %dma_start3A_350 = tpu.memref_slice %arg14[%dma_start3A_348, %dma_start3A_349] : memref<2x128xi32, #tpu.memory_space<vmem>> -> memref<1x128xi32, #tpu.memory_space<vmem>>
      %dma_start3A_351 = tpu.memref_squeeze %dma_start3A_350 : memref<1x128xi32, #tpu.memory_space<vmem>> -> memref<128xi32, #tpu.memory_space<vmem>>
      %dma_start3A_352 = arith.constant 0 : i32
      %dma_start3A_353 = arith.constant 0 : i32
      %dma_start3A_354 = tpu.memref_slice %arg6[%dma_start3A_352, %dma_start3A_353] : memref<10240x64xf32, #tpu.memory_space<vmem_shared>> -> memref<10240x64xf32, #tpu.memory_space<vmem_shared>>
      tpu.enqueue_indirect_dma source(%arg10 : memref<128x64xf32, #tpu.memory_space<vmem>>) target(%dma_start3A_354 : memref<10240x64xf32, #tpu.memory_space<vmem_shared>>) offsets(%dma_start3A_351 : memref<128xi32, #tpu.memory_space<vmem>>) semaphore(%arg24 : memref<!tpu.dma_semaphore, #tpu.memory_space<semaphore_mem>>) {add = true}
      %eq3A_355 = arith.constant 0 : i32
      %eq3A_356 = arith.cmpi eq, %arg0, %eq3A_355 : i32
      %convert_element_type3A_357 = arith.extui %eq3A_356 : i1 to i32
      %cond3A_358 = arith.constant 0 : i32
      %cond3A_359 = arith.cmpi ne, %convert_element_type3A_357, %cond3A_358 : i32
      scf.if %cond3A_359 {
        %get3A = arith.constant 1 : i32
        %get3A_1009 = arith.index_cast %get3A : i32 to index
        %get3A_1010 = arith.constant 0 : index
        %get3A_1011 = tpu.vector_load %arg14[%get3A_1009, %get3A_1010] {strides = array<i32>} : memref<2x128xi32, #tpu.memory_space<vmem>>, vector<16xi32>,
        tpu.vector_store_idx %arg32[%get3A_1011], %broadcast_in_dim3A_36 {add = true} : memref<10240xf32, #tpu.memory_space<vmem>>[vector<16xi32>], vector<16xf32>,
        %get3A_1012 = arith.constant 1 : i32
        %get3A_1013 = arith.index_cast %get3A_1012 : i32 to index
        %get3A_1014 = arith.constant 16 : index
        %get3A_1015 = tpu.vector_load %arg14[%get3A_1013, %get3A_1014] {strides = array<i32>} : memref<2x128xi32, #tpu.memory_space<vmem>>, vector<16xi32>,
        tpu.vector_store_idx %arg32[%get3A_1015], %broadcast_in_dim3A_36 {add = true} : memref<10240xf32, #tpu.memory_space<vmem>>[vector<16xi32>], vector<16xf32>,
        %get3A_1016 = arith.constant 1 : i32
        %get3A_1017 = arith.index_cast %get3A_1016 : i32 to index
        %get3A_1018 = arith.constant 32 : index
        %get3A_1019 = tpu.vector_load %arg14[%get3A_1017, %get3A_1018] {strides = array<i32>} : memref<2x128xi32, #tpu.memory_space<vmem>>, vector<16xi32>,
        tpu.vector_store_idx %arg32[%get3A_1019], %broadcast_in_dim3A_36 {add = true} : memref<10240xf32, #tpu.memory_space<vmem>>[vector<16xi32>], vector<16xf32>,
        %get3A_1020 = arith.constant 1 : i32
        %get3A_1021 = arith.index_cast %get3A_1020 : i32 to index
        %get3A_1022 = arith.constant 48 : index
        %get3A_1023 = tpu.vector_load %arg14[%get3A_1021, %get3A_1022] {strides = array<i32>} : memref<2x128xi32, #tpu.memory_space<vmem>>, vector<16xi32>,
        tpu.vector_store_idx %arg32[%get3A_1023], %broadcast_in_dim3A_36 {add = true} : memref<10240xf32, #tpu.memory_space<vmem>>[vector<16xi32>], vector<16xf32>,
        %get3A_1024 = arith.constant 1 : i32
        %get3A_1025 = arith.index_cast %get3A_1024 : i32 to index
        %get3A_1026 = arith.constant 64 : index
        %get3A_1027 = tpu.vector_load %arg14[%get3A_1025, %get3A_1026] {strides = array<i32>} : memref<2x128xi32, #tpu.memory_space<vmem>>, vector<16xi32>,
        tpu.vector_store_idx %arg32[%get3A_1027], %broadcast_in_dim3A_36 {add = true} : memref<10240xf32, #tpu.memory_space<vmem>>[vector<16xi32>], vector<16xf32>,
        %get3A_1028 = arith.constant 1 : i32
        %get3A_1029 = arith.index_cast %get3A_1028 : i32 to index
        %get3A_1030 = arith.constant 80 : index
        %get3A_1031 = tpu.vector_load %arg14[%get3A_1029, %get3A_1030] {strides = array<i32>} : memref<2x128xi32, #tpu.memory_space<vmem>>, vector<16xi32>,
        tpu.vector_store_idx %arg32[%get3A_1031], %broadcast_in_dim3A_36 {add = true} : memref<10240xf32, #tpu.memory_space<vmem>>[vector<16xi32>], vector<16xf32>,
        %get3A_1032 = arith.constant 1 : i32
        %get3A_1033 = arith.index_cast %get3A_1032 : i32 to index
        %get3A_1034 = arith.constant 96 : index
        %get3A_1035 = tpu.vector_load %arg14[%get3A_1033, %get3A_1034] {strides = array<i32>} : memref<2x128xi32, #tpu.memory_space<vmem>>, vector<16xi32>,
        tpu.vector_store_idx %arg32[%get3A_1035], %broadcast_in_dim3A_36 {add = true} : memref<10240xf32, #tpu.memory_space<vmem>>[vector<16xi32>], vector<16xf32>,
        %get3A_1036 = arith.constant 1 : i32
        %get3A_1037 = arith.index_cast %get3A_1036 : i32 to index
        %get3A_1038 = arith.constant 112 : index
        %get3A_1039 = tpu.vector_load %arg14[%get3A_1037, %get3A_1038] {strides = array<i32>} : memref<2x128xi32, #tpu.memory_space<vmem>>, vector<16xi32>,
        tpu.vector_store_idx %arg32[%get3A_1039], %broadcast_in_dim3A_36 {add = true} : memref<10240xf32, #tpu.memory_space<vmem>>[vector<16xi32>], vector<16xf32>,
      } else {
      }
      %mul3A_360 = arith.constant 12 : i32
      %mul3A_361 = arith.muli %mul3A_360, %add3A_300 : i32
      %add3A_362 = arith.constant 3 : i32
      %add3A_363 = arith.addi %mul3A_361, %add3A_362 : i32
      %dma_wait3A_364 = arith.constant 0 : i32
      %dma_wait3A_365 = arith.constant 0 : i32
      %dma_wait3A_366 = arith.constant 0 : i32
      %dma_wait3A_367 = tpu.memref_slice %arg3[%dma_wait3A_364, %dma_wait3A_365, %dma_wait3A_366] : memref<2624x2x128xi32, #tpu.memory_space<hbm>> -> memref<1x2x128xi32, #tpu.memory_space<hbm>>
      %dma_wait3A_368 = tpu.memref_squeeze %dma_wait3A_367 : memref<1x2x128xi32, #tpu.memory_space<hbm>> -> memref<2x128xi32, #tpu.memory_space<hbm>>
      %dma_wait3A_369 = arith.constant 0 : i32
      %dma_wait3A_370 = arith.constant 0 : i32
      %dma_wait3A_371 = tpu.memref_slice %arg3[%dma_wait3A_364, %dma_wait3A_369, %dma_wait3A_370] : memref<2624x2x128xi32, #tpu.memory_space<hbm>> -> memref<1x2x128xi32, #tpu.memory_space<hbm>>
      %dma_wait3A_372 = tpu.memref_squeeze %dma_wait3A_371 : memref<1x2x128xi32, #tpu.memory_space<hbm>> -> memref<2x128xi32, #tpu.memory_space<hbm>>
      tpu.wait_dma2 semaphore(%arg31 : memref<!tpu.dma_semaphore, #tpu.memory_space<semaphore_mem>>) src(%dma_wait3A_372 : memref<2x128xi32, #tpu.memory_space<hbm>>) dst(%arg17 : memref<2x128xi32, #tpu.memory_space<vmem>>)
      %dma_wait3A_373 = arith.constant 1 : i32
      %dma_wait3A_374 = arith.constant 0 : i32
      %dma_wait3A_375 = tpu.memref_slice %arg13[%dma_wait3A_373, %dma_wait3A_374] : memref<2x128xi32, #tpu.memory_space<vmem>> -> memref<1x128xi32, #tpu.memory_space<vmem>>
      %dma_wait3A_376 = tpu.memref_squeeze %dma_wait3A_375 : memref<1x128xi32, #tpu.memory_space<vmem>> -> memref<128xi32, #tpu.memory_space<vmem>>
      %dma_wait3A_377 = arith.constant 0 : i32
      %dma_wait3A_378 = arith.constant 0 : i32
      %dma_wait3A_379 = tpu.memref_slice %arg6[%dma_wait3A_377, %dma_wait3A_378] : memref<10240x64xf32, #tpu.memory_space<vmem_shared>> -> memref<10240x64xf32, #tpu.memory_space<vmem_shared>>
      tpu.wait_indirect_dma semaphore(%arg23 : memref<!tpu.dma_semaphore, #tpu.memory_space<semaphore_mem>>) src(%arg9 : memref<128x64xf32, #tpu.memory_space<vmem>>) dst(%dma_wait3A_379 : memref<10240x64xf32, #tpu.memory_space<vmem_shared>>)
      %dma_start3A_380 = arith.constant 0 : i32
      %dma_start3A_381 = arith.constant 0 : i32
      %dma_start3A_382 = tpu.memref_slice %arg17[%dma_start3A_380, %dma_start3A_381] : memref<2x128xi32, #tpu.memory_space<vmem>> -> memref<1x128xi32, #tpu.memory_space<vmem>>
      %dma_start3A_383 = tpu.memref_squeeze %dma_start3A_382 : memref<1x128xi32, #tpu.memory_space<vmem>> -> memref<128xi32, #tpu.memory_space<vmem>>
      %dma_start3A_384 = arith.constant 0 : i32
      %dma_start3A_385 = arith.constant 0 : i32
      %dma_start3A_386 = tpu.memref_slice %arg7[%dma_start3A_384, %dma_start3A_385] : memref<10240x64xf32, #tpu.memory_space<vmem_shared>> -> memref<10240x64xf32, #tpu.memory_space<vmem_shared>>
      tpu.enqueue_indirect_dma source(%dma_start3A_386 : memref<10240x64xf32, #tpu.memory_space<vmem_shared>>) target(%arg9 : memref<128x64xf32, #tpu.memory_space<vmem>>) offsets(%dma_start3A_383 : memref<128xi32, #tpu.memory_space<vmem>>) semaphore(%arg19 : memref<!tpu.dma_semaphore, #tpu.memory_space<semaphore_mem>>)
      %add3A_387 = arith.constant 4 : i32
      %add3A_388 = arith.addi %add3A_363, %add3A_387 : i32
      %mul3A_389 = arith.constant 16 : i32
      %mul3A_390 = arith.muli %mul3A_389, %add3A_388 : i32
      %add3A_391 = arith.addi %arg1, %mul3A_390 : i32
      %dma_start3A_392 = arith.constant 0 : i32
      %dma_start3A_393 = arith.constant 0 : i32
      %dma_start3A_394 = tpu.memref_slice %arg3[%add3A_391, %dma_start3A_392, %dma_start3A_393] : memref<2624x2x128xi32, #tpu.memory_space<hbm>> -> memref<1x2x128xi32, #tpu.memory_space<hbm>>
      %dma_start3A_395 = tpu.memref_squeeze %dma_start3A_394 : memref<1x2x128xi32, #tpu.memory_space<hbm>> -> memref<2x128xi32, #tpu.memory_space<hbm>>
      %dma_start3A_396 = arith.constant 0 : i32
      %dma_start3A_397 = arith.constant 0 : i32
      %dma_start3A_398 = tpu.memref_slice %arg3[%add3A_391, %dma_start3A_396, %dma_start3A_397] : memref<2624x2x128xi32, #tpu.memory_space<hbm>> -> memref<1x2x128xi32, #tpu.memory_space<hbm>>
      %dma_start3A_399 = tpu.memref_squeeze %dma_start3A_398 : memref<1x2x128xi32, #tpu.memory_space<hbm>> -> memref<2x128xi32, #tpu.memory_space<hbm>>
      tpu.enqueue_dma source(%dma_start3A_399 : memref<2x128xi32, #tpu.memory_space<hbm>>) target(%arg13 : memref<2x128xi32, #tpu.memory_space<vmem>>) target_semaphore(%arg27 : memref<!tpu.dma_semaphore, #tpu.memory_space<semaphore_mem>>)
      %dma_wait3A_400 = arith.constant 0 : i32
      %dma_wait3A_401 = arith.constant 0 : i32
      %dma_wait3A_402 = tpu.memref_slice %arg15[%dma_wait3A_400, %dma_wait3A_401] : memref<2x128xi32, #tpu.memory_space<vmem>> -> memref<1x128xi32, #tpu.memory_space<vmem>>
      %dma_wait3A_403 = tpu.memref_squeeze %dma_wait3A_402 : memref<1x128xi32, #tpu.memory_space<vmem>> -> memref<128xi32, #tpu.memory_space<vmem>>
      %dma_wait3A_404 = arith.constant 0 : i32
      %dma_wait3A_405 = arith.constant 0 : i32
      %dma_wait3A_406 = tpu.memref_slice %arg7[%dma_wait3A_404, %dma_wait3A_405] : memref<10240x64xf32, #tpu.memory_space<vmem_shared>> -> memref<10240x64xf32, #tpu.memory_space<vmem_shared>>
      tpu.wait_indirect_dma semaphore(%arg21 : memref<!tpu.dma_semaphore, #tpu.memory_space<semaphore_mem>>) src(%dma_wait3A_406 : memref<10240x64xf32, #tpu.memory_space<vmem_shared>>) dst(%arg11 : memref<128x64xf32, #tpu.memory_space<vmem>>)
      %dma_start3A_407 = arith.constant 1 : i32
      %dma_start3A_408 = arith.constant 0 : i32
      %dma_start3A_409 = tpu.memref_slice %arg15[%dma_start3A_407, %dma_start3A_408] : memref<2x128xi32, #tpu.memory_space<vmem>> -> memref<1x128xi32, #tpu.memory_space<vmem>>
      %dma_start3A_410 = tpu.memref_squeeze %dma_start3A_409 : memref<1x128xi32, #tpu.memory_space<vmem>> -> memref<128xi32, #tpu.memory_space<vmem>>
      %dma_start3A_411 = arith.constant 0 : i32
      %dma_start3A_412 = arith.constant 0 : i32
      %dma_start3A_413 = tpu.memref_slice %arg6[%dma_start3A_411, %dma_start3A_412] : memref<10240x64xf32, #tpu.memory_space<vmem_shared>> -> memref<10240x64xf32, #tpu.memory_space<vmem_shared>>
      tpu.enqueue_indirect_dma source(%arg11 : memref<128x64xf32, #tpu.memory_space<vmem>>) target(%dma_start3A_413 : memref<10240x64xf32, #tpu.memory_space<vmem_shared>>) offsets(%dma_start3A_410 : memref<128xi32, #tpu.memory_space<vmem>>) semaphore(%arg25 : memref<!tpu.dma_semaphore, #tpu.memory_space<semaphore_mem>>) {add = true}
      %eq3A_414 = arith.constant 0 : i32
      %eq3A_415 = arith.cmpi eq, %arg0, %eq3A_414 : i32
      %convert_element_type3A_416 = arith.extui %eq3A_415 : i1 to i32
      %cond3A_417 = arith.constant 0 : i32
      %cond3A_418 = arith.cmpi ne, %convert_element_type3A_416, %cond3A_417 : i32
      scf.if %cond3A_418 {
        %get3A = arith.constant 1 : i32
        %get3A_1009 = arith.index_cast %get3A : i32 to index
        %get3A_1010 = arith.constant 0 : index
        %get3A_1011 = tpu.vector_load %arg15[%get3A_1009, %get3A_1010] {strides = array<i32>} : memref<2x128xi32, #tpu.memory_space<vmem>>, vector<16xi32>,
        tpu.vector_store_idx %arg32[%get3A_1011], %broadcast_in_dim3A_36 {add = true} : memref<10240xf32, #tpu.memory_space<vmem>>[vector<16xi32>], vector<16xf32>,
        %get3A_1012 = arith.constant 1 : i32
        %get3A_1013 = arith.index_cast %get3A_1012 : i32 to index
        %get3A_1014 = arith.constant 16 : index
        %get3A_1015 = tpu.vector_load %arg15[%get3A_1013, %get3A_1014] {strides = array<i32>} : memref<2x128xi32, #tpu.memory_space<vmem>>, vector<16xi32>,
        tpu.vector_store_idx %arg32[%get3A_1015], %broadcast_in_dim3A_36 {add = true} : memref<10240xf32, #tpu.memory_space<vmem>>[vector<16xi32>], vector<16xf32>,
        %get3A_1016 = arith.constant 1 : i32
        %get3A_1017 = arith.index_cast %get3A_1016 : i32 to index
        %get3A_1018 = arith.constant 32 : index
        %get3A_1019 = tpu.vector_load %arg15[%get3A_1017, %get3A_1018] {strides = array<i32>} : memref<2x128xi32, #tpu.memory_space<vmem>>, vector<16xi32>,
        tpu.vector_store_idx %arg32[%get3A_1019], %broadcast_in_dim3A_36 {add = true} : memref<10240xf32, #tpu.memory_space<vmem>>[vector<16xi32>], vector<16xf32>,
        %get3A_1020 = arith.constant 1 : i32
        %get3A_1021 = arith.index_cast %get3A_1020 : i32 to index
        %get3A_1022 = arith.constant 48 : index
        %get3A_1023 = tpu.vector_load %arg15[%get3A_1021, %get3A_1022] {strides = array<i32>} : memref<2x128xi32, #tpu.memory_space<vmem>>, vector<16xi32>,
        tpu.vector_store_idx %arg32[%get3A_1023], %broadcast_in_dim3A_36 {add = true} : memref<10240xf32, #tpu.memory_space<vmem>>[vector<16xi32>], vector<16xf32>,
        %get3A_1024 = arith.constant 1 : i32
        %get3A_1025 = arith.index_cast %get3A_1024 : i32 to index
        %get3A_1026 = arith.constant 64 : index
        %get3A_1027 = tpu.vector_load %arg15[%get3A_1025, %get3A_1026] {strides = array<i32>} : memref<2x128xi32, #tpu.memory_space<vmem>>, vector<16xi32>,
        tpu.vector_store_idx %arg32[%get3A_1027], %broadcast_in_dim3A_36 {add = true} : memref<10240xf32, #tpu.memory_space<vmem>>[vector<16xi32>], vector<16xf32>,
        %get3A_1028 = arith.constant 1 : i32
        %get3A_1029 = arith.index_cast %get3A_1028 : i32 to index
        %get3A_1030 = arith.constant 80 : index
        %get3A_1031 = tpu.vector_load %arg15[%get3A_1029, %get3A_1030] {strides = array<i32>} : memref<2x128xi32, #tpu.memory_space<vmem>>, vector<16xi32>,
        tpu.vector_store_idx %arg32[%get3A_1031], %broadcast_in_dim3A_36 {add = true} : memref<10240xf32, #tpu.memory_space<vmem>>[vector<16xi32>], vector<16xf32>,
        %get3A_1032 = arith.constant 1 : i32
        %get3A_1033 = arith.index_cast %get3A_1032 : i32 to index
        %get3A_1034 = arith.constant 96 : index
        %get3A_1035 = tpu.vector_load %arg15[%get3A_1033, %get3A_1034] {strides = array<i32>} : memref<2x128xi32, #tpu.memory_space<vmem>>, vector<16xi32>,
        tpu.vector_store_idx %arg32[%get3A_1035], %broadcast_in_dim3A_36 {add = true} : memref<10240xf32, #tpu.memory_space<vmem>>[vector<16xi32>], vector<16xf32>,
        %get3A_1036 = arith.constant 1 : i32
        %get3A_1037 = arith.index_cast %get3A_1036 : i32 to index
        %get3A_1038 = arith.constant 112 : index
        %get3A_1039 = tpu.vector_load %arg15[%get3A_1037, %get3A_1038] {strides = array<i32>} : memref<2x128xi32, #tpu.memory_space<vmem>>, vector<16xi32>,
        tpu.vector_store_idx %arg32[%get3A_1039], %broadcast_in_dim3A_36 {add = true} : memref<10240xf32, #tpu.memory_space<vmem>>[vector<16xi32>], vector<16xf32>,
      } else {
      }
      %mul3A_419 = arith.constant 12 : i32
      %mul3A_420 = arith.muli %mul3A_419, %add3A_300 : i32
      %add3A_421 = arith.constant 4 : i32
      %add3A_422 = arith.addi %mul3A_420, %add3A_421 : i32
      %dma_wait3A_423 = arith.constant 0 : i32
      %dma_wait3A_424 = arith.constant 0 : i32
      %dma_wait3A_425 = arith.constant 0 : i32
      %dma_wait3A_426 = tpu.memref_slice %arg3[%dma_wait3A_423, %dma_wait3A_424, %dma_wait3A_425] : memref<2624x2x128xi32, #tpu.memory_space<hbm>> -> memref<1x2x128xi32, #tpu.memory_space<hbm>>
      %dma_wait3A_427 = tpu.memref_squeeze %dma_wait3A_426 : memref<1x2x128xi32, #tpu.memory_space<hbm>> -> memref<2x128xi32, #tpu.memory_space<hbm>>
      %dma_wait3A_428 = arith.constant 0 : i32
      %dma_wait3A_429 = arith.constant 0 : i32
      %dma_wait3A_430 = tpu.memref_slice %arg3[%dma_wait3A_423, %dma_wait3A_428, %dma_wait3A_429] : memref<2624x2x128xi32, #tpu.memory_space<hbm>> -> memref<1x2x128xi32, #tpu.memory_space<hbm>>
      %dma_wait3A_431 = tpu.memref_squeeze %dma_wait3A_430 : memref<1x2x128xi32, #tpu.memory_space<hbm>> -> memref<2x128xi32, #tpu.memory_space<hbm>>
      tpu.wait_dma2 semaphore(%arg26 : memref<!tpu.dma_semaphore, #tpu.memory_space<semaphore_mem>>) src(%dma_wait3A_431 : memref<2x128xi32, #tpu.memory_space<hbm>>) dst(%arg12 : memref<2x128xi32, #tpu.memory_space<vmem>>)
      %dma_wait3A_432 = arith.constant 1 : i32
      %dma_wait3A_433 = arith.constant 0 : i32
      %dma_wait3A_434 = tpu.memref_slice %arg14[%dma_wait3A_432, %dma_wait3A_433] : memref<2x128xi32, #tpu.memory_space<vmem>> -> memref<1x128xi32, #tpu.memory_space<vmem>>
      %dma_wait3A_435 = tpu.memref_squeeze %dma_wait3A_434 : memref<1x128xi32, #tpu.memory_space<vmem>> -> memref<128xi32, #tpu.memory_space<vmem>>
      %dma_wait3A_436 = arith.constant 0 : i32
      %dma_wait3A_437 = arith.constant 0 : i32
      %dma_wait3A_438 = tpu.memref_slice %arg6[%dma_wait3A_436, %dma_wait3A_437] : memref<10240x64xf32, #tpu.memory_space<vmem_shared>> -> memref<10240x64xf32, #tpu.memory_space<vmem_shared>>
      tpu.wait_indirect_dma semaphore(%arg24 : memref<!tpu.dma_semaphore, #tpu.memory_space<semaphore_mem>>) src(%arg10 : memref<128x64xf32, #tpu.memory_space<vmem>>) dst(%dma_wait3A_438 : memref<10240x64xf32, #tpu.memory_space<vmem_shared>>)
      %dma_start3A_439 = arith.constant 0 : i32
      %dma_start3A_440 = arith.constant 0 : i32
      %dma_start3A_441 = tpu.memref_slice %arg12[%dma_start3A_439, %dma_start3A_440] : memref<2x128xi32, #tpu.memory_space<vmem>> -> memref<1x128xi32, #tpu.memory_space<vmem>>
      %dma_start3A_442 = tpu.memref_squeeze %dma_start3A_441 : memref<1x128xi32, #tpu.memory_space<vmem>> -> memref<128xi32, #tpu.memory_space<vmem>>
      %dma_start3A_443 = arith.constant 0 : i32
      %dma_start3A_444 = arith.constant 0 : i32
      %dma_start3A_445 = tpu.memref_slice %arg7[%dma_start3A_443, %dma_start3A_444] : memref<10240x64xf32, #tpu.memory_space<vmem_shared>> -> memref<10240x64xf32, #tpu.memory_space<vmem_shared>>
      tpu.enqueue_indirect_dma source(%dma_start3A_445 : memref<10240x64xf32, #tpu.memory_space<vmem_shared>>) target(%arg10 : memref<128x64xf32, #tpu.memory_space<vmem>>) offsets(%dma_start3A_442 : memref<128xi32, #tpu.memory_space<vmem>>) semaphore(%arg20 : memref<!tpu.dma_semaphore, #tpu.memory_space<semaphore_mem>>)
      %add3A_446 = arith.constant 4 : i32
      %add3A_447 = arith.addi %add3A_422, %add3A_446 : i32
      %mul3A_448 = arith.constant 16 : i32
      %mul3A_449 = arith.muli %mul3A_448, %add3A_447 : i32
      %add3A_450 = arith.addi %arg1, %mul3A_449 : i32
      %dma_start3A_451 = arith.constant 0 : i32
      %dma_start3A_452 = arith.constant 0 : i32
      %dma_start3A_453 = tpu.memref_slice %arg3[%add3A_450, %dma_start3A_451, %dma_start3A_452] : memref<2624x2x128xi32, #tpu.memory_space<hbm>> -> memref<1x2x128xi32, #tpu.memory_space<hbm>>
      %dma_start3A_454 = tpu.memref_squeeze %dma_start3A_453 : memref<1x2x128xi32, #tpu.memory_space<hbm>> -> memref<2x128xi32, #tpu.memory_space<hbm>>
      %dma_start3A_455 = arith.constant 0 : i32
      %dma_start3A_456 = arith.constant 0 : i32
      %dma_start3A_457 = tpu.memref_slice %arg3[%add3A_450, %dma_start3A_455, %dma_start3A_456] : memref<2624x2x128xi32, #tpu.memory_space<hbm>> -> memref<1x2x128xi32, #tpu.memory_space<hbm>>
      %dma_start3A_458 = tpu.memref_squeeze %dma_start3A_457 : memref<1x2x128xi32, #tpu.memory_space<hbm>> -> memref<2x128xi32, #tpu.memory_space<hbm>>
      tpu.enqueue_dma source(%dma_start3A_458 : memref<2x128xi32, #tpu.memory_space<hbm>>) target(%arg14 : memref<2x128xi32, #tpu.memory_space<vmem>>) target_semaphore(%arg28 : memref<!tpu.dma_semaphore, #tpu.memory_space<semaphore_mem>>)
      %dma_wait3A_459 = arith.constant 0 : i32
      %dma_wait3A_460 = arith.constant 0 : i32
      %dma_wait3A_461 = tpu.memref_slice %arg16[%dma_wait3A_459, %dma_wait3A_460] : memref<2x128xi32, #tpu.memory_space<vmem>> -> memref<1x128xi32, #tpu.memory_space<vmem>>
      %dma_wait3A_462 = tpu.memref_squeeze %dma_wait3A_461 : memref<1x128xi32, #tpu.memory_space<vmem>> -> memref<128xi32, #tpu.memory_space<vmem>>
      %dma_wait3A_463 = arith.constant 0 : i32
      %dma_wait3A_464 = arith.constant 0 : i32
      %dma_wait3A_465 = tpu.memref_slice %arg7[%dma_wait3A_463, %dma_wait3A_464] : memref<10240x64xf32, #tpu.memory_space<vmem_shared>> -> memref<10240x64xf32, #tpu.memory_space<vmem_shared>>
      tpu.wait_indirect_dma semaphore(%arg18 : memref<!tpu.dma_semaphore, #tpu.memory_space<semaphore_mem>>) src(%dma_wait3A_465 : memref<10240x64xf32, #tpu.memory_space<vmem_shared>>) dst(%arg8 : memref<128x64xf32, #tpu.memory_space<vmem>>)
      %dma_start3A_466 = arith.constant 1 : i32
      %dma_start3A_467 = arith.constant 0 : i32
      %dma_start3A_468 = tpu.memref_slice %arg16[%dma_start3A_466, %dma_start3A_467] : memref<2x128xi32, #tpu.memory_space<vmem>> -> memref<1x128xi32, #tpu.memory_space<vmem>>
      %dma_start3A_469 = tpu.memref_squeeze %dma_start3A_468 : memref<1x128xi32, #tpu.memory_space<vmem>> -> memref<128xi32, #tpu.memory_space<vmem>>
      %dma_start3A_470 = arith.constant 0 : i32
      %dma_start3A_471 = arith.constant 0 : i32
      %dma_start3A_472 = tpu.memref_slice %arg6[%dma_start3A_470, %dma_start3A_471] : memref<10240x64xf32, #tpu.memory_space<vmem_shared>> -> memref<10240x64xf32, #tpu.memory_space<vmem_shared>>
      tpu.enqueue_indirect_dma source(%arg8 : memref<128x64xf32, #tpu.memory_space<vmem>>) target(%dma_start3A_472 : memref<10240x64xf32, #tpu.memory_space<vmem_shared>>) offsets(%dma_start3A_469 : memref<128xi32, #tpu.memory_space<vmem>>) semaphore(%arg22 : memref<!tpu.dma_semaphore, #tpu.memory_space<semaphore_mem>>) {add = true}
      %eq3A_473 = arith.constant 0 : i32
      %eq3A_474 = arith.cmpi eq, %arg0, %eq3A_473 : i32
      %convert_element_type3A_475 = arith.extui %eq3A_474 : i1 to i32
      %cond3A_476 = arith.constant 0 : i32
      %cond3A_477 = arith.cmpi ne, %convert_element_type3A_475, %cond3A_476 : i32
      scf.if %cond3A_477 {
        %get3A = arith.constant 1 : i32
        %get3A_1009 = arith.index_cast %get3A : i32 to index
        %get3A_1010 = arith.constant 0 : index
        %get3A_1011 = tpu.vector_load %arg16[%get3A_1009, %get3A_1010] {strides = array<i32>} : memref<2x128xi32, #tpu.memory_space<vmem>>, vector<16xi32>,
        tpu.vector_store_idx %arg32[%get3A_1011], %broadcast_in_dim3A_36 {add = true} : memref<10240xf32, #tpu.memory_space<vmem>>[vector<16xi32>], vector<16xf32>,
        %get3A_1012 = arith.constant 1 : i32
        %get3A_1013 = arith.index_cast %get3A_1012 : i32 to index
        %get3A_1014 = arith.constant 16 : index
        %get3A_1015 = tpu.vector_load %arg16[%get3A_1013, %get3A_1014] {strides = array<i32>} : memref<2x128xi32, #tpu.memory_space<vmem>>, vector<16xi32>,
        tpu.vector_store_idx %arg32[%get3A_1015], %broadcast_in_dim3A_36 {add = true} : memref<10240xf32, #tpu.memory_space<vmem>>[vector<16xi32>], vector<16xf32>,
        %get3A_1016 = arith.constant 1 : i32
        %get3A_1017 = arith.index_cast %get3A_1016 : i32 to index
        %get3A_1018 = arith.constant 32 : index
        %get3A_1019 = tpu.vector_load %arg16[%get3A_1017, %get3A_1018] {strides = array<i32>} : memref<2x128xi32, #tpu.memory_space<vmem>>, vector<16xi32>,
        tpu.vector_store_idx %arg32[%get3A_1019], %broadcast_in_dim3A_36 {add = true} : memref<10240xf32, #tpu.memory_space<vmem>>[vector<16xi32>], vector<16xf32>,
        %get3A_1020 = arith.constant 1 : i32
        %get3A_1021 = arith.index_cast %get3A_1020 : i32 to index
        %get3A_1022 = arith.constant 48 : index
        %get3A_1023 = tpu.vector_load %arg16[%get3A_1021, %get3A_1022] {strides = array<i32>} : memref<2x128xi32, #tpu.memory_space<vmem>>, vector<16xi32>,
        tpu.vector_store_idx %arg32[%get3A_1023], %broadcast_in_dim3A_36 {add = true} : memref<10240xf32, #tpu.memory_space<vmem>>[vector<16xi32>], vector<16xf32>,
        %get3A_1024 = arith.constant 1 : i32
        %get3A_1025 = arith.index_cast %get3A_1024 : i32 to index
        %get3A_1026 = arith.constant 64 : index
        %get3A_1027 = tpu.vector_load %arg16[%get3A_1025, %get3A_1026] {strides = array<i32>} : memref<2x128xi32, #tpu.memory_space<vmem>>, vector<16xi32>,
        tpu.vector_store_idx %arg32[%get3A_1027], %broadcast_in_dim3A_36 {add = true} : memref<10240xf32, #tpu.memory_space<vmem>>[vector<16xi32>], vector<16xf32>,
        %get3A_1028 = arith.constant 1 : i32
        %get3A_1029 = arith.index_cast %get3A_1028 : i32 to index
        %get3A_1030 = arith.constant 80 : index
        %get3A_1031 = tpu.vector_load %arg16[%get3A_1029, %get3A_1030] {strides = array<i32>} : memref<2x128xi32, #tpu.memory_space<vmem>>, vector<16xi32>,
        tpu.vector_store_idx %arg32[%get3A_1031], %broadcast_in_dim3A_36 {add = true} : memref<10240xf32, #tpu.memory_space<vmem>>[vector<16xi32>], vector<16xf32>,
        %get3A_1032 = arith.constant 1 : i32
        %get3A_1033 = arith.index_cast %get3A_1032 : i32 to index
        %get3A_1034 = arith.constant 96 : index
        %get3A_1035 = tpu.vector_load %arg16[%get3A_1033, %get3A_1034] {strides = array<i32>} : memref<2x128xi32, #tpu.memory_space<vmem>>, vector<16xi32>,
        tpu.vector_store_idx %arg32[%get3A_1035], %broadcast_in_dim3A_36 {add = true} : memref<10240xf32, #tpu.memory_space<vmem>>[vector<16xi32>], vector<16xf32>,
        %get3A_1036 = arith.constant 1 : i32
        %get3A_1037 = arith.index_cast %get3A_1036 : i32 to index
        %get3A_1038 = arith.constant 112 : index
        %get3A_1039 = tpu.vector_load %arg16[%get3A_1037, %get3A_1038] {strides = array<i32>} : memref<2x128xi32, #tpu.memory_space<vmem>>, vector<16xi32>,
        tpu.vector_store_idx %arg32[%get3A_1039], %broadcast_in_dim3A_36 {add = true} : memref<10240xf32, #tpu.memory_space<vmem>>[vector<16xi32>], vector<16xf32>,
      } else {
      }
      %mul3A_478 = arith.constant 12 : i32
      %mul3A_479 = arith.muli %mul3A_478, %add3A_300 : i32
      %add3A_480 = arith.constant 5 : i32
      %add3A_481 = arith.addi %mul3A_479, %add3A_480 : i32
      %dma_wait3A_482 = arith.constant 0 : i32
      %dma_wait3A_483 = arith.constant 0 : i32
      %dma_wait3A_484 = arith.constant 0 : i32
      %dma_wait3A_485 = tpu.memref_slice %arg3[%dma_wait3A_482, %dma_wait3A_483, %dma_wait3A_484] : memref<2624x2x128xi32, #tpu.memory_space<hbm>> -> memref<1x2x128xi32, #tpu.memory_space<hbm>>
      %dma_wait3A_486 = tpu.memref_squeeze %dma_wait3A_485 : memref<1x2x128xi32, #tpu.memory_space<hbm>> -> memref<2x128xi32, #tpu.memory_space<hbm>>
      %dma_wait3A_487 = arith.constant 0 : i32
      %dma_wait3A_488 = arith.constant 0 : i32
      %dma_wait3A_489 = tpu.memref_slice %arg3[%dma_wait3A_482, %dma_wait3A_487, %dma_wait3A_488] : memref<2624x2x128xi32, #tpu.memory_space<hbm>> -> memref<1x2x128xi32, #tpu.memory_space<hbm>>
      %dma_wait3A_490 = tpu.memref_squeeze %dma_wait3A_489 : memref<1x2x128xi32, #tpu.memory_space<hbm>> -> memref<2x128xi32, #tpu.memory_space<hbm>>
      tpu.wait_dma2 semaphore(%arg27 : memref<!tpu.dma_semaphore, #tpu.memory_space<semaphore_mem>>) src(%dma_wait3A_490 : memref<2x128xi32, #tpu.memory_space<hbm>>) dst(%arg13 : memref<2x128xi32, #tpu.memory_space<vmem>>)
      %dma_wait3A_491 = arith.constant 1 : i32
      %dma_wait3A_492 = arith.constant 0 : i32
      %dma_wait3A_493 = tpu.memref_slice %arg15[%dma_wait3A_491, %dma_wait3A_492] : memref<2x128xi32, #tpu.memory_space<vmem>> -> memref<1x128xi32, #tpu.memory_space<vmem>>
      %dma_wait3A_494 = tpu.memref_squeeze %dma_wait3A_493 : memref<1x128xi32, #tpu.memory_space<vmem>> -> memref<128xi32, #tpu.memory_space<vmem>>
      %dma_wait3A_495 = arith.constant 0 : i32
      %dma_wait3A_496 = arith.constant 0 : i32
      %dma_wait3A_497 = tpu.memref_slice %arg6[%dma_wait3A_495, %dma_wait3A_496] : memref<10240x64xf32, #tpu.memory_space<vmem_shared>> -> memref<10240x64xf32, #tpu.memory_space<vmem_shared>>
      tpu.wait_indirect_dma semaphore(%arg25 : memref<!tpu.dma_semaphore, #tpu.memory_space<semaphore_mem>>) src(%arg11 : memref<128x64xf32, #tpu.memory_space<vmem>>) dst(%dma_wait3A_497 : memref<10240x64xf32, #tpu.memory_space<vmem_shared>>)
      %dma_start3A_498 = arith.constant 0 : i32
      %dma_start3A_499 = arith.constant 0 : i32
      %dma_start3A_500 = tpu.memref_slice %arg13[%dma_start3A_498, %dma_start3A_499] : memref<2x128xi32, #tpu.memory_space<vmem>> -> memref<1x128xi32, #tpu.memory_space<vmem>>
      %dma_start3A_501 = tpu.memref_squeeze %dma_start3A_500 : memref<1x128xi32, #tpu.memory_space<vmem>> -> memref<128xi32, #tpu.memory_space<vmem>>
      %dma_start3A_502 = arith.constant 0 : i32
      %dma_start3A_503 = arith.constant 0 : i32
      %dma_start3A_504 = tpu.memref_slice %arg7[%dma_start3A_502, %dma_start3A_503] : memref<10240x64xf32, #tpu.memory_space<vmem_shared>> -> memref<10240x64xf32, #tpu.memory_space<vmem_shared>>
      tpu.enqueue_indirect_dma source(%dma_start3A_504 : memref<10240x64xf32, #tpu.memory_space<vmem_shared>>) target(%arg11 : memref<128x64xf32, #tpu.memory_space<vmem>>) offsets(%dma_start3A_501 : memref<128xi32, #tpu.memory_space<vmem>>) semaphore(%arg21 : memref<!tpu.dma_semaphore, #tpu.memory_space<semaphore_mem>>)
      %add3A_505 = arith.constant 4 : i32
      %add3A_506 = arith.addi %add3A_481, %add3A_505 : i32
      %mul3A_507 = arith.constant 16 : i32
      %mul3A_508 = arith.muli %mul3A_507, %add3A_506 : i32
      %add3A_509 = arith.addi %arg1, %mul3A_508 : i32
      %dma_start3A_510 = arith.constant 0 : i32
      %dma_start3A_511 = arith.constant 0 : i32
      %dma_start3A_512 = tpu.memref_slice %arg3[%add3A_509, %dma_start3A_510, %dma_start3A_511] : memref<2624x2x128xi32, #tpu.memory_space<hbm>> -> memref<1x2x128xi32, #tpu.memory_space<hbm>>
      %dma_start3A_513 = tpu.memref_squeeze %dma_start3A_512 : memref<1x2x128xi32, #tpu.memory_space<hbm>> -> memref<2x128xi32, #tpu.memory_space<hbm>>
      %dma_start3A_514 = arith.constant 0 : i32
      %dma_start3A_515 = arith.constant 0 : i32
      %dma_start3A_516 = tpu.memref_slice %arg3[%add3A_509, %dma_start3A_514, %dma_start3A_515] : memref<2624x2x128xi32, #tpu.memory_space<hbm>> -> memref<1x2x128xi32, #tpu.memory_space<hbm>>
      %dma_start3A_517 = tpu.memref_squeeze %dma_start3A_516 : memref<1x2x128xi32, #tpu.memory_space<hbm>> -> memref<2x128xi32, #tpu.memory_space<hbm>>
      tpu.enqueue_dma source(%dma_start3A_517 : memref<2x128xi32, #tpu.memory_space<hbm>>) target(%arg15 : memref<2x128xi32, #tpu.memory_space<vmem>>) target_semaphore(%arg29 : memref<!tpu.dma_semaphore, #tpu.memory_space<semaphore_mem>>)
      %dma_wait3A_518 = arith.constant 0 : i32
      %dma_wait3A_519 = arith.constant 0 : i32
      %dma_wait3A_520 = tpu.memref_slice %arg17[%dma_wait3A_518, %dma_wait3A_519] : memref<2x128xi32, #tpu.memory_space<vmem>> -> memref<1x128xi32, #tpu.memory_space<vmem>>
      %dma_wait3A_521 = tpu.memref_squeeze %dma_wait3A_520 : memref<1x128xi32, #tpu.memory_space<vmem>> -> memref<128xi32, #tpu.memory_space<vmem>>
      %dma_wait3A_522 = arith.constant 0 : i32
      %dma_wait3A_523 = arith.constant 0 : i32
      %dma_wait3A_524 = tpu.memref_slice %arg7[%dma_wait3A_522, %dma_wait3A_523] : memref<10240x64xf32, #tpu.memory_space<vmem_shared>> -> memref<10240x64xf32, #tpu.memory_space<vmem_shared>>
      tpu.wait_indirect_dma semaphore(%arg19 : memref<!tpu.dma_semaphore, #tpu.memory_space<semaphore_mem>>) src(%dma_wait3A_524 : memref<10240x64xf32, #tpu.memory_space<vmem_shared>>) dst(%arg9 : memref<128x64xf32, #tpu.memory_space<vmem>>)
      %dma_start3A_525 = arith.constant 1 : i32
      %dma_start3A_526 = arith.constant 0 : i32
      %dma_start3A_527 = tpu.memref_slice %arg17[%dma_start3A_525, %dma_start3A_526] : memref<2x128xi32, #tpu.memory_space<vmem>> -> memref<1x128xi32, #tpu.memory_space<vmem>>
      %dma_start3A_528 = tpu.memref_squeeze %dma_start3A_527 : memref<1x128xi32, #tpu.memory_space<vmem>> -> memref<128xi32, #tpu.memory_space<vmem>>
      %dma_start3A_529 = arith.constant 0 : i32
      %dma_start3A_530 = arith.constant 0 : i32
      %dma_start3A_531 = tpu.memref_slice %arg6[%dma_start3A_529, %dma_start3A_530] : memref<10240x64xf32, #tpu.memory_space<vmem_shared>> -> memref<10240x64xf32, #tpu.memory_space<vmem_shared>>
      tpu.enqueue_indirect_dma source(%arg9 : memref<128x64xf32, #tpu.memory_space<vmem>>) target(%dma_start3A_531 : memref<10240x64xf32, #tpu.memory_space<vmem_shared>>) offsets(%dma_start3A_528 : memref<128xi32, #tpu.memory_space<vmem>>) semaphore(%arg23 : memref<!tpu.dma_semaphore, #tpu.memory_space<semaphore_mem>>) {add = true}
      %eq3A_532 = arith.constant 0 : i32
      %eq3A_533 = arith.cmpi eq, %arg0, %eq3A_532 : i32
      %convert_element_type3A_534 = arith.extui %eq3A_533 : i1 to i32
      %cond3A_535 = arith.constant 0 : i32
      %cond3A_536 = arith.cmpi ne, %convert_element_type3A_534, %cond3A_535 : i32
      scf.if %cond3A_536 {
        %get3A = arith.constant 1 : i32
        %get3A_1009 = arith.index_cast %get3A : i32 to index
        %get3A_1010 = arith.constant 0 : index
        %get3A_1011 = tpu.vector_load %arg17[%get3A_1009, %get3A_1010] {strides = array<i32>} : memref<2x128xi32, #tpu.memory_space<vmem>>, vector<16xi32>,
        tpu.vector_store_idx %arg32[%get3A_1011], %broadcast_in_dim3A_36 {add = true} : memref<10240xf32, #tpu.memory_space<vmem>>[vector<16xi32>], vector<16xf32>,
        %get3A_1012 = arith.constant 1 : i32
        %get3A_1013 = arith.index_cast %get3A_1012 : i32 to index
        %get3A_1014 = arith.constant 16 : index
        %get3A_1015 = tpu.vector_load %arg17[%get3A_1013, %get3A_1014] {strides = array<i32>} : memref<2x128xi32, #tpu.memory_space<vmem>>, vector<16xi32>,
        tpu.vector_store_idx %arg32[%get3A_1015], %broadcast_in_dim3A_36 {add = true} : memref<10240xf32, #tpu.memory_space<vmem>>[vector<16xi32>], vector<16xf32>,
        %get3A_1016 = arith.constant 1 : i32
        %get3A_1017 = arith.index_cast %get3A_1016 : i32 to index
        %get3A_1018 = arith.constant 32 : index
        %get3A_1019 = tpu.vector_load %arg17[%get3A_1017, %get3A_1018] {strides = array<i32>} : memref<2x128xi32, #tpu.memory_space<vmem>>, vector<16xi32>,
        tpu.vector_store_idx %arg32[%get3A_1019], %broadcast_in_dim3A_36 {add = true} : memref<10240xf32, #tpu.memory_space<vmem>>[vector<16xi32>], vector<16xf32>,
        %get3A_1020 = arith.constant 1 : i32
        %get3A_1021 = arith.index_cast %get3A_1020 : i32 to index
        %get3A_1022 = arith.constant 48 : index
        %get3A_1023 = tpu.vector_load %arg17[%get3A_1021, %get3A_1022] {strides = array<i32>} : memref<2x128xi32, #tpu.memory_space<vmem>>, vector<16xi32>,
        tpu.vector_store_idx %arg32[%get3A_1023], %broadcast_in_dim3A_36 {add = true} : memref<10240xf32, #tpu.memory_space<vmem>>[vector<16xi32>], vector<16xf32>,
        %get3A_1024 = arith.constant 1 : i32
        %get3A_1025 = arith.index_cast %get3A_1024 : i32 to index
        %get3A_1026 = arith.constant 64 : index
        %get3A_1027 = tpu.vector_load %arg17[%get3A_1025, %get3A_1026] {strides = array<i32>} : memref<2x128xi32, #tpu.memory_space<vmem>>, vector<16xi32>,
        tpu.vector_store_idx %arg32[%get3A_1027], %broadcast_in_dim3A_36 {add = true} : memref<10240xf32, #tpu.memory_space<vmem>>[vector<16xi32>], vector<16xf32>,
        %get3A_1028 = arith.constant 1 : i32
        %get3A_1029 = arith.index_cast %get3A_1028 : i32 to index
        %get3A_1030 = arith.constant 80 : index
        %get3A_1031 = tpu.vector_load %arg17[%get3A_1029, %get3A_1030] {strides = array<i32>} : memref<2x128xi32, #tpu.memory_space<vmem>>, vector<16xi32>,
        tpu.vector_store_idx %arg32[%get3A_1031], %broadcast_in_dim3A_36 {add = true} : memref<10240xf32, #tpu.memory_space<vmem>>[vector<16xi32>], vector<16xf32>,
        %get3A_1032 = arith.constant 1 : i32
        %get3A_1033 = arith.index_cast %get3A_1032 : i32 to index
        %get3A_1034 = arith.constant 96 : index
        %get3A_1035 = tpu.vector_load %arg17[%get3A_1033, %get3A_1034] {strides = array<i32>} : memref<2x128xi32, #tpu.memory_space<vmem>>, vector<16xi32>,
        tpu.vector_store_idx %arg32[%get3A_1035], %broadcast_in_dim3A_36 {add = true} : memref<10240xf32, #tpu.memory_space<vmem>>[vector<16xi32>], vector<16xf32>,
        %get3A_1036 = arith.constant 1 : i32
        %get3A_1037 = arith.index_cast %get3A_1036 : i32 to index
        %get3A_1038 = arith.constant 112 : index
        %get3A_1039 = tpu.vector_load %arg17[%get3A_1037, %get3A_1038] {strides = array<i32>} : memref<2x128xi32, #tpu.memory_space<vmem>>, vector<16xi32>,
        tpu.vector_store_idx %arg32[%get3A_1039], %broadcast_in_dim3A_36 {add = true} : memref<10240xf32, #tpu.memory_space<vmem>>[vector<16xi32>], vector<16xf32>,
      } else {
      }
      %mul3A_537 = arith.constant 12 : i32
      %mul3A_538 = arith.muli %mul3A_537, %add3A_300 : i32
      %add3A_539 = arith.constant 6 : i32
      %add3A_540 = arith.addi %mul3A_538, %add3A_539 : i32
      %dma_wait3A_541 = arith.constant 0 : i32
      %dma_wait3A_542 = arith.constant 0 : i32
      %dma_wait3A_543 = arith.constant 0 : i32
      %dma_wait3A_544 = tpu.memref_slice %arg3[%dma_wait3A_541, %dma_wait3A_542, %dma_wait3A_543] : memref<2624x2x128xi32, #tpu.memory_space<hbm>> -> memref<1x2x128xi32, #tpu.memory_space<hbm>>
      %dma_wait3A_545 = tpu.memref_squeeze %dma_wait3A_544 : memref<1x2x128xi32, #tpu.memory_space<hbm>> -> memref<2x128xi32, #tpu.memory_space<hbm>>
      %dma_wait3A_546 = arith.constant 0 : i32
      %dma_wait3A_547 = arith.constant 0 : i32
      %dma_wait3A_548 = tpu.memref_slice %arg3[%dma_wait3A_541, %dma_wait3A_546, %dma_wait3A_547] : memref<2624x2x128xi32, #tpu.memory_space<hbm>> -> memref<1x2x128xi32, #tpu.memory_space<hbm>>
      %dma_wait3A_549 = tpu.memref_squeeze %dma_wait3A_548 : memref<1x2x128xi32, #tpu.memory_space<hbm>> -> memref<2x128xi32, #tpu.memory_space<hbm>>
      tpu.wait_dma2 semaphore(%arg28 : memref<!tpu.dma_semaphore, #tpu.memory_space<semaphore_mem>>) src(%dma_wait3A_549 : memref<2x128xi32, #tpu.memory_space<hbm>>) dst(%arg14 : memref<2x128xi32, #tpu.memory_space<vmem>>)
      %dma_wait3A_550 = arith.constant 1 : i32
      %dma_wait3A_551 = arith.constant 0 : i32
      %dma_wait3A_552 = tpu.memref_slice %arg16[%dma_wait3A_550, %dma_wait3A_551] : memref<2x128xi32, #tpu.memory_space<vmem>> -> memref<1x128xi32, #tpu.memory_space<vmem>>
      %dma_wait3A_553 = tpu.memref_squeeze %dma_wait3A_552 : memref<1x128xi32, #tpu.memory_space<vmem>> -> memref<128xi32, #tpu.memory_space<vmem>>
      %dma_wait3A_554 = arith.constant 0 : i32
      %dma_wait3A_555 = arith.constant 0 : i32
      %dma_wait3A_556 = tpu.memref_slice %arg6[%dma_wait3A_554, %dma_wait3A_555] : memref<10240x64xf32, #tpu.memory_space<vmem_shared>> -> memref<10240x64xf32, #tpu.memory_space<vmem_shared>>
      tpu.wait_indirect_dma semaphore(%arg22 : memref<!tpu.dma_semaphore, #tpu.memory_space<semaphore_mem>>) src(%arg8 : memref<128x64xf32, #tpu.memory_space<vmem>>) dst(%dma_wait3A_556 : memref<10240x64xf32, #tpu.memory_space<vmem_shared>>)
      %dma_start3A_557 = arith.constant 0 : i32
      %dma_start3A_558 = arith.constant 0 : i32
      %dma_start3A_559 = tpu.memref_slice %arg14[%dma_start3A_557, %dma_start3A_558] : memref<2x128xi32, #tpu.memory_space<vmem>> -> memref<1x128xi32, #tpu.memory_space<vmem>>
      %dma_start3A_560 = tpu.memref_squeeze %dma_start3A_559 : memref<1x128xi32, #tpu.memory_space<vmem>> -> memref<128xi32, #tpu.memory_space<vmem>>
      %dma_start3A_561 = arith.constant 0 : i32
      %dma_start3A_562 = arith.constant 0 : i32
      %dma_start3A_563 = tpu.memref_slice %arg7[%dma_start3A_561, %dma_start3A_562] : memref<10240x64xf32, #tpu.memory_space<vmem_shared>> -> memref<10240x64xf32, #tpu.memory_space<vmem_shared>>
      tpu.enqueue_indirect_dma source(%dma_start3A_563 : memref<10240x64xf32, #tpu.memory_space<vmem_shared>>) target(%arg8 : memref<128x64xf32, #tpu.memory_space<vmem>>) offsets(%dma_start3A_560 : memref<128xi32, #tpu.memory_space<vmem>>) semaphore(%arg18 : memref<!tpu.dma_semaphore, #tpu.memory_space<semaphore_mem>>)
      %add3A_564 = arith.constant 4 : i32
      %add3A_565 = arith.addi %add3A_540, %add3A_564 : i32
      %mul3A_566 = arith.constant 16 : i32
      %mul3A_567 = arith.muli %mul3A_566, %add3A_565 : i32
      %add3A_568 = arith.addi %arg1, %mul3A_567 : i32
      %dma_start3A_569 = arith.constant 0 : i32
      %dma_start3A_570 = arith.constant 0 : i32
      %dma_start3A_571 = tpu.memref_slice %arg3[%add3A_568, %dma_start3A_569, %dma_start3A_570] : memref<2624x2x128xi32, #tpu.memory_space<hbm>> -> memref<1x2x128xi32, #tpu.memory_space<hbm>>
      %dma_start3A_572 = tpu.memref_squeeze %dma_start3A_571 : memref<1x2x128xi32, #tpu.memory_space<hbm>> -> memref<2x128xi32, #tpu.memory_space<hbm>>
      %dma_start3A_573 = arith.constant 0 : i32
      %dma_start3A_574 = arith.constant 0 : i32
      %dma_start3A_575 = tpu.memref_slice %arg3[%add3A_568, %dma_start3A_573, %dma_start3A_574] : memref<2624x2x128xi32, #tpu.memory_space<hbm>> -> memref<1x2x128xi32, #tpu.memory_space<hbm>>
      %dma_start3A_576 = tpu.memref_squeeze %dma_start3A_575 : memref<1x2x128xi32, #tpu.memory_space<hbm>> -> memref<2x128xi32, #tpu.memory_space<hbm>>
      tpu.enqueue_dma source(%dma_start3A_576 : memref<2x128xi32, #tpu.memory_space<hbm>>) target(%arg16 : memref<2x128xi32, #tpu.memory_space<vmem>>) target_semaphore(%arg30 : memref<!tpu.dma_semaphore, #tpu.memory_space<semaphore_mem>>)
      %dma_wait3A_577 = arith.constant 0 : i32
      %dma_wait3A_578 = arith.constant 0 : i32
      %dma_wait3A_579 = tpu.memref_slice %arg12[%dma_wait3A_577, %dma_wait3A_578] : memref<2x128xi32, #tpu.memory_space<vmem>> -> memref<1x128xi32, #tpu.memory_space<vmem>>
      %dma_wait3A_580 = tpu.memref_squeeze %dma_wait3A_579 : memref<1x128xi32, #tpu.memory_space<vmem>> -> memref<128xi32, #tpu.memory_space<vmem>>
      %dma_wait3A_581 = arith.constant 0 : i32
      %dma_wait3A_582 = arith.constant 0 : i32
      %dma_wait3A_583 = tpu.memref_slice %arg7[%dma_wait3A_581, %dma_wait3A_582] : memref<10240x64xf32, #tpu.memory_space<vmem_shared>> -> memref<10240x64xf32, #tpu.memory_space<vmem_shared>>
      tpu.wait_indirect_dma semaphore(%arg20 : memref<!tpu.dma_semaphore, #tpu.memory_space<semaphore_mem>>) src(%dma_wait3A_583 : memref<10240x64xf32, #tpu.memory_space<vmem_shared>>) dst(%arg10 : memref<128x64xf32, #tpu.memory_space<vmem>>)
      %dma_start3A_584 = arith.constant 1 : i32
      %dma_start3A_585 = arith.constant 0 : i32
      %dma_start3A_586 = tpu.memref_slice %arg12[%dma_start3A_584, %dma_start3A_585] : memref<2x128xi32, #tpu.memory_space<vmem>> -> memref<1x128xi32, #tpu.memory_space<vmem>>
      %dma_start3A_587 = tpu.memref_squeeze %dma_start3A_586 : memref<1x128xi32, #tpu.memory_space<vmem>> -> memref<128xi32, #tpu.memory_space<vmem>>
      %dma_start3A_588 = arith.constant 0 : i32
      %dma_start3A_589 = arith.constant 0 : i32
      %dma_start3A_590 = tpu.memref_slice %arg6[%dma_start3A_588, %dma_start3A_589] : memref<10240x64xf32, #tpu.memory_space<vmem_shared>> -> memref<10240x64xf32, #tpu.memory_space<vmem_shared>>
      tpu.enqueue_indirect_dma source(%arg10 : memref<128x64xf32, #tpu.memory_space<vmem>>) target(%dma_start3A_590 : memref<10240x64xf32, #tpu.memory_space<vmem_shared>>) offsets(%dma_start3A_587 : memref<128xi32, #tpu.memory_space<vmem>>) semaphore(%arg24 : memref<!tpu.dma_semaphore, #tpu.memory_space<semaphore_mem>>) {add = true}
      %eq3A_591 = arith.constant 0 : i32
      %eq3A_592 = arith.cmpi eq, %arg0, %eq3A_591 : i32
      %convert_element_type3A_593 = arith.extui %eq3A_592 : i1 to i32
      %cond3A_594 = arith.constant 0 : i32
      %cond3A_595 = arith.cmpi ne, %convert_element_type3A_593, %cond3A_594 : i32
      scf.if %cond3A_595 {
        %get3A = arith.constant 1 : i32
        %get3A_1009 = arith.index_cast %get3A : i32 to index
        %get3A_1010 = arith.constant 0 : index
        %get3A_1011 = tpu.vector_load %arg12[%get3A_1009, %get3A_1010] {strides = array<i32>} : memref<2x128xi32, #tpu.memory_space<vmem>>, vector<16xi32>,
        tpu.vector_store_idx %arg32[%get3A_1011], %broadcast_in_dim3A_36 {add = true} : memref<10240xf32, #tpu.memory_space<vmem>>[vector<16xi32>], vector<16xf32>,
        %get3A_1012 = arith.constant 1 : i32
        %get3A_1013 = arith.index_cast %get3A_1012 : i32 to index
        %get3A_1014 = arith.constant 16 : index
        %get3A_1015 = tpu.vector_load %arg12[%get3A_1013, %get3A_1014] {strides = array<i32>} : memref<2x128xi32, #tpu.memory_space<vmem>>, vector<16xi32>,
        tpu.vector_store_idx %arg32[%get3A_1015], %broadcast_in_dim3A_36 {add = true} : memref<10240xf32, #tpu.memory_space<vmem>>[vector<16xi32>], vector<16xf32>,
        %get3A_1016 = arith.constant 1 : i32
        %get3A_1017 = arith.index_cast %get3A_1016 : i32 to index
        %get3A_1018 = arith.constant 32 : index
        %get3A_1019 = tpu.vector_load %arg12[%get3A_1017, %get3A_1018] {strides = array<i32>} : memref<2x128xi32, #tpu.memory_space<vmem>>, vector<16xi32>,
        tpu.vector_store_idx %arg32[%get3A_1019], %broadcast_in_dim3A_36 {add = true} : memref<10240xf32, #tpu.memory_space<vmem>>[vector<16xi32>], vector<16xf32>,
        %get3A_1020 = arith.constant 1 : i32
        %get3A_1021 = arith.index_cast %get3A_1020 : i32 to index
        %get3A_1022 = arith.constant 48 : index
        %get3A_1023 = tpu.vector_load %arg12[%get3A_1021, %get3A_1022] {strides = array<i32>} : memref<2x128xi32, #tpu.memory_space<vmem>>, vector<16xi32>,
        tpu.vector_store_idx %arg32[%get3A_1023], %broadcast_in_dim3A_36 {add = true} : memref<10240xf32, #tpu.memory_space<vmem>>[vector<16xi32>], vector<16xf32>,
        %get3A_1024 = arith.constant 1 : i32
        %get3A_1025 = arith.index_cast %get3A_1024 : i32 to index
        %get3A_1026 = arith.constant 64 : index
        %get3A_1027 = tpu.vector_load %arg12[%get3A_1025, %get3A_1026] {strides = array<i32>} : memref<2x128xi32, #tpu.memory_space<vmem>>, vector<16xi32>,
        tpu.vector_store_idx %arg32[%get3A_1027], %broadcast_in_dim3A_36 {add = true} : memref<10240xf32, #tpu.memory_space<vmem>>[vector<16xi32>], vector<16xf32>,
        %get3A_1028 = arith.constant 1 : i32
        %get3A_1029 = arith.index_cast %get3A_1028 : i32 to index
        %get3A_1030 = arith.constant 80 : index
        %get3A_1031 = tpu.vector_load %arg12[%get3A_1029, %get3A_1030] {strides = array<i32>} : memref<2x128xi32, #tpu.memory_space<vmem>>, vector<16xi32>,
        tpu.vector_store_idx %arg32[%get3A_1031], %broadcast_in_dim3A_36 {add = true} : memref<10240xf32, #tpu.memory_space<vmem>>[vector<16xi32>], vector<16xf32>,
        %get3A_1032 = arith.constant 1 : i32
        %get3A_1033 = arith.index_cast %get3A_1032 : i32 to index
        %get3A_1034 = arith.constant 96 : index
        %get3A_1035 = tpu.vector_load %arg12[%get3A_1033, %get3A_1034] {strides = array<i32>} : memref<2x128xi32, #tpu.memory_space<vmem>>, vector<16xi32>,
        tpu.vector_store_idx %arg32[%get3A_1035], %broadcast_in_dim3A_36 {add = true} : memref<10240xf32, #tpu.memory_space<vmem>>[vector<16xi32>], vector<16xf32>,
        %get3A_1036 = arith.constant 1 : i32
        %get3A_1037 = arith.index_cast %get3A_1036 : i32 to index
        %get3A_1038 = arith.constant 112 : index
        %get3A_1039 = tpu.vector_load %arg12[%get3A_1037, %get3A_1038] {strides = array<i32>} : memref<2x128xi32, #tpu.memory_space<vmem>>, vector<16xi32>,
        tpu.vector_store_idx %arg32[%get3A_1039], %broadcast_in_dim3A_36 {add = true} : memref<10240xf32, #tpu.memory_space<vmem>>[vector<16xi32>], vector<16xf32>,
      } else {
      }
      %mul3A_596 = arith.constant 12 : i32
      %mul3A_597 = arith.muli %mul3A_596, %add3A_300 : i32
      %add3A_598 = arith.constant 7 : i32
      %add3A_599 = arith.addi %mul3A_597, %add3A_598 : i32
      %dma_wait3A_600 = arith.constant 0 : i32
      %dma_wait3A_601 = arith.constant 0 : i32
      %dma_wait3A_602 = arith.constant 0 : i32
      %dma_wait3A_603 = tpu.memref_slice %arg3[%dma_wait3A_600, %dma_wait3A_601, %dma_wait3A_602] : memref<2624x2x128xi32, #tpu.memory_space<hbm>> -> memref<1x2x128xi32, #tpu.memory_space<hbm>>
      %dma_wait3A_604 = tpu.memref_squeeze %dma_wait3A_603 : memref<1x2x128xi32, #tpu.memory_space<hbm>> -> memref<2x128xi32, #tpu.memory_space<hbm>>
      %dma_wait3A_605 = arith.constant 0 : i32
      %dma_wait3A_606 = arith.constant 0 : i32
      %dma_wait3A_607 = tpu.memref_slice %arg3[%dma_wait3A_600, %dma_wait3A_605, %dma_wait3A_606] : memref<2624x2x128xi32, #tpu.memory_space<hbm>> -> memref<1x2x128xi32, #tpu.memory_space<hbm>>
      %dma_wait3A_608 = tpu.memref_squeeze %dma_wait3A_607 : memref<1x2x128xi32, #tpu.memory_space<hbm>> -> memref<2x128xi32, #tpu.memory_space<hbm>>
      tpu.wait_dma2 semaphore(%arg29 : memref<!tpu.dma_semaphore, #tpu.memory_space<semaphore_mem>>) src(%dma_wait3A_608 : memref<2x128xi32, #tpu.memory_space<hbm>>) dst(%arg15 : memref<2x128xi32, #tpu.memory_space<vmem>>)
      %dma_wait3A_609 = arith.constant 1 : i32
      %dma_wait3A_610 = arith.constant 0 : i32
      %dma_wait3A_611 = tpu.memref_slice %arg17[%dma_wait3A_609, %dma_wait3A_610] : memref<2x128xi32, #tpu.memory_space<vmem>> -> memref<1x128xi32, #tpu.memory_space<vmem>>
      %dma_wait3A_612 = tpu.memref_squeeze %dma_wait3A_611 : memref<1x128xi32, #tpu.memory_space<vmem>> -> memref<128xi32, #tpu.memory_space<vmem>>
      %dma_wait3A_613 = arith.constant 0 : i32
      %dma_wait3A_614 = arith.constant 0 : i32
      %dma_wait3A_615 = tpu.memref_slice %arg6[%dma_wait3A_613, %dma_wait3A_614] : memref<10240x64xf32, #tpu.memory_space<vmem_shared>> -> memref<10240x64xf32, #tpu.memory_space<vmem_shared>>
      tpu.wait_indirect_dma semaphore(%arg23 : memref<!tpu.dma_semaphore, #tpu.memory_space<semaphore_mem>>) src(%arg9 : memref<128x64xf32, #tpu.memory_space<vmem>>) dst(%dma_wait3A_615 : memref<10240x64xf32, #tpu.memory_space<vmem_shared>>)
      %dma_start3A_616 = arith.constant 0 : i32
      %dma_start3A_617 = arith.constant 0 : i32
      %dma_start3A_618 = tpu.memref_slice %arg15[%dma_start3A_616, %dma_start3A_617] : memref<2x128xi32, #tpu.memory_space<vmem>> -> memref<1x128xi32, #tpu.memory_space<vmem>>
      %dma_start3A_619 = tpu.memref_squeeze %dma_start3A_618 : memref<1x128xi32, #tpu.memory_space<vmem>> -> memref<128xi32, #tpu.memory_space<vmem>>
      %dma_start3A_620 = arith.constant 0 : i32
      %dma_start3A_621 = arith.constant 0 : i32
      %dma_start3A_622 = tpu.memref_slice %arg7[%dma_start3A_620, %dma_start3A_621] : memref<10240x64xf32, #tpu.memory_space<vmem_shared>> -> memref<10240x64xf32, #tpu.memory_space<vmem_shared>>
      tpu.enqueue_indirect_dma source(%dma_start3A_622 : memref<10240x64xf32, #tpu.memory_space<vmem_shared>>) target(%arg9 : memref<128x64xf32, #tpu.memory_space<vmem>>) offsets(%dma_start3A_619 : memref<128xi32, #tpu.memory_space<vmem>>) semaphore(%arg19 : memref<!tpu.dma_semaphore, #tpu.memory_space<semaphore_mem>>)
      %add3A_623 = arith.constant 4 : i32
      %add3A_624 = arith.addi %add3A_599, %add3A_623 : i32
      %mul3A_625 = arith.constant 16 : i32
      %mul3A_626 = arith.muli %mul3A_625, %add3A_624 : i32
      %add3A_627 = arith.addi %arg1, %mul3A_626 : i32
      %dma_start3A_628 = arith.constant 0 : i32
      %dma_start3A_629 = arith.constant 0 : i32
      %dma_start3A_630 = tpu.memref_slice %arg3[%add3A_627, %dma_start3A_628, %dma_start3A_629] : memref<2624x2x128xi32, #tpu.memory_space<hbm>> -> memref<1x2x128xi32, #tpu.memory_space<hbm>>
      %dma_start3A_631 = tpu.memref_squeeze %dma_start3A_630 : memref<1x2x128xi32, #tpu.memory_space<hbm>> -> memref<2x128xi32, #tpu.memory_space<hbm>>
      %dma_start3A_632 = arith.constant 0 : i32
      %dma_start3A_633 = arith.constant 0 : i32
      %dma_start3A_634 = tpu.memref_slice %arg3[%add3A_627, %dma_start3A_632, %dma_start3A_633] : memref<2624x2x128xi32, #tpu.memory_space<hbm>> -> memref<1x2x128xi32, #tpu.memory_space<hbm>>
      %dma_start3A_635 = tpu.memref_squeeze %dma_start3A_634 : memref<1x2x128xi32, #tpu.memory_space<hbm>> -> memref<2x128xi32, #tpu.memory_space<hbm>>
      tpu.enqueue_dma source(%dma_start3A_635 : memref<2x128xi32, #tpu.memory_space<hbm>>) target(%arg17 : memref<2x128xi32, #tpu.memory_space<vmem>>) target_semaphore(%arg31 : memref<!tpu.dma_semaphore, #tpu.memory_space<semaphore_mem>>)
      %dma_wait3A_636 = arith.constant 0 : i32
      %dma_wait3A_637 = arith.constant 0 : i32
      %dma_wait3A_638 = tpu.memref_slice %arg13[%dma_wait3A_636, %dma_wait3A_637] : memref<2x128xi32, #tpu.memory_space<vmem>> -> memref<1x128xi32, #tpu.memory_space<vmem>>
      %dma_wait3A_639 = tpu.memref_squeeze %dma_wait3A_638 : memref<1x128xi32, #tpu.memory_space<vmem>> -> memref<128xi32, #tpu.memory_space<vmem>>
      %dma_wait3A_640 = arith.constant 0 : i32
      %dma_wait3A_641 = arith.constant 0 : i32
      %dma_wait3A_642 = tpu.memref_slice %arg7[%dma_wait3A_640, %dma_wait3A_641] : memref<10240x64xf32, #tpu.memory_space<vmem_shared>> -> memref<10240x64xf32, #tpu.memory_space<vmem_shared>>
      tpu.wait_indirect_dma semaphore(%arg21 : memref<!tpu.dma_semaphore, #tpu.memory_space<semaphore_mem>>) src(%dma_wait3A_642 : memref<10240x64xf32, #tpu.memory_space<vmem_shared>>) dst(%arg11 : memref<128x64xf32, #tpu.memory_space<vmem>>)
      %dma_start3A_643 = arith.constant 1 : i32
      %dma_start3A_644 = arith.constant 0 : i32
      %dma_start3A_645 = tpu.memref_slice %arg13[%dma_start3A_643, %dma_start3A_644] : memref<2x128xi32, #tpu.memory_space<vmem>> -> memref<1x128xi32, #tpu.memory_space<vmem>>
      %dma_start3A_646 = tpu.memref_squeeze %dma_start3A_645 : memref<1x128xi32, #tpu.memory_space<vmem>> -> memref<128xi32, #tpu.memory_space<vmem>>
      %dma_start3A_647 = arith.constant 0 : i32
      %dma_start3A_648 = arith.constant 0 : i32
      %dma_start3A_649 = tpu.memref_slice %arg6[%dma_start3A_647, %dma_start3A_648] : memref<10240x64xf32, #tpu.memory_space<vmem_shared>> -> memref<10240x64xf32, #tpu.memory_space<vmem_shared>>
      tpu.enqueue_indirect_dma source(%arg11 : memref<128x64xf32, #tpu.memory_space<vmem>>) target(%dma_start3A_649 : memref<10240x64xf32, #tpu.memory_space<vmem_shared>>) offsets(%dma_start3A_646 : memref<128xi32, #tpu.memory_space<vmem>>) semaphore(%arg25 : memref<!tpu.dma_semaphore, #tpu.memory_space<semaphore_mem>>) {add = true}
      %eq3A_650 = arith.constant 0 : i32
      %eq3A_651 = arith.cmpi eq, %arg0, %eq3A_650 : i32
      %convert_element_type3A_652 = arith.extui %eq3A_651 : i1 to i32
      %cond3A_653 = arith.constant 0 : i32
      %cond3A_654 = arith.cmpi ne, %convert_element_type3A_652, %cond3A_653 : i32
      scf.if %cond3A_654 {
        %get3A = arith.constant 1 : i32
        %get3A_1009 = arith.index_cast %get3A : i32 to index
        %get3A_1010 = arith.constant 0 : index
        %get3A_1011 = tpu.vector_load %arg13[%get3A_1009, %get3A_1010] {strides = array<i32>} : memref<2x128xi32, #tpu.memory_space<vmem>>, vector<16xi32>,
        tpu.vector_store_idx %arg32[%get3A_1011], %broadcast_in_dim3A_36 {add = true} : memref<10240xf32, #tpu.memory_space<vmem>>[vector<16xi32>], vector<16xf32>,
        %get3A_1012 = arith.constant 1 : i32
        %get3A_1013 = arith.index_cast %get3A_1012 : i32 to index
        %get3A_1014 = arith.constant 16 : index
        %get3A_1015 = tpu.vector_load %arg13[%get3A_1013, %get3A_1014] {strides = array<i32>} : memref<2x128xi32, #tpu.memory_space<vmem>>, vector<16xi32>,
        tpu.vector_store_idx %arg32[%get3A_1015], %broadcast_in_dim3A_36 {add = true} : memref<10240xf32, #tpu.memory_space<vmem>>[vector<16xi32>], vector<16xf32>,
        %get3A_1016 = arith.constant 1 : i32
        %get3A_1017 = arith.index_cast %get3A_1016 : i32 to index
        %get3A_1018 = arith.constant 32 : index
        %get3A_1019 = tpu.vector_load %arg13[%get3A_1017, %get3A_1018] {strides = array<i32>} : memref<2x128xi32, #tpu.memory_space<vmem>>, vector<16xi32>,
        tpu.vector_store_idx %arg32[%get3A_1019], %broadcast_in_dim3A_36 {add = true} : memref<10240xf32, #tpu.memory_space<vmem>>[vector<16xi32>], vector<16xf32>,
        %get3A_1020 = arith.constant 1 : i32
        %get3A_1021 = arith.index_cast %get3A_1020 : i32 to index
        %get3A_1022 = arith.constant 48 : index
        %get3A_1023 = tpu.vector_load %arg13[%get3A_1021, %get3A_1022] {strides = array<i32>} : memref<2x128xi32, #tpu.memory_space<vmem>>, vector<16xi32>,
        tpu.vector_store_idx %arg32[%get3A_1023], %broadcast_in_dim3A_36 {add = true} : memref<10240xf32, #tpu.memory_space<vmem>>[vector<16xi32>], vector<16xf32>,
        %get3A_1024 = arith.constant 1 : i32
        %get3A_1025 = arith.index_cast %get3A_1024 : i32 to index
        %get3A_1026 = arith.constant 64 : index
        %get3A_1027 = tpu.vector_load %arg13[%get3A_1025, %get3A_1026] {strides = array<i32>} : memref<2x128xi32, #tpu.memory_space<vmem>>, vector<16xi32>,
        tpu.vector_store_idx %arg32[%get3A_1027], %broadcast_in_dim3A_36 {add = true} : memref<10240xf32, #tpu.memory_space<vmem>>[vector<16xi32>], vector<16xf32>,
        %get3A_1028 = arith.constant 1 : i32
        %get3A_1029 = arith.index_cast %get3A_1028 : i32 to index
        %get3A_1030 = arith.constant 80 : index
        %get3A_1031 = tpu.vector_load %arg13[%get3A_1029, %get3A_1030] {strides = array<i32>} : memref<2x128xi32, #tpu.memory_space<vmem>>, vector<16xi32>,
        tpu.vector_store_idx %arg32[%get3A_1031], %broadcast_in_dim3A_36 {add = true} : memref<10240xf32, #tpu.memory_space<vmem>>[vector<16xi32>], vector<16xf32>,
        %get3A_1032 = arith.constant 1 : i32
        %get3A_1033 = arith.index_cast %get3A_1032 : i32 to index
        %get3A_1034 = arith.constant 96 : index
        %get3A_1035 = tpu.vector_load %arg13[%get3A_1033, %get3A_1034] {strides = array<i32>} : memref<2x128xi32, #tpu.memory_space<vmem>>, vector<16xi32>,
        tpu.vector_store_idx %arg32[%get3A_1035], %broadcast_in_dim3A_36 {add = true} : memref<10240xf32, #tpu.memory_space<vmem>>[vector<16xi32>], vector<16xf32>,
        %get3A_1036 = arith.constant 1 : i32
        %get3A_1037 = arith.index_cast %get3A_1036 : i32 to index
        %get3A_1038 = arith.constant 112 : index
        %get3A_1039 = tpu.vector_load %arg13[%get3A_1037, %get3A_1038] {strides = array<i32>} : memref<2x128xi32, #tpu.memory_space<vmem>>, vector<16xi32>,
        tpu.vector_store_idx %arg32[%get3A_1039], %broadcast_in_dim3A_36 {add = true} : memref<10240xf32, #tpu.memory_space<vmem>>[vector<16xi32>], vector<16xf32>,
      } else {
      }
      %mul3A_655 = arith.constant 12 : i32
      %mul3A_656 = arith.muli %mul3A_655, %add3A_300 : i32
      %add3A_657 = arith.constant 8 : i32
      %add3A_658 = arith.addi %mul3A_656, %add3A_657 : i32
      %dma_wait3A_659 = arith.constant 0 : i32
      %dma_wait3A_660 = arith.constant 0 : i32
      %dma_wait3A_661 = arith.constant 0 : i32
      %dma_wait3A_662 = tpu.memref_slice %arg3[%dma_wait3A_659, %dma_wait3A_660, %dma_wait3A_661] : memref<2624x2x128xi32, #tpu.memory_space<hbm>> -> memref<1x2x128xi32, #tpu.memory_space<hbm>>
      %dma_wait3A_663 = tpu.memref_squeeze %dma_wait3A_662 : memref<1x2x128xi32, #tpu.memory_space<hbm>> -> memref<2x128xi32, #tpu.memory_space<hbm>>
      %dma_wait3A_664 = arith.constant 0 : i32
      %dma_wait3A_665 = arith.constant 0 : i32
      %dma_wait3A_666 = tpu.memref_slice %arg3[%dma_wait3A_659, %dma_wait3A_664, %dma_wait3A_665] : memref<2624x2x128xi32, #tpu.memory_space<hbm>> -> memref<1x2x128xi32, #tpu.memory_space<hbm>>
      %dma_wait3A_667 = tpu.memref_squeeze %dma_wait3A_666 : memref<1x2x128xi32, #tpu.memory_space<hbm>> -> memref<2x128xi32, #tpu.memory_space<hbm>>
      tpu.wait_dma2 semaphore(%arg30 : memref<!tpu.dma_semaphore, #tpu.memory_space<semaphore_mem>>) src(%dma_wait3A_667 : memref<2x128xi32, #tpu.memory_space<hbm>>) dst(%arg16 : memref<2x128xi32, #tpu.memory_space<vmem>>)
      %dma_wait3A_668 = arith.constant 1 : i32
      %dma_wait3A_669 = arith.constant 0 : i32
      %dma_wait3A_670 = tpu.memref_slice %arg12[%dma_wait3A_668, %dma_wait3A_669] : memref<2x128xi32, #tpu.memory_space<vmem>> -> memref<1x128xi32, #tpu.memory_space<vmem>>
      %dma_wait3A_671 = tpu.memref_squeeze %dma_wait3A_670 : memref<1x128xi32, #tpu.memory_space<vmem>> -> memref<128xi32, #tpu.memory_space<vmem>>
      %dma_wait3A_672 = arith.constant 0 : i32
      %dma_wait3A_673 = arith.constant 0 : i32
      %dma_wait3A_674 = tpu.memref_slice %arg6[%dma_wait3A_672, %dma_wait3A_673] : memref<10240x64xf32, #tpu.memory_space<vmem_shared>> -> memref<10240x64xf32, #tpu.memory_space<vmem_shared>>
      tpu.wait_indirect_dma semaphore(%arg24 : memref<!tpu.dma_semaphore, #tpu.memory_space<semaphore_mem>>) src(%arg10 : memref<128x64xf32, #tpu.memory_space<vmem>>) dst(%dma_wait3A_674 : memref<10240x64xf32, #tpu.memory_space<vmem_shared>>)
      %dma_start3A_675 = arith.constant 0 : i32
      %dma_start3A_676 = arith.constant 0 : i32
      %dma_start3A_677 = tpu.memref_slice %arg16[%dma_start3A_675, %dma_start3A_676] : memref<2x128xi32, #tpu.memory_space<vmem>> -> memref<1x128xi32, #tpu.memory_space<vmem>>
      %dma_start3A_678 = tpu.memref_squeeze %dma_start3A_677 : memref<1x128xi32, #tpu.memory_space<vmem>> -> memref<128xi32, #tpu.memory_space<vmem>>
      %dma_start3A_679 = arith.constant 0 : i32
      %dma_start3A_680 = arith.constant 0 : i32
      %dma_start3A_681 = tpu.memref_slice %arg7[%dma_start3A_679, %dma_start3A_680] : memref<10240x64xf32, #tpu.memory_space<vmem_shared>> -> memref<10240x64xf32, #tpu.memory_space<vmem_shared>>
      tpu.enqueue_indirect_dma source(%dma_start3A_681 : memref<10240x64xf32, #tpu.memory_space<vmem_shared>>) target(%arg10 : memref<128x64xf32, #tpu.memory_space<vmem>>) offsets(%dma_start3A_678 : memref<128xi32, #tpu.memory_space<vmem>>) semaphore(%arg20 : memref<!tpu.dma_semaphore, #tpu.memory_space<semaphore_mem>>)
      %add3A_682 = arith.constant 4 : i32
      %add3A_683 = arith.addi %add3A_658, %add3A_682 : i32
      %mul3A_684 = arith.constant 16 : i32
      %mul3A_685 = arith.muli %mul3A_684, %add3A_683 : i32
      %add3A_686 = arith.addi %arg1, %mul3A_685 : i32
      %dma_start3A_687 = arith.constant 0 : i32
      %dma_start3A_688 = arith.constant 0 : i32
      %dma_start3A_689 = tpu.memref_slice %arg3[%add3A_686, %dma_start3A_687, %dma_start3A_688] : memref<2624x2x128xi32, #tpu.memory_space<hbm>> -> memref<1x2x128xi32, #tpu.memory_space<hbm>>
      %dma_start3A_690 = tpu.memref_squeeze %dma_start3A_689 : memref<1x2x128xi32, #tpu.memory_space<hbm>> -> memref<2x128xi32, #tpu.memory_space<hbm>>
      %dma_start3A_691 = arith.constant 0 : i32
      %dma_start3A_692 = arith.constant 0 : i32
      %dma_start3A_693 = tpu.memref_slice %arg3[%add3A_686, %dma_start3A_691, %dma_start3A_692] : memref<2624x2x128xi32, #tpu.memory_space<hbm>> -> memref<1x2x128xi32, #tpu.memory_space<hbm>>
      %dma_start3A_694 = tpu.memref_squeeze %dma_start3A_693 : memref<1x2x128xi32, #tpu.memory_space<hbm>> -> memref<2x128xi32, #tpu.memory_space<hbm>>
      tpu.enqueue_dma source(%dma_start3A_694 : memref<2x128xi32, #tpu.memory_space<hbm>>) target(%arg12 : memref<2x128xi32, #tpu.memory_space<vmem>>) target_semaphore(%arg26 : memref<!tpu.dma_semaphore, #tpu.memory_space<semaphore_mem>>)
      %dma_wait3A_695 = arith.constant 0 : i32
      %dma_wait3A_696 = arith.constant 0 : i32
      %dma_wait3A_697 = tpu.memref_slice %arg14[%dma_wait3A_695, %dma_wait3A_696] : memref<2x128xi32, #tpu.memory_space<vmem>> -> memref<1x128xi32, #tpu.memory_space<vmem>>
      %dma_wait3A_698 = tpu.memref_squeeze %dma_wait3A_697 : memref<1x128xi32, #tpu.memory_space<vmem>> -> memref<128xi32, #tpu.memory_space<vmem>>
      %dma_wait3A_699 = arith.constant 0 : i32
      %dma_wait3A_700 = arith.constant 0 : i32
      %dma_wait3A_701 = tpu.memref_slice %arg7[%dma_wait3A_699, %dma_wait3A_700] : memref<10240x64xf32, #tpu.memory_space<vmem_shared>> -> memref<10240x64xf32, #tpu.memory_space<vmem_shared>>
      tpu.wait_indirect_dma semaphore(%arg18 : memref<!tpu.dma_semaphore, #tpu.memory_space<semaphore_mem>>) src(%dma_wait3A_701 : memref<10240x64xf32, #tpu.memory_space<vmem_shared>>) dst(%arg8 : memref<128x64xf32, #tpu.memory_space<vmem>>)
      %dma_start3A_702 = arith.constant 1 : i32
      %dma_start3A_703 = arith.constant 0 : i32
      %dma_start3A_704 = tpu.memref_slice %arg14[%dma_start3A_702, %dma_start3A_703] : memref<2x128xi32, #tpu.memory_space<vmem>> -> memref<1x128xi32, #tpu.memory_space<vmem>>
      %dma_start3A_705 = tpu.memref_squeeze %dma_start3A_704 : memref<1x128xi32, #tpu.memory_space<vmem>> -> memref<128xi32, #tpu.memory_space<vmem>>
      %dma_start3A_706 = arith.constant 0 : i32
      %dma_start3A_707 = arith.constant 0 : i32
      %dma_start3A_708 = tpu.memref_slice %arg6[%dma_start3A_706, %dma_start3A_707] : memref<10240x64xf32, #tpu.memory_space<vmem_shared>> -> memref<10240x64xf32, #tpu.memory_space<vmem_shared>>
      tpu.enqueue_indirect_dma source(%arg8 : memref<128x64xf32, #tpu.memory_space<vmem>>) target(%dma_start3A_708 : memref<10240x64xf32, #tpu.memory_space<vmem_shared>>) offsets(%dma_start3A_705 : memref<128xi32, #tpu.memory_space<vmem>>) semaphore(%arg22 : memref<!tpu.dma_semaphore, #tpu.memory_space<semaphore_mem>>) {add = true}
      %eq3A_709 = arith.constant 0 : i32
      %eq3A_710 = arith.cmpi eq, %arg0, %eq3A_709 : i32
      %convert_element_type3A_711 = arith.extui %eq3A_710 : i1 to i32
      %cond3A_712 = arith.constant 0 : i32
      %cond3A_713 = arith.cmpi ne, %convert_element_type3A_711, %cond3A_712 : i32
      scf.if %cond3A_713 {
        %get3A = arith.constant 1 : i32
        %get3A_1009 = arith.index_cast %get3A : i32 to index
        %get3A_1010 = arith.constant 0 : index
        %get3A_1011 = tpu.vector_load %arg14[%get3A_1009, %get3A_1010] {strides = array<i32>} : memref<2x128xi32, #tpu.memory_space<vmem>>, vector<16xi32>,
        tpu.vector_store_idx %arg32[%get3A_1011], %broadcast_in_dim3A_36 {add = true} : memref<10240xf32, #tpu.memory_space<vmem>>[vector<16xi32>], vector<16xf32>,
        %get3A_1012 = arith.constant 1 : i32
        %get3A_1013 = arith.index_cast %get3A_1012 : i32 to index
        %get3A_1014 = arith.constant 16 : index
        %get3A_1015 = tpu.vector_load %arg14[%get3A_1013, %get3A_1014] {strides = array<i32>} : memref<2x128xi32, #tpu.memory_space<vmem>>, vector<16xi32>,
        tpu.vector_store_idx %arg32[%get3A_1015], %broadcast_in_dim3A_36 {add = true} : memref<10240xf32, #tpu.memory_space<vmem>>[vector<16xi32>], vector<16xf32>,
        %get3A_1016 = arith.constant 1 : i32
        %get3A_1017 = arith.index_cast %get3A_1016 : i32 to index
        %get3A_1018 = arith.constant 32 : index
        %get3A_1019 = tpu.vector_load %arg14[%get3A_1017, %get3A_1018] {strides = array<i32>} : memref<2x128xi32, #tpu.memory_space<vmem>>, vector<16xi32>,
        tpu.vector_store_idx %arg32[%get3A_1019], %broadcast_in_dim3A_36 {add = true} : memref<10240xf32, #tpu.memory_space<vmem>>[vector<16xi32>], vector<16xf32>,
        %get3A_1020 = arith.constant 1 : i32
        %get3A_1021 = arith.index_cast %get3A_1020 : i32 to index
        %get3A_1022 = arith.constant 48 : index
        %get3A_1023 = tpu.vector_load %arg14[%get3A_1021, %get3A_1022] {strides = array<i32>} : memref<2x128xi32, #tpu.memory_space<vmem>>, vector<16xi32>,
        tpu.vector_store_idx %arg32[%get3A_1023], %broadcast_in_dim3A_36 {add = true} : memref<10240xf32, #tpu.memory_space<vmem>>[vector<16xi32>], vector<16xf32>,
        %get3A_1024 = arith.constant 1 : i32
        %get3A_1025 = arith.index_cast %get3A_1024 : i32 to index
        %get3A_1026 = arith.constant 64 : index
        %get3A_1027 = tpu.vector_load %arg14[%get3A_1025, %get3A_1026] {strides = array<i32>} : memref<2x128xi32, #tpu.memory_space<vmem>>, vector<16xi32>,
        tpu.vector_store_idx %arg32[%get3A_1027], %broadcast_in_dim3A_36 {add = true} : memref<10240xf32, #tpu.memory_space<vmem>>[vector<16xi32>], vector<16xf32>,
        %get3A_1028 = arith.constant 1 : i32
        %get3A_1029 = arith.index_cast %get3A_1028 : i32 to index
        %get3A_1030 = arith.constant 80 : index
        %get3A_1031 = tpu.vector_load %arg14[%get3A_1029, %get3A_1030] {strides = array<i32>} : memref<2x128xi32, #tpu.memory_space<vmem>>, vector<16xi32>,
        tpu.vector_store_idx %arg32[%get3A_1031], %broadcast_in_dim3A_36 {add = true} : memref<10240xf32, #tpu.memory_space<vmem>>[vector<16xi32>], vector<16xf32>,
        %get3A_1032 = arith.constant 1 : i32
        %get3A_1033 = arith.index_cast %get3A_1032 : i32 to index
        %get3A_1034 = arith.constant 96 : index
        %get3A_1035 = tpu.vector_load %arg14[%get3A_1033, %get3A_1034] {strides = array<i32>} : memref<2x128xi32, #tpu.memory_space<vmem>>, vector<16xi32>,
        tpu.vector_store_idx %arg32[%get3A_1035], %broadcast_in_dim3A_36 {add = true} : memref<10240xf32, #tpu.memory_space<vmem>>[vector<16xi32>], vector<16xf32>,
        %get3A_1036 = arith.constant 1 : i32
        %get3A_1037 = arith.index_cast %get3A_1036 : i32 to index
        %get3A_1038 = arith.constant 112 : index
        %get3A_1039 = tpu.vector_load %arg14[%get3A_1037, %get3A_1038] {strides = array<i32>} : memref<2x128xi32, #tpu.memory_space<vmem>>, vector<16xi32>,
        tpu.vector_store_idx %arg32[%get3A_1039], %broadcast_in_dim3A_36 {add = true} : memref<10240xf32, #tpu.memory_space<vmem>>[vector<16xi32>], vector<16xf32>,
      } else {
      }
      %mul3A_714 = arith.constant 12 : i32
      %mul3A_715 = arith.muli %mul3A_714, %add3A_300 : i32
      %add3A_716 = arith.constant 9 : i32
      %add3A_717 = arith.addi %mul3A_715, %add3A_716 : i32
      %dma_wait3A_718 = arith.constant 0 : i32
      %dma_wait3A_719 = arith.constant 0 : i32
      %dma_wait3A_720 = arith.constant 0 : i32
      %dma_wait3A_721 = tpu.memref_slice %arg3[%dma_wait3A_718, %dma_wait3A_719, %dma_wait3A_720] : memref<2624x2x128xi32, #tpu.memory_space<hbm>> -> memref<1x2x128xi32, #tpu.memory_space<hbm>>
      %dma_wait3A_722 = tpu.memref_squeeze %dma_wait3A_721 : memref<1x2x128xi32, #tpu.memory_space<hbm>> -> memref<2x128xi32, #tpu.memory_space<hbm>>
      %dma_wait3A_723 = arith.constant 0 : i32
      %dma_wait3A_724 = arith.constant 0 : i32
      %dma_wait3A_725 = tpu.memref_slice %arg3[%dma_wait3A_718, %dma_wait3A_723, %dma_wait3A_724] : memref<2624x2x128xi32, #tpu.memory_space<hbm>> -> memref<1x2x128xi32, #tpu.memory_space<hbm>>
      %dma_wait3A_726 = tpu.memref_squeeze %dma_wait3A_725 : memref<1x2x128xi32, #tpu.memory_space<hbm>> -> memref<2x128xi32, #tpu.memory_space<hbm>>
      tpu.wait_dma2 semaphore(%arg31 : memref<!tpu.dma_semaphore, #tpu.memory_space<semaphore_mem>>) src(%dma_wait3A_726 : memref<2x128xi32, #tpu.memory_space<hbm>>) dst(%arg17 : memref<2x128xi32, #tpu.memory_space<vmem>>)
      %dma_wait3A_727 = arith.constant 1 : i32
      %dma_wait3A_728 = arith.constant 0 : i32
      %dma_wait3A_729 = tpu.memref_slice %arg13[%dma_wait3A_727, %dma_wait3A_728] : memref<2x128xi32, #tpu.memory_space<vmem>> -> memref<1x128xi32, #tpu.memory_space<vmem>>
      %dma_wait3A_730 = tpu.memref_squeeze %dma_wait3A_729 : memref<1x128xi32, #tpu.memory_space<vmem>> -> memref<128xi32, #tpu.memory_space<vmem>>
      %dma_wait3A_731 = arith.constant 0 : i32
      %dma_wait3A_732 = arith.constant 0 : i32
      %dma_wait3A_733 = tpu.memref_slice %arg6[%dma_wait3A_731, %dma_wait3A_732] : memref<10240x64xf32, #tpu.memory_space<vmem_shared>> -> memref<10240x64xf32, #tpu.memory_space<vmem_shared>>
      tpu.wait_indirect_dma semaphore(%arg25 : memref<!tpu.dma_semaphore, #tpu.memory_space<semaphore_mem>>) src(%arg11 : memref<128x64xf32, #tpu.memory_space<vmem>>) dst(%dma_wait3A_733 : memref<10240x64xf32, #tpu.memory_space<vmem_shared>>)
      %dma_start3A_734 = arith.constant 0 : i32
      %dma_start3A_735 = arith.constant 0 : i32
      %dma_start3A_736 = tpu.memref_slice %arg17[%dma_start3A_734, %dma_start3A_735] : memref<2x128xi32, #tpu.memory_space<vmem>> -> memref<1x128xi32, #tpu.memory_space<vmem>>
      %dma_start3A_737 = tpu.memref_squeeze %dma_start3A_736 : memref<1x128xi32, #tpu.memory_space<vmem>> -> memref<128xi32, #tpu.memory_space<vmem>>
      %dma_start3A_738 = arith.constant 0 : i32
      %dma_start3A_739 = arith.constant 0 : i32
      %dma_start3A_740 = tpu.memref_slice %arg7[%dma_start3A_738, %dma_start3A_739] : memref<10240x64xf32, #tpu.memory_space<vmem_shared>> -> memref<10240x64xf32, #tpu.memory_space<vmem_shared>>
      tpu.enqueue_indirect_dma source(%dma_start3A_740 : memref<10240x64xf32, #tpu.memory_space<vmem_shared>>) target(%arg11 : memref<128x64xf32, #tpu.memory_space<vmem>>) offsets(%dma_start3A_737 : memref<128xi32, #tpu.memory_space<vmem>>) semaphore(%arg21 : memref<!tpu.dma_semaphore, #tpu.memory_space<semaphore_mem>>)
      %add3A_741 = arith.constant 4 : i32
      %add3A_742 = arith.addi %add3A_717, %add3A_741 : i32
      %mul3A_743 = arith.constant 16 : i32
      %mul3A_744 = arith.muli %mul3A_743, %add3A_742 : i32
      %add3A_745 = arith.addi %arg1, %mul3A_744 : i32
      %dma_start3A_746 = arith.constant 0 : i32
      %dma_start3A_747 = arith.constant 0 : i32
      %dma_start3A_748 = tpu.memref_slice %arg3[%add3A_745, %dma_start3A_746, %dma_start3A_747] : memref<2624x2x128xi32, #tpu.memory_space<hbm>> -> memref<1x2x128xi32, #tpu.memory_space<hbm>>
      %dma_start3A_749 = tpu.memref_squeeze %dma_start3A_748 : memref<1x2x128xi32, #tpu.memory_space<hbm>> -> memref<2x128xi32, #tpu.memory_space<hbm>>
      %dma_start3A_750 = arith.constant 0 : i32
      %dma_start3A_751 = arith.constant 0 : i32
      %dma_start3A_752 = tpu.memref_slice %arg3[%add3A_745, %dma_start3A_750, %dma_start3A_751] : memref<2624x2x128xi32, #tpu.memory_space<hbm>> -> memref<1x2x128xi32, #tpu.memory_space<hbm>>
      %dma_start3A_753 = tpu.memref_squeeze %dma_start3A_752 : memref<1x2x128xi32, #tpu.memory_space<hbm>> -> memref<2x128xi32, #tpu.memory_space<hbm>>
      tpu.enqueue_dma source(%dma_start3A_753 : memref<2x128xi32, #tpu.memory_space<hbm>>) target(%arg13 : memref<2x128xi32, #tpu.memory_space<vmem>>) target_semaphore(%arg27 : memref<!tpu.dma_semaphore, #tpu.memory_space<semaphore_mem>>)
      %dma_wait3A_754 = arith.constant 0 : i32
      %dma_wait3A_755 = arith.constant 0 : i32
      %dma_wait3A_756 = tpu.memref_slice %arg15[%dma_wait3A_754, %dma_wait3A_755] : memref<2x128xi32, #tpu.memory_space<vmem>> -> memref<1x128xi32, #tpu.memory_space<vmem>>
      %dma_wait3A_757 = tpu.memref_squeeze %dma_wait3A_756 : memref<1x128xi32, #tpu.memory_space<vmem>> -> memref<128xi32, #tpu.memory_space<vmem>>
      %dma_wait3A_758 = arith.constant 0 : i32
      %dma_wait3A_759 = arith.constant 0 : i32
      %dma_wait3A_760 = tpu.memref_slice %arg7[%dma_wait3A_758, %dma_wait3A_759] : memref<10240x64xf32, #tpu.memory_space<vmem_shared>> -> memref<10240x64xf32, #tpu.memory_space<vmem_shared>>
      tpu.wait_indirect_dma semaphore(%arg19 : memref<!tpu.dma_semaphore, #tpu.memory_space<semaphore_mem>>) src(%dma_wait3A_760 : memref<10240x64xf32, #tpu.memory_space<vmem_shared>>) dst(%arg9 : memref<128x64xf32, #tpu.memory_space<vmem>>)
      %dma_start3A_761 = arith.constant 1 : i32
      %dma_start3A_762 = arith.constant 0 : i32
      %dma_start3A_763 = tpu.memref_slice %arg15[%dma_start3A_761, %dma_start3A_762] : memref<2x128xi32, #tpu.memory_space<vmem>> -> memref<1x128xi32, #tpu.memory_space<vmem>>
      %dma_start3A_764 = tpu.memref_squeeze %dma_start3A_763 : memref<1x128xi32, #tpu.memory_space<vmem>> -> memref<128xi32, #tpu.memory_space<vmem>>
      %dma_start3A_765 = arith.constant 0 : i32
      %dma_start3A_766 = arith.constant 0 : i32
      %dma_start3A_767 = tpu.memref_slice %arg6[%dma_start3A_765, %dma_start3A_766] : memref<10240x64xf32, #tpu.memory_space<vmem_shared>> -> memref<10240x64xf32, #tpu.memory_space<vmem_shared>>
      tpu.enqueue_indirect_dma source(%arg9 : memref<128x64xf32, #tpu.memory_space<vmem>>) target(%dma_start3A_767 : memref<10240x64xf32, #tpu.memory_space<vmem_shared>>) offsets(%dma_start3A_764 : memref<128xi32, #tpu.memory_space<vmem>>) semaphore(%arg23 : memref<!tpu.dma_semaphore, #tpu.memory_space<semaphore_mem>>) {add = true}
      %eq3A_768 = arith.constant 0 : i32
      %eq3A_769 = arith.cmpi eq, %arg0, %eq3A_768 : i32
      %convert_element_type3A_770 = arith.extui %eq3A_769 : i1 to i32
      %cond3A_771 = arith.constant 0 : i32
      %cond3A_772 = arith.cmpi ne, %convert_element_type3A_770, %cond3A_771 : i32
      scf.if %cond3A_772 {
        %get3A = arith.constant 1 : i32
        %get3A_1009 = arith.index_cast %get3A : i32 to index
        %get3A_1010 = arith.constant 0 : index
        %get3A_1011 = tpu.vector_load %arg15[%get3A_1009, %get3A_1010] {strides = array<i32>} : memref<2x128xi32, #tpu.memory_space<vmem>>, vector<16xi32>,
        tpu.vector_store_idx %arg32[%get3A_1011], %broadcast_in_dim3A_36 {add = true} : memref<10240xf32, #tpu.memory_space<vmem>>[vector<16xi32>], vector<16xf32>,
        %get3A_1012 = arith.constant 1 : i32
        %get3A_1013 = arith.index_cast %get3A_1012 : i32 to index
        %get3A_1014 = arith.constant 16 : index
        %get3A_1015 = tpu.vector_load %arg15[%get3A_1013, %get3A_1014] {strides = array<i32>} : memref<2x128xi32, #tpu.memory_space<vmem>>, vector<16xi32>,
        tpu.vector_store_idx %arg32[%get3A_1015], %broadcast_in_dim3A_36 {add = true} : memref<10240xf32, #tpu.memory_space<vmem>>[vector<16xi32>], vector<16xf32>,
        %get3A_1016 = arith.constant 1 : i32
        %get3A_1017 = arith.index_cast %get3A_1016 : i32 to index
        %get3A_1018 = arith.constant 32 : index
        %get3A_1019 = tpu.vector_load %arg15[%get3A_1017, %get3A_1018] {strides = array<i32>} : memref<2x128xi32, #tpu.memory_space<vmem>>, vector<16xi32>,
        tpu.vector_store_idx %arg32[%get3A_1019], %broadcast_in_dim3A_36 {add = true} : memref<10240xf32, #tpu.memory_space<vmem>>[vector<16xi32>], vector<16xf32>,
        %get3A_1020 = arith.constant 1 : i32
        %get3A_1021 = arith.index_cast %get3A_1020 : i32 to index
        %get3A_1022 = arith.constant 48 : index
        %get3A_1023 = tpu.vector_load %arg15[%get3A_1021, %get3A_1022] {strides = array<i32>} : memref<2x128xi32, #tpu.memory_space<vmem>>, vector<16xi32>,
        tpu.vector_store_idx %arg32[%get3A_1023], %broadcast_in_dim3A_36 {add = true} : memref<10240xf32, #tpu.memory_space<vmem>>[vector<16xi32>], vector<16xf32>,
        %get3A_1024 = arith.constant 1 : i32
        %get3A_1025 = arith.index_cast %get3A_1024 : i32 to index
        %get3A_1026 = arith.constant 64 : index
        %get3A_1027 = tpu.vector_load %arg15[%get3A_1025, %get3A_1026] {strides = array<i32>} : memref<2x128xi32, #tpu.memory_space<vmem>>, vector<16xi32>,
        tpu.vector_store_idx %arg32[%get3A_1027], %broadcast_in_dim3A_36 {add = true} : memref<10240xf32, #tpu.memory_space<vmem>>[vector<16xi32>], vector<16xf32>,
        %get3A_1028 = arith.constant 1 : i32
        %get3A_1029 = arith.index_cast %get3A_1028 : i32 to index
        %get3A_1030 = arith.constant 80 : index
        %get3A_1031 = tpu.vector_load %arg15[%get3A_1029, %get3A_1030] {strides = array<i32>} : memref<2x128xi32, #tpu.memory_space<vmem>>, vector<16xi32>,
        tpu.vector_store_idx %arg32[%get3A_1031], %broadcast_in_dim3A_36 {add = true} : memref<10240xf32, #tpu.memory_space<vmem>>[vector<16xi32>], vector<16xf32>,
        %get3A_1032 = arith.constant 1 : i32
        %get3A_1033 = arith.index_cast %get3A_1032 : i32 to index
        %get3A_1034 = arith.constant 96 : index
        %get3A_1035 = tpu.vector_load %arg15[%get3A_1033, %get3A_1034] {strides = array<i32>} : memref<2x128xi32, #tpu.memory_space<vmem>>, vector<16xi32>,
        tpu.vector_store_idx %arg32[%get3A_1035], %broadcast_in_dim3A_36 {add = true} : memref<10240xf32, #tpu.memory_space<vmem>>[vector<16xi32>], vector<16xf32>,
        %get3A_1036 = arith.constant 1 : i32
        %get3A_1037 = arith.index_cast %get3A_1036 : i32 to index
        %get3A_1038 = arith.constant 112 : index
        %get3A_1039 = tpu.vector_load %arg15[%get3A_1037, %get3A_1038] {strides = array<i32>} : memref<2x128xi32, #tpu.memory_space<vmem>>, vector<16xi32>,
        tpu.vector_store_idx %arg32[%get3A_1039], %broadcast_in_dim3A_36 {add = true} : memref<10240xf32, #tpu.memory_space<vmem>>[vector<16xi32>], vector<16xf32>,
      } else {
      }
      %mul3A_773 = arith.constant 12 : i32
      %mul3A_774 = arith.muli %mul3A_773, %add3A_300 : i32
      %add3A_775 = arith.constant 10 : i32
      %add3A_776 = arith.addi %mul3A_774, %add3A_775 : i32
      %dma_wait3A_777 = arith.constant 0 : i32
      %dma_wait3A_778 = arith.constant 0 : i32
      %dma_wait3A_779 = arith.constant 0 : i32
      %dma_wait3A_780 = tpu.memref_slice %arg3[%dma_wait3A_777, %dma_wait3A_778, %dma_wait3A_779] : memref<2624x2x128xi32, #tpu.memory_space<hbm>> -> memref<1x2x128xi32, #tpu.memory_space<hbm>>
      %dma_wait3A_781 = tpu.memref_squeeze %dma_wait3A_780 : memref<1x2x128xi32, #tpu.memory_space<hbm>> -> memref<2x128xi32, #tpu.memory_space<hbm>>
      %dma_wait3A_782 = arith.constant 0 : i32
      %dma_wait3A_783 = arith.constant 0 : i32
      %dma_wait3A_784 = tpu.memref_slice %arg3[%dma_wait3A_777, %dma_wait3A_782, %dma_wait3A_783] : memref<2624x2x128xi32, #tpu.memory_space<hbm>> -> memref<1x2x128xi32, #tpu.memory_space<hbm>>
      %dma_wait3A_785 = tpu.memref_squeeze %dma_wait3A_784 : memref<1x2x128xi32, #tpu.memory_space<hbm>> -> memref<2x128xi32, #tpu.memory_space<hbm>>
      tpu.wait_dma2 semaphore(%arg26 : memref<!tpu.dma_semaphore, #tpu.memory_space<semaphore_mem>>) src(%dma_wait3A_785 : memref<2x128xi32, #tpu.memory_space<hbm>>) dst(%arg12 : memref<2x128xi32, #tpu.memory_space<vmem>>)
      %dma_wait3A_786 = arith.constant 1 : i32
      %dma_wait3A_787 = arith.constant 0 : i32
      %dma_wait3A_788 = tpu.memref_slice %arg14[%dma_wait3A_786, %dma_wait3A_787] : memref<2x128xi32, #tpu.memory_space<vmem>> -> memref<1x128xi32, #tpu.memory_space<vmem>>
      %dma_wait3A_789 = tpu.memref_squeeze %dma_wait3A_788 : memref<1x128xi32, #tpu.memory_space<vmem>> -> memref<128xi32, #tpu.memory_space<vmem>>
      %dma_wait3A_790 = arith.constant 0 : i32
      %dma_wait3A_791 = arith.constant 0 : i32
      %dma_wait3A_792 = tpu.memref_slice %arg6[%dma_wait3A_790, %dma_wait3A_791] : memref<10240x64xf32, #tpu.memory_space<vmem_shared>> -> memref<10240x64xf32, #tpu.memory_space<vmem_shared>>
      tpu.wait_indirect_dma semaphore(%arg22 : memref<!tpu.dma_semaphore, #tpu.memory_space<semaphore_mem>>) src(%arg8 : memref<128x64xf32, #tpu.memory_space<vmem>>) dst(%dma_wait3A_792 : memref<10240x64xf32, #tpu.memory_space<vmem_shared>>)
      %dma_start3A_793 = arith.constant 0 : i32
      %dma_start3A_794 = arith.constant 0 : i32
      %dma_start3A_795 = tpu.memref_slice %arg12[%dma_start3A_793, %dma_start3A_794] : memref<2x128xi32, #tpu.memory_space<vmem>> -> memref<1x128xi32, #tpu.memory_space<vmem>>
      %dma_start3A_796 = tpu.memref_squeeze %dma_start3A_795 : memref<1x128xi32, #tpu.memory_space<vmem>> -> memref<128xi32, #tpu.memory_space<vmem>>
      %dma_start3A_797 = arith.constant 0 : i32
      %dma_start3A_798 = arith.constant 0 : i32
      %dma_start3A_799 = tpu.memref_slice %arg7[%dma_start3A_797, %dma_start3A_798] : memref<10240x64xf32, #tpu.memory_space<vmem_shared>> -> memref<10240x64xf32, #tpu.memory_space<vmem_shared>>
      tpu.enqueue_indirect_dma source(%dma_start3A_799 : memref<10240x64xf32, #tpu.memory_space<vmem_shared>>) target(%arg8 : memref<128x64xf32, #tpu.memory_space<vmem>>) offsets(%dma_start3A_796 : memref<128xi32, #tpu.memory_space<vmem>>) semaphore(%arg18 : memref<!tpu.dma_semaphore, #tpu.memory_space<semaphore_mem>>)
      %add3A_800 = arith.constant 4 : i32
      %add3A_801 = arith.addi %add3A_776, %add3A_800 : i32
      %mul3A_802 = arith.constant 16 : i32
      %mul3A_803 = arith.muli %mul3A_802, %add3A_801 : i32
      %add3A_804 = arith.addi %arg1, %mul3A_803 : i32
      %dma_start3A_805 = arith.constant 0 : i32
      %dma_start3A_806 = arith.constant 0 : i32
      %dma_start3A_807 = tpu.memref_slice %arg3[%add3A_804, %dma_start3A_805, %dma_start3A_806] : memref<2624x2x128xi32, #tpu.memory_space<hbm>> -> memref<1x2x128xi32, #tpu.memory_space<hbm>>
      %dma_start3A_808 = tpu.memref_squeeze %dma_start3A_807 : memref<1x2x128xi32, #tpu.memory_space<hbm>> -> memref<2x128xi32, #tpu.memory_space<hbm>>
      %dma_start3A_809 = arith.constant 0 : i32
      %dma_start3A_810 = arith.constant 0 : i32
      %dma_start3A_811 = tpu.memref_slice %arg3[%add3A_804, %dma_start3A_809, %dma_start3A_810] : memref<2624x2x128xi32, #tpu.memory_space<hbm>> -> memref<1x2x128xi32, #tpu.memory_space<hbm>>
      %dma_start3A_812 = tpu.memref_squeeze %dma_start3A_811 : memref<1x2x128xi32, #tpu.memory_space<hbm>> -> memref<2x128xi32, #tpu.memory_space<hbm>>
      tpu.enqueue_dma source(%dma_start3A_812 : memref<2x128xi32, #tpu.memory_space<hbm>>) target(%arg14 : memref<2x128xi32, #tpu.memory_space<vmem>>) target_semaphore(%arg28 : memref<!tpu.dma_semaphore, #tpu.memory_space<semaphore_mem>>)
      %dma_wait3A_813 = arith.constant 0 : i32
      %dma_wait3A_814 = arith.constant 0 : i32
      %dma_wait3A_815 = tpu.memref_slice %arg16[%dma_wait3A_813, %dma_wait3A_814] : memref<2x128xi32, #tpu.memory_space<vmem>> -> memref<1x128xi32, #tpu.memory_space<vmem>>
      %dma_wait3A_816 = tpu.memref_squeeze %dma_wait3A_815 : memref<1x128xi32, #tpu.memory_space<vmem>> -> memref<128xi32, #tpu.memory_space<vmem>>
      %dma_wait3A_817 = arith.constant 0 : i32
      %dma_wait3A_818 = arith.constant 0 : i32
      %dma_wait3A_819 = tpu.memref_slice %arg7[%dma_wait3A_817, %dma_wait3A_818] : memref<10240x64xf32, #tpu.memory_space<vmem_shared>> -> memref<10240x64xf32, #tpu.memory_space<vmem_shared>>
      tpu.wait_indirect_dma semaphore(%arg20 : memref<!tpu.dma_semaphore, #tpu.memory_space<semaphore_mem>>) src(%dma_wait3A_819 : memref<10240x64xf32, #tpu.memory_space<vmem_shared>>) dst(%arg10 : memref<128x64xf32, #tpu.memory_space<vmem>>)
      %dma_start3A_820 = arith.constant 1 : i32
      %dma_start3A_821 = arith.constant 0 : i32
      %dma_start3A_822 = tpu.memref_slice %arg16[%dma_start3A_820, %dma_start3A_821] : memref<2x128xi32, #tpu.memory_space<vmem>> -> memref<1x128xi32, #tpu.memory_space<vmem>>
      %dma_start3A_823 = tpu.memref_squeeze %dma_start3A_822 : memref<1x128xi32, #tpu.memory_space<vmem>> -> memref<128xi32, #tpu.memory_space<vmem>>
      %dma_start3A_824 = arith.constant 0 : i32
      %dma_start3A_825 = arith.constant 0 : i32
      %dma_start3A_826 = tpu.memref_slice %arg6[%dma_start3A_824, %dma_start3A_825] : memref<10240x64xf32, #tpu.memory_space<vmem_shared>> -> memref<10240x64xf32, #tpu.memory_space<vmem_shared>>
      tpu.enqueue_indirect_dma source(%arg10 : memref<128x64xf32, #tpu.memory_space<vmem>>) target(%dma_start3A_826 : memref<10240x64xf32, #tpu.memory_space<vmem_shared>>) offsets(%dma_start3A_823 : memref<128xi32, #tpu.memory_space<vmem>>) semaphore(%arg24 : memref<!tpu.dma_semaphore, #tpu.memory_space<semaphore_mem>>) {add = true}
      %eq3A_827 = arith.constant 0 : i32
      %eq3A_828 = arith.cmpi eq, %arg0, %eq3A_827 : i32
      %convert_element_type3A_829 = arith.extui %eq3A_828 : i1 to i32
      %cond3A_830 = arith.constant 0 : i32
      %cond3A_831 = arith.cmpi ne, %convert_element_type3A_829, %cond3A_830 : i32
      scf.if %cond3A_831 {
        %get3A = arith.constant 1 : i32
        %get3A_1009 = arith.index_cast %get3A : i32 to index
        %get3A_1010 = arith.constant 0 : index
        %get3A_1011 = tpu.vector_load %arg16[%get3A_1009, %get3A_1010] {strides = array<i32>} : memref<2x128xi32, #tpu.memory_space<vmem>>, vector<16xi32>,
        tpu.vector_store_idx %arg32[%get3A_1011], %broadcast_in_dim3A_36 {add = true} : memref<10240xf32, #tpu.memory_space<vmem>>[vector<16xi32>], vector<16xf32>,
        %get3A_1012 = arith.constant 1 : i32
        %get3A_1013 = arith.index_cast %get3A_1012 : i32 to index
        %get3A_1014 = arith.constant 16 : index
        %get3A_1015 = tpu.vector_load %arg16[%get3A_1013, %get3A_1014] {strides = array<i32>} : memref<2x128xi32, #tpu.memory_space<vmem>>, vector<16xi32>,
        tpu.vector_store_idx %arg32[%get3A_1015], %broadcast_in_dim3A_36 {add = true} : memref<10240xf32, #tpu.memory_space<vmem>>[vector<16xi32>], vector<16xf32>,
        %get3A_1016 = arith.constant 1 : i32
        %get3A_1017 = arith.index_cast %get3A_1016 : i32 to index
        %get3A_1018 = arith.constant 32 : index
        %get3A_1019 = tpu.vector_load %arg16[%get3A_1017, %get3A_1018] {strides = array<i32>} : memref<2x128xi32, #tpu.memory_space<vmem>>, vector<16xi32>,
        tpu.vector_store_idx %arg32[%get3A_1019], %broadcast_in_dim3A_36 {add = true} : memref<10240xf32, #tpu.memory_space<vmem>>[vector<16xi32>], vector<16xf32>,
        %get3A_1020 = arith.constant 1 : i32
        %get3A_1021 = arith.index_cast %get3A_1020 : i32 to index
        %get3A_1022 = arith.constant 48 : index
        %get3A_1023 = tpu.vector_load %arg16[%get3A_1021, %get3A_1022] {strides = array<i32>} : memref<2x128xi32, #tpu.memory_space<vmem>>, vector<16xi32>,
        tpu.vector_store_idx %arg32[%get3A_1023], %broadcast_in_dim3A_36 {add = true} : memref<10240xf32, #tpu.memory_space<vmem>>[vector<16xi32>], vector<16xf32>,
        %get3A_1024 = arith.constant 1 : i32
        %get3A_1025 = arith.index_cast %get3A_1024 : i32 to index
        %get3A_1026 = arith.constant 64 : index
        %get3A_1027 = tpu.vector_load %arg16[%get3A_1025, %get3A_1026] {strides = array<i32>} : memref<2x128xi32, #tpu.memory_space<vmem>>, vector<16xi32>,
        tpu.vector_store_idx %arg32[%get3A_1027], %broadcast_in_dim3A_36 {add = true} : memref<10240xf32, #tpu.memory_space<vmem>>[vector<16xi32>], vector<16xf32>,
        %get3A_1028 = arith.constant 1 : i32
        %get3A_1029 = arith.index_cast %get3A_1028 : i32 to index
        %get3A_1030 = arith.constant 80 : index
        %get3A_1031 = tpu.vector_load %arg16[%get3A_1029, %get3A_1030] {strides = array<i32>} : memref<2x128xi32, #tpu.memory_space<vmem>>, vector<16xi32>,
        tpu.vector_store_idx %arg32[%get3A_1031], %broadcast_in_dim3A_36 {add = true} : memref<10240xf32, #tpu.memory_space<vmem>>[vector<16xi32>], vector<16xf32>,
        %get3A_1032 = arith.constant 1 : i32
        %get3A_1033 = arith.index_cast %get3A_1032 : i32 to index
        %get3A_1034 = arith.constant 96 : index
        %get3A_1035 = tpu.vector_load %arg16[%get3A_1033, %get3A_1034] {strides = array<i32>} : memref<2x128xi32, #tpu.memory_space<vmem>>, vector<16xi32>,
        tpu.vector_store_idx %arg32[%get3A_1035], %broadcast_in_dim3A_36 {add = true} : memref<10240xf32, #tpu.memory_space<vmem>>[vector<16xi32>], vector<16xf32>,
        %get3A_1036 = arith.constant 1 : i32
        %get3A_1037 = arith.index_cast %get3A_1036 : i32 to index
        %get3A_1038 = arith.constant 112 : index
        %get3A_1039 = tpu.vector_load %arg16[%get3A_1037, %get3A_1038] {strides = array<i32>} : memref<2x128xi32, #tpu.memory_space<vmem>>, vector<16xi32>,
        tpu.vector_store_idx %arg32[%get3A_1039], %broadcast_in_dim3A_36 {add = true} : memref<10240xf32, #tpu.memory_space<vmem>>[vector<16xi32>], vector<16xf32>,
      } else {
      }
      %mul3A_832 = arith.constant 12 : i32
      %mul3A_833 = arith.muli %mul3A_832, %add3A_300 : i32
      %add3A_834 = arith.constant 11 : i32
      %add3A_835 = arith.addi %mul3A_833, %add3A_834 : i32
      %dma_wait3A_836 = arith.constant 0 : i32
      %dma_wait3A_837 = arith.constant 0 : i32
      %dma_wait3A_838 = arith.constant 0 : i32
      %dma_wait3A_839 = tpu.memref_slice %arg3[%dma_wait3A_836, %dma_wait3A_837, %dma_wait3A_838] : memref<2624x2x128xi32, #tpu.memory_space<hbm>> -> memref<1x2x128xi32, #tpu.memory_space<hbm>>
      %dma_wait3A_840 = tpu.memref_squeeze %dma_wait3A_839 : memref<1x2x128xi32, #tpu.memory_space<hbm>> -> memref<2x128xi32, #tpu.memory_space<hbm>>
      %dma_wait3A_841 = arith.constant 0 : i32
      %dma_wait3A_842 = arith.constant 0 : i32
      %dma_wait3A_843 = tpu.memref_slice %arg3[%dma_wait3A_836, %dma_wait3A_841, %dma_wait3A_842] : memref<2624x2x128xi32, #tpu.memory_space<hbm>> -> memref<1x2x128xi32, #tpu.memory_space<hbm>>
      %dma_wait3A_844 = tpu.memref_squeeze %dma_wait3A_843 : memref<1x2x128xi32, #tpu.memory_space<hbm>> -> memref<2x128xi32, #tpu.memory_space<hbm>>
      tpu.wait_dma2 semaphore(%arg27 : memref<!tpu.dma_semaphore, #tpu.memory_space<semaphore_mem>>) src(%dma_wait3A_844 : memref<2x128xi32, #tpu.memory_space<hbm>>) dst(%arg13 : memref<2x128xi32, #tpu.memory_space<vmem>>)
      %dma_wait3A_845 = arith.constant 1 : i32
      %dma_wait3A_846 = arith.constant 0 : i32
      %dma_wait3A_847 = tpu.memref_slice %arg15[%dma_wait3A_845, %dma_wait3A_846] : memref<2x128xi32, #tpu.memory_space<vmem>> -> memref<1x128xi32, #tpu.memory_space<vmem>>
      %dma_wait3A_848 = tpu.memref_squeeze %dma_wait3A_847 : memref<1x128xi32, #tpu.memory_space<vmem>> -> memref<128xi32, #tpu.memory_space<vmem>>
      %dma_wait3A_849 = arith.constant 0 : i32
      %dma_wait3A_850 = arith.constant 0 : i32
      %dma_wait3A_851 = tpu.memref_slice %arg6[%dma_wait3A_849, %dma_wait3A_850] : memref<10240x64xf32, #tpu.memory_space<vmem_shared>> -> memref<10240x64xf32, #tpu.memory_space<vmem_shared>>
      tpu.wait_indirect_dma semaphore(%arg23 : memref<!tpu.dma_semaphore, #tpu.memory_space<semaphore_mem>>) src(%arg9 : memref<128x64xf32, #tpu.memory_space<vmem>>) dst(%dma_wait3A_851 : memref<10240x64xf32, #tpu.memory_space<vmem_shared>>)
      %dma_start3A_852 = arith.constant 0 : i32
      %dma_start3A_853 = arith.constant 0 : i32
      %dma_start3A_854 = tpu.memref_slice %arg13[%dma_start3A_852, %dma_start3A_853] : memref<2x128xi32, #tpu.memory_space<vmem>> -> memref<1x128xi32, #tpu.memory_space<vmem>>
      %dma_start3A_855 = tpu.memref_squeeze %dma_start3A_854 : memref<1x128xi32, #tpu.memory_space<vmem>> -> memref<128xi32, #tpu.memory_space<vmem>>
      %dma_start3A_856 = arith.constant 0 : i32
      %dma_start3A_857 = arith.constant 0 : i32
      %dma_start3A_858 = tpu.memref_slice %arg7[%dma_start3A_856, %dma_start3A_857] : memref<10240x64xf32, #tpu.memory_space<vmem_shared>> -> memref<10240x64xf32, #tpu.memory_space<vmem_shared>>
      tpu.enqueue_indirect_dma source(%dma_start3A_858 : memref<10240x64xf32, #tpu.memory_space<vmem_shared>>) target(%arg9 : memref<128x64xf32, #tpu.memory_space<vmem>>) offsets(%dma_start3A_855 : memref<128xi32, #tpu.memory_space<vmem>>) semaphore(%arg19 : memref<!tpu.dma_semaphore, #tpu.memory_space<semaphore_mem>>)
      %add3A_859 = arith.constant 4 : i32
      %add3A_860 = arith.addi %add3A_835, %add3A_859 : i32
      %mul3A_861 = arith.constant 16 : i32
      %mul3A_862 = arith.muli %mul3A_861, %add3A_860 : i32
      %add3A_863 = arith.addi %arg1, %mul3A_862 : i32
      %dma_start3A_864 = arith.constant 0 : i32
      %dma_start3A_865 = arith.constant 0 : i32
      %dma_start3A_866 = tpu.memref_slice %arg3[%add3A_863, %dma_start3A_864, %dma_start3A_865] : memref<2624x2x128xi32, #tpu.memory_space<hbm>> -> memref<1x2x128xi32, #tpu.memory_space<hbm>>
      %dma_start3A_867 = tpu.memref_squeeze %dma_start3A_866 : memref<1x2x128xi32, #tpu.memory_space<hbm>> -> memref<2x128xi32, #tpu.memory_space<hbm>>
      %dma_start3A_868 = arith.constant 0 : i32
      %dma_start3A_869 = arith.constant 0 : i32
      %dma_start3A_870 = tpu.memref_slice %arg3[%add3A_863, %dma_start3A_868, %dma_start3A_869] : memref<2624x2x128xi32, #tpu.memory_space<hbm>> -> memref<1x2x128xi32, #tpu.memory_space<hbm>>
      %dma_start3A_871 = tpu.memref_squeeze %dma_start3A_870 : memref<1x2x128xi32, #tpu.memory_space<hbm>> -> memref<2x128xi32, #tpu.memory_space<hbm>>
      tpu.enqueue_dma source(%dma_start3A_871 : memref<2x128xi32, #tpu.memory_space<hbm>>) target(%arg15 : memref<2x128xi32, #tpu.memory_space<vmem>>) target_semaphore(%arg29 : memref<!tpu.dma_semaphore, #tpu.memory_space<semaphore_mem>>)
      %dma_wait3A_872 = arith.constant 0 : i32
      %dma_wait3A_873 = arith.constant 0 : i32
      %dma_wait3A_874 = tpu.memref_slice %arg17[%dma_wait3A_872, %dma_wait3A_873] : memref<2x128xi32, #tpu.memory_space<vmem>> -> memref<1x128xi32, #tpu.memory_space<vmem>>
      %dma_wait3A_875 = tpu.memref_squeeze %dma_wait3A_874 : memref<1x128xi32, #tpu.memory_space<vmem>> -> memref<128xi32, #tpu.memory_space<vmem>>
      %dma_wait3A_876 = arith.constant 0 : i32
      %dma_wait3A_877 = arith.constant 0 : i32
      %dma_wait3A_878 = tpu.memref_slice %arg7[%dma_wait3A_876, %dma_wait3A_877] : memref<10240x64xf32, #tpu.memory_space<vmem_shared>> -> memref<10240x64xf32, #tpu.memory_space<vmem_shared>>
      tpu.wait_indirect_dma semaphore(%arg21 : memref<!tpu.dma_semaphore, #tpu.memory_space<semaphore_mem>>) src(%dma_wait3A_878 : memref<10240x64xf32, #tpu.memory_space<vmem_shared>>) dst(%arg11 : memref<128x64xf32, #tpu.memory_space<vmem>>)
      %dma_start3A_879 = arith.constant 1 : i32
      %dma_start3A_880 = arith.constant 0 : i32
      %dma_start3A_881 = tpu.memref_slice %arg17[%dma_start3A_879, %dma_start3A_880] : memref<2x128xi32, #tpu.memory_space<vmem>> -> memref<1x128xi32, #tpu.memory_space<vmem>>
      %dma_start3A_882 = tpu.memref_squeeze %dma_start3A_881 : memref<1x128xi32, #tpu.memory_space<vmem>> -> memref<128xi32, #tpu.memory_space<vmem>>
      %dma_start3A_883 = arith.constant 0 : i32
      %dma_start3A_884 = arith.constant 0 : i32
      %dma_start3A_885 = tpu.memref_slice %arg6[%dma_start3A_883, %dma_start3A_884] : memref<10240x64xf32, #tpu.memory_space<vmem_shared>> -> memref<10240x64xf32, #tpu.memory_space<vmem_shared>>
      tpu.enqueue_indirect_dma source(%arg11 : memref<128x64xf32, #tpu.memory_space<vmem>>) target(%dma_start3A_885 : memref<10240x64xf32, #tpu.memory_space<vmem_shared>>) offsets(%dma_start3A_882 : memref<128xi32, #tpu.memory_space<vmem>>) semaphore(%arg25 : memref<!tpu.dma_semaphore, #tpu.memory_space<semaphore_mem>>) {add = true}
      %eq3A_886 = arith.constant 0 : i32
      %eq3A_887 = arith.cmpi eq, %arg0, %eq3A_886 : i32
      %convert_element_type3A_888 = arith.extui %eq3A_887 : i1 to i32
      %cond3A_889 = arith.constant 0 : i32
      %cond3A_890 = arith.cmpi ne, %convert_element_type3A_888, %cond3A_889 : i32
      scf.if %cond3A_890 {
        %get3A = arith.constant 1 : i32
        %get3A_1009 = arith.index_cast %get3A : i32 to index
        %get3A_1010 = arith.constant 0 : index
        %get3A_1011 = tpu.vector_load %arg17[%get3A_1009, %get3A_1010] {strides = array<i32>} : memref<2x128xi32, #tpu.memory_space<vmem>>, vector<16xi32>,
        tpu.vector_store_idx %arg32[%get3A_1011], %broadcast_in_dim3A_36 {add = true} : memref<10240xf32, #tpu.memory_space<vmem>>[vector<16xi32>], vector<16xf32>,
        %get3A_1012 = arith.constant 1 : i32
        %get3A_1013 = arith.index_cast %get3A_1012 : i32 to index
        %get3A_1014 = arith.constant 16 : index
        %get3A_1015 = tpu.vector_load %arg17[%get3A_1013, %get3A_1014] {strides = array<i32>} : memref<2x128xi32, #tpu.memory_space<vmem>>, vector<16xi32>,
        tpu.vector_store_idx %arg32[%get3A_1015], %broadcast_in_dim3A_36 {add = true} : memref<10240xf32, #tpu.memory_space<vmem>>[vector<16xi32>], vector<16xf32>,
        %get3A_1016 = arith.constant 1 : i32
        %get3A_1017 = arith.index_cast %get3A_1016 : i32 to index
        %get3A_1018 = arith.constant 32 : index
        %get3A_1019 = tpu.vector_load %arg17[%get3A_1017, %get3A_1018] {strides = array<i32>} : memref<2x128xi32, #tpu.memory_space<vmem>>, vector<16xi32>,
        tpu.vector_store_idx %arg32[%get3A_1019], %broadcast_in_dim3A_36 {add = true} : memref<10240xf32, #tpu.memory_space<vmem>>[vector<16xi32>], vector<16xf32>,
        %get3A_1020 = arith.constant 1 : i32
        %get3A_1021 = arith.index_cast %get3A_1020 : i32 to index
        %get3A_1022 = arith.constant 48 : index
        %get3A_1023 = tpu.vector_load %arg17[%get3A_1021, %get3A_1022] {strides = array<i32>} : memref<2x128xi32, #tpu.memory_space<vmem>>, vector<16xi32>,
        tpu.vector_store_idx %arg32[%get3A_1023], %broadcast_in_dim3A_36 {add = true} : memref<10240xf32, #tpu.memory_space<vmem>>[vector<16xi32>], vector<16xf32>,
        %get3A_1024 = arith.constant 1 : i32
        %get3A_1025 = arith.index_cast %get3A_1024 : i32 to index
        %get3A_1026 = arith.constant 64 : index
        %get3A_1027 = tpu.vector_load %arg17[%get3A_1025, %get3A_1026] {strides = array<i32>} : memref<2x128xi32, #tpu.memory_space<vmem>>, vector<16xi32>,
        tpu.vector_store_idx %arg32[%get3A_1027], %broadcast_in_dim3A_36 {add = true} : memref<10240xf32, #tpu.memory_space<vmem>>[vector<16xi32>], vector<16xf32>,
        %get3A_1028 = arith.constant 1 : i32
        %get3A_1029 = arith.index_cast %get3A_1028 : i32 to index
        %get3A_1030 = arith.constant 80 : index
        %get3A_1031 = tpu.vector_load %arg17[%get3A_1029, %get3A_1030] {strides = array<i32>} : memref<2x128xi32, #tpu.memory_space<vmem>>, vector<16xi32>,
        tpu.vector_store_idx %arg32[%get3A_1031], %broadcast_in_dim3A_36 {add = true} : memref<10240xf32, #tpu.memory_space<vmem>>[vector<16xi32>], vector<16xf32>,
        %get3A_1032 = arith.constant 1 : i32
        %get3A_1033 = arith.index_cast %get3A_1032 : i32 to index
        %get3A_1034 = arith.constant 96 : index
        %get3A_1035 = tpu.vector_load %arg17[%get3A_1033, %get3A_1034] {strides = array<i32>} : memref<2x128xi32, #tpu.memory_space<vmem>>, vector<16xi32>,
        tpu.vector_store_idx %arg32[%get3A_1035], %broadcast_in_dim3A_36 {add = true} : memref<10240xf32, #tpu.memory_space<vmem>>[vector<16xi32>], vector<16xf32>,
        %get3A_1036 = arith.constant 1 : i32
        %get3A_1037 = arith.index_cast %get3A_1036 : i32 to index
        %get3A_1038 = arith.constant 112 : index
        %get3A_1039 = tpu.vector_load %arg17[%get3A_1037, %get3A_1038] {strides = array<i32>} : memref<2x128xi32, #tpu.memory_space<vmem>>, vector<16xi32>,
        tpu.vector_store_idx %arg32[%get3A_1039], %broadcast_in_dim3A_36 {add = true} : memref<10240xf32, #tpu.memory_space<vmem>>[vector<16xi32>], vector<16xf32>,
      } else {
      }
      %mul3A_891 = arith.constant 12 : i32
      %mul3A_892 = arith.muli %mul3A_891, %add3A_300 : i32
      %add3A_893 = arith.constant 12 : i32
      %add3A_894 = arith.addi %mul3A_892, %add3A_893 : i32
      %dma_wait3A_895 = arith.constant 0 : i32
      %dma_wait3A_896 = arith.constant 0 : i32
      %dma_wait3A_897 = arith.constant 0 : i32
      %dma_wait3A_898 = tpu.memref_slice %arg3[%dma_wait3A_895, %dma_wait3A_896, %dma_wait3A_897] : memref<2624x2x128xi32, #tpu.memory_space<hbm>> -> memref<1x2x128xi32, #tpu.memory_space<hbm>>
      %dma_wait3A_899 = tpu.memref_squeeze %dma_wait3A_898 : memref<1x2x128xi32, #tpu.memory_space<hbm>> -> memref<2x128xi32, #tpu.memory_space<hbm>>
      %dma_wait3A_900 = arith.constant 0 : i32
      %dma_wait3A_901 = arith.constant 0 : i32
      %dma_wait3A_902 = tpu.memref_slice %arg3[%dma_wait3A_895, %dma_wait3A_900, %dma_wait3A_901] : memref<2624x2x128xi32, #tpu.memory_space<hbm>> -> memref<1x2x128xi32, #tpu.memory_space<hbm>>
      %dma_wait3A_903 = tpu.memref_squeeze %dma_wait3A_902 : memref<1x2x128xi32, #tpu.memory_space<hbm>> -> memref<2x128xi32, #tpu.memory_space<hbm>>
      tpu.wait_dma2 semaphore(%arg28 : memref<!tpu.dma_semaphore, #tpu.memory_space<semaphore_mem>>) src(%dma_wait3A_903 : memref<2x128xi32, #tpu.memory_space<hbm>>) dst(%arg14 : memref<2x128xi32, #tpu.memory_space<vmem>>)
      %dma_wait3A_904 = arith.constant 1 : i32
      %dma_wait3A_905 = arith.constant 0 : i32
      %dma_wait3A_906 = tpu.memref_slice %arg16[%dma_wait3A_904, %dma_wait3A_905] : memref<2x128xi32, #tpu.memory_space<vmem>> -> memref<1x128xi32, #tpu.memory_space<vmem>>
      %dma_wait3A_907 = tpu.memref_squeeze %dma_wait3A_906 : memref<1x128xi32, #tpu.memory_space<vmem>> -> memref<128xi32, #tpu.memory_space<vmem>>
      %dma_wait3A_908 = arith.constant 0 : i32
      %dma_wait3A_909 = arith.constant 0 : i32
      %dma_wait3A_910 = tpu.memref_slice %arg6[%dma_wait3A_908, %dma_wait3A_909] : memref<10240x64xf32, #tpu.memory_space<vmem_shared>> -> memref<10240x64xf32, #tpu.memory_space<vmem_shared>>
      tpu.wait_indirect_dma semaphore(%arg24 : memref<!tpu.dma_semaphore, #tpu.memory_space<semaphore_mem>>) src(%arg10 : memref<128x64xf32, #tpu.memory_space<vmem>>) dst(%dma_wait3A_910 : memref<10240x64xf32, #tpu.memory_space<vmem_shared>>)
      %dma_start3A_911 = arith.constant 0 : i32
      %dma_start3A_912 = arith.constant 0 : i32
      %dma_start3A_913 = tpu.memref_slice %arg14[%dma_start3A_911, %dma_start3A_912] : memref<2x128xi32, #tpu.memory_space<vmem>> -> memref<1x128xi32, #tpu.memory_space<vmem>>
      %dma_start3A_914 = tpu.memref_squeeze %dma_start3A_913 : memref<1x128xi32, #tpu.memory_space<vmem>> -> memref<128xi32, #tpu.memory_space<vmem>>
      %dma_start3A_915 = arith.constant 0 : i32
      %dma_start3A_916 = arith.constant 0 : i32
      %dma_start3A_917 = tpu.memref_slice %arg7[%dma_start3A_915, %dma_start3A_916] : memref<10240x64xf32, #tpu.memory_space<vmem_shared>> -> memref<10240x64xf32, #tpu.memory_space<vmem_shared>>
      tpu.enqueue_indirect_dma source(%dma_start3A_917 : memref<10240x64xf32, #tpu.memory_space<vmem_shared>>) target(%arg10 : memref<128x64xf32, #tpu.memory_space<vmem>>) offsets(%dma_start3A_914 : memref<128xi32, #tpu.memory_space<vmem>>) semaphore(%arg20 : memref<!tpu.dma_semaphore, #tpu.memory_space<semaphore_mem>>)
      %add3A_918 = arith.constant 4 : i32
      %add3A_919 = arith.addi %add3A_894, %add3A_918 : i32
      %mul3A_920 = arith.constant 16 : i32
      %mul3A_921 = arith.muli %mul3A_920, %add3A_919 : i32
      %add3A_922 = arith.addi %arg1, %mul3A_921 : i32
      %dma_start3A_923 = arith.constant 0 : i32
      %dma_start3A_924 = arith.constant 0 : i32
      %dma_start3A_925 = tpu.memref_slice %arg3[%add3A_922, %dma_start3A_923, %dma_start3A_924] : memref<2624x2x128xi32, #tpu.memory_space<hbm>> -> memref<1x2x128xi32, #tpu.memory_space<hbm>>
      %dma_start3A_926 = tpu.memref_squeeze %dma_start3A_925 : memref<1x2x128xi32, #tpu.memory_space<hbm>> -> memref<2x128xi32, #tpu.memory_space<hbm>>
      %dma_start3A_927 = arith.constant 0 : i32
      %dma_start3A_928 = arith.constant 0 : i32
      %dma_start3A_929 = tpu.memref_slice %arg3[%add3A_922, %dma_start3A_927, %dma_start3A_928] : memref<2624x2x128xi32, #tpu.memory_space<hbm>> -> memref<1x2x128xi32, #tpu.memory_space<hbm>>
      %dma_start3A_930 = tpu.memref_squeeze %dma_start3A_929 : memref<1x2x128xi32, #tpu.memory_space<hbm>> -> memref<2x128xi32, #tpu.memory_space<hbm>>
      tpu.enqueue_dma source(%dma_start3A_930 : memref<2x128xi32, #tpu.memory_space<hbm>>) target(%arg16 : memref<2x128xi32, #tpu.memory_space<vmem>>) target_semaphore(%arg30 : memref<!tpu.dma_semaphore, #tpu.memory_space<semaphore_mem>>)
      %dma_wait3A_931 = arith.constant 0 : i32
      %dma_wait3A_932 = arith.constant 0 : i32
      %dma_wait3A_933 = tpu.memref_slice %arg12[%dma_wait3A_931, %dma_wait3A_932] : memref<2x128xi32, #tpu.memory_space<vmem>> -> memref<1x128xi32, #tpu.memory_space<vmem>>
      %dma_wait3A_934 = tpu.memref_squeeze %dma_wait3A_933 : memref<1x128xi32, #tpu.memory_space<vmem>> -> memref<128xi32, #tpu.memory_space<vmem>>
      %dma_wait3A_935 = arith.constant 0 : i32
      %dma_wait3A_936 = arith.constant 0 : i32
      %dma_wait3A_937 = tpu.memref_slice %arg7[%dma_wait3A_935, %dma_wait3A_936] : memref<10240x64xf32, #tpu.memory_space<vmem_shared>> -> memref<10240x64xf32, #tpu.memory_space<vmem_shared>>
      tpu.wait_indirect_dma semaphore(%arg18 : memref<!tpu.dma_semaphore, #tpu.memory_space<semaphore_mem>>) src(%dma_wait3A_937 : memref<10240x64xf32, #tpu.memory_space<vmem_shared>>) dst(%arg8 : memref<128x64xf32, #tpu.memory_space<vmem>>)
      %dma_start3A_938 = arith.constant 1 : i32
      %dma_start3A_939 = arith.constant 0 : i32
      %dma_start3A_940 = tpu.memref_slice %arg12[%dma_start3A_938, %dma_start3A_939] : memref<2x128xi32, #tpu.memory_space<vmem>> -> memref<1x128xi32, #tpu.memory_space<vmem>>
      %dma_start3A_941 = tpu.memref_squeeze %dma_start3A_940 : memref<1x128xi32, #tpu.memory_space<vmem>> -> memref<128xi32, #tpu.memory_space<vmem>>
      %dma_start3A_942 = arith.constant 0 : i32
      %dma_start3A_943 = arith.constant 0 : i32
      %dma_start3A_944 = tpu.memref_slice %arg6[%dma_start3A_942, %dma_start3A_943] : memref<10240x64xf32, #tpu.memory_space<vmem_shared>> -> memref<10240x64xf32, #tpu.memory_space<vmem_shared>>
      tpu.enqueue_indirect_dma source(%arg8 : memref<128x64xf32, #tpu.memory_space<vmem>>) target(%dma_start3A_944 : memref<10240x64xf32, #tpu.memory_space<vmem_shared>>) offsets(%dma_start3A_941 : memref<128xi32, #tpu.memory_space<vmem>>) semaphore(%arg22 : memref<!tpu.dma_semaphore, #tpu.memory_space<semaphore_mem>>) {add = true}
      %eq3A_945 = arith.constant 0 : i32
      %eq3A_946 = arith.cmpi eq, %arg0, %eq3A_945 : i32
      %convert_element_type3A_947 = arith.extui %eq3A_946 : i1 to i32
      %cond3A_948 = arith.constant 0 : i32
      %cond3A_949 = arith.cmpi ne, %convert_element_type3A_947, %cond3A_948 : i32
      scf.if %cond3A_949 {
        %get3A = arith.constant 1 : i32
        %get3A_1009 = arith.index_cast %get3A : i32 to index
        %get3A_1010 = arith.constant 0 : index
        %get3A_1011 = tpu.vector_load %arg12[%get3A_1009, %get3A_1010] {strides = array<i32>} : memref<2x128xi32, #tpu.memory_space<vmem>>, vector<16xi32>,
        tpu.vector_store_idx %arg32[%get3A_1011], %broadcast_in_dim3A_36 {add = true} : memref<10240xf32, #tpu.memory_space<vmem>>[vector<16xi32>], vector<16xf32>,
        %get3A_1012 = arith.constant 1 : i32
        %get3A_1013 = arith.index_cast %get3A_1012 : i32 to index
        %get3A_1014 = arith.constant 16 : index
        %get3A_1015 = tpu.vector_load %arg12[%get3A_1013, %get3A_1014] {strides = array<i32>} : memref<2x128xi32, #tpu.memory_space<vmem>>, vector<16xi32>,
        tpu.vector_store_idx %arg32[%get3A_1015], %broadcast_in_dim3A_36 {add = true} : memref<10240xf32, #tpu.memory_space<vmem>>[vector<16xi32>], vector<16xf32>,
        %get3A_1016 = arith.constant 1 : i32
        %get3A_1017 = arith.index_cast %get3A_1016 : i32 to index
        %get3A_1018 = arith.constant 32 : index
        %get3A_1019 = tpu.vector_load %arg12[%get3A_1017, %get3A_1018] {strides = array<i32>} : memref<2x128xi32, #tpu.memory_space<vmem>>, vector<16xi32>,
        tpu.vector_store_idx %arg32[%get3A_1019], %broadcast_in_dim3A_36 {add = true} : memref<10240xf32, #tpu.memory_space<vmem>>[vector<16xi32>], vector<16xf32>,
        %get3A_1020 = arith.constant 1 : i32
        %get3A_1021 = arith.index_cast %get3A_1020 : i32 to index
        %get3A_1022 = arith.constant 48 : index
        %get3A_1023 = tpu.vector_load %arg12[%get3A_1021, %get3A_1022] {strides = array<i32>} : memref<2x128xi32, #tpu.memory_space<vmem>>, vector<16xi32>,
        tpu.vector_store_idx %arg32[%get3A_1023], %broadcast_in_dim3A_36 {add = true} : memref<10240xf32, #tpu.memory_space<vmem>>[vector<16xi32>], vector<16xf32>,
        %get3A_1024 = arith.constant 1 : i32
        %get3A_1025 = arith.index_cast %get3A_1024 : i32 to index
        %get3A_1026 = arith.constant 64 : index
        %get3A_1027 = tpu.vector_load %arg12[%get3A_1025, %get3A_1026] {strides = array<i32>} : memref<2x128xi32, #tpu.memory_space<vmem>>, vector<16xi32>,
        tpu.vector_store_idx %arg32[%get3A_1027], %broadcast_in_dim3A_36 {add = true} : memref<10240xf32, #tpu.memory_space<vmem>>[vector<16xi32>], vector<16xf32>,
        %get3A_1028 = arith.constant 1 : i32
        %get3A_1029 = arith.index_cast %get3A_1028 : i32 to index
        %get3A_1030 = arith.constant 80 : index
        %get3A_1031 = tpu.vector_load %arg12[%get3A_1029, %get3A_1030] {strides = array<i32>} : memref<2x128xi32, #tpu.memory_space<vmem>>, vector<16xi32>,
        tpu.vector_store_idx %arg32[%get3A_1031], %broadcast_in_dim3A_36 {add = true} : memref<10240xf32, #tpu.memory_space<vmem>>[vector<16xi32>], vector<16xf32>,
        %get3A_1032 = arith.constant 1 : i32
        %get3A_1033 = arith.index_cast %get3A_1032 : i32 to index
        %get3A_1034 = arith.constant 96 : index
        %get3A_1035 = tpu.vector_load %arg12[%get3A_1033, %get3A_1034] {strides = array<i32>} : memref<2x128xi32, #tpu.memory_space<vmem>>, vector<16xi32>,
        tpu.vector_store_idx %arg32[%get3A_1035], %broadcast_in_dim3A_36 {add = true} : memref<10240xf32, #tpu.memory_space<vmem>>[vector<16xi32>], vector<16xf32>,
        %get3A_1036 = arith.constant 1 : i32
        %get3A_1037 = arith.index_cast %get3A_1036 : i32 to index
        %get3A_1038 = arith.constant 112 : index
        %get3A_1039 = tpu.vector_load %arg12[%get3A_1037, %get3A_1038] {strides = array<i32>} : memref<2x128xi32, #tpu.memory_space<vmem>>, vector<16xi32>,
        tpu.vector_store_idx %arg32[%get3A_1039], %broadcast_in_dim3A_36 {add = true} : memref<10240xf32, #tpu.memory_space<vmem>>[vector<16xi32>], vector<16xf32>,
      } else {
      }
      %mul3A_950 = arith.constant 12 : i32
      %mul3A_951 = arith.muli %mul3A_950, %add3A_300 : i32
      %add3A_952 = arith.constant 13 : i32
      %add3A_953 = arith.addi %mul3A_951, %add3A_952 : i32
      %dma_wait3A_954 = arith.constant 0 : i32
      %dma_wait3A_955 = arith.constant 0 : i32
      %dma_wait3A_956 = arith.constant 0 : i32
      %dma_wait3A_957 = tpu.memref_slice %arg3[%dma_wait3A_954, %dma_wait3A_955, %dma_wait3A_956] : memref<2624x2x128xi32, #tpu.memory_space<hbm>> -> memref<1x2x128xi32, #tpu.memory_space<hbm>>
      %dma_wait3A_958 = tpu.memref_squeeze %dma_wait3A_957 : memref<1x2x128xi32, #tpu.memory_space<hbm>> -> memref<2x128xi32, #tpu.memory_space<hbm>>
      %dma_wait3A_959 = arith.constant 0 : i32
      %dma_wait3A_960 = arith.constant 0 : i32
      %dma_wait3A_961 = tpu.memref_slice %arg3[%dma_wait3A_954, %dma_wait3A_959, %dma_wait3A_960] : memref<2624x2x128xi32, #tpu.memory_space<hbm>> -> memref<1x2x128xi32, #tpu.memory_space<hbm>>
      %dma_wait3A_962 = tpu.memref_squeeze %dma_wait3A_961 : memref<1x2x128xi32, #tpu.memory_space<hbm>> -> memref<2x128xi32, #tpu.memory_space<hbm>>
      tpu.wait_dma2 semaphore(%arg29 : memref<!tpu.dma_semaphore, #tpu.memory_space<semaphore_mem>>) src(%dma_wait3A_962 : memref<2x128xi32, #tpu.memory_space<hbm>>) dst(%arg15 : memref<2x128xi32, #tpu.memory_space<vmem>>)
      %dma_wait3A_963 = arith.constant 1 : i32
      %dma_wait3A_964 = arith.constant 0 : i32
      %dma_wait3A_965 = tpu.memref_slice %arg17[%dma_wait3A_963, %dma_wait3A_964] : memref<2x128xi32, #tpu.memory_space<vmem>> -> memref<1x128xi32, #tpu.memory_space<vmem>>
      %dma_wait3A_966 = tpu.memref_squeeze %dma_wait3A_965 : memref<1x128xi32, #tpu.memory_space<vmem>> -> memref<128xi32, #tpu.memory_space<vmem>>
      %dma_wait3A_967 = arith.constant 0 : i32
      %dma_wait3A_968 = arith.constant 0 : i32
      %dma_wait3A_969 = tpu.memref_slice %arg6[%dma_wait3A_967, %dma_wait3A_968] : memref<10240x64xf32, #tpu.memory_space<vmem_shared>> -> memref<10240x64xf32, #tpu.memory_space<vmem_shared>>
      tpu.wait_indirect_dma semaphore(%arg25 : memref<!tpu.dma_semaphore, #tpu.memory_space<semaphore_mem>>) src(%arg11 : memref<128x64xf32, #tpu.memory_space<vmem>>) dst(%dma_wait3A_969 : memref<10240x64xf32, #tpu.memory_space<vmem_shared>>)
      %dma_start3A_970 = arith.constant 0 : i32
      %dma_start3A_971 = arith.constant 0 : i32
      %dma_start3A_972 = tpu.memref_slice %arg15[%dma_start3A_970, %dma_start3A_971] : memref<2x128xi32, #tpu.memory_space<vmem>> -> memref<1x128xi32, #tpu.memory_space<vmem>>
      %dma_start3A_973 = tpu.memref_squeeze %dma_start3A_972 : memref<1x128xi32, #tpu.memory_space<vmem>> -> memref<128xi32, #tpu.memory_space<vmem>>
      %dma_start3A_974 = arith.constant 0 : i32
      %dma_start3A_975 = arith.constant 0 : i32
      %dma_start3A_976 = tpu.memref_slice %arg7[%dma_start3A_974, %dma_start3A_975] : memref<10240x64xf32, #tpu.memory_space<vmem_shared>> -> memref<10240x64xf32, #tpu.memory_space<vmem_shared>>
      tpu.enqueue_indirect_dma source(%dma_start3A_976 : memref<10240x64xf32, #tpu.memory_space<vmem_shared>>) target(%arg11 : memref<128x64xf32, #tpu.memory_space<vmem>>) offsets(%dma_start3A_973 : memref<128xi32, #tpu.memory_space<vmem>>) semaphore(%arg21 : memref<!tpu.dma_semaphore, #tpu.memory_space<semaphore_mem>>)
      %add3A_977 = arith.constant 4 : i32
      %add3A_978 = arith.addi %add3A_953, %add3A_977 : i32
      %mul3A_979 = arith.constant 16 : i32
      %mul3A_980 = arith.muli %mul3A_979, %add3A_978 : i32
      %add3A_981 = arith.addi %arg1, %mul3A_980 : i32
      %dma_start3A_982 = arith.constant 0 : i32
      %dma_start3A_983 = arith.constant 0 : i32
      %dma_start3A_984 = tpu.memref_slice %arg3[%add3A_981, %dma_start3A_982, %dma_start3A_983] : memref<2624x2x128xi32, #tpu.memory_space<hbm>> -> memref<1x2x128xi32, #tpu.memory_space<hbm>>
      %dma_start3A_985 = tpu.memref_squeeze %dma_start3A_984 : memref<1x2x128xi32, #tpu.memory_space<hbm>> -> memref<2x128xi32, #tpu.memory_space<hbm>>
      %dma_start3A_986 = arith.constant 0 : i32
      %dma_start3A_987 = arith.constant 0 : i32
      %dma_start3A_988 = tpu.memref_slice %arg3[%add3A_981, %dma_start3A_986, %dma_start3A_987] : memref<2624x2x128xi32, #tpu.memory_space<hbm>> -> memref<1x2x128xi32, #tpu.memory_space<hbm>>
      %dma_start3A_989 = tpu.memref_squeeze %dma_start3A_988 : memref<1x2x128xi32, #tpu.memory_space<hbm>> -> memref<2x128xi32, #tpu.memory_space<hbm>>
      tpu.enqueue_dma source(%dma_start3A_989 : memref<2x128xi32, #tpu.memory_space<hbm>>) target(%arg17 : memref<2x128xi32, #tpu.memory_space<vmem>>) target_semaphore(%arg31 : memref<!tpu.dma_semaphore, #tpu.memory_space<semaphore_mem>>)
      %dma_wait3A_990 = arith.constant 0 : i32
      %dma_wait3A_991 = arith.constant 0 : i32
      %dma_wait3A_992 = tpu.memref_slice %arg13[%dma_wait3A_990, %dma_wait3A_991] : memref<2x128xi32, #tpu.memory_space<vmem>> -> memref<1x128xi32, #tpu.memory_space<vmem>>
      %dma_wait3A_993 = tpu.memref_squeeze %dma_wait3A_992 : memref<1x128xi32, #tpu.memory_space<vmem>> -> memref<128xi32, #tpu.memory_space<vmem>>
      %dma_wait3A_994 = arith.constant 0 : i32
      %dma_wait3A_995 = arith.constant 0 : i32
      %dma_wait3A_996 = tpu.memref_slice %arg7[%dma_wait3A_994, %dma_wait3A_995] : memref<10240x64xf32, #tpu.memory_space<vmem_shared>> -> memref<10240x64xf32, #tpu.memory_space<vmem_shared>>
      tpu.wait_indirect_dma semaphore(%arg19 : memref<!tpu.dma_semaphore, #tpu.memory_space<semaphore_mem>>) src(%dma_wait3A_996 : memref<10240x64xf32, #tpu.memory_space<vmem_shared>>) dst(%arg9 : memref<128x64xf32, #tpu.memory_space<vmem>>)
      %dma_start3A_997 = arith.constant 1 : i32
      %dma_start3A_998 = arith.constant 0 : i32
      %dma_start3A_999 = tpu.memref_slice %arg13[%dma_start3A_997, %dma_start3A_998] : memref<2x128xi32, #tpu.memory_space<vmem>> -> memref<1x128xi32, #tpu.memory_space<vmem>>
      %dma_start3A_1000 = tpu.memref_squeeze %dma_start3A_999 : memref<1x128xi32, #tpu.memory_space<vmem>> -> memref<128xi32, #tpu.memory_space<vmem>>
      %dma_start3A_1001 = arith.constant 0 : i32
      %dma_start3A_1002 = arith.constant 0 : i32
      %dma_start3A_1003 = tpu.memref_slice %arg6[%dma_start3A_1001, %dma_start3A_1002] : memref<10240x64xf32, #tpu.memory_space<vmem_shared>> -> memref<10240x64xf32, #tpu.memory_space<vmem_shared>>
      tpu.enqueue_indirect_dma source(%arg9 : memref<128x64xf32, #tpu.memory_space<vmem>>) target(%dma_start3A_1003 : memref<10240x64xf32, #tpu.memory_space<vmem_shared>>) offsets(%dma_start3A_1000 : memref<128xi32, #tpu.memory_space<vmem>>) semaphore(%arg23 : memref<!tpu.dma_semaphore, #tpu.memory_space<semaphore_mem>>) {add = true}
      %eq3A_1004 = arith.constant 0 : i32
      %eq3A_1005 = arith.cmpi eq, %arg0, %eq3A_1004 : i32
      %convert_element_type3A_1006 = arith.extui %eq3A_1005 : i1 to i32
      %cond3A_1007 = arith.constant 0 : i32
      %cond3A_1008 = arith.cmpi ne, %convert_element_type3A_1006, %cond3A_1007 : i32
      scf.if %cond3A_1008 {
        %get3A = arith.constant 1 : i32
        %get3A_1009 = arith.index_cast %get3A : i32 to index
        %get3A_1010 = arith.constant 0 : index
        %get3A_1011 = tpu.vector_load %arg13[%get3A_1009, %get3A_1010] {strides = array<i32>} : memref<2x128xi32, #tpu.memory_space<vmem>>, vector<16xi32>,
        tpu.vector_store_idx %arg32[%get3A_1011], %broadcast_in_dim3A_36 {add = true} : memref<10240xf32, #tpu.memory_space<vmem>>[vector<16xi32>], vector<16xf32>,
        %get3A_1012 = arith.constant 1 : i32
        %get3A_1013 = arith.index_cast %get3A_1012 : i32 to index
        %get3A_1014 = arith.constant 16 : index
        %get3A_1015 = tpu.vector_load %arg13[%get3A_1013, %get3A_1014] {strides = array<i32>} : memref<2x128xi32, #tpu.memory_space<vmem>>, vector<16xi32>,
        tpu.vector_store_idx %arg32[%get3A_1015], %broadcast_in_dim3A_36 {add = true} : memref<10240xf32, #tpu.memory_space<vmem>>[vector<16xi32>], vector<16xf32>,
        %get3A_1016 = arith.constant 1 : i32
        %get3A_1017 = arith.index_cast %get3A_1016 : i32 to index
        %get3A_1018 = arith.constant 32 : index
        %get3A_1019 = tpu.vector_load %arg13[%get3A_1017, %get3A_1018] {strides = array<i32>} : memref<2x128xi32, #tpu.memory_space<vmem>>, vector<16xi32>,
        tpu.vector_store_idx %arg32[%get3A_1019], %broadcast_in_dim3A_36 {add = true} : memref<10240xf32, #tpu.memory_space<vmem>>[vector<16xi32>], vector<16xf32>,
        %get3A_1020 = arith.constant 1 : i32
        %get3A_1021 = arith.index_cast %get3A_1020 : i32 to index
        %get3A_1022 = arith.constant 48 : index
        %get3A_1023 = tpu.vector_load %arg13[%get3A_1021, %get3A_1022] {strides = array<i32>} : memref<2x128xi32, #tpu.memory_space<vmem>>, vector<16xi32>,
        tpu.vector_store_idx %arg32[%get3A_1023], %broadcast_in_dim3A_36 {add = true} : memref<10240xf32, #tpu.memory_space<vmem>>[vector<16xi32>], vector<16xf32>,
        %get3A_1024 = arith.constant 1 : i32
        %get3A_1025 = arith.index_cast %get3A_1024 : i32 to index
        %get3A_1026 = arith.constant 64 : index
        %get3A_1027 = tpu.vector_load %arg13[%get3A_1025, %get3A_1026] {strides = array<i32>} : memref<2x128xi32, #tpu.memory_space<vmem>>, vector<16xi32>,
        tpu.vector_store_idx %arg32[%get3A_1027], %broadcast_in_dim3A_36 {add = true} : memref<10240xf32, #tpu.memory_space<vmem>>[vector<16xi32>], vector<16xf32>,
        %get3A_1028 = arith.constant 1 : i32
        %get3A_1029 = arith.index_cast %get3A_1028 : i32 to index
        %get3A_1030 = arith.constant 80 : index
        %get3A_1031 = tpu.vector_load %arg13[%get3A_1029, %get3A_1030] {strides = array<i32>} : memref<2x128xi32, #tpu.memory_space<vmem>>, vector<16xi32>,
        tpu.vector_store_idx %arg32[%get3A_1031], %broadcast_in_dim3A_36 {add = true} : memref<10240xf32, #tpu.memory_space<vmem>>[vector<16xi32>], vector<16xf32>,
        %get3A_1032 = arith.constant 1 : i32
        %get3A_1033 = arith.index_cast %get3A_1032 : i32 to index
        %get3A_1034 = arith.constant 96 : index
        %get3A_1035 = tpu.vector_load %arg13[%get3A_1033, %get3A_1034] {strides = array<i32>} : memref<2x128xi32, #tpu.memory_space<vmem>>, vector<16xi32>,
        tpu.vector_store_idx %arg32[%get3A_1035], %broadcast_in_dim3A_36 {add = true} : memref<10240xf32, #tpu.memory_space<vmem>>[vector<16xi32>], vector<16xf32>,
        %get3A_1036 = arith.constant 1 : i32
        %get3A_1037 = arith.index_cast %get3A_1036 : i32 to index
        %get3A_1038 = arith.constant 112 : index
        %get3A_1039 = tpu.vector_load %arg13[%get3A_1037, %get3A_1038] {strides = array<i32>} : memref<2x128xi32, #tpu.memory_space<vmem>>, vector<16xi32>,
        tpu.vector_store_idx %arg32[%get3A_1039], %broadcast_in_dim3A_36 {add = true} : memref<10240xf32, #tpu.memory_space<vmem>>[vector<16xi32>], vector<16xf32>,
      } else {
      }
    }
    %scan3A_198 = arith.constant 13 : i32
    %dma_wait3A_199 = arith.constant 1 : i32
    %dma_wait3A_200 = arith.constant 0 : i32
    %dma_wait3A_201 = tpu.memref_slice %arg12[%dma_wait3A_199, %dma_wait3A_200] : memref<2x128xi32, #tpu.memory_space<vmem>> -> memref<1x128xi32, #tpu.memory_space<vmem>>
    %dma_wait3A_202 = tpu.memref_squeeze %dma_wait3A_201 : memref<1x128xi32, #tpu.memory_space<vmem>> -> memref<128xi32, #tpu.memory_space<vmem>>
    %dma_wait3A_203 = arith.constant 0 : i32
    %dma_wait3A_204 = arith.constant 0 : i32
    %dma_wait3A_205 = tpu.memref_slice %arg6[%dma_wait3A_203, %dma_wait3A_204] : memref<10240x64xf32, #tpu.memory_space<vmem_shared>> -> memref<10240x64xf32, #tpu.memory_space<vmem_shared>>
    tpu.wait_indirect_dma semaphore(%arg22 : memref<!tpu.dma_semaphore, #tpu.memory_space<semaphore_mem>>) src(%arg8 : memref<128x64xf32, #tpu.memory_space<vmem>>) dst(%dma_wait3A_205 : memref<10240x64xf32, #tpu.memory_space<vmem_shared>>)
    %dma_wait3A_206 = arith.constant 0 : i32
    %dma_wait3A_207 = arith.constant 0 : i32
    %dma_wait3A_208 = tpu.memref_slice %arg14[%dma_wait3A_206, %dma_wait3A_207] : memref<2x128xi32, #tpu.memory_space<vmem>> -> memref<1x128xi32, #tpu.memory_space<vmem>>
    %dma_wait3A_209 = tpu.memref_squeeze %dma_wait3A_208 : memref<1x128xi32, #tpu.memory_space<vmem>> -> memref<128xi32, #tpu.memory_space<vmem>>
    %dma_wait3A_210 = arith.constant 0 : i32
    %dma_wait3A_211 = arith.constant 0 : i32
    %dma_wait3A_212 = tpu.memref_slice %arg7[%dma_wait3A_210, %dma_wait3A_211] : memref<10240x64xf32, #tpu.memory_space<vmem_shared>> -> memref<10240x64xf32, #tpu.memory_space<vmem_shared>>
    tpu.wait_indirect_dma semaphore(%arg20 : memref<!tpu.dma_semaphore, #tpu.memory_space<semaphore_mem>>) src(%dma_wait3A_212 : memref<10240x64xf32, #tpu.memory_space<vmem_shared>>) dst(%arg10 : memref<128x64xf32, #tpu.memory_space<vmem>>)
    %dma_start3A_213 = arith.constant 1 : i32
    %dma_start3A_214 = arith.constant 0 : i32
    %dma_start3A_215 = tpu.memref_slice %arg14[%dma_start3A_213, %dma_start3A_214] : memref<2x128xi32, #tpu.memory_space<vmem>> -> memref<1x128xi32, #tpu.memory_space<vmem>>
    %dma_start3A_216 = tpu.memref_squeeze %dma_start3A_215 : memref<1x128xi32, #tpu.memory_space<vmem>> -> memref<128xi32, #tpu.memory_space<vmem>>
    %dma_start3A_217 = arith.constant 0 : i32
    %dma_start3A_218 = arith.constant 0 : i32
    %dma_start3A_219 = tpu.memref_slice %arg6[%dma_start3A_217, %dma_start3A_218] : memref<10240x64xf32, #tpu.memory_space<vmem_shared>> -> memref<10240x64xf32, #tpu.memory_space<vmem_shared>>
    tpu.enqueue_indirect_dma source(%arg10 : memref<128x64xf32, #tpu.memory_space<vmem>>) target(%dma_start3A_219 : memref<10240x64xf32, #tpu.memory_space<vmem_shared>>) offsets(%dma_start3A_216 : memref<128xi32, #tpu.memory_space<vmem>>) semaphore(%arg24 : memref<!tpu.dma_semaphore, #tpu.memory_space<semaphore_mem>>) {add = true}
    %eq3A_220 = arith.constant 0 : i32
    %eq3A_221 = arith.cmpi eq, %arg0, %eq3A_220 : i32
    %convert_element_type3A_222 = arith.extui %eq3A_221 : i1 to i32
    %cond3A_223 = arith.constant 0 : i32
    %cond3A_224 = arith.cmpi ne, %convert_element_type3A_222, %cond3A_223 : i32
    scf.if %cond3A_224 {
      %get3A = arith.constant 1 : i32
      %get3A_296 = arith.index_cast %get3A : i32 to index
      %get3A_297 = arith.constant 0 : index
      %get3A_298 = tpu.vector_load %arg14[%get3A_296, %get3A_297] {strides = array<i32>} : memref<2x128xi32, #tpu.memory_space<vmem>>, vector<16xi32>,
      tpu.vector_store_idx %arg32[%get3A_298], %broadcast_in_dim3A_36 {add = true} : memref<10240xf32, #tpu.memory_space<vmem>>[vector<16xi32>], vector<16xf32>,
      %get3A_299 = arith.constant 1 : i32
      %get3A_300 = arith.index_cast %get3A_299 : i32 to index
      %get3A_301 = arith.constant 16 : index
      %get3A_302 = tpu.vector_load %arg14[%get3A_300, %get3A_301] {strides = array<i32>} : memref<2x128xi32, #tpu.memory_space<vmem>>, vector<16xi32>,
      tpu.vector_store_idx %arg32[%get3A_302], %broadcast_in_dim3A_36 {add = true} : memref<10240xf32, #tpu.memory_space<vmem>>[vector<16xi32>], vector<16xf32>,
      %get3A_303 = arith.constant 1 : i32
      %get3A_304 = arith.index_cast %get3A_303 : i32 to index
      %get3A_305 = arith.constant 32 : index
      %get3A_306 = tpu.vector_load %arg14[%get3A_304, %get3A_305] {strides = array<i32>} : memref<2x128xi32, #tpu.memory_space<vmem>>, vector<16xi32>,
      tpu.vector_store_idx %arg32[%get3A_306], %broadcast_in_dim3A_36 {add = true} : memref<10240xf32, #tpu.memory_space<vmem>>[vector<16xi32>], vector<16xf32>,
      %get3A_307 = arith.constant 1 : i32
      %get3A_308 = arith.index_cast %get3A_307 : i32 to index
      %get3A_309 = arith.constant 48 : index
      %get3A_310 = tpu.vector_load %arg14[%get3A_308, %get3A_309] {strides = array<i32>} : memref<2x128xi32, #tpu.memory_space<vmem>>, vector<16xi32>,
      tpu.vector_store_idx %arg32[%get3A_310], %broadcast_in_dim3A_36 {add = true} : memref<10240xf32, #tpu.memory_space<vmem>>[vector<16xi32>], vector<16xf32>,
      %get3A_311 = arith.constant 1 : i32
      %get3A_312 = arith.index_cast %get3A_311 : i32 to index
      %get3A_313 = arith.constant 64 : index
      %get3A_314 = tpu.vector_load %arg14[%get3A_312, %get3A_313] {strides = array<i32>} : memref<2x128xi32, #tpu.memory_space<vmem>>, vector<16xi32>,
      tpu.vector_store_idx %arg32[%get3A_314], %broadcast_in_dim3A_36 {add = true} : memref<10240xf32, #tpu.memory_space<vmem>>[vector<16xi32>], vector<16xf32>,
      %get3A_315 = arith.constant 1 : i32
      %get3A_316 = arith.index_cast %get3A_315 : i32 to index
      %get3A_317 = arith.constant 80 : index
      %get3A_318 = tpu.vector_load %arg14[%get3A_316, %get3A_317] {strides = array<i32>} : memref<2x128xi32, #tpu.memory_space<vmem>>, vector<16xi32>,
      tpu.vector_store_idx %arg32[%get3A_318], %broadcast_in_dim3A_36 {add = true} : memref<10240xf32, #tpu.memory_space<vmem>>[vector<16xi32>], vector<16xf32>,
      %get3A_319 = arith.constant 1 : i32
      %get3A_320 = arith.index_cast %get3A_319 : i32 to index
      %get3A_321 = arith.constant 96 : index
      %get3A_322 = tpu.vector_load %arg14[%get3A_320, %get3A_321] {strides = array<i32>} : memref<2x128xi32, #tpu.memory_space<vmem>>, vector<16xi32>,
      tpu.vector_store_idx %arg32[%get3A_322], %broadcast_in_dim3A_36 {add = true} : memref<10240xf32, #tpu.memory_space<vmem>>[vector<16xi32>], vector<16xf32>,
      %get3A_323 = arith.constant 1 : i32
      %get3A_324 = arith.index_cast %get3A_323 : i32 to index
      %get3A_325 = arith.constant 112 : index
      %get3A_326 = tpu.vector_load %arg14[%get3A_324, %get3A_325] {strides = array<i32>} : memref<2x128xi32, #tpu.memory_space<vmem>>, vector<16xi32>,
      tpu.vector_store_idx %arg32[%get3A_326], %broadcast_in_dim3A_36 {add = true} : memref<10240xf32, #tpu.memory_space<vmem>>[vector<16xi32>], vector<16xf32>,
    } else {
    }
    %dma_wait3A_225 = arith.constant 1 : i32
    %dma_wait3A_226 = arith.constant 0 : i32
    %dma_wait3A_227 = tpu.memref_slice %arg13[%dma_wait3A_225, %dma_wait3A_226] : memref<2x128xi32, #tpu.memory_space<vmem>> -> memref<1x128xi32, #tpu.memory_space<vmem>>
    %dma_wait3A_228 = tpu.memref_squeeze %dma_wait3A_227 : memref<1x128xi32, #tpu.memory_space<vmem>> -> memref<128xi32, #tpu.memory_space<vmem>>
    %dma_wait3A_229 = arith.constant 0 : i32
    %dma_wait3A_230 = arith.constant 0 : i32
    %dma_wait3A_231 = tpu.memref_slice %arg6[%dma_wait3A_229, %dma_wait3A_230] : memref<10240x64xf32, #tpu.memory_space<vmem_shared>> -> memref<10240x64xf32, #tpu.memory_space<vmem_shared>>
    tpu.wait_indirect_dma semaphore(%arg23 : memref<!tpu.dma_semaphore, #tpu.memory_space<semaphore_mem>>) src(%arg9 : memref<128x64xf32, #tpu.memory_space<vmem>>) dst(%dma_wait3A_231 : memref<10240x64xf32, #tpu.memory_space<vmem_shared>>)
    %dma_wait3A_232 = arith.constant 0 : i32
    %dma_wait3A_233 = arith.constant 0 : i32
    %dma_wait3A_234 = tpu.memref_slice %arg15[%dma_wait3A_232, %dma_wait3A_233] : memref<2x128xi32, #tpu.memory_space<vmem>> -> memref<1x128xi32, #tpu.memory_space<vmem>>
    %dma_wait3A_235 = tpu.memref_squeeze %dma_wait3A_234 : memref<1x128xi32, #tpu.memory_space<vmem>> -> memref<128xi32, #tpu.memory_space<vmem>>
    %dma_wait3A_236 = arith.constant 0 : i32
    %dma_wait3A_237 = arith.constant 0 : i32
    %dma_wait3A_238 = tpu.memref_slice %arg7[%dma_wait3A_236, %dma_wait3A_237] : memref<10240x64xf32, #tpu.memory_space<vmem_shared>> -> memref<10240x64xf32, #tpu.memory_space<vmem_shared>>
    tpu.wait_indirect_dma semaphore(%arg21 : memref<!tpu.dma_semaphore, #tpu.memory_space<semaphore_mem>>) src(%dma_wait3A_238 : memref<10240x64xf32, #tpu.memory_space<vmem_shared>>) dst(%arg11 : memref<128x64xf32, #tpu.memory_space<vmem>>)
    %dma_start3A_239 = arith.constant 1 : i32
    %dma_start3A_240 = arith.constant 0 : i32
    %dma_start3A_241 = tpu.memref_slice %arg15[%dma_start3A_239, %dma_start3A_240] : memref<2x128xi32, #tpu.memory_space<vmem>> -> memref<1x128xi32, #tpu.memory_space<vmem>>
    %dma_start3A_242 = tpu.memref_squeeze %dma_start3A_241 : memref<1x128xi32, #tpu.memory_space<vmem>> -> memref<128xi32, #tpu.memory_space<vmem>>
    %dma_start3A_243 = arith.constant 0 : i32
    %dma_start3A_244 = arith.constant 0 : i32
    %dma_start3A_245 = tpu.memref_slice %arg6[%dma_start3A_243, %dma_start3A_244] : memref<10240x64xf32, #tpu.memory_space<vmem_shared>> -> memref<10240x64xf32, #tpu.memory_space<vmem_shared>>
    tpu.enqueue_indirect_dma source(%arg11 : memref<128x64xf32, #tpu.memory_space<vmem>>) target(%dma_start3A_245 : memref<10240x64xf32, #tpu.memory_space<vmem_shared>>) offsets(%dma_start3A_242 : memref<128xi32, #tpu.memory_space<vmem>>) semaphore(%arg25 : memref<!tpu.dma_semaphore, #tpu.memory_space<semaphore_mem>>) {add = true}
    %eq3A_246 = arith.constant 0 : i32
    %eq3A_247 = arith.cmpi eq, %arg0, %eq3A_246 : i32
    %convert_element_type3A_248 = arith.extui %eq3A_247 : i1 to i32
    %cond3A_249 = arith.constant 0 : i32
    %cond3A_250 = arith.cmpi ne, %convert_element_type3A_248, %cond3A_249 : i32
    scf.if %cond3A_250 {
      %get3A = arith.constant 1 : i32
      %get3A_296 = arith.index_cast %get3A : i32 to index
      %get3A_297 = arith.constant 0 : index
      %get3A_298 = tpu.vector_load %arg15[%get3A_296, %get3A_297] {strides = array<i32>} : memref<2x128xi32, #tpu.memory_space<vmem>>, vector<16xi32>,
      tpu.vector_store_idx %arg32[%get3A_298], %broadcast_in_dim3A_36 {add = true} : memref<10240xf32, #tpu.memory_space<vmem>>[vector<16xi32>], vector<16xf32>,
      %get3A_299 = arith.constant 1 : i32
      %get3A_300 = arith.index_cast %get3A_299 : i32 to index
      %get3A_301 = arith.constant 16 : index
      %get3A_302 = tpu.vector_load %arg15[%get3A_300, %get3A_301] {strides = array<i32>} : memref<2x128xi32, #tpu.memory_space<vmem>>, vector<16xi32>,
      tpu.vector_store_idx %arg32[%get3A_302], %broadcast_in_dim3A_36 {add = true} : memref<10240xf32, #tpu.memory_space<vmem>>[vector<16xi32>], vector<16xf32>,
      %get3A_303 = arith.constant 1 : i32
      %get3A_304 = arith.index_cast %get3A_303 : i32 to index
      %get3A_305 = arith.constant 32 : index
      %get3A_306 = tpu.vector_load %arg15[%get3A_304, %get3A_305] {strides = array<i32>} : memref<2x128xi32, #tpu.memory_space<vmem>>, vector<16xi32>,
      tpu.vector_store_idx %arg32[%get3A_306], %broadcast_in_dim3A_36 {add = true} : memref<10240xf32, #tpu.memory_space<vmem>>[vector<16xi32>], vector<16xf32>,
      %get3A_307 = arith.constant 1 : i32
      %get3A_308 = arith.index_cast %get3A_307 : i32 to index
      %get3A_309 = arith.constant 48 : index
      %get3A_310 = tpu.vector_load %arg15[%get3A_308, %get3A_309] {strides = array<i32>} : memref<2x128xi32, #tpu.memory_space<vmem>>, vector<16xi32>,
      tpu.vector_store_idx %arg32[%get3A_310], %broadcast_in_dim3A_36 {add = true} : memref<10240xf32, #tpu.memory_space<vmem>>[vector<16xi32>], vector<16xf32>,
      %get3A_311 = arith.constant 1 : i32
      %get3A_312 = arith.index_cast %get3A_311 : i32 to index
      %get3A_313 = arith.constant 64 : index
      %get3A_314 = tpu.vector_load %arg15[%get3A_312, %get3A_313] {strides = array<i32>} : memref<2x128xi32, #tpu.memory_space<vmem>>, vector<16xi32>,
      tpu.vector_store_idx %arg32[%get3A_314], %broadcast_in_dim3A_36 {add = true} : memref<10240xf32, #tpu.memory_space<vmem>>[vector<16xi32>], vector<16xf32>,
      %get3A_315 = arith.constant 1 : i32
      %get3A_316 = arith.index_cast %get3A_315 : i32 to index
      %get3A_317 = arith.constant 80 : index
      %get3A_318 = tpu.vector_load %arg15[%get3A_316, %get3A_317] {strides = array<i32>} : memref<2x128xi32, #tpu.memory_space<vmem>>, vector<16xi32>,
      tpu.vector_store_idx %arg32[%get3A_318], %broadcast_in_dim3A_36 {add = true} : memref<10240xf32, #tpu.memory_space<vmem>>[vector<16xi32>], vector<16xf32>,
      %get3A_319 = arith.constant 1 : i32
      %get3A_320 = arith.index_cast %get3A_319 : i32 to index
      %get3A_321 = arith.constant 96 : index
      %get3A_322 = tpu.vector_load %arg15[%get3A_320, %get3A_321] {strides = array<i32>} : memref<2x128xi32, #tpu.memory_space<vmem>>, vector<16xi32>,
      tpu.vector_store_idx %arg32[%get3A_322], %broadcast_in_dim3A_36 {add = true} : memref<10240xf32, #tpu.memory_space<vmem>>[vector<16xi32>], vector<16xf32>,
      %get3A_323 = arith.constant 1 : i32
      %get3A_324 = arith.index_cast %get3A_323 : i32 to index
      %get3A_325 = arith.constant 112 : index
      %get3A_326 = tpu.vector_load %arg15[%get3A_324, %get3A_325] {strides = array<i32>} : memref<2x128xi32, #tpu.memory_space<vmem>>, vector<16xi32>,
      tpu.vector_store_idx %arg32[%get3A_326], %broadcast_in_dim3A_36 {add = true} : memref<10240xf32, #tpu.memory_space<vmem>>[vector<16xi32>], vector<16xf32>,
    } else {
    }
    %dma_wait3A_251 = arith.constant 1 : i32
    %dma_wait3A_252 = arith.constant 0 : i32
    %dma_wait3A_253 = tpu.memref_slice %arg14[%dma_wait3A_251, %dma_wait3A_252] : memref<2x128xi32, #tpu.memory_space<vmem>> -> memref<1x128xi32, #tpu.memory_space<vmem>>
    %dma_wait3A_254 = tpu.memref_squeeze %dma_wait3A_253 : memref<1x128xi32, #tpu.memory_space<vmem>> -> memref<128xi32, #tpu.memory_space<vmem>>
    %dma_wait3A_255 = arith.constant 0 : i32
    %dma_wait3A_256 = arith.constant 0 : i32
    %dma_wait3A_257 = tpu.memref_slice %arg6[%dma_wait3A_255, %dma_wait3A_256] : memref<10240x64xf32, #tpu.memory_space<vmem_shared>> -> memref<10240x64xf32, #tpu.memory_space<vmem_shared>>
    tpu.wait_indirect_dma semaphore(%arg24 : memref<!tpu.dma_semaphore, #tpu.memory_space<semaphore_mem>>) src(%arg10 : memref<128x64xf32, #tpu.memory_space<vmem>>) dst(%dma_wait3A_257 : memref<10240x64xf32, #tpu.memory_space<vmem_shared>>)
    %dma_wait3A_258 = arith.constant 1 : i32
    %dma_wait3A_259 = arith.constant 0 : i32
    %dma_wait3A_260 = tpu.memref_slice %arg15[%dma_wait3A_258, %dma_wait3A_259] : memref<2x128xi32, #tpu.memory_space<vmem>> -> memref<1x128xi32, #tpu.memory_space<vmem>>
    %dma_wait3A_261 = tpu.memref_squeeze %dma_wait3A_260 : memref<1x128xi32, #tpu.memory_space<vmem>> -> memref<128xi32, #tpu.memory_space<vmem>>
    %dma_wait3A_262 = arith.constant 0 : i32
    %dma_wait3A_263 = arith.constant 0 : i32
    %dma_wait3A_264 = tpu.memref_slice %arg6[%dma_wait3A_262, %dma_wait3A_263] : memref<10240x64xf32, #tpu.memory_space<vmem_shared>> -> memref<10240x64xf32, #tpu.memory_space<vmem_shared>>
    tpu.wait_indirect_dma semaphore(%arg25 : memref<!tpu.dma_semaphore, #tpu.memory_space<semaphore_mem>>) src(%arg11 : memref<128x64xf32, #tpu.memory_space<vmem>>) dst(%dma_wait3A_264 : memref<10240x64xf32, #tpu.memory_space<vmem_shared>>)
    %dma_wait3A_265 = arith.constant 0 : i32
    %dma_wait3A_266 = arith.constant 0 : i32
    %dma_wait3A_267 = arith.constant 0 : i32
    %dma_wait3A_268 = tpu.memref_slice %arg3[%dma_wait3A_265, %dma_wait3A_266, %dma_wait3A_267] : memref<2624x2x128xi32, #tpu.memory_space<hbm>> -> memref<1x2x128xi32, #tpu.memory_space<hbm>>
    %dma_wait3A_269 = tpu.memref_squeeze %dma_wait3A_268 : memref<1x2x128xi32, #tpu.memory_space<hbm>> -> memref<2x128xi32, #tpu.memory_space<hbm>>
    %dma_wait3A_270 = arith.constant 0 : i32
    %dma_wait3A_271 = arith.constant 0 : i32
    %dma_wait3A_272 = tpu.memref_slice %arg3[%dma_wait3A_265, %dma_wait3A_270, %dma_wait3A_271] : memref<2624x2x128xi32, #tpu.memory_space<hbm>> -> memref<1x2x128xi32, #tpu.memory_space<hbm>>
    %dma_wait3A_273 = tpu.memref_squeeze %dma_wait3A_272 : memref<1x2x128xi32, #tpu.memory_space<hbm>> -> memref<2x128xi32, #tpu.memory_space<hbm>>
    tpu.wait_dma2 semaphore(%arg30 : memref<!tpu.dma_semaphore, #tpu.memory_space<semaphore_mem>>) src(%dma_wait3A_273 : memref<2x128xi32, #tpu.memory_space<hbm>>) dst(%arg16 : memref<2x128xi32, #tpu.memory_space<vmem>>)
    %dma_wait3A_274 = arith.constant 0 : i32
    %dma_wait3A_275 = arith.constant 0 : i32
    %dma_wait3A_276 = arith.constant 0 : i32
    %dma_wait3A_277 = tpu.memref_slice %arg3[%dma_wait3A_274, %dma_wait3A_275, %dma_wait3A_276] : memref<2624x2x128xi32, #tpu.memory_space<hbm>> -> memref<1x2x128xi32, #tpu.memory_space<hbm>>
    %dma_wait3A_278 = tpu.memref_squeeze %dma_wait3A_277 : memref<1x2x128xi32, #tpu.memory_space<hbm>> -> memref<2x128xi32, #tpu.memory_space<hbm>>
    %dma_wait3A_279 = arith.constant 0 : i32
    %dma_wait3A_280 = arith.constant 0 : i32
    %dma_wait3A_281 = tpu.memref_slice %arg3[%dma_wait3A_274, %dma_wait3A_279, %dma_wait3A_280] : memref<2624x2x128xi32, #tpu.memory_space<hbm>> -> memref<1x2x128xi32, #tpu.memory_space<hbm>>
    %dma_wait3A_282 = tpu.memref_squeeze %dma_wait3A_281 : memref<1x2x128xi32, #tpu.memory_space<hbm>> -> memref<2x128xi32, #tpu.memory_space<hbm>>
    tpu.wait_dma2 semaphore(%arg31 : memref<!tpu.dma_semaphore, #tpu.memory_space<semaphore_mem>>) src(%dma_wait3A_282 : memref<2x128xi32, #tpu.memory_space<hbm>>) dst(%arg17 : memref<2x128xi32, #tpu.memory_space<vmem>>)
    %barrier3A_283 = arith.constant 0 : index
    tpu.barrier barrier_id(%barrier3A_283)
    %mul3A_284 = arith.constant 640 : i32
    %mul3A_285 = arith.muli %arg1, %mul3A_284 : i32
    %mul3A_286 = arith.constant 10240 : i32
    %mul3A_287 = arith.muli %arg0, %mul3A_286 : i32
    %mul3A_288 = arith.constant 640 : i32
    %mul3A_289 = arith.muli %arg1, %mul3A_288 : i32
    %add3A_290 = arith.addi %mul3A_287, %mul3A_289 : i32
    "tpu.region"() ({
      %run_scoped3A = tpu.sem_alloc : memref<!tpu.dma_semaphore, #tpu.memory_space<semaphore_mem>>
      %dma_start3A_296 = arith.constant 0 : i32
      %dma_start3A_297 = tpu.memref_slice %arg4[%add3A_290, %dma_start3A_296] : memref<20480x64xf32, #tpu.memory_space<hbm>> -> memref<640x64xf32, #tpu.memory_space<hbm>>
      %dma_start3A_298 = arith.constant 0 : i32
      %dma_start3A_299 = tpu.memref_slice %arg6[%mul3A_285, %dma_start3A_298] : memref<10240x64xf32, #tpu.memory_space<vmem_shared>> -> memref<640x64xf32, #tpu.memory_space<vmem_shared>>
      tpu.enqueue_dma source(%dma_start3A_299 : memref<640x64xf32, #tpu.memory_space<vmem_shared>>) target(%dma_start3A_297 : memref<640x64xf32, #tpu.memory_space<hbm>>) target_semaphore(%run_scoped3A : memref<!tpu.dma_semaphore, #tpu.memory_space<semaphore_mem>>)
      %dma_wait3A_300 = arith.constant 0 : i32
      %dma_wait3A_301 = tpu.memref_slice %arg4[%add3A_290, %dma_wait3A_300] : memref<20480x64xf32, #tpu.memory_space<hbm>> -> memref<640x64xf32, #tpu.memory_space<hbm>>
      %dma_wait3A_302 = arith.constant 0 : i32
      %dma_wait3A_303 = tpu.memref_slice %arg6[%mul3A_285, %dma_wait3A_302] : memref<10240x64xf32, #tpu.memory_space<vmem_shared>> -> memref<640x64xf32, #tpu.memory_space<vmem_shared>>
      tpu.wait_dma2 semaphore(%run_scoped3A : memref<!tpu.dma_semaphore, #tpu.memory_space<semaphore_mem>>) src(%dma_wait3A_303 : memref<640x64xf32, #tpu.memory_space<vmem_shared>>) dst(%dma_wait3A_301 : memref<640x64xf32, #tpu.memory_space<hbm>>)
      tpu.yield
    }) : () -> ()
    %eq3A_291 = arith.constant 0 : i32
    %eq3A_292 = arith.cmpi eq, %arg0, %eq3A_291 : i32
    %convert_element_type3A_293 = arith.extui %eq3A_292 : i1 to i32
    %cond3A_294 = arith.constant 0 : i32
    %cond3A_295 = arith.cmpi ne, %convert_element_type3A_293, %cond3A_294 : i32
    scf.if %cond3A_295 {
      %mul3A_296 = arith.constant 10240 : i32
      %mul3A_297 = arith.muli %arg1, %mul3A_296 : i32
      "tpu.region"() ({
        %run_scoped3A = tpu.sem_alloc : memref<!tpu.dma_semaphore, #tpu.memory_space<semaphore_mem>>
        %dma_start3A_298 = tpu.memref_slice %arg5[%mul3A_297] : memref<163840xf32, #tpu.memory_space<hbm>> -> memref<10240xf32, #tpu.memory_space<hbm>>
        %dma_start3A_299 = tpu.memref_slice %arg5[%mul3A_297] : memref<163840xf32, #tpu.memory_space<hbm>> -> memref<10240xf32, #tpu.memory_space<hbm>>
        tpu.enqueue_dma source(%arg32 : memref<10240xf32, #tpu.memory_space<vmem>>) target(%dma_start3A_299 : memref<10240xf32, #tpu.memory_space<hbm>>) target_semaphore(%run_scoped3A : memref<!tpu.dma_semaphore, #tpu.memory_space<semaphore_mem>>)
        %dma_wait3A_300 = tpu.memref_slice %arg5[%mul3A_297] : memref<163840xf32, #tpu.memory_space<hbm>> -> memref<10240xf32, #tpu.memory_space<hbm>>
        %dma_wait3A_301 = tpu.memref_slice %arg5[%mul3A_297] : memref<163840xf32, #tpu.memory_space<hbm>> -> memref<10240xf32, #tpu.memory_space<hbm>>
        tpu.wait_dma2 semaphore(%run_scoped3A : memref<!tpu.dma_semaphore, #tpu.memory_space<semaphore_mem>>) src(%arg32 : memref<10240xf32, #tpu.memory_space<vmem>>) dst(%dma_wait3A_301 : memref<10240xf32, #tpu.memory_space<hbm>>)
        tpu.yield
      }) : () -> ()
    } else {
    }
    return
  }
}

#map = affine_map<(d0, d1) -> (0, 0)>
#map1 = affine_map<(d0, d1) -> (0, 0, 0)>
module attributes {stable_mosaic.version = 14 : i64} {
  func.func @body(%arg0: i32, %arg1: i32, %arg2: memref<20480x64xf32, #tpu.memory_space<hbm>>, %arg3: memref<2624x2x128xi32, #tpu.memory_space<hbm>>, %arg4: memref<20480x64xf32, #tpu.memory_space<hbm>>, %arg5: memref<10240x64xf32, #tpu.memory_space<vmem_shared>>, %arg6: memref<10240x64xf32, #tpu.memory_space<vmem_shared>>, %arg7: memref<128x64xf32, #tpu.memory_space<vmem>>, %arg8: memref<128x64xf32, #tpu.memory_space<vmem>>, %arg9: memref<128x64xf32, #tpu.memory_space<vmem>>, %arg10: memref<128x64xf32, #tpu.memory_space<vmem>>, %arg11: memref<2x128xi32, #tpu.memory_space<vmem>>, %arg12: memref<2x128xi32, #tpu.memory_space<vmem>>, %arg13: memref<2x128xi32, #tpu.memory_space<vmem>>, %arg14: memref<2x128xi32, #tpu.memory_space<vmem>>, %arg15: memref<2x128xi32, #tpu.memory_space<vmem>>, %arg16: memref<2x128xi32, #tpu.memory_space<vmem>>, %arg17: memref<!tpu.dma_semaphore, #tpu.memory_space<semaphore_mem>>, %arg18: memref<!tpu.dma_semaphore, #tpu.memory_space<semaphore_mem>>, %arg19: memref<!tpu.dma_semaphore, #tpu.memory_space<semaphore_mem>>, %arg20: memref<!tpu.dma_semaphore, #tpu.memory_space<semaphore_mem>>, %arg21: memref<!tpu.dma_semaphore, #tpu.memory_space<semaphore_mem>>, %arg22: memref<!tpu.dma_semaphore, #tpu.memory_space<semaphore_mem>>, %arg23: memref<!tpu.dma_semaphore, #tpu.memory_space<semaphore_mem>>, %arg24: memref<!tpu.dma_semaphore, #tpu.memory_space<semaphore_mem>>, %arg25: memref<!tpu.dma_semaphore, #tpu.memory_space<semaphore_mem>>, %arg26: memref<!tpu.dma_semaphore, #tpu.memory_space<semaphore_mem>>, %arg27: memref<!tpu.dma_semaphore, #tpu.memory_space<semaphore_mem>>, %arg28: memref<!tpu.dma_semaphore, #tpu.memory_space<semaphore_mem>>, %arg29: memref<!tpu.dma_semaphore, #tpu.memory_space<semaphore_mem>>, %arg30: memref<!tpu.dma_semaphore, #tpu.memory_space<semaphore_mem>>) attributes {dimension_semantics = [#tpu.dimension_semantics<core_parallel>, #tpu.dimension_semantics<subcore_parallel>], iteration_bounds = array<i64: 2, 16>, scalar_prefetch = 0 : i64, scratch_operands = 26 : i64, tpu.core_type = #tpu.core_type<sc_vector_subcore>, window_params = [{transform_indices = #map}, {transform_indices = #map1}, {transform_indices = #map}]} {
    %broadcast_in_dim3A = arith.constant 0.000000e+00 : f32
    %broadcast_in_dim3A_0 = vector.broadcast %broadcast_in_dim3A : f32 to vector<16xf32>
    %mul3A = arith.constant 10240 : i32
    %mul3A_1 = arith.muli %arg0, %mul3A : i32
    %mul3A_2 = arith.constant 640 : i32
    %mul3A_3 = arith.muli %arg1, %mul3A_2 : i32
    %add3A = arith.addi %mul3A_1, %mul3A_3 : i32
    %mul3A_4 = arith.constant 640 : i32
    %mul3A_5 = arith.muli %arg1, %mul3A_4 : i32
    "tpu.region"() ({
      %run_scoped3A = tpu.sem_alloc : memref<!tpu.dma_semaphore, #tpu.memory_space<semaphore_mem>>
      %dma_start3A_269 = arith.constant 0 : i32
      %dma_start3A_270 = tpu.memref_slice %arg6[%mul3A_5, %dma_start3A_269] : memref<10240x64xf32, #tpu.memory_space<vmem_shared>> -> memref<640x64xf32, #tpu.memory_space<vmem_shared>>
      %dma_start3A_271 = arith.constant 0 : i32
      %dma_start3A_272 = tpu.memref_slice %arg2[%add3A, %dma_start3A_271] : memref<20480x64xf32, #tpu.memory_space<hbm>> -> memref<640x64xf32, #tpu.memory_space<hbm>>
      tpu.enqueue_dma source(%dma_start3A_272 : memref<640x64xf32, #tpu.memory_space<hbm>>) target(%dma_start3A_270 : memref<640x64xf32, #tpu.memory_space<vmem_shared>>) target_semaphore(%run_scoped3A : memref<!tpu.dma_semaphore, #tpu.memory_space<semaphore_mem>>)
      %dma_wait3A_273 = arith.constant 0 : i32
      %dma_wait3A_274 = tpu.memref_slice %arg6[%mul3A_5, %dma_wait3A_273] : memref<10240x64xf32, #tpu.memory_space<vmem_shared>> -> memref<640x64xf32, #tpu.memory_space<vmem_shared>>
      %dma_wait3A_275 = arith.constant 0 : i32
      %dma_wait3A_276 = tpu.memref_slice %arg2[%add3A, %dma_wait3A_275] : memref<20480x64xf32, #tpu.memory_space<hbm>> -> memref<640x64xf32, #tpu.memory_space<hbm>>
      tpu.wait_dma2 semaphore(%run_scoped3A : memref<!tpu.dma_semaphore, #tpu.memory_space<semaphore_mem>>) src(%dma_wait3A_276 : memref<640x64xf32, #tpu.memory_space<hbm>>) dst(%dma_wait3A_274 : memref<640x64xf32, #tpu.memory_space<vmem_shared>>)
      tpu.yield
    }) : () -> ()
    %scan3A = arith.constant 0 : i32
    %scan3A_6 = arith.constant 128 : i32
    %scan3A_7 = arith.addi %scan3A, %scan3A_6 : i32
    %scan3A_8 = arith.constant 1 : i32
    scf.for %scan3A_269 = %scan3A to %scan3A_7 step %scan3A_8  : i32 {
      %mul3A_270 = arith.constant 1 : i32
      %mul3A_271 = arith.muli %scan3A_269, %mul3A_270 : i32
      %add3A_272 = arith.constant 0 : i32
      %add3A_273 = arith.addi %add3A_272, %mul3A_271 : i32
      %swap3A = arith.index_cast %add3A_273 : i32 to index
      %swap3A_274 = arith.constant 0 : index
      %swap3A_275 = tpu.vector_load %arg7[%swap3A, %swap3A_274] {strides = array<i32>} : memref<128x64xf32, #tpu.memory_space<vmem>>, vector<16xf32>,
      tpu.vector_store %arg7[%swap3A, %swap3A_274], %broadcast_in_dim3A_0 {strides = array<i32>} : memref<128x64xf32, #tpu.memory_space<vmem>>, vector<16xf32>,
      %swap3A_276 = arith.index_cast %add3A_273 : i32 to index
      %swap3A_277 = arith.constant 16 : index
      %swap3A_278 = tpu.vector_load %arg7[%swap3A_276, %swap3A_277] {strides = array<i32>} : memref<128x64xf32, #tpu.memory_space<vmem>>, vector<16xf32>,
      tpu.vector_store %arg7[%swap3A_276, %swap3A_277], %broadcast_in_dim3A_0 {strides = array<i32>} : memref<128x64xf32, #tpu.memory_space<vmem>>, vector<16xf32>,
      %swap3A_279 = arith.index_cast %add3A_273 : i32 to index
      %swap3A_280 = arith.constant 32 : index
      %swap3A_281 = tpu.vector_load %arg7[%swap3A_279, %swap3A_280] {strides = array<i32>} : memref<128x64xf32, #tpu.memory_space<vmem>>, vector<16xf32>,
      tpu.vector_store %arg7[%swap3A_279, %swap3A_280], %broadcast_in_dim3A_0 {strides = array<i32>} : memref<128x64xf32, #tpu.memory_space<vmem>>, vector<16xf32>,
      %swap3A_282 = arith.index_cast %add3A_273 : i32 to index
      %swap3A_283 = arith.constant 48 : index
      %swap3A_284 = tpu.vector_load %arg7[%swap3A_282, %swap3A_283] {strides = array<i32>} : memref<128x64xf32, #tpu.memory_space<vmem>>, vector<16xf32>,
      tpu.vector_store %arg7[%swap3A_282, %swap3A_283], %broadcast_in_dim3A_0 {strides = array<i32>} : memref<128x64xf32, #tpu.memory_space<vmem>>, vector<16xf32>,
    }
    %scan3A_9 = arith.constant 128 : i32
    %mul3A_10 = arith.constant 640 : i32
    %mul3A_11 = arith.muli %arg1, %mul3A_10 : i32
    %add3A_12 = arith.constant 0 : i32
    %add3A_13 = arith.addi %mul3A_11, %add3A_12 : i32
    "tpu.region"() ({
      %run_scoped3A = tpu.sem_alloc : memref<!tpu.dma_semaphore, #tpu.memory_space<semaphore_mem>>
      %dma_start3A_269 = arith.constant 0 : i32
      %dma_start3A_270 = tpu.memref_slice %arg5[%add3A_13, %dma_start3A_269] : memref<10240x64xf32, #tpu.memory_space<vmem_shared>> -> memref<128x64xf32, #tpu.memory_space<vmem_shared>>
      %dma_start3A_271 = arith.constant 0 : i32
      %dma_start3A_272 = tpu.memref_slice %arg5[%add3A_13, %dma_start3A_271] : memref<10240x64xf32, #tpu.memory_space<vmem_shared>> -> memref<128x64xf32, #tpu.memory_space<vmem_shared>>
      tpu.enqueue_dma source(%arg7 : memref<128x64xf32, #tpu.memory_space<vmem>>) target(%dma_start3A_272 : memref<128x64xf32, #tpu.memory_space<vmem_shared>>) target_semaphore(%run_scoped3A : memref<!tpu.dma_semaphore, #tpu.memory_space<semaphore_mem>>)
      %dma_wait3A_273 = arith.constant 0 : i32
      %dma_wait3A_274 = tpu.memref_slice %arg5[%add3A_13, %dma_wait3A_273] : memref<10240x64xf32, #tpu.memory_space<vmem_shared>> -> memref<128x64xf32, #tpu.memory_space<vmem_shared>>
      %dma_wait3A_275 = arith.constant 0 : i32
      %dma_wait3A_276 = tpu.memref_slice %arg5[%add3A_13, %dma_wait3A_275] : memref<10240x64xf32, #tpu.memory_space<vmem_shared>> -> memref<128x64xf32, #tpu.memory_space<vmem_shared>>
      tpu.wait_dma2 semaphore(%run_scoped3A : memref<!tpu.dma_semaphore, #tpu.memory_space<semaphore_mem>>) src(%arg7 : memref<128x64xf32, #tpu.memory_space<vmem>>) dst(%dma_wait3A_276 : memref<128x64xf32, #tpu.memory_space<vmem_shared>>)
      tpu.yield
    }) : () -> ()
    %mul3A_14 = arith.constant 640 : i32
    %mul3A_15 = arith.muli %arg1, %mul3A_14 : i32
    %add3A_16 = arith.constant 128 : i32
    %add3A_17 = arith.addi %mul3A_15, %add3A_16 : i32
    "tpu.region"() ({
      %run_scoped3A = tpu.sem_alloc : memref<!tpu.dma_semaphore, #tpu.memory_space<semaphore_mem>>
      %dma_start3A_269 = arith.constant 0 : i32
      %dma_start3A_270 = tpu.memref_slice %arg5[%add3A_17, %dma_start3A_269] : memref<10240x64xf32, #tpu.memory_space<vmem_shared>> -> memref<128x64xf32, #tpu.memory_space<vmem_shared>>
      %dma_start3A_271 = arith.constant 0 : i32
      %dma_start3A_272 = tpu.memref_slice %arg5[%add3A_17, %dma_start3A_271] : memref<10240x64xf32, #tpu.memory_space<vmem_shared>> -> memref<128x64xf32, #tpu.memory_space<vmem_shared>>
      tpu.enqueue_dma source(%arg7 : memref<128x64xf32, #tpu.memory_space<vmem>>) target(%dma_start3A_272 : memref<128x64xf32, #tpu.memory_space<vmem_shared>>) target_semaphore(%run_scoped3A : memref<!tpu.dma_semaphore, #tpu.memory_space<semaphore_mem>>)
      %dma_wait3A_273 = arith.constant 0 : i32
      %dma_wait3A_274 = tpu.memref_slice %arg5[%add3A_17, %dma_wait3A_273] : memref<10240x64xf32, #tpu.memory_space<vmem_shared>> -> memref<128x64xf32, #tpu.memory_space<vmem_shared>>
      %dma_wait3A_275 = arith.constant 0 : i32
      %dma_wait3A_276 = tpu.memref_slice %arg5[%add3A_17, %dma_wait3A_275] : memref<10240x64xf32, #tpu.memory_space<vmem_shared>> -> memref<128x64xf32, #tpu.memory_space<vmem_shared>>
      tpu.wait_dma2 semaphore(%run_scoped3A : memref<!tpu.dma_semaphore, #tpu.memory_space<semaphore_mem>>) src(%arg7 : memref<128x64xf32, #tpu.memory_space<vmem>>) dst(%dma_wait3A_276 : memref<128x64xf32, #tpu.memory_space<vmem_shared>>)
      tpu.yield
    }) : () -> ()
    %mul3A_18 = arith.constant 640 : i32
    %mul3A_19 = arith.muli %arg1, %mul3A_18 : i32
    %add3A_20 = arith.constant 256 : i32
    %add3A_21 = arith.addi %mul3A_19, %add3A_20 : i32
    "tpu.region"() ({
      %run_scoped3A = tpu.sem_alloc : memref<!tpu.dma_semaphore, #tpu.memory_space<semaphore_mem>>
      %dma_start3A_269 = arith.constant 0 : i32
      %dma_start3A_270 = tpu.memref_slice %arg5[%add3A_21, %dma_start3A_269] : memref<10240x64xf32, #tpu.memory_space<vmem_shared>> -> memref<128x64xf32, #tpu.memory_space<vmem_shared>>
      %dma_start3A_271 = arith.constant 0 : i32
      %dma_start3A_272 = tpu.memref_slice %arg5[%add3A_21, %dma_start3A_271] : memref<10240x64xf32, #tpu.memory_space<vmem_shared>> -> memref<128x64xf32, #tpu.memory_space<vmem_shared>>
      tpu.enqueue_dma source(%arg7 : memref<128x64xf32, #tpu.memory_space<vmem>>) target(%dma_start3A_272 : memref<128x64xf32, #tpu.memory_space<vmem_shared>>) target_semaphore(%run_scoped3A : memref<!tpu.dma_semaphore, #tpu.memory_space<semaphore_mem>>)
      %dma_wait3A_273 = arith.constant 0 : i32
      %dma_wait3A_274 = tpu.memref_slice %arg5[%add3A_21, %dma_wait3A_273] : memref<10240x64xf32, #tpu.memory_space<vmem_shared>> -> memref<128x64xf32, #tpu.memory_space<vmem_shared>>
      %dma_wait3A_275 = arith.constant 0 : i32
      %dma_wait3A_276 = tpu.memref_slice %arg5[%add3A_21, %dma_wait3A_275] : memref<10240x64xf32, #tpu.memory_space<vmem_shared>> -> memref<128x64xf32, #tpu.memory_space<vmem_shared>>
      tpu.wait_dma2 semaphore(%run_scoped3A : memref<!tpu.dma_semaphore, #tpu.memory_space<semaphore_mem>>) src(%arg7 : memref<128x64xf32, #tpu.memory_space<vmem>>) dst(%dma_wait3A_276 : memref<128x64xf32, #tpu.memory_space<vmem_shared>>)
      tpu.yield
    }) : () -> ()
    %mul3A_22 = arith.constant 640 : i32
    %mul3A_23 = arith.muli %arg1, %mul3A_22 : i32
    %add3A_24 = arith.constant 384 : i32
    %add3A_25 = arith.addi %mul3A_23, %add3A_24 : i32
    "tpu.region"() ({
      %run_scoped3A = tpu.sem_alloc : memref<!tpu.dma_semaphore, #tpu.memory_space<semaphore_mem>>
      %dma_start3A_269 = arith.constant 0 : i32
      %dma_start3A_270 = tpu.memref_slice %arg5[%add3A_25, %dma_start3A_269] : memref<10240x64xf32, #tpu.memory_space<vmem_shared>> -> memref<128x64xf32, #tpu.memory_space<vmem_shared>>
      %dma_start3A_271 = arith.constant 0 : i32
      %dma_start3A_272 = tpu.memref_slice %arg5[%add3A_25, %dma_start3A_271] : memref<10240x64xf32, #tpu.memory_space<vmem_shared>> -> memref<128x64xf32, #tpu.memory_space<vmem_shared>>
      tpu.enqueue_dma source(%arg7 : memref<128x64xf32, #tpu.memory_space<vmem>>) target(%dma_start3A_272 : memref<128x64xf32, #tpu.memory_space<vmem_shared>>) target_semaphore(%run_scoped3A : memref<!tpu.dma_semaphore, #tpu.memory_space<semaphore_mem>>)
      %dma_wait3A_273 = arith.constant 0 : i32
      %dma_wait3A_274 = tpu.memref_slice %arg5[%add3A_25, %dma_wait3A_273] : memref<10240x64xf32, #tpu.memory_space<vmem_shared>> -> memref<128x64xf32, #tpu.memory_space<vmem_shared>>
      %dma_wait3A_275 = arith.constant 0 : i32
      %dma_wait3A_276 = tpu.memref_slice %arg5[%add3A_25, %dma_wait3A_275] : memref<10240x64xf32, #tpu.memory_space<vmem_shared>> -> memref<128x64xf32, #tpu.memory_space<vmem_shared>>
      tpu.wait_dma2 semaphore(%run_scoped3A : memref<!tpu.dma_semaphore, #tpu.memory_space<semaphore_mem>>) src(%arg7 : memref<128x64xf32, #tpu.memory_space<vmem>>) dst(%dma_wait3A_276 : memref<128x64xf32, #tpu.memory_space<vmem_shared>>)
      tpu.yield
    }) : () -> ()
    %mul3A_26 = arith.constant 640 : i32
    %mul3A_27 = arith.muli %arg1, %mul3A_26 : i32
    %add3A_28 = arith.constant 512 : i32
    %add3A_29 = arith.addi %mul3A_27, %add3A_28 : i32
    "tpu.region"() ({
      %run_scoped3A = tpu.sem_alloc : memref<!tpu.dma_semaphore, #tpu.memory_space<semaphore_mem>>
      %dma_start3A_269 = arith.constant 0 : i32
      %dma_start3A_270 = tpu.memref_slice %arg5[%add3A_29, %dma_start3A_269] : memref<10240x64xf32, #tpu.memory_space<vmem_shared>> -> memref<128x64xf32, #tpu.memory_space<vmem_shared>>
      %dma_start3A_271 = arith.constant 0 : i32
      %dma_start3A_272 = tpu.memref_slice %arg5[%add3A_29, %dma_start3A_271] : memref<10240x64xf32, #tpu.memory_space<vmem_shared>> -> memref<128x64xf32, #tpu.memory_space<vmem_shared>>
      tpu.enqueue_dma source(%arg7 : memref<128x64xf32, #tpu.memory_space<vmem>>) target(%dma_start3A_272 : memref<128x64xf32, #tpu.memory_space<vmem_shared>>) target_semaphore(%run_scoped3A : memref<!tpu.dma_semaphore, #tpu.memory_space<semaphore_mem>>)
      %dma_wait3A_273 = arith.constant 0 : i32
      %dma_wait3A_274 = tpu.memref_slice %arg5[%add3A_29, %dma_wait3A_273] : memref<10240x64xf32, #tpu.memory_space<vmem_shared>> -> memref<128x64xf32, #tpu.memory_space<vmem_shared>>
      %dma_wait3A_275 = arith.constant 0 : i32
      %dma_wait3A_276 = tpu.memref_slice %arg5[%add3A_29, %dma_wait3A_275] : memref<10240x64xf32, #tpu.memory_space<vmem_shared>> -> memref<128x64xf32, #tpu.memory_space<vmem_shared>>
      tpu.wait_dma2 semaphore(%run_scoped3A : memref<!tpu.dma_semaphore, #tpu.memory_space<semaphore_mem>>) src(%arg7 : memref<128x64xf32, #tpu.memory_space<vmem>>) dst(%dma_wait3A_276 : memref<128x64xf32, #tpu.memory_space<vmem_shared>>)
      tpu.yield
    }) : () -> ()
    %barrier3A = arith.constant 0 : index
    tpu.barrier barrier_id(%barrier3A)
    %broadcast_in_dim3A_30 = arith.constant 1.000000e+00 : f32
    %broadcast_in_dim3A_31 = vector.broadcast %broadcast_in_dim3A_30 : f32 to vector<16xf32>
    %add3A_32 = arith.constant 0 : i32
    %add3A_33 = arith.addi %arg1, %add3A_32 : i32
    %dma_start3A = arith.constant 0 : i32
    %dma_start3A_34 = arith.constant 0 : i32
    %dma_start3A_35 = tpu.memref_slice %arg3[%add3A_33, %dma_start3A, %dma_start3A_34] : memref<2624x2x128xi32, #tpu.memory_space<hbm>> -> memref<1x2x128xi32, #tpu.memory_space<hbm>>
    %dma_start3A_36 = tpu.memref_squeeze %dma_start3A_35 : memref<1x2x128xi32, #tpu.memory_space<hbm>> -> memref<2x128xi32, #tpu.memory_space<hbm>>
    %dma_start3A_37 = arith.constant 0 : i32
    %dma_start3A_38 = arith.constant 0 : i32
    %dma_start3A_39 = tpu.memref_slice %arg3[%add3A_33, %dma_start3A_37, %dma_start3A_38] : memref<2624x2x128xi32, #tpu.memory_space<hbm>> -> memref<1x2x128xi32, #tpu.memory_space<hbm>>
    %dma_start3A_40 = tpu.memref_squeeze %dma_start3A_39 : memref<1x2x128xi32, #tpu.memory_space<hbm>> -> memref<2x128xi32, #tpu.memory_space<hbm>>
    tpu.enqueue_dma source(%dma_start3A_40 : memref<2x128xi32, #tpu.memory_space<hbm>>) target(%arg11 : memref<2x128xi32, #tpu.memory_space<vmem>>) target_semaphore(%arg25 : memref<!tpu.dma_semaphore, #tpu.memory_space<semaphore_mem>>)
    %add3A_41 = arith.constant 16 : i32
    %add3A_42 = arith.addi %arg1, %add3A_41 : i32
    %dma_start3A_43 = arith.constant 0 : i32
    %dma_start3A_44 = arith.constant 0 : i32
    %dma_start3A_45 = tpu.memref_slice %arg3[%add3A_42, %dma_start3A_43, %dma_start3A_44] : memref<2624x2x128xi32, #tpu.memory_space<hbm>> -> memref<1x2x128xi32, #tpu.memory_space<hbm>>
    %dma_start3A_46 = tpu.memref_squeeze %dma_start3A_45 : memref<1x2x128xi32, #tpu.memory_space<hbm>> -> memref<2x128xi32, #tpu.memory_space<hbm>>
    %dma_start3A_47 = arith.constant 0 : i32
    %dma_start3A_48 = arith.constant 0 : i32
    %dma_start3A_49 = tpu.memref_slice %arg3[%add3A_42, %dma_start3A_47, %dma_start3A_48] : memref<2624x2x128xi32, #tpu.memory_space<hbm>> -> memref<1x2x128xi32, #tpu.memory_space<hbm>>
    %dma_start3A_50 = tpu.memref_squeeze %dma_start3A_49 : memref<1x2x128xi32, #tpu.memory_space<hbm>> -> memref<2x128xi32, #tpu.memory_space<hbm>>
    tpu.enqueue_dma source(%dma_start3A_50 : memref<2x128xi32, #tpu.memory_space<hbm>>) target(%arg12 : memref<2x128xi32, #tpu.memory_space<vmem>>) target_semaphore(%arg26 : memref<!tpu.dma_semaphore, #tpu.memory_space<semaphore_mem>>)
    %add3A_51 = arith.constant 32 : i32
    %add3A_52 = arith.addi %arg1, %add3A_51 : i32
    %dma_start3A_53 = arith.constant 0 : i32
    %dma_start3A_54 = arith.constant 0 : i32
    %dma_start3A_55 = tpu.memref_slice %arg3[%add3A_52, %dma_start3A_53, %dma_start3A_54] : memref<2624x2x128xi32, #tpu.memory_space<hbm>> -> memref<1x2x128xi32, #tpu.memory_space<hbm>>
    %dma_start3A_56 = tpu.memref_squeeze %dma_start3A_55 : memref<1x2x128xi32, #tpu.memory_space<hbm>> -> memref<2x128xi32, #tpu.memory_space<hbm>>
    %dma_start3A_57 = arith.constant 0 : i32
    %dma_start3A_58 = arith.constant 0 : i32
    %dma_start3A_59 = tpu.memref_slice %arg3[%add3A_52, %dma_start3A_57, %dma_start3A_58] : memref<2624x2x128xi32, #tpu.memory_space<hbm>> -> memref<1x2x128xi32, #tpu.memory_space<hbm>>
    %dma_start3A_60 = tpu.memref_squeeze %dma_start3A_59 : memref<1x2x128xi32, #tpu.memory_space<hbm>> -> memref<2x128xi32, #tpu.memory_space<hbm>>
    tpu.enqueue_dma source(%dma_start3A_60 : memref<2x128xi32, #tpu.memory_space<hbm>>) target(%arg13 : memref<2x128xi32, #tpu.memory_space<vmem>>) target_semaphore(%arg27 : memref<!tpu.dma_semaphore, #tpu.memory_space<semaphore_mem>>)
    %add3A_61 = arith.constant 48 : i32
    %add3A_62 = arith.addi %arg1, %add3A_61 : i32
    %dma_start3A_63 = arith.constant 0 : i32
    %dma_start3A_64 = arith.constant 0 : i32
    %dma_start3A_65 = tpu.memref_slice %arg3[%add3A_62, %dma_start3A_63, %dma_start3A_64] : memref<2624x2x128xi32, #tpu.memory_space<hbm>> -> memref<1x2x128xi32, #tpu.memory_space<hbm>>
    %dma_start3A_66 = tpu.memref_squeeze %dma_start3A_65 : memref<1x2x128xi32, #tpu.memory_space<hbm>> -> memref<2x128xi32, #tpu.memory_space<hbm>>
    %dma_start3A_67 = arith.constant 0 : i32
    %dma_start3A_68 = arith.constant 0 : i32
    %dma_start3A_69 = tpu.memref_slice %arg3[%add3A_62, %dma_start3A_67, %dma_start3A_68] : memref<2624x2x128xi32, #tpu.memory_space<hbm>> -> memref<1x2x128xi32, #tpu.memory_space<hbm>>
    %dma_start3A_70 = tpu.memref_squeeze %dma_start3A_69 : memref<1x2x128xi32, #tpu.memory_space<hbm>> -> memref<2x128xi32, #tpu.memory_space<hbm>>
    tpu.enqueue_dma source(%dma_start3A_70 : memref<2x128xi32, #tpu.memory_space<hbm>>) target(%arg14 : memref<2x128xi32, #tpu.memory_space<vmem>>) target_semaphore(%arg28 : memref<!tpu.dma_semaphore, #tpu.memory_space<semaphore_mem>>)
    %dma_wait3A = arith.constant 0 : i32
    %dma_wait3A_71 = arith.constant 0 : i32
    %dma_wait3A_72 = arith.constant 0 : i32
    %dma_wait3A_73 = tpu.memref_slice %arg3[%dma_wait3A, %dma_wait3A_71, %dma_wait3A_72] : memref<2624x2x128xi32, #tpu.memory_space<hbm>> -> memref<1x2x128xi32, #tpu.memory_space<hbm>>
    %dma_wait3A_74 = tpu.memref_squeeze %dma_wait3A_73 : memref<1x2x128xi32, #tpu.memory_space<hbm>> -> memref<2x128xi32, #tpu.memory_space<hbm>>
    %dma_wait3A_75 = arith.constant 0 : i32
    %dma_wait3A_76 = arith.constant 0 : i32
    %dma_wait3A_77 = tpu.memref_slice %arg3[%dma_wait3A, %dma_wait3A_75, %dma_wait3A_76] : memref<2624x2x128xi32, #tpu.memory_space<hbm>> -> memref<1x2x128xi32, #tpu.memory_space<hbm>>
    %dma_wait3A_78 = tpu.memref_squeeze %dma_wait3A_77 : memref<1x2x128xi32, #tpu.memory_space<hbm>> -> memref<2x128xi32, #tpu.memory_space<hbm>>
    tpu.wait_dma2 semaphore(%arg25 : memref<!tpu.dma_semaphore, #tpu.memory_space<semaphore_mem>>) src(%dma_wait3A_78 : memref<2x128xi32, #tpu.memory_space<hbm>>) dst(%arg11 : memref<2x128xi32, #tpu.memory_space<vmem>>)
    %dma_start3A_79 = arith.constant 0 : i32
    %dma_start3A_80 = arith.constant 0 : i32
    %dma_start3A_81 = tpu.memref_slice %arg11[%dma_start3A_79, %dma_start3A_80] : memref<2x128xi32, #tpu.memory_space<vmem>> -> memref<1x128xi32, #tpu.memory_space<vmem>>
    %dma_start3A_82 = tpu.memref_squeeze %dma_start3A_81 : memref<1x128xi32, #tpu.memory_space<vmem>> -> memref<128xi32, #tpu.memory_space<vmem>>
    %dma_start3A_83 = arith.constant 0 : i32
    %dma_start3A_84 = arith.constant 0 : i32
    %dma_start3A_85 = tpu.memref_slice %arg6[%dma_start3A_83, %dma_start3A_84] : memref<10240x64xf32, #tpu.memory_space<vmem_shared>> -> memref<10240x64xf32, #tpu.memory_space<vmem_shared>>
    tpu.enqueue_indirect_dma source(%dma_start3A_85 : memref<10240x64xf32, #tpu.memory_space<vmem_shared>>) target(%arg7 : memref<128x64xf32, #tpu.memory_space<vmem>>) offsets(%dma_start3A_82 : memref<128xi32, #tpu.memory_space<vmem>>) semaphore(%arg17 : memref<!tpu.dma_semaphore, #tpu.memory_space<semaphore_mem>>)
    %dma_wait3A_86 = arith.constant 0 : i32
    %dma_wait3A_87 = arith.constant 0 : i32
    %dma_wait3A_88 = arith.constant 0 : i32
    %dma_wait3A_89 = tpu.memref_slice %arg3[%dma_wait3A_86, %dma_wait3A_87, %dma_wait3A_88] : memref<2624x2x128xi32, #tpu.memory_space<hbm>> -> memref<1x2x128xi32, #tpu.memory_space<hbm>>
    %dma_wait3A_90 = tpu.memref_squeeze %dma_wait3A_89 : memref<1x2x128xi32, #tpu.memory_space<hbm>> -> memref<2x128xi32, #tpu.memory_space<hbm>>
    %dma_wait3A_91 = arith.constant 0 : i32
    %dma_wait3A_92 = arith.constant 0 : i32
    %dma_wait3A_93 = tpu.memref_slice %arg3[%dma_wait3A_86, %dma_wait3A_91, %dma_wait3A_92] : memref<2624x2x128xi32, #tpu.memory_space<hbm>> -> memref<1x2x128xi32, #tpu.memory_space<hbm>>
    %dma_wait3A_94 = tpu.memref_squeeze %dma_wait3A_93 : memref<1x2x128xi32, #tpu.memory_space<hbm>> -> memref<2x128xi32, #tpu.memory_space<hbm>>
    tpu.wait_dma2 semaphore(%arg26 : memref<!tpu.dma_semaphore, #tpu.memory_space<semaphore_mem>>) src(%dma_wait3A_94 : memref<2x128xi32, #tpu.memory_space<hbm>>) dst(%arg12 : memref<2x128xi32, #tpu.memory_space<vmem>>)
    %dma_start3A_95 = arith.constant 0 : i32
    %dma_start3A_96 = arith.constant 0 : i32
    %dma_start3A_97 = tpu.memref_slice %arg12[%dma_start3A_95, %dma_start3A_96] : memref<2x128xi32, #tpu.memory_space<vmem>> -> memref<1x128xi32, #tpu.memory_space<vmem>>
    %dma_start3A_98 = tpu.memref_squeeze %dma_start3A_97 : memref<1x128xi32, #tpu.memory_space<vmem>> -> memref<128xi32, #tpu.memory_space<vmem>>
    %dma_start3A_99 = arith.constant 0 : i32
    %dma_start3A_100 = arith.constant 0 : i32
    %dma_start3A_101 = tpu.memref_slice %arg6[%dma_start3A_99, %dma_start3A_100] : memref<10240x64xf32, #tpu.memory_space<vmem_shared>> -> memref<10240x64xf32, #tpu.memory_space<vmem_shared>>
    tpu.enqueue_indirect_dma source(%dma_start3A_101 : memref<10240x64xf32, #tpu.memory_space<vmem_shared>>) target(%arg8 : memref<128x64xf32, #tpu.memory_space<vmem>>) offsets(%dma_start3A_98 : memref<128xi32, #tpu.memory_space<vmem>>) semaphore(%arg18 : memref<!tpu.dma_semaphore, #tpu.memory_space<semaphore_mem>>)
    %dma_wait3A_102 = arith.constant 0 : i32
    %dma_wait3A_103 = arith.constant 0 : i32
    %dma_wait3A_104 = arith.constant 0 : i32
    %dma_wait3A_105 = tpu.memref_slice %arg3[%dma_wait3A_102, %dma_wait3A_103, %dma_wait3A_104] : memref<2624x2x128xi32, #tpu.memory_space<hbm>> -> memref<1x2x128xi32, #tpu.memory_space<hbm>>
    %dma_wait3A_106 = tpu.memref_squeeze %dma_wait3A_105 : memref<1x2x128xi32, #tpu.memory_space<hbm>> -> memref<2x128xi32, #tpu.memory_space<hbm>>
    %dma_wait3A_107 = arith.constant 0 : i32
    %dma_wait3A_108 = arith.constant 0 : i32
    %dma_wait3A_109 = tpu.memref_slice %arg3[%dma_wait3A_102, %dma_wait3A_107, %dma_wait3A_108] : memref<2624x2x128xi32, #tpu.memory_space<hbm>> -> memref<1x2x128xi32, #tpu.memory_space<hbm>>
    %dma_wait3A_110 = tpu.memref_squeeze %dma_wait3A_109 : memref<1x2x128xi32, #tpu.memory_space<hbm>> -> memref<2x128xi32, #tpu.memory_space<hbm>>
    tpu.wait_dma2 semaphore(%arg27 : memref<!tpu.dma_semaphore, #tpu.memory_space<semaphore_mem>>) src(%dma_wait3A_110 : memref<2x128xi32, #tpu.memory_space<hbm>>) dst(%arg13 : memref<2x128xi32, #tpu.memory_space<vmem>>)
    %dma_start3A_111 = arith.constant 0 : i32
    %dma_start3A_112 = arith.constant 0 : i32
    %dma_start3A_113 = tpu.memref_slice %arg13[%dma_start3A_111, %dma_start3A_112] : memref<2x128xi32, #tpu.memory_space<vmem>> -> memref<1x128xi32, #tpu.memory_space<vmem>>
    %dma_start3A_114 = tpu.memref_squeeze %dma_start3A_113 : memref<1x128xi32, #tpu.memory_space<vmem>> -> memref<128xi32, #tpu.memory_space<vmem>>
    %dma_start3A_115 = arith.constant 0 : i32
    %dma_start3A_116 = arith.constant 0 : i32
    %dma_start3A_117 = tpu.memref_slice %arg6[%dma_start3A_115, %dma_start3A_116] : memref<10240x64xf32, #tpu.memory_space<vmem_shared>> -> memref<10240x64xf32, #tpu.memory_space<vmem_shared>>
    tpu.enqueue_indirect_dma source(%dma_start3A_117 : memref<10240x64xf32, #tpu.memory_space<vmem_shared>>) target(%arg9 : memref<128x64xf32, #tpu.memory_space<vmem>>) offsets(%dma_start3A_114 : memref<128xi32, #tpu.memory_space<vmem>>) semaphore(%arg19 : memref<!tpu.dma_semaphore, #tpu.memory_space<semaphore_mem>>)
    %add3A_118 = arith.constant 64 : i32
    %add3A_119 = arith.addi %arg1, %add3A_118 : i32
    %dma_start3A_120 = arith.constant 0 : i32
    %dma_start3A_121 = arith.constant 0 : i32
    %dma_start3A_122 = tpu.memref_slice %arg3[%add3A_119, %dma_start3A_120, %dma_start3A_121] : memref<2624x2x128xi32, #tpu.memory_space<hbm>> -> memref<1x2x128xi32, #tpu.memory_space<hbm>>
    %dma_start3A_123 = tpu.memref_squeeze %dma_start3A_122 : memref<1x2x128xi32, #tpu.memory_space<hbm>> -> memref<2x128xi32, #tpu.memory_space<hbm>>
    %dma_start3A_124 = arith.constant 0 : i32
    %dma_start3A_125 = arith.constant 0 : i32
    %dma_start3A_126 = tpu.memref_slice %arg3[%add3A_119, %dma_start3A_124, %dma_start3A_125] : memref<2624x2x128xi32, #tpu.memory_space<hbm>> -> memref<1x2x128xi32, #tpu.memory_space<hbm>>
    %dma_start3A_127 = tpu.memref_squeeze %dma_start3A_126 : memref<1x2x128xi32, #tpu.memory_space<hbm>> -> memref<2x128xi32, #tpu.memory_space<hbm>>
    tpu.enqueue_dma source(%dma_start3A_127 : memref<2x128xi32, #tpu.memory_space<hbm>>) target(%arg15 : memref<2x128xi32, #tpu.memory_space<vmem>>) target_semaphore(%arg29 : memref<!tpu.dma_semaphore, #tpu.memory_space<semaphore_mem>>)
    %dma_wait3A_128 = arith.constant 0 : i32
    %dma_wait3A_129 = arith.constant 0 : i32
    %dma_wait3A_130 = tpu.memref_slice %arg11[%dma_wait3A_128, %dma_wait3A_129] : memref<2x128xi32, #tpu.memory_space<vmem>> -> memref<1x128xi32, #tpu.memory_space<vmem>>
    %dma_wait3A_131 = tpu.memref_squeeze %dma_wait3A_130 : memref<1x128xi32, #tpu.memory_space<vmem>> -> memref<128xi32, #tpu.memory_space<vmem>>
    %dma_wait3A_132 = arith.constant 0 : i32
    %dma_wait3A_133 = arith.constant 0 : i32
    %dma_wait3A_134 = tpu.memref_slice %arg6[%dma_wait3A_132, %dma_wait3A_133] : memref<10240x64xf32, #tpu.memory_space<vmem_shared>> -> memref<10240x64xf32, #tpu.memory_space<vmem_shared>>
    tpu.wait_indirect_dma semaphore(%arg17 : memref<!tpu.dma_semaphore, #tpu.memory_space<semaphore_mem>>) src(%dma_wait3A_134 : memref<10240x64xf32, #tpu.memory_space<vmem_shared>>) dst(%arg7 : memref<128x64xf32, #tpu.memory_space<vmem>>)
    %dma_start3A_135 = arith.constant 1 : i32
    %dma_start3A_136 = arith.constant 0 : i32
    %dma_start3A_137 = tpu.memref_slice %arg11[%dma_start3A_135, %dma_start3A_136] : memref<2x128xi32, #tpu.memory_space<vmem>> -> memref<1x128xi32, #tpu.memory_space<vmem>>
    %dma_start3A_138 = tpu.memref_squeeze %dma_start3A_137 : memref<1x128xi32, #tpu.memory_space<vmem>> -> memref<128xi32, #tpu.memory_space<vmem>>
    %dma_start3A_139 = arith.constant 0 : i32
    %dma_start3A_140 = arith.constant 0 : i32
    %dma_start3A_141 = tpu.memref_slice %arg5[%dma_start3A_139, %dma_start3A_140] : memref<10240x64xf32, #tpu.memory_space<vmem_shared>> -> memref<10240x64xf32, #tpu.memory_space<vmem_shared>>
    tpu.enqueue_indirect_dma source(%arg7 : memref<128x64xf32, #tpu.memory_space<vmem>>) target(%dma_start3A_141 : memref<10240x64xf32, #tpu.memory_space<vmem_shared>>) offsets(%dma_start3A_138 : memref<128xi32, #tpu.memory_space<vmem>>) semaphore(%arg21 : memref<!tpu.dma_semaphore, #tpu.memory_space<semaphore_mem>>) {add = true}
    %dma_wait3A_142 = arith.constant 0 : i32
    %dma_wait3A_143 = arith.constant 0 : i32
    %dma_wait3A_144 = arith.constant 0 : i32
    %dma_wait3A_145 = tpu.memref_slice %arg3[%dma_wait3A_142, %dma_wait3A_143, %dma_wait3A_144] : memref<2624x2x128xi32, #tpu.memory_space<hbm>> -> memref<1x2x128xi32, #tpu.memory_space<hbm>>
    %dma_wait3A_146 = tpu.memref_squeeze %dma_wait3A_145 : memref<1x2x128xi32, #tpu.memory_space<hbm>> -> memref<2x128xi32, #tpu.memory_space<hbm>>
    %dma_wait3A_147 = arith.constant 0 : i32
    %dma_wait3A_148 = arith.constant 0 : i32
    %dma_wait3A_149 = tpu.memref_slice %arg3[%dma_wait3A_142, %dma_wait3A_147, %dma_wait3A_148] : memref<2624x2x128xi32, #tpu.memory_space<hbm>> -> memref<1x2x128xi32, #tpu.memory_space<hbm>>
    %dma_wait3A_150 = tpu.memref_squeeze %dma_wait3A_149 : memref<1x2x128xi32, #tpu.memory_space<hbm>> -> memref<2x128xi32, #tpu.memory_space<hbm>>
    tpu.wait_dma2 semaphore(%arg28 : memref<!tpu.dma_semaphore, #tpu.memory_space<semaphore_mem>>) src(%dma_wait3A_150 : memref<2x128xi32, #tpu.memory_space<hbm>>) dst(%arg14 : memref<2x128xi32, #tpu.memory_space<vmem>>)
    %dma_start3A_151 = arith.constant 0 : i32
    %dma_start3A_152 = arith.constant 0 : i32
    %dma_start3A_153 = tpu.memref_slice %arg14[%dma_start3A_151, %dma_start3A_152] : memref<2x128xi32, #tpu.memory_space<vmem>> -> memref<1x128xi32, #tpu.memory_space<vmem>>
    %dma_start3A_154 = tpu.memref_squeeze %dma_start3A_153 : memref<1x128xi32, #tpu.memory_space<vmem>> -> memref<128xi32, #tpu.memory_space<vmem>>
    %dma_start3A_155 = arith.constant 0 : i32
    %dma_start3A_156 = arith.constant 0 : i32
    %dma_start3A_157 = tpu.memref_slice %arg6[%dma_start3A_155, %dma_start3A_156] : memref<10240x64xf32, #tpu.memory_space<vmem_shared>> -> memref<10240x64xf32, #tpu.memory_space<vmem_shared>>
    tpu.enqueue_indirect_dma source(%dma_start3A_157 : memref<10240x64xf32, #tpu.memory_space<vmem_shared>>) target(%arg10 : memref<128x64xf32, #tpu.memory_space<vmem>>) offsets(%dma_start3A_154 : memref<128xi32, #tpu.memory_space<vmem>>) semaphore(%arg20 : memref<!tpu.dma_semaphore, #tpu.memory_space<semaphore_mem>>)
    %add3A_158 = arith.constant 80 : i32
    %add3A_159 = arith.addi %arg1, %add3A_158 : i32
    %dma_start3A_160 = arith.constant 0 : i32
    %dma_start3A_161 = arith.constant 0 : i32
    %dma_start3A_162 = tpu.memref_slice %arg3[%add3A_159, %dma_start3A_160, %dma_start3A_161] : memref<2624x2x128xi32, #tpu.memory_space<hbm>> -> memref<1x2x128xi32, #tpu.memory_space<hbm>>
    %dma_start3A_163 = tpu.memref_squeeze %dma_start3A_162 : memref<1x2x128xi32, #tpu.memory_space<hbm>> -> memref<2x128xi32, #tpu.memory_space<hbm>>
    %dma_start3A_164 = arith.constant 0 : i32
    %dma_start3A_165 = arith.constant 0 : i32
    %dma_start3A_166 = tpu.memref_slice %arg3[%add3A_159, %dma_start3A_164, %dma_start3A_165] : memref<2624x2x128xi32, #tpu.memory_space<hbm>> -> memref<1x2x128xi32, #tpu.memory_space<hbm>>
    %dma_start3A_167 = tpu.memref_squeeze %dma_start3A_166 : memref<1x2x128xi32, #tpu.memory_space<hbm>> -> memref<2x128xi32, #tpu.memory_space<hbm>>
    tpu.enqueue_dma source(%dma_start3A_167 : memref<2x128xi32, #tpu.memory_space<hbm>>) target(%arg16 : memref<2x128xi32, #tpu.memory_space<vmem>>) target_semaphore(%arg30 : memref<!tpu.dma_semaphore, #tpu.memory_space<semaphore_mem>>)
    %dma_wait3A_168 = arith.constant 0 : i32
    %dma_wait3A_169 = arith.constant 0 : i32
    %dma_wait3A_170 = tpu.memref_slice %arg12[%dma_wait3A_168, %dma_wait3A_169] : memref<2x128xi32, #tpu.memory_space<vmem>> -> memref<1x128xi32, #tpu.memory_space<vmem>>
    %dma_wait3A_171 = tpu.memref_squeeze %dma_wait3A_170 : memref<1x128xi32, #tpu.memory_space<vmem>> -> memref<128xi32, #tpu.memory_space<vmem>>
    %dma_wait3A_172 = arith.constant 0 : i32
    %dma_wait3A_173 = arith.constant 0 : i32
    %dma_wait3A_174 = tpu.memref_slice %arg6[%dma_wait3A_172, %dma_wait3A_173] : memref<10240x64xf32, #tpu.memory_space<vmem_shared>> -> memref<10240x64xf32, #tpu.memory_space<vmem_shared>>
    tpu.wait_indirect_dma semaphore(%arg18 : memref<!tpu.dma_semaphore, #tpu.memory_space<semaphore_mem>>) src(%dma_wait3A_174 : memref<10240x64xf32, #tpu.memory_space<vmem_shared>>) dst(%arg8 : memref<128x64xf32, #tpu.memory_space<vmem>>)
    %dma_start3A_175 = arith.constant 1 : i32
    %dma_start3A_176 = arith.constant 0 : i32
    %dma_start3A_177 = tpu.memref_slice %arg12[%dma_start3A_175, %dma_start3A_176] : memref<2x128xi32, #tpu.memory_space<vmem>> -> memref<1x128xi32, #tpu.memory_space<vmem>>
    %dma_start3A_178 = tpu.memref_squeeze %dma_start3A_177 : memref<1x128xi32, #tpu.memory_space<vmem>> -> memref<128xi32, #tpu.memory_space<vmem>>
    %dma_start3A_179 = arith.constant 0 : i32
    %dma_start3A_180 = arith.constant 0 : i32
    %dma_start3A_181 = tpu.memref_slice %arg5[%dma_start3A_179, %dma_start3A_180] : memref<10240x64xf32, #tpu.memory_space<vmem_shared>> -> memref<10240x64xf32, #tpu.memory_space<vmem_shared>>
    tpu.enqueue_indirect_dma source(%arg8 : memref<128x64xf32, #tpu.memory_space<vmem>>) target(%dma_start3A_181 : memref<10240x64xf32, #tpu.memory_space<vmem_shared>>) offsets(%dma_start3A_178 : memref<128xi32, #tpu.memory_space<vmem>>) semaphore(%arg22 : memref<!tpu.dma_semaphore, #tpu.memory_space<semaphore_mem>>) {add = true}
    %scan3A_182 = arith.constant 0 : i32
    %scan3A_183 = arith.constant 13 : i32
    %scan3A_184 = arith.addi %scan3A_182, %scan3A_183 : i32
    %scan3A_185 = arith.constant 1 : i32
    scf.for %scan3A_269 = %scan3A_182 to %scan3A_184 step %scan3A_185  : i32 {
      %mul3A_270 = arith.constant 1 : i32
      %mul3A_271 = arith.muli %scan3A_269, %mul3A_270 : i32
      %add3A_272 = arith.constant 0 : i32
      %add3A_273 = arith.addi %add3A_272, %mul3A_271 : i32
      %mul3A_274 = arith.constant 12 : i32
      %mul3A_275 = arith.muli %mul3A_274, %add3A_273 : i32
      %add3A_276 = arith.constant 2 : i32
      %add3A_277 = arith.addi %mul3A_275, %add3A_276 : i32
      %dma_wait3A_278 = arith.constant 0 : i32
      %dma_wait3A_279 = arith.constant 0 : i32
      %dma_wait3A_280 = arith.constant 0 : i32
      %dma_wait3A_281 = tpu.memref_slice %arg3[%dma_wait3A_278, %dma_wait3A_279, %dma_wait3A_280] : memref<2624x2x128xi32, #tpu.memory_space<hbm>> -> memref<1x2x128xi32, #tpu.memory_space<hbm>>
      %dma_wait3A_282 = tpu.memref_squeeze %dma_wait3A_281 : memref<1x2x128xi32, #tpu.memory_space<hbm>> -> memref<2x128xi32, #tpu.memory_space<hbm>>
      %dma_wait3A_283 = arith.constant 0 : i32
      %dma_wait3A_284 = arith.constant 0 : i32
      %dma_wait3A_285 = tpu.memref_slice %arg3[%dma_wait3A_278, %dma_wait3A_283, %dma_wait3A_284] : memref<2624x2x128xi32, #tpu.memory_space<hbm>> -> memref<1x2x128xi32, #tpu.memory_space<hbm>>
      %dma_wait3A_286 = tpu.memref_squeeze %dma_wait3A_285 : memref<1x2x128xi32, #tpu.memory_space<hbm>> -> memref<2x128xi32, #tpu.memory_space<hbm>>
      tpu.wait_dma2 semaphore(%arg29 : memref<!tpu.dma_semaphore, #tpu.memory_space<semaphore_mem>>) src(%dma_wait3A_286 : memref<2x128xi32, #tpu.memory_space<hbm>>) dst(%arg15 : memref<2x128xi32, #tpu.memory_space<vmem>>)
      %dma_wait3A_287 = arith.constant 1 : i32
      %dma_wait3A_288 = arith.constant 0 : i32
      %dma_wait3A_289 = tpu.memref_slice %arg11[%dma_wait3A_287, %dma_wait3A_288] : memref<2x128xi32, #tpu.memory_space<vmem>> -> memref<1x128xi32, #tpu.memory_space<vmem>>
      %dma_wait3A_290 = tpu.memref_squeeze %dma_wait3A_289 : memref<1x128xi32, #tpu.memory_space<vmem>> -> memref<128xi32, #tpu.memory_space<vmem>>
      %dma_wait3A_291 = arith.constant 0 : i32
      %dma_wait3A_292 = arith.constant 0 : i32
      %dma_wait3A_293 = tpu.memref_slice %arg5[%dma_wait3A_291, %dma_wait3A_292] : memref<10240x64xf32, #tpu.memory_space<vmem_shared>> -> memref<10240x64xf32, #tpu.memory_space<vmem_shared>>
      tpu.wait_indirect_dma semaphore(%arg21 : memref<!tpu.dma_semaphore, #tpu.memory_space<semaphore_mem>>) src(%arg7 : memref<128x64xf32, #tpu.memory_space<vmem>>) dst(%dma_wait3A_293 : memref<10240x64xf32, #tpu.memory_space<vmem_shared>>)
      %dma_start3A_294 = arith.constant 0 : i32
      %dma_start3A_295 = arith.constant 0 : i32
      %dma_start3A_296 = tpu.memref_slice %arg15[%dma_start3A_294, %dma_start3A_295] : memref<2x128xi32, #tpu.memory_space<vmem>> -> memref<1x128xi32, #tpu.memory_space<vmem>>
      %dma_start3A_297 = tpu.memref_squeeze %dma_start3A_296 : memref<1x128xi32, #tpu.memory_space<vmem>> -> memref<128xi32, #tpu.memory_space<vmem>>
      %dma_start3A_298 = arith.constant 0 : i32
      %dma_start3A_299 = arith.constant 0 : i32
      %dma_start3A_300 = tpu.memref_slice %arg6[%dma_start3A_298, %dma_start3A_299] : memref<10240x64xf32, #tpu.memory_space<vmem_shared>> -> memref<10240x64xf32, #tpu.memory_space<vmem_shared>>
      tpu.enqueue_indirect_dma source(%dma_start3A_300 : memref<10240x64xf32, #tpu.memory_space<vmem_shared>>) target(%arg7 : memref<128x64xf32, #tpu.memory_space<vmem>>) offsets(%dma_start3A_297 : memref<128xi32, #tpu.memory_space<vmem>>) semaphore(%arg17 : memref<!tpu.dma_semaphore, #tpu.memory_space<semaphore_mem>>)
      %add3A_301 = arith.constant 4 : i32
      %add3A_302 = arith.addi %add3A_277, %add3A_301 : i32
      %mul3A_303 = arith.constant 16 : i32
      %mul3A_304 = arith.muli %mul3A_303, %add3A_302 : i32
      %add3A_305 = arith.addi %arg1, %mul3A_304 : i32
      %dma_start3A_306 = arith.constant 0 : i32
      %dma_start3A_307 = arith.constant 0 : i32
      %dma_start3A_308 = tpu.memref_slice %arg3[%add3A_305, %dma_start3A_306, %dma_start3A_307] : memref<2624x2x128xi32, #tpu.memory_space<hbm>> -> memref<1x2x128xi32, #tpu.memory_space<hbm>>
      %dma_start3A_309 = tpu.memref_squeeze %dma_start3A_308 : memref<1x2x128xi32, #tpu.memory_space<hbm>> -> memref<2x128xi32, #tpu.memory_space<hbm>>
      %dma_start3A_310 = arith.constant 0 : i32
      %dma_start3A_311 = arith.constant 0 : i32
      %dma_start3A_312 = tpu.memref_slice %arg3[%add3A_305, %dma_start3A_310, %dma_start3A_311] : memref<2624x2x128xi32, #tpu.memory_space<hbm>> -> memref<1x2x128xi32, #tpu.memory_space<hbm>>
      %dma_start3A_313 = tpu.memref_squeeze %dma_start3A_312 : memref<1x2x128xi32, #tpu.memory_space<hbm>> -> memref<2x128xi32, #tpu.memory_space<hbm>>
      tpu.enqueue_dma source(%dma_start3A_313 : memref<2x128xi32, #tpu.memory_space<hbm>>) target(%arg11 : memref<2x128xi32, #tpu.memory_space<vmem>>) target_semaphore(%arg25 : memref<!tpu.dma_semaphore, #tpu.memory_space<semaphore_mem>>)
      %dma_wait3A_314 = arith.constant 0 : i32
      %dma_wait3A_315 = arith.constant 0 : i32
      %dma_wait3A_316 = tpu.memref_slice %arg13[%dma_wait3A_314, %dma_wait3A_315] : memref<2x128xi32, #tpu.memory_space<vmem>> -> memref<1x128xi32, #tpu.memory_space<vmem>>
      %dma_wait3A_317 = tpu.memref_squeeze %dma_wait3A_316 : memref<1x128xi32, #tpu.memory_space<vmem>> -> memref<128xi32, #tpu.memory_space<vmem>>
      %dma_wait3A_318 = arith.constant 0 : i32
      %dma_wait3A_319 = arith.constant 0 : i32
      %dma_wait3A_320 = tpu.memref_slice %arg6[%dma_wait3A_318, %dma_wait3A_319] : memref<10240x64xf32, #tpu.memory_space<vmem_shared>> -> memref<10240x64xf32, #tpu.memory_space<vmem_shared>>
      tpu.wait_indirect_dma semaphore(%arg19 : memref<!tpu.dma_semaphore, #tpu.memory_space<semaphore_mem>>) src(%dma_wait3A_320 : memref<10240x64xf32, #tpu.memory_space<vmem_shared>>) dst(%arg9 : memref<128x64xf32, #tpu.memory_space<vmem>>)
      %dma_start3A_321 = arith.constant 1 : i32
      %dma_start3A_322 = arith.constant 0 : i32
      %dma_start3A_323 = tpu.memref_slice %arg13[%dma_start3A_321, %dma_start3A_322] : memref<2x128xi32, #tpu.memory_space<vmem>> -> memref<1x128xi32, #tpu.memory_space<vmem>>
      %dma_start3A_324 = tpu.memref_squeeze %dma_start3A_323 : memref<1x128xi32, #tpu.memory_space<vmem>> -> memref<128xi32, #tpu.memory_space<vmem>>
      %dma_start3A_325 = arith.constant 0 : i32
      %dma_start3A_326 = arith.constant 0 : i32
      %dma_start3A_327 = tpu.memref_slice %arg5[%dma_start3A_325, %dma_start3A_326] : memref<10240x64xf32, #tpu.memory_space<vmem_shared>> -> memref<10240x64xf32, #tpu.memory_space<vmem_shared>>
      tpu.enqueue_indirect_dma source(%arg9 : memref<128x64xf32, #tpu.memory_space<vmem>>) target(%dma_start3A_327 : memref<10240x64xf32, #tpu.memory_space<vmem_shared>>) offsets(%dma_start3A_324 : memref<128xi32, #tpu.memory_space<vmem>>) semaphore(%arg23 : memref<!tpu.dma_semaphore, #tpu.memory_space<semaphore_mem>>) {add = true}
      %mul3A_328 = arith.constant 12 : i32
      %mul3A_329 = arith.muli %mul3A_328, %add3A_273 : i32
      %add3A_330 = arith.constant 3 : i32
      %add3A_331 = arith.addi %mul3A_329, %add3A_330 : i32
      %dma_wait3A_332 = arith.constant 0 : i32
      %dma_wait3A_333 = arith.constant 0 : i32
      %dma_wait3A_334 = arith.constant 0 : i32
      %dma_wait3A_335 = tpu.memref_slice %arg3[%dma_wait3A_332, %dma_wait3A_333, %dma_wait3A_334] : memref<2624x2x128xi32, #tpu.memory_space<hbm>> -> memref<1x2x128xi32, #tpu.memory_space<hbm>>
      %dma_wait3A_336 = tpu.memref_squeeze %dma_wait3A_335 : memref<1x2x128xi32, #tpu.memory_space<hbm>> -> memref<2x128xi32, #tpu.memory_space<hbm>>
      %dma_wait3A_337 = arith.constant 0 : i32
      %dma_wait3A_338 = arith.constant 0 : i32
      %dma_wait3A_339 = tpu.memref_slice %arg3[%dma_wait3A_332, %dma_wait3A_337, %dma_wait3A_338] : memref<2624x2x128xi32, #tpu.memory_space<hbm>> -> memref<1x2x128xi32, #tpu.memory_space<hbm>>
      %dma_wait3A_340 = tpu.memref_squeeze %dma_wait3A_339 : memref<1x2x128xi32, #tpu.memory_space<hbm>> -> memref<2x128xi32, #tpu.memory_space<hbm>>
      tpu.wait_dma2 semaphore(%arg30 : memref<!tpu.dma_semaphore, #tpu.memory_space<semaphore_mem>>) src(%dma_wait3A_340 : memref<2x128xi32, #tpu.memory_space<hbm>>) dst(%arg16 : memref<2x128xi32, #tpu.memory_space<vmem>>)
      %dma_wait3A_341 = arith.constant 1 : i32
      %dma_wait3A_342 = arith.constant 0 : i32
      %dma_wait3A_343 = tpu.memref_slice %arg12[%dma_wait3A_341, %dma_wait3A_342] : memref<2x128xi32, #tpu.memory_space<vmem>> -> memref<1x128xi32, #tpu.memory_space<vmem>>
      %dma_wait3A_344 = tpu.memref_squeeze %dma_wait3A_343 : memref<1x128xi32, #tpu.memory_space<vmem>> -> memref<128xi32, #tpu.memory_space<vmem>>
      %dma_wait3A_345 = arith.constant 0 : i32
      %dma_wait3A_346 = arith.constant 0 : i32
      %dma_wait3A_347 = tpu.memref_slice %arg5[%dma_wait3A_345, %dma_wait3A_346] : memref<10240x64xf32, #tpu.memory_space<vmem_shared>> -> memref<10240x64xf32, #tpu.memory_space<vmem_shared>>
      tpu.wait_indirect_dma semaphore(%arg22 : memref<!tpu.dma_semaphore, #tpu.memory_space<semaphore_mem>>) src(%arg8 : memref<128x64xf32, #tpu.memory_space<vmem>>) dst(%dma_wait3A_347 : memref<10240x64xf32, #tpu.memory_space<vmem_shared>>)
      %dma_start3A_348 = arith.constant 0 : i32
      %dma_start3A_349 = arith.constant 0 : i32
      %dma_start3A_350 = tpu.memref_slice %arg16[%dma_start3A_348, %dma_start3A_349] : memref<2x128xi32, #tpu.memory_space<vmem>> -> memref<1x128xi32, #tpu.memory_space<vmem>>
      %dma_start3A_351 = tpu.memref_squeeze %dma_start3A_350 : memref<1x128xi32, #tpu.memory_space<vmem>> -> memref<128xi32, #tpu.memory_space<vmem>>
      %dma_start3A_352 = arith.constant 0 : i32
      %dma_start3A_353 = arith.constant 0 : i32
      %dma_start3A_354 = tpu.memref_slice %arg6[%dma_start3A_352, %dma_start3A_353] : memref<10240x64xf32, #tpu.memory_space<vmem_shared>> -> memref<10240x64xf32, #tpu.memory_space<vmem_shared>>
      tpu.enqueue_indirect_dma source(%dma_start3A_354 : memref<10240x64xf32, #tpu.memory_space<vmem_shared>>) target(%arg8 : memref<128x64xf32, #tpu.memory_space<vmem>>) offsets(%dma_start3A_351 : memref<128xi32, #tpu.memory_space<vmem>>) semaphore(%arg18 : memref<!tpu.dma_semaphore, #tpu.memory_space<semaphore_mem>>)
      %add3A_355 = arith.constant 4 : i32
      %add3A_356 = arith.addi %add3A_331, %add3A_355 : i32
      %mul3A_357 = arith.constant 16 : i32
      %mul3A_358 = arith.muli %mul3A_357, %add3A_356 : i32
      %add3A_359 = arith.addi %arg1, %mul3A_358 : i32
      %dma_start3A_360 = arith.constant 0 : i32
      %dma_start3A_361 = arith.constant 0 : i32
      %dma_start3A_362 = tpu.memref_slice %arg3[%add3A_359, %dma_start3A_360, %dma_start3A_361] : memref<2624x2x128xi32, #tpu.memory_space<hbm>> -> memref<1x2x128xi32, #tpu.memory_space<hbm>>
      %dma_start3A_363 = tpu.memref_squeeze %dma_start3A_362 : memref<1x2x128xi32, #tpu.memory_space<hbm>> -> memref<2x128xi32, #tpu.memory_space<hbm>>
      %dma_start3A_364 = arith.constant 0 : i32
      %dma_start3A_365 = arith.constant 0 : i32
      %dma_start3A_366 = tpu.memref_slice %arg3[%add3A_359, %dma_start3A_364, %dma_start3A_365] : memref<2624x2x128xi32, #tpu.memory_space<hbm>> -> memref<1x2x128xi32, #tpu.memory_space<hbm>>
      %dma_start3A_367 = tpu.memref_squeeze %dma_start3A_366 : memref<1x2x128xi32, #tpu.memory_space<hbm>> -> memref<2x128xi32, #tpu.memory_space<hbm>>
      tpu.enqueue_dma source(%dma_start3A_367 : memref<2x128xi32, #tpu.memory_space<hbm>>) target(%arg12 : memref<2x128xi32, #tpu.memory_space<vmem>>) target_semaphore(%arg26 : memref<!tpu.dma_semaphore, #tpu.memory_space<semaphore_mem>>)
      %dma_wait3A_368 = arith.constant 0 : i32
      %dma_wait3A_369 = arith.constant 0 : i32
      %dma_wait3A_370 = tpu.memref_slice %arg14[%dma_wait3A_368, %dma_wait3A_369] : memref<2x128xi32, #tpu.memory_space<vmem>> -> memref<1x128xi32, #tpu.memory_space<vmem>>
      %dma_wait3A_371 = tpu.memref_squeeze %dma_wait3A_370 : memref<1x128xi32, #tpu.memory_space<vmem>> -> memref<128xi32, #tpu.memory_space<vmem>>
      %dma_wait3A_372 = arith.constant 0 : i32
      %dma_wait3A_373 = arith.constant 0 : i32
      %dma_wait3A_374 = tpu.memref_slice %arg6[%dma_wait3A_372, %dma_wait3A_373] : memref<10240x64xf32, #tpu.memory_space<vmem_shared>> -> memref<10240x64xf32, #tpu.memory_space<vmem_shared>>
      tpu.wait_indirect_dma semaphore(%arg20 : memref<!tpu.dma_semaphore, #tpu.memory_space<semaphore_mem>>) src(%dma_wait3A_374 : memref<10240x64xf32, #tpu.memory_space<vmem_shared>>) dst(%arg10 : memref<128x64xf32, #tpu.memory_space<vmem>>)
      %dma_start3A_375 = arith.constant 1 : i32
      %dma_start3A_376 = arith.constant 0 : i32
      %dma_start3A_377 = tpu.memref_slice %arg14[%dma_start3A_375, %dma_start3A_376] : memref<2x128xi32, #tpu.memory_space<vmem>> -> memref<1x128xi32, #tpu.memory_space<vmem>>
      %dma_start3A_378 = tpu.memref_squeeze %dma_start3A_377 : memref<1x128xi32, #tpu.memory_space<vmem>> -> memref<128xi32, #tpu.memory_space<vmem>>
      %dma_start3A_379 = arith.constant 0 : i32
      %dma_start3A_380 = arith.constant 0 : i32
      %dma_start3A_381 = tpu.memref_slice %arg5[%dma_start3A_379, %dma_start3A_380] : memref<10240x64xf32, #tpu.memory_space<vmem_shared>> -> memref<10240x64xf32, #tpu.memory_space<vmem_shared>>
      tpu.enqueue_indirect_dma source(%arg10 : memref<128x64xf32, #tpu.memory_space<vmem>>) target(%dma_start3A_381 : memref<10240x64xf32, #tpu.memory_space<vmem_shared>>) offsets(%dma_start3A_378 : memref<128xi32, #tpu.memory_space<vmem>>) semaphore(%arg24 : memref<!tpu.dma_semaphore, #tpu.memory_space<semaphore_mem>>) {add = true}
      %mul3A_382 = arith.constant 12 : i32
      %mul3A_383 = arith.muli %mul3A_382, %add3A_273 : i32
      %add3A_384 = arith.constant 4 : i32
      %add3A_385 = arith.addi %mul3A_383, %add3A_384 : i32
      %dma_wait3A_386 = arith.constant 0 : i32
      %dma_wait3A_387 = arith.constant 0 : i32
      %dma_wait3A_388 = arith.constant 0 : i32
      %dma_wait3A_389 = tpu.memref_slice %arg3[%dma_wait3A_386, %dma_wait3A_387, %dma_wait3A_388] : memref<2624x2x128xi32, #tpu.memory_space<hbm>> -> memref<1x2x128xi32, #tpu.memory_space<hbm>>
      %dma_wait3A_390 = tpu.memref_squeeze %dma_wait3A_389 : memref<1x2x128xi32, #tpu.memory_space<hbm>> -> memref<2x128xi32, #tpu.memory_space<hbm>>
      %dma_wait3A_391 = arith.constant 0 : i32
      %dma_wait3A_392 = arith.constant 0 : i32
      %dma_wait3A_393 = tpu.memref_slice %arg3[%dma_wait3A_386, %dma_wait3A_391, %dma_wait3A_392] : memref<2624x2x128xi32, #tpu.memory_space<hbm>> -> memref<1x2x128xi32, #tpu.memory_space<hbm>>
      %dma_wait3A_394 = tpu.memref_squeeze %dma_wait3A_393 : memref<1x2x128xi32, #tpu.memory_space<hbm>> -> memref<2x128xi32, #tpu.memory_space<hbm>>
      tpu.wait_dma2 semaphore(%arg25 : memref<!tpu.dma_semaphore, #tpu.memory_space<semaphore_mem>>) src(%dma_wait3A_394 : memref<2x128xi32, #tpu.memory_space<hbm>>) dst(%arg11 : memref<2x128xi32, #tpu.memory_space<vmem>>)
      %dma_wait3A_395 = arith.constant 1 : i32
      %dma_wait3A_396 = arith.constant 0 : i32
      %dma_wait3A_397 = tpu.memref_slice %arg13[%dma_wait3A_395, %dma_wait3A_396] : memref<2x128xi32, #tpu.memory_space<vmem>> -> memref<1x128xi32, #tpu.memory_space<vmem>>
      %dma_wait3A_398 = tpu.memref_squeeze %dma_wait3A_397 : memref<1x128xi32, #tpu.memory_space<vmem>> -> memref<128xi32, #tpu.memory_space<vmem>>
      %dma_wait3A_399 = arith.constant 0 : i32
      %dma_wait3A_400 = arith.constant 0 : i32
      %dma_wait3A_401 = tpu.memref_slice %arg5[%dma_wait3A_399, %dma_wait3A_400] : memref<10240x64xf32, #tpu.memory_space<vmem_shared>> -> memref<10240x64xf32, #tpu.memory_space<vmem_shared>>
      tpu.wait_indirect_dma semaphore(%arg23 : memref<!tpu.dma_semaphore, #tpu.memory_space<semaphore_mem>>) src(%arg9 : memref<128x64xf32, #tpu.memory_space<vmem>>) dst(%dma_wait3A_401 : memref<10240x64xf32, #tpu.memory_space<vmem_shared>>)
      %dma_start3A_402 = arith.constant 0 : i32
      %dma_start3A_403 = arith.constant 0 : i32
      %dma_start3A_404 = tpu.memref_slice %arg11[%dma_start3A_402, %dma_start3A_403] : memref<2x128xi32, #tpu.memory_space<vmem>> -> memref<1x128xi32, #tpu.memory_space<vmem>>
      %dma_start3A_405 = tpu.memref_squeeze %dma_start3A_404 : memref<1x128xi32, #tpu.memory_space<vmem>> -> memref<128xi32, #tpu.memory_space<vmem>>
      %dma_start3A_406 = arith.constant 0 : i32
      %dma_start3A_407 = arith.constant 0 : i32
      %dma_start3A_408 = tpu.memref_slice %arg6[%dma_start3A_406, %dma_start3A_407] : memref<10240x64xf32, #tpu.memory_space<vmem_shared>> -> memref<10240x64xf32, #tpu.memory_space<vmem_shared>>
      tpu.enqueue_indirect_dma source(%dma_start3A_408 : memref<10240x64xf32, #tpu.memory_space<vmem_shared>>) target(%arg9 : memref<128x64xf32, #tpu.memory_space<vmem>>) offsets(%dma_start3A_405 : memref<128xi32, #tpu.memory_space<vmem>>) semaphore(%arg19 : memref<!tpu.dma_semaphore, #tpu.memory_space<semaphore_mem>>)
      %add3A_409 = arith.constant 4 : i32
      %add3A_410 = arith.addi %add3A_385, %add3A_409 : i32
      %mul3A_411 = arith.constant 16 : i32
      %mul3A_412 = arith.muli %mul3A_411, %add3A_410 : i32
      %add3A_413 = arith.addi %arg1, %mul3A_412 : i32
      %dma_start3A_414 = arith.constant 0 : i32
      %dma_start3A_415 = arith.constant 0 : i32
      %dma_start3A_416 = tpu.memref_slice %arg3[%add3A_413, %dma_start3A_414, %dma_start3A_415] : memref<2624x2x128xi32, #tpu.memory_space<hbm>> -> memref<1x2x128xi32, #tpu.memory_space<hbm>>
      %dma_start3A_417 = tpu.memref_squeeze %dma_start3A_416 : memref<1x2x128xi32, #tpu.memory_space<hbm>> -> memref<2x128xi32, #tpu.memory_space<hbm>>
      %dma_start3A_418 = arith.constant 0 : i32
      %dma_start3A_419 = arith.constant 0 : i32
      %dma_start3A_420 = tpu.memref_slice %arg3[%add3A_413, %dma_start3A_418, %dma_start3A_419] : memref<2624x2x128xi32, #tpu.memory_space<hbm>> -> memref<1x2x128xi32, #tpu.memory_space<hbm>>
      %dma_start3A_421 = tpu.memref_squeeze %dma_start3A_420 : memref<1x2x128xi32, #tpu.memory_space<hbm>> -> memref<2x128xi32, #tpu.memory_space<hbm>>
      tpu.enqueue_dma source(%dma_start3A_421 : memref<2x128xi32, #tpu.memory_space<hbm>>) target(%arg13 : memref<2x128xi32, #tpu.memory_space<vmem>>) target_semaphore(%arg27 : memref<!tpu.dma_semaphore, #tpu.memory_space<semaphore_mem>>)
      %dma_wait3A_422 = arith.constant 0 : i32
      %dma_wait3A_423 = arith.constant 0 : i32
      %dma_wait3A_424 = tpu.memref_slice %arg15[%dma_wait3A_422, %dma_wait3A_423] : memref<2x128xi32, #tpu.memory_space<vmem>> -> memref<1x128xi32, #tpu.memory_space<vmem>>
      %dma_wait3A_425 = tpu.memref_squeeze %dma_wait3A_424 : memref<1x128xi32, #tpu.memory_space<vmem>> -> memref<128xi32, #tpu.memory_space<vmem>>
      %dma_wait3A_426 = arith.constant 0 : i32
      %dma_wait3A_427 = arith.constant 0 : i32
      %dma_wait3A_428 = tpu.memref_slice %arg6[%dma_wait3A_426, %dma_wait3A_427] : memref<10240x64xf32, #tpu.memory_space<vmem_shared>> -> memref<10240x64xf32, #tpu.memory_space<vmem_shared>>
      tpu.wait_indirect_dma semaphore(%arg17 : memref<!tpu.dma_semaphore, #tpu.memory_space<semaphore_mem>>) src(%dma_wait3A_428 : memref<10240x64xf32, #tpu.memory_space<vmem_shared>>) dst(%arg7 : memref<128x64xf32, #tpu.memory_space<vmem>>)
      %dma_start3A_429 = arith.constant 1 : i32
      %dma_start3A_430 = arith.constant 0 : i32
      %dma_start3A_431 = tpu.memref_slice %arg15[%dma_start3A_429, %dma_start3A_430] : memref<2x128xi32, #tpu.memory_space<vmem>> -> memref<1x128xi32, #tpu.memory_space<vmem>>
      %dma_start3A_432 = tpu.memref_squeeze %dma_start3A_431 : memref<1x128xi32, #tpu.memory_space<vmem>> -> memref<128xi32, #tpu.memory_space<vmem>>
      %dma_start3A_433 = arith.constant 0 : i32
      %dma_start3A_434 = arith.constant 0 : i32
      %dma_start3A_435 = tpu.memref_slice %arg5[%dma_start3A_433, %dma_start3A_434] : memref<10240x64xf32, #tpu.memory_space<vmem_shared>> -> memref<10240x64xf32, #tpu.memory_space<vmem_shared>>
      tpu.enqueue_indirect_dma source(%arg7 : memref<128x64xf32, #tpu.memory_space<vmem>>) target(%dma_start3A_435 : memref<10240x64xf32, #tpu.memory_space<vmem_shared>>) offsets(%dma_start3A_432 : memref<128xi32, #tpu.memory_space<vmem>>) semaphore(%arg21 : memref<!tpu.dma_semaphore, #tpu.memory_space<semaphore_mem>>) {add = true}
      %mul3A_436 = arith.constant 12 : i32
      %mul3A_437 = arith.muli %mul3A_436, %add3A_273 : i32
      %add3A_438 = arith.constant 5 : i32
      %add3A_439 = arith.addi %mul3A_437, %add3A_438 : i32
      %dma_wait3A_440 = arith.constant 0 : i32
      %dma_wait3A_441 = arith.constant 0 : i32
      %dma_wait3A_442 = arith.constant 0 : i32
      %dma_wait3A_443 = tpu.memref_slice %arg3[%dma_wait3A_440, %dma_wait3A_441, %dma_wait3A_442] : memref<2624x2x128xi32, #tpu.memory_space<hbm>> -> memref<1x2x128xi32, #tpu.memory_space<hbm>>
      %dma_wait3A_444 = tpu.memref_squeeze %dma_wait3A_443 : memref<1x2x128xi32, #tpu.memory_space<hbm>> -> memref<2x128xi32, #tpu.memory_space<hbm>>
      %dma_wait3A_445 = arith.constant 0 : i32
      %dma_wait3A_446 = arith.constant 0 : i32
      %dma_wait3A_447 = tpu.memref_slice %arg3[%dma_wait3A_440, %dma_wait3A_445, %dma_wait3A_446] : memref<2624x2x128xi32, #tpu.memory_space<hbm>> -> memref<1x2x128xi32, #tpu.memory_space<hbm>>
      %dma_wait3A_448 = tpu.memref_squeeze %dma_wait3A_447 : memref<1x2x128xi32, #tpu.memory_space<hbm>> -> memref<2x128xi32, #tpu.memory_space<hbm>>
      tpu.wait_dma2 semaphore(%arg26 : memref<!tpu.dma_semaphore, #tpu.memory_space<semaphore_mem>>) src(%dma_wait3A_448 : memref<2x128xi32, #tpu.memory_space<hbm>>) dst(%arg12 : memref<2x128xi32, #tpu.memory_space<vmem>>)
      %dma_wait3A_449 = arith.constant 1 : i32
      %dma_wait3A_450 = arith.constant 0 : i32
      %dma_wait3A_451 = tpu.memref_slice %arg14[%dma_wait3A_449, %dma_wait3A_450] : memref<2x128xi32, #tpu.memory_space<vmem>> -> memref<1x128xi32, #tpu.memory_space<vmem>>
      %dma_wait3A_452 = tpu.memref_squeeze %dma_wait3A_451 : memref<1x128xi32, #tpu.memory_space<vmem>> -> memref<128xi32, #tpu.memory_space<vmem>>
      %dma_wait3A_453 = arith.constant 0 : i32
      %dma_wait3A_454 = arith.constant 0 : i32
      %dma_wait3A_455 = tpu.memref_slice %arg5[%dma_wait3A_453, %dma_wait3A_454] : memref<10240x64xf32, #tpu.memory_space<vmem_shared>> -> memref<10240x64xf32, #tpu.memory_space<vmem_shared>>
      tpu.wait_indirect_dma semaphore(%arg24 : memref<!tpu.dma_semaphore, #tpu.memory_space<semaphore_mem>>) src(%arg10 : memref<128x64xf32, #tpu.memory_space<vmem>>) dst(%dma_wait3A_455 : memref<10240x64xf32, #tpu.memory_space<vmem_shared>>)
      %dma_start3A_456 = arith.constant 0 : i32
      %dma_start3A_457 = arith.constant 0 : i32
      %dma_start3A_458 = tpu.memref_slice %arg12[%dma_start3A_456, %dma_start3A_457] : memref<2x128xi32, #tpu.memory_space<vmem>> -> memref<1x128xi32, #tpu.memory_space<vmem>>
      %dma_start3A_459 = tpu.memref_squeeze %dma_start3A_458 : memref<1x128xi32, #tpu.memory_space<vmem>> -> memref<128xi32, #tpu.memory_space<vmem>>
      %dma_start3A_460 = arith.constant 0 : i32
      %dma_start3A_461 = arith.constant 0 : i32
      %dma_start3A_462 = tpu.memref_slice %arg6[%dma_start3A_460, %dma_start3A_461] : memref<10240x64xf32, #tpu.memory_space<vmem_shared>> -> memref<10240x64xf32, #tpu.memory_space<vmem_shared>>
      tpu.enqueue_indirect_dma source(%dma_start3A_462 : memref<10240x64xf32, #tpu.memory_space<vmem_shared>>) target(%arg10 : memref<128x64xf32, #tpu.memory_space<vmem>>) offsets(%dma_start3A_459 : memref<128xi32, #tpu.memory_space<vmem>>) semaphore(%arg20 : memref<!tpu.dma_semaphore, #tpu.memory_space<semaphore_mem>>)
      %add3A_463 = arith.constant 4 : i32
      %add3A_464 = arith.addi %add3A_439, %add3A_463 : i32
      %mul3A_465 = arith.constant 16 : i32
      %mul3A_466 = arith.muli %mul3A_465, %add3A_464 : i32
      %add3A_467 = arith.addi %arg1, %mul3A_466 : i32
      %dma_start3A_468 = arith.constant 0 : i32
      %dma_start3A_469 = arith.constant 0 : i32
      %dma_start3A_470 = tpu.memref_slice %arg3[%add3A_467, %dma_start3A_468, %dma_start3A_469] : memref<2624x2x128xi32, #tpu.memory_space<hbm>> -> memref<1x2x128xi32, #tpu.memory_space<hbm>>
      %dma_start3A_471 = tpu.memref_squeeze %dma_start3A_470 : memref<1x2x128xi32, #tpu.memory_space<hbm>> -> memref<2x128xi32, #tpu.memory_space<hbm>>
      %dma_start3A_472 = arith.constant 0 : i32
      %dma_start3A_473 = arith.constant 0 : i32
      %dma_start3A_474 = tpu.memref_slice %arg3[%add3A_467, %dma_start3A_472, %dma_start3A_473] : memref<2624x2x128xi32, #tpu.memory_space<hbm>> -> memref<1x2x128xi32, #tpu.memory_space<hbm>>
      %dma_start3A_475 = tpu.memref_squeeze %dma_start3A_474 : memref<1x2x128xi32, #tpu.memory_space<hbm>> -> memref<2x128xi32, #tpu.memory_space<hbm>>
      tpu.enqueue_dma source(%dma_start3A_475 : memref<2x128xi32, #tpu.memory_space<hbm>>) target(%arg14 : memref<2x128xi32, #tpu.memory_space<vmem>>) target_semaphore(%arg28 : memref<!tpu.dma_semaphore, #tpu.memory_space<semaphore_mem>>)
      %dma_wait3A_476 = arith.constant 0 : i32
      %dma_wait3A_477 = arith.constant 0 : i32
      %dma_wait3A_478 = tpu.memref_slice %arg16[%dma_wait3A_476, %dma_wait3A_477] : memref<2x128xi32, #tpu.memory_space<vmem>> -> memref<1x128xi32, #tpu.memory_space<vmem>>
      %dma_wait3A_479 = tpu.memref_squeeze %dma_wait3A_478 : memref<1x128xi32, #tpu.memory_space<vmem>> -> memref<128xi32, #tpu.memory_space<vmem>>
      %dma_wait3A_480 = arith.constant 0 : i32
      %dma_wait3A_481 = arith.constant 0 : i32
      %dma_wait3A_482 = tpu.memref_slice %arg6[%dma_wait3A_480, %dma_wait3A_481] : memref<10240x64xf32, #tpu.memory_space<vmem_shared>> -> memref<10240x64xf32, #tpu.memory_space<vmem_shared>>
      tpu.wait_indirect_dma semaphore(%arg18 : memref<!tpu.dma_semaphore, #tpu.memory_space<semaphore_mem>>) src(%dma_wait3A_482 : memref<10240x64xf32, #tpu.memory_space<vmem_shared>>) dst(%arg8 : memref<128x64xf32, #tpu.memory_space<vmem>>)
      %dma_start3A_483 = arith.constant 1 : i32
      %dma_start3A_484 = arith.constant 0 : i32
      %dma_start3A_485 = tpu.memref_slice %arg16[%dma_start3A_483, %dma_start3A_484] : memref<2x128xi32, #tpu.memory_space<vmem>> -> memref<1x128xi32, #tpu.memory_space<vmem>>
      %dma_start3A_486 = tpu.memref_squeeze %dma_start3A_485 : memref<1x128xi32, #tpu.memory_space<vmem>> -> memref<128xi32, #tpu.memory_space<vmem>>
      %dma_start3A_487 = arith.constant 0 : i32
      %dma_start3A_488 = arith.constant 0 : i32
      %dma_start3A_489 = tpu.memref_slice %arg5[%dma_start3A_487, %dma_start3A_488] : memref<10240x64xf32, #tpu.memory_space<vmem_shared>> -> memref<10240x64xf32, #tpu.memory_space<vmem_shared>>
      tpu.enqueue_indirect_dma source(%arg8 : memref<128x64xf32, #tpu.memory_space<vmem>>) target(%dma_start3A_489 : memref<10240x64xf32, #tpu.memory_space<vmem_shared>>) offsets(%dma_start3A_486 : memref<128xi32, #tpu.memory_space<vmem>>) semaphore(%arg22 : memref<!tpu.dma_semaphore, #tpu.memory_space<semaphore_mem>>) {add = true}
      %mul3A_490 = arith.constant 12 : i32
      %mul3A_491 = arith.muli %mul3A_490, %add3A_273 : i32
      %add3A_492 = arith.constant 6 : i32
      %add3A_493 = arith.addi %mul3A_491, %add3A_492 : i32
      %dma_wait3A_494 = arith.constant 0 : i32
      %dma_wait3A_495 = arith.constant 0 : i32
      %dma_wait3A_496 = arith.constant 0 : i32
      %dma_wait3A_497 = tpu.memref_slice %arg3[%dma_wait3A_494, %dma_wait3A_495, %dma_wait3A_496] : memref<2624x2x128xi32, #tpu.memory_space<hbm>> -> memref<1x2x128xi32, #tpu.memory_space<hbm>>
      %dma_wait3A_498 = tpu.memref_squeeze %dma_wait3A_497 : memref<1x2x128xi32, #tpu.memory_space<hbm>> -> memref<2x128xi32, #tpu.memory_space<hbm>>
      %dma_wait3A_499 = arith.constant 0 : i32
      %dma_wait3A_500 = arith.constant 0 : i32
      %dma_wait3A_501 = tpu.memref_slice %arg3[%dma_wait3A_494, %dma_wait3A_499, %dma_wait3A_500] : memref<2624x2x128xi32, #tpu.memory_space<hbm>> -> memref<1x2x128xi32, #tpu.memory_space<hbm>>
      %dma_wait3A_502 = tpu.memref_squeeze %dma_wait3A_501 : memref<1x2x128xi32, #tpu.memory_space<hbm>> -> memref<2x128xi32, #tpu.memory_space<hbm>>
      tpu.wait_dma2 semaphore(%arg27 : memref<!tpu.dma_semaphore, #tpu.memory_space<semaphore_mem>>) src(%dma_wait3A_502 : memref<2x128xi32, #tpu.memory_space<hbm>>) dst(%arg13 : memref<2x128xi32, #tpu.memory_space<vmem>>)
      %dma_wait3A_503 = arith.constant 1 : i32
      %dma_wait3A_504 = arith.constant 0 : i32
      %dma_wait3A_505 = tpu.memref_slice %arg15[%dma_wait3A_503, %dma_wait3A_504] : memref<2x128xi32, #tpu.memory_space<vmem>> -> memref<1x128xi32, #tpu.memory_space<vmem>>
      %dma_wait3A_506 = tpu.memref_squeeze %dma_wait3A_505 : memref<1x128xi32, #tpu.memory_space<vmem>> -> memref<128xi32, #tpu.memory_space<vmem>>
      %dma_wait3A_507 = arith.constant 0 : i32
      %dma_wait3A_508 = arith.constant 0 : i32
      %dma_wait3A_509 = tpu.memref_slice %arg5[%dma_wait3A_507, %dma_wait3A_508] : memref<10240x64xf32, #tpu.memory_space<vmem_shared>> -> memref<10240x64xf32, #tpu.memory_space<vmem_shared>>
      tpu.wait_indirect_dma semaphore(%arg21 : memref<!tpu.dma_semaphore, #tpu.memory_space<semaphore_mem>>) src(%arg7 : memref<128x64xf32, #tpu.memory_space<vmem>>) dst(%dma_wait3A_509 : memref<10240x64xf32, #tpu.memory_space<vmem_shared>>)
      %dma_start3A_510 = arith.constant 0 : i32
      %dma_start3A_511 = arith.constant 0 : i32
      %dma_start3A_512 = tpu.memref_slice %arg13[%dma_start3A_510, %dma_start3A_511] : memref<2x128xi32, #tpu.memory_space<vmem>> -> memref<1x128xi32, #tpu.memory_space<vmem>>
      %dma_start3A_513 = tpu.memref_squeeze %dma_start3A_512 : memref<1x128xi32, #tpu.memory_space<vmem>> -> memref<128xi32, #tpu.memory_space<vmem>>
      %dma_start3A_514 = arith.constant 0 : i32
      %dma_start3A_515 = arith.constant 0 : i32
      %dma_start3A_516 = tpu.memref_slice %arg6[%dma_start3A_514, %dma_start3A_515] : memref<10240x64xf32, #tpu.memory_space<vmem_shared>> -> memref<10240x64xf32, #tpu.memory_space<vmem_shared>>
      tpu.enqueue_indirect_dma source(%dma_start3A_516 : memref<10240x64xf32, #tpu.memory_space<vmem_shared>>) target(%arg7 : memref<128x64xf32, #tpu.memory_space<vmem>>) offsets(%dma_start3A_513 : memref<128xi32, #tpu.memory_space<vmem>>) semaphore(%arg17 : memref<!tpu.dma_semaphore, #tpu.memory_space<semaphore_mem>>)
      %add3A_517 = arith.constant 4 : i32
      %add3A_518 = arith.addi %add3A_493, %add3A_517 : i32
      %mul3A_519 = arith.constant 16 : i32
      %mul3A_520 = arith.muli %mul3A_519, %add3A_518 : i32
      %add3A_521 = arith.addi %arg1, %mul3A_520 : i32
      %dma_start3A_522 = arith.constant 0 : i32
      %dma_start3A_523 = arith.constant 0 : i32
      %dma_start3A_524 = tpu.memref_slice %arg3[%add3A_521, %dma_start3A_522, %dma_start3A_523] : memref<2624x2x128xi32, #tpu.memory_space<hbm>> -> memref<1x2x128xi32, #tpu.memory_space<hbm>>
      %dma_start3A_525 = tpu.memref_squeeze %dma_start3A_524 : memref<1x2x128xi32, #tpu.memory_space<hbm>> -> memref<2x128xi32, #tpu.memory_space<hbm>>
      %dma_start3A_526 = arith.constant 0 : i32
      %dma_start3A_527 = arith.constant 0 : i32
      %dma_start3A_528 = tpu.memref_slice %arg3[%add3A_521, %dma_start3A_526, %dma_start3A_527] : memref<2624x2x128xi32, #tpu.memory_space<hbm>> -> memref<1x2x128xi32, #tpu.memory_space<hbm>>
      %dma_start3A_529 = tpu.memref_squeeze %dma_start3A_528 : memref<1x2x128xi32, #tpu.memory_space<hbm>> -> memref<2x128xi32, #tpu.memory_space<hbm>>
      tpu.enqueue_dma source(%dma_start3A_529 : memref<2x128xi32, #tpu.memory_space<hbm>>) target(%arg15 : memref<2x128xi32, #tpu.memory_space<vmem>>) target_semaphore(%arg29 : memref<!tpu.dma_semaphore, #tpu.memory_space<semaphore_mem>>)
      %dma_wait3A_530 = arith.constant 0 : i32
      %dma_wait3A_531 = arith.constant 0 : i32
      %dma_wait3A_532 = tpu.memref_slice %arg11[%dma_wait3A_530, %dma_wait3A_531] : memref<2x128xi32, #tpu.memory_space<vmem>> -> memref<1x128xi32, #tpu.memory_space<vmem>>
      %dma_wait3A_533 = tpu.memref_squeeze %dma_wait3A_532 : memref<1x128xi32, #tpu.memory_space<vmem>> -> memref<128xi32, #tpu.memory_space<vmem>>
      %dma_wait3A_534 = arith.constant 0 : i32
      %dma_wait3A_535 = arith.constant 0 : i32
      %dma_wait3A_536 = tpu.memref_slice %arg6[%dma_wait3A_534, %dma_wait3A_535] : memref<10240x64xf32, #tpu.memory_space<vmem_shared>> -> memref<10240x64xf32, #tpu.memory_space<vmem_shared>>
      tpu.wait_indirect_dma semaphore(%arg19 : memref<!tpu.dma_semaphore, #tpu.memory_space<semaphore_mem>>) src(%dma_wait3A_536 : memref<10240x64xf32, #tpu.memory_space<vmem_shared>>) dst(%arg9 : memref<128x64xf32, #tpu.memory_space<vmem>>)
      %dma_start3A_537 = arith.constant 1 : i32
      %dma_start3A_538 = arith.constant 0 : i32
      %dma_start3A_539 = tpu.memref_slice %arg11[%dma_start3A_537, %dma_start3A_538] : memref<2x128xi32, #tpu.memory_space<vmem>> -> memref<1x128xi32, #tpu.memory_space<vmem>>
      %dma_start3A_540 = tpu.memref_squeeze %dma_start3A_539 : memref<1x128xi32, #tpu.memory_space<vmem>> -> memref<128xi32, #tpu.memory_space<vmem>>
      %dma_start3A_541 = arith.constant 0 : i32
      %dma_start3A_542 = arith.constant 0 : i32
      %dma_start3A_543 = tpu.memref_slice %arg5[%dma_start3A_541, %dma_start3A_542] : memref<10240x64xf32, #tpu.memory_space<vmem_shared>> -> memref<10240x64xf32, #tpu.memory_space<vmem_shared>>
      tpu.enqueue_indirect_dma source(%arg9 : memref<128x64xf32, #tpu.memory_space<vmem>>) target(%dma_start3A_543 : memref<10240x64xf32, #tpu.memory_space<vmem_shared>>) offsets(%dma_start3A_540 : memref<128xi32, #tpu.memory_space<vmem>>) semaphore(%arg23 : memref<!tpu.dma_semaphore, #tpu.memory_space<semaphore_mem>>) {add = true}
      %mul3A_544 = arith.constant 12 : i32
      %mul3A_545 = arith.muli %mul3A_544, %add3A_273 : i32
      %add3A_546 = arith.constant 7 : i32
      %add3A_547 = arith.addi %mul3A_545, %add3A_546 : i32
      %dma_wait3A_548 = arith.constant 0 : i32
      %dma_wait3A_549 = arith.constant 0 : i32
      %dma_wait3A_550 = arith.constant 0 : i32
      %dma_wait3A_551 = tpu.memref_slice %arg3[%dma_wait3A_548, %dma_wait3A_549, %dma_wait3A_550] : memref<2624x2x128xi32, #tpu.memory_space<hbm>> -> memref<1x2x128xi32, #tpu.memory_space<hbm>>
      %dma_wait3A_552 = tpu.memref_squeeze %dma_wait3A_551 : memref<1x2x128xi32, #tpu.memory_space<hbm>> -> memref<2x128xi32, #tpu.memory_space<hbm>>
      %dma_wait3A_553 = arith.constant 0 : i32
      %dma_wait3A_554 = arith.constant 0 : i32
      %dma_wait3A_555 = tpu.memref_slice %arg3[%dma_wait3A_548, %dma_wait3A_553, %dma_wait3A_554] : memref<2624x2x128xi32, #tpu.memory_space<hbm>> -> memref<1x2x128xi32, #tpu.memory_space<hbm>>
      %dma_wait3A_556 = tpu.memref_squeeze %dma_wait3A_555 : memref<1x2x128xi32, #tpu.memory_space<hbm>> -> memref<2x128xi32, #tpu.memory_space<hbm>>
      tpu.wait_dma2 semaphore(%arg28 : memref<!tpu.dma_semaphore, #tpu.memory_space<semaphore_mem>>) src(%dma_wait3A_556 : memref<2x128xi32, #tpu.memory_space<hbm>>) dst(%arg14 : memref<2x128xi32, #tpu.memory_space<vmem>>)
      %dma_wait3A_557 = arith.constant 1 : i32
      %dma_wait3A_558 = arith.constant 0 : i32
      %dma_wait3A_559 = tpu.memref_slice %arg16[%dma_wait3A_557, %dma_wait3A_558] : memref<2x128xi32, #tpu.memory_space<vmem>> -> memref<1x128xi32, #tpu.memory_space<vmem>>
      %dma_wait3A_560 = tpu.memref_squeeze %dma_wait3A_559 : memref<1x128xi32, #tpu.memory_space<vmem>> -> memref<128xi32, #tpu.memory_space<vmem>>
      %dma_wait3A_561 = arith.constant 0 : i32
      %dma_wait3A_562 = arith.constant 0 : i32
      %dma_wait3A_563 = tpu.memref_slice %arg5[%dma_wait3A_561, %dma_wait3A_562] : memref<10240x64xf32, #tpu.memory_space<vmem_shared>> -> memref<10240x64xf32, #tpu.memory_space<vmem_shared>>
      tpu.wait_indirect_dma semaphore(%arg22 : memref<!tpu.dma_semaphore, #tpu.memory_space<semaphore_mem>>) src(%arg8 : memref<128x64xf32, #tpu.memory_space<vmem>>) dst(%dma_wait3A_563 : memref<10240x64xf32, #tpu.memory_space<vmem_shared>>)
      %dma_start3A_564 = arith.constant 0 : i32
      %dma_start3A_565 = arith.constant 0 : i32
      %dma_start3A_566 = tpu.memref_slice %arg14[%dma_start3A_564, %dma_start3A_565] : memref<2x128xi32, #tpu.memory_space<vmem>> -> memref<1x128xi32, #tpu.memory_space<vmem>>
      %dma_start3A_567 = tpu.memref_squeeze %dma_start3A_566 : memref<1x128xi32, #tpu.memory_space<vmem>> -> memref<128xi32, #tpu.memory_space<vmem>>
      %dma_start3A_568 = arith.constant 0 : i32
      %dma_start3A_569 = arith.constant 0 : i32
      %dma_start3A_570 = tpu.memref_slice %arg6[%dma_start3A_568, %dma_start3A_569] : memref<10240x64xf32, #tpu.memory_space<vmem_shared>> -> memref<10240x64xf32, #tpu.memory_space<vmem_shared>>
      tpu.enqueue_indirect_dma source(%dma_start3A_570 : memref<10240x64xf32, #tpu.memory_space<vmem_shared>>) target(%arg8 : memref<128x64xf32, #tpu.memory_space<vmem>>) offsets(%dma_start3A_567 : memref<128xi32, #tpu.memory_space<vmem>>) semaphore(%arg18 : memref<!tpu.dma_semaphore, #tpu.memory_space<semaphore_mem>>)
      %add3A_571 = arith.constant 4 : i32
      %add3A_572 = arith.addi %add3A_547, %add3A_571 : i32
      %mul3A_573 = arith.constant 16 : i32
      %mul3A_574 = arith.muli %mul3A_573, %add3A_572 : i32
      %add3A_575 = arith.addi %arg1, %mul3A_574 : i32
      %dma_start3A_576 = arith.constant 0 : i32
      %dma_start3A_577 = arith.constant 0 : i32
      %dma_start3A_578 = tpu.memref_slice %arg3[%add3A_575, %dma_start3A_576, %dma_start3A_577] : memref<2624x2x128xi32, #tpu.memory_space<hbm>> -> memref<1x2x128xi32, #tpu.memory_space<hbm>>
      %dma_start3A_579 = tpu.memref_squeeze %dma_start3A_578 : memref<1x2x128xi32, #tpu.memory_space<hbm>> -> memref<2x128xi32, #tpu.memory_space<hbm>>
      %dma_start3A_580 = arith.constant 0 : i32
      %dma_start3A_581 = arith.constant 0 : i32
      %dma_start3A_582 = tpu.memref_slice %arg3[%add3A_575, %dma_start3A_580, %dma_start3A_581] : memref<2624x2x128xi32, #tpu.memory_space<hbm>> -> memref<1x2x128xi32, #tpu.memory_space<hbm>>
      %dma_start3A_583 = tpu.memref_squeeze %dma_start3A_582 : memref<1x2x128xi32, #tpu.memory_space<hbm>> -> memref<2x128xi32, #tpu.memory_space<hbm>>
      tpu.enqueue_dma source(%dma_start3A_583 : memref<2x128xi32, #tpu.memory_space<hbm>>) target(%arg16 : memref<2x128xi32, #tpu.memory_space<vmem>>) target_semaphore(%arg30 : memref<!tpu.dma_semaphore, #tpu.memory_space<semaphore_mem>>)
      %dma_wait3A_584 = arith.constant 0 : i32
      %dma_wait3A_585 = arith.constant 0 : i32
      %dma_wait3A_586 = tpu.memref_slice %arg12[%dma_wait3A_584, %dma_wait3A_585] : memref<2x128xi32, #tpu.memory_space<vmem>> -> memref<1x128xi32, #tpu.memory_space<vmem>>
      %dma_wait3A_587 = tpu.memref_squeeze %dma_wait3A_586 : memref<1x128xi32, #tpu.memory_space<vmem>> -> memref<128xi32, #tpu.memory_space<vmem>>
      %dma_wait3A_588 = arith.constant 0 : i32
      %dma_wait3A_589 = arith.constant 0 : i32
      %dma_wait3A_590 = tpu.memref_slice %arg6[%dma_wait3A_588, %dma_wait3A_589] : memref<10240x64xf32, #tpu.memory_space<vmem_shared>> -> memref<10240x64xf32, #tpu.memory_space<vmem_shared>>
      tpu.wait_indirect_dma semaphore(%arg20 : memref<!tpu.dma_semaphore, #tpu.memory_space<semaphore_mem>>) src(%dma_wait3A_590 : memref<10240x64xf32, #tpu.memory_space<vmem_shared>>) dst(%arg10 : memref<128x64xf32, #tpu.memory_space<vmem>>)
      %dma_start3A_591 = arith.constant 1 : i32
      %dma_start3A_592 = arith.constant 0 : i32
      %dma_start3A_593 = tpu.memref_slice %arg12[%dma_start3A_591, %dma_start3A_592] : memref<2x128xi32, #tpu.memory_space<vmem>> -> memref<1x128xi32, #tpu.memory_space<vmem>>
      %dma_start3A_594 = tpu.memref_squeeze %dma_start3A_593 : memref<1x128xi32, #tpu.memory_space<vmem>> -> memref<128xi32, #tpu.memory_space<vmem>>
      %dma_start3A_595 = arith.constant 0 : i32
      %dma_start3A_596 = arith.constant 0 : i32
      %dma_start3A_597 = tpu.memref_slice %arg5[%dma_start3A_595, %dma_start3A_596] : memref<10240x64xf32, #tpu.memory_space<vmem_shared>> -> memref<10240x64xf32, #tpu.memory_space<vmem_shared>>
      tpu.enqueue_indirect_dma source(%arg10 : memref<128x64xf32, #tpu.memory_space<vmem>>) target(%dma_start3A_597 : memref<10240x64xf32, #tpu.memory_space<vmem_shared>>) offsets(%dma_start3A_594 : memref<128xi32, #tpu.memory_space<vmem>>) semaphore(%arg24 : memref<!tpu.dma_semaphore, #tpu.memory_space<semaphore_mem>>) {add = true}
      %mul3A_598 = arith.constant 12 : i32
      %mul3A_599 = arith.muli %mul3A_598, %add3A_273 : i32
      %add3A_600 = arith.constant 8 : i32
      %add3A_601 = arith.addi %mul3A_599, %add3A_600 : i32
      %dma_wait3A_602 = arith.constant 0 : i32
      %dma_wait3A_603 = arith.constant 0 : i32
      %dma_wait3A_604 = arith.constant 0 : i32
      %dma_wait3A_605 = tpu.memref_slice %arg3[%dma_wait3A_602, %dma_wait3A_603, %dma_wait3A_604] : memref<2624x2x128xi32, #tpu.memory_space<hbm>> -> memref<1x2x128xi32, #tpu.memory_space<hbm>>
      %dma_wait3A_606 = tpu.memref_squeeze %dma_wait3A_605 : memref<1x2x128xi32, #tpu.memory_space<hbm>> -> memref<2x128xi32, #tpu.memory_space<hbm>>
      %dma_wait3A_607 = arith.constant 0 : i32
      %dma_wait3A_608 = arith.constant 0 : i32
      %dma_wait3A_609 = tpu.memref_slice %arg3[%dma_wait3A_602, %dma_wait3A_607, %dma_wait3A_608] : memref<2624x2x128xi32, #tpu.memory_space<hbm>> -> memref<1x2x128xi32, #tpu.memory_space<hbm>>
      %dma_wait3A_610 = tpu.memref_squeeze %dma_wait3A_609 : memref<1x2x128xi32, #tpu.memory_space<hbm>> -> memref<2x128xi32, #tpu.memory_space<hbm>>
      tpu.wait_dma2 semaphore(%arg29 : memref<!tpu.dma_semaphore, #tpu.memory_space<semaphore_mem>>) src(%dma_wait3A_610 : memref<2x128xi32, #tpu.memory_space<hbm>>) dst(%arg15 : memref<2x128xi32, #tpu.memory_space<vmem>>)
      %dma_wait3A_611 = arith.constant 1 : i32
      %dma_wait3A_612 = arith.constant 0 : i32
      %dma_wait3A_613 = tpu.memref_slice %arg11[%dma_wait3A_611, %dma_wait3A_612] : memref<2x128xi32, #tpu.memory_space<vmem>> -> memref<1x128xi32, #tpu.memory_space<vmem>>
      %dma_wait3A_614 = tpu.memref_squeeze %dma_wait3A_613 : memref<1x128xi32, #tpu.memory_space<vmem>> -> memref<128xi32, #tpu.memory_space<vmem>>
      %dma_wait3A_615 = arith.constant 0 : i32
      %dma_wait3A_616 = arith.constant 0 : i32
      %dma_wait3A_617 = tpu.memref_slice %arg5[%dma_wait3A_615, %dma_wait3A_616] : memref<10240x64xf32, #tpu.memory_space<vmem_shared>> -> memref<10240x64xf32, #tpu.memory_space<vmem_shared>>
      tpu.wait_indirect_dma semaphore(%arg23 : memref<!tpu.dma_semaphore, #tpu.memory_space<semaphore_mem>>) src(%arg9 : memref<128x64xf32, #tpu.memory_space<vmem>>) dst(%dma_wait3A_617 : memref<10240x64xf32, #tpu.memory_space<vmem_shared>>)
      %dma_start3A_618 = arith.constant 0 : i32
      %dma_start3A_619 = arith.constant 0 : i32
      %dma_start3A_620 = tpu.memref_slice %arg15[%dma_start3A_618, %dma_start3A_619] : memref<2x128xi32, #tpu.memory_space<vmem>> -> memref<1x128xi32, #tpu.memory_space<vmem>>
      %dma_start3A_621 = tpu.memref_squeeze %dma_start3A_620 : memref<1x128xi32, #tpu.memory_space<vmem>> -> memref<128xi32, #tpu.memory_space<vmem>>
      %dma_start3A_622 = arith.constant 0 : i32
      %dma_start3A_623 = arith.constant 0 : i32
      %dma_start3A_624 = tpu.memref_slice %arg6[%dma_start3A_622, %dma_start3A_623] : memref<10240x64xf32, #tpu.memory_space<vmem_shared>> -> memref<10240x64xf32, #tpu.memory_space<vmem_shared>>
      tpu.enqueue_indirect_dma source(%dma_start3A_624 : memref<10240x64xf32, #tpu.memory_space<vmem_shared>>) target(%arg9 : memref<128x64xf32, #tpu.memory_space<vmem>>) offsets(%dma_start3A_621 : memref<128xi32, #tpu.memory_space<vmem>>) semaphore(%arg19 : memref<!tpu.dma_semaphore, #tpu.memory_space<semaphore_mem>>)
      %add3A_625 = arith.constant 4 : i32
      %add3A_626 = arith.addi %add3A_601, %add3A_625 : i32
      %mul3A_627 = arith.constant 16 : i32
      %mul3A_628 = arith.muli %mul3A_627, %add3A_626 : i32
      %add3A_629 = arith.addi %arg1, %mul3A_628 : i32
      %dma_start3A_630 = arith.constant 0 : i32
      %dma_start3A_631 = arith.constant 0 : i32
      %dma_start3A_632 = tpu.memref_slice %arg3[%add3A_629, %dma_start3A_630, %dma_start3A_631] : memref<2624x2x128xi32, #tpu.memory_space<hbm>> -> memref<1x2x128xi32, #tpu.memory_space<hbm>>
      %dma_start3A_633 = tpu.memref_squeeze %dma_start3A_632 : memref<1x2x128xi32, #tpu.memory_space<hbm>> -> memref<2x128xi32, #tpu.memory_space<hbm>>
      %dma_start3A_634 = arith.constant 0 : i32
      %dma_start3A_635 = arith.constant 0 : i32
      %dma_start3A_636 = tpu.memref_slice %arg3[%add3A_629, %dma_start3A_634, %dma_start3A_635] : memref<2624x2x128xi32, #tpu.memory_space<hbm>> -> memref<1x2x128xi32, #tpu.memory_space<hbm>>
      %dma_start3A_637 = tpu.memref_squeeze %dma_start3A_636 : memref<1x2x128xi32, #tpu.memory_space<hbm>> -> memref<2x128xi32, #tpu.memory_space<hbm>>
      tpu.enqueue_dma source(%dma_start3A_637 : memref<2x128xi32, #tpu.memory_space<hbm>>) target(%arg11 : memref<2x128xi32, #tpu.memory_space<vmem>>) target_semaphore(%arg25 : memref<!tpu.dma_semaphore, #tpu.memory_space<semaphore_mem>>)
      %dma_wait3A_638 = arith.constant 0 : i32
      %dma_wait3A_639 = arith.constant 0 : i32
      %dma_wait3A_640 = tpu.memref_slice %arg13[%dma_wait3A_638, %dma_wait3A_639] : memref<2x128xi32, #tpu.memory_space<vmem>> -> memref<1x128xi32, #tpu.memory_space<vmem>>
      %dma_wait3A_641 = tpu.memref_squeeze %dma_wait3A_640 : memref<1x128xi32, #tpu.memory_space<vmem>> -> memref<128xi32, #tpu.memory_space<vmem>>
      %dma_wait3A_642 = arith.constant 0 : i32
      %dma_wait3A_643 = arith.constant 0 : i32
      %dma_wait3A_644 = tpu.memref_slice %arg6[%dma_wait3A_642, %dma_wait3A_643] : memref<10240x64xf32, #tpu.memory_space<vmem_shared>> -> memref<10240x64xf32, #tpu.memory_space<vmem_shared>>
      tpu.wait_indirect_dma semaphore(%arg17 : memref<!tpu.dma_semaphore, #tpu.memory_space<semaphore_mem>>) src(%dma_wait3A_644 : memref<10240x64xf32, #tpu.memory_space<vmem_shared>>) dst(%arg7 : memref<128x64xf32, #tpu.memory_space<vmem>>)
      %dma_start3A_645 = arith.constant 1 : i32
      %dma_start3A_646 = arith.constant 0 : i32
      %dma_start3A_647 = tpu.memref_slice %arg13[%dma_start3A_645, %dma_start3A_646] : memref<2x128xi32, #tpu.memory_space<vmem>> -> memref<1x128xi32, #tpu.memory_space<vmem>>
      %dma_start3A_648 = tpu.memref_squeeze %dma_start3A_647 : memref<1x128xi32, #tpu.memory_space<vmem>> -> memref<128xi32, #tpu.memory_space<vmem>>
      %dma_start3A_649 = arith.constant 0 : i32
      %dma_start3A_650 = arith.constant 0 : i32
      %dma_start3A_651 = tpu.memref_slice %arg5[%dma_start3A_649, %dma_start3A_650] : memref<10240x64xf32, #tpu.memory_space<vmem_shared>> -> memref<10240x64xf32, #tpu.memory_space<vmem_shared>>
      tpu.enqueue_indirect_dma source(%arg7 : memref<128x64xf32, #tpu.memory_space<vmem>>) target(%dma_start3A_651 : memref<10240x64xf32, #tpu.memory_space<vmem_shared>>) offsets(%dma_start3A_648 : memref<128xi32, #tpu.memory_space<vmem>>) semaphore(%arg21 : memref<!tpu.dma_semaphore, #tpu.memory_space<semaphore_mem>>) {add = true}
      %mul3A_652 = arith.constant 12 : i32
      %mul3A_653 = arith.muli %mul3A_652, %add3A_273 : i32
      %add3A_654 = arith.constant 9 : i32
      %add3A_655 = arith.addi %mul3A_653, %add3A_654 : i32
      %dma_wait3A_656 = arith.constant 0 : i32
      %dma_wait3A_657 = arith.constant 0 : i32
      %dma_wait3A_658 = arith.constant 0 : i32
      %dma_wait3A_659 = tpu.memref_slice %arg3[%dma_wait3A_656, %dma_wait3A_657, %dma_wait3A_658] : memref<2624x2x128xi32, #tpu.memory_space<hbm>> -> memref<1x2x128xi32, #tpu.memory_space<hbm>>
      %dma_wait3A_660 = tpu.memref_squeeze %dma_wait3A_659 : memref<1x2x128xi32, #tpu.memory_space<hbm>> -> memref<2x128xi32, #tpu.memory_space<hbm>>
      %dma_wait3A_661 = arith.constant 0 : i32
      %dma_wait3A_662 = arith.constant 0 : i32
      %dma_wait3A_663 = tpu.memref_slice %arg3[%dma_wait3A_656, %dma_wait3A_661, %dma_wait3A_662] : memref<2624x2x128xi32, #tpu.memory_space<hbm>> -> memref<1x2x128xi32, #tpu.memory_space<hbm>>
      %dma_wait3A_664 = tpu.memref_squeeze %dma_wait3A_663 : memref<1x2x128xi32, #tpu.memory_space<hbm>> -> memref<2x128xi32, #tpu.memory_space<hbm>>
      tpu.wait_dma2 semaphore(%arg30 : memref<!tpu.dma_semaphore, #tpu.memory_space<semaphore_mem>>) src(%dma_wait3A_664 : memref<2x128xi32, #tpu.memory_space<hbm>>) dst(%arg16 : memref<2x128xi32, #tpu.memory_space<vmem>>)
      %dma_wait3A_665 = arith.constant 1 : i32
      %dma_wait3A_666 = arith.constant 0 : i32
      %dma_wait3A_667 = tpu.memref_slice %arg12[%dma_wait3A_665, %dma_wait3A_666] : memref<2x128xi32, #tpu.memory_space<vmem>> -> memref<1x128xi32, #tpu.memory_space<vmem>>
      %dma_wait3A_668 = tpu.memref_squeeze %dma_wait3A_667 : memref<1x128xi32, #tpu.memory_space<vmem>> -> memref<128xi32, #tpu.memory_space<vmem>>
      %dma_wait3A_669 = arith.constant 0 : i32
      %dma_wait3A_670 = arith.constant 0 : i32
      %dma_wait3A_671 = tpu.memref_slice %arg5[%dma_wait3A_669, %dma_wait3A_670] : memref<10240x64xf32, #tpu.memory_space<vmem_shared>> -> memref<10240x64xf32, #tpu.memory_space<vmem_shared>>
      tpu.wait_indirect_dma semaphore(%arg24 : memref<!tpu.dma_semaphore, #tpu.memory_space<semaphore_mem>>) src(%arg10 : memref<128x64xf32, #tpu.memory_space<vmem>>) dst(%dma_wait3A_671 : memref<10240x64xf32, #tpu.memory_space<vmem_shared>>)
      %dma_start3A_672 = arith.constant 0 : i32
      %dma_start3A_673 = arith.constant 0 : i32
      %dma_start3A_674 = tpu.memref_slice %arg16[%dma_start3A_672, %dma_start3A_673] : memref<2x128xi32, #tpu.memory_space<vmem>> -> memref<1x128xi32, #tpu.memory_space<vmem>>
      %dma_start3A_675 = tpu.memref_squeeze %dma_start3A_674 : memref<1x128xi32, #tpu.memory_space<vmem>> -> memref<128xi32, #tpu.memory_space<vmem>>
      %dma_start3A_676 = arith.constant 0 : i32
      %dma_start3A_677 = arith.constant 0 : i32
      %dma_start3A_678 = tpu.memref_slice %arg6[%dma_start3A_676, %dma_start3A_677] : memref<10240x64xf32, #tpu.memory_space<vmem_shared>> -> memref<10240x64xf32, #tpu.memory_space<vmem_shared>>
      tpu.enqueue_indirect_dma source(%dma_start3A_678 : memref<10240x64xf32, #tpu.memory_space<vmem_shared>>) target(%arg10 : memref<128x64xf32, #tpu.memory_space<vmem>>) offsets(%dma_start3A_675 : memref<128xi32, #tpu.memory_space<vmem>>) semaphore(%arg20 : memref<!tpu.dma_semaphore, #tpu.memory_space<semaphore_mem>>)
      %add3A_679 = arith.constant 4 : i32
      %add3A_680 = arith.addi %add3A_655, %add3A_679 : i32
      %mul3A_681 = arith.constant 16 : i32
      %mul3A_682 = arith.muli %mul3A_681, %add3A_680 : i32
      %add3A_683 = arith.addi %arg1, %mul3A_682 : i32
      %dma_start3A_684 = arith.constant 0 : i32
      %dma_start3A_685 = arith.constant 0 : i32
      %dma_start3A_686 = tpu.memref_slice %arg3[%add3A_683, %dma_start3A_684, %dma_start3A_685] : memref<2624x2x128xi32, #tpu.memory_space<hbm>> -> memref<1x2x128xi32, #tpu.memory_space<hbm>>
      %dma_start3A_687 = tpu.memref_squeeze %dma_start3A_686 : memref<1x2x128xi32, #tpu.memory_space<hbm>> -> memref<2x128xi32, #tpu.memory_space<hbm>>
      %dma_start3A_688 = arith.constant 0 : i32
      %dma_start3A_689 = arith.constant 0 : i32
      %dma_start3A_690 = tpu.memref_slice %arg3[%add3A_683, %dma_start3A_688, %dma_start3A_689] : memref<2624x2x128xi32, #tpu.memory_space<hbm>> -> memref<1x2x128xi32, #tpu.memory_space<hbm>>
      %dma_start3A_691 = tpu.memref_squeeze %dma_start3A_690 : memref<1x2x128xi32, #tpu.memory_space<hbm>> -> memref<2x128xi32, #tpu.memory_space<hbm>>
      tpu.enqueue_dma source(%dma_start3A_691 : memref<2x128xi32, #tpu.memory_space<hbm>>) target(%arg12 : memref<2x128xi32, #tpu.memory_space<vmem>>) target_semaphore(%arg26 : memref<!tpu.dma_semaphore, #tpu.memory_space<semaphore_mem>>)
      %dma_wait3A_692 = arith.constant 0 : i32
      %dma_wait3A_693 = arith.constant 0 : i32
      %dma_wait3A_694 = tpu.memref_slice %arg14[%dma_wait3A_692, %dma_wait3A_693] : memref<2x128xi32, #tpu.memory_space<vmem>> -> memref<1x128xi32, #tpu.memory_space<vmem>>
      %dma_wait3A_695 = tpu.memref_squeeze %dma_wait3A_694 : memref<1x128xi32, #tpu.memory_space<vmem>> -> memref<128xi32, #tpu.memory_space<vmem>>
      %dma_wait3A_696 = arith.constant 0 : i32
      %dma_wait3A_697 = arith.constant 0 : i32
      %dma_wait3A_698 = tpu.memref_slice %arg6[%dma_wait3A_696, %dma_wait3A_697] : memref<10240x64xf32, #tpu.memory_space<vmem_shared>> -> memref<10240x64xf32, #tpu.memory_space<vmem_shared>>
      tpu.wait_indirect_dma semaphore(%arg18 : memref<!tpu.dma_semaphore, #tpu.memory_space<semaphore_mem>>) src(%dma_wait3A_698 : memref<10240x64xf32, #tpu.memory_space<vmem_shared>>) dst(%arg8 : memref<128x64xf32, #tpu.memory_space<vmem>>)
      %dma_start3A_699 = arith.constant 1 : i32
      %dma_start3A_700 = arith.constant 0 : i32
      %dma_start3A_701 = tpu.memref_slice %arg14[%dma_start3A_699, %dma_start3A_700] : memref<2x128xi32, #tpu.memory_space<vmem>> -> memref<1x128xi32, #tpu.memory_space<vmem>>
      %dma_start3A_702 = tpu.memref_squeeze %dma_start3A_701 : memref<1x128xi32, #tpu.memory_space<vmem>> -> memref<128xi32, #tpu.memory_space<vmem>>
      %dma_start3A_703 = arith.constant 0 : i32
      %dma_start3A_704 = arith.constant 0 : i32
      %dma_start3A_705 = tpu.memref_slice %arg5[%dma_start3A_703, %dma_start3A_704] : memref<10240x64xf32, #tpu.memory_space<vmem_shared>> -> memref<10240x64xf32, #tpu.memory_space<vmem_shared>>
      tpu.enqueue_indirect_dma source(%arg8 : memref<128x64xf32, #tpu.memory_space<vmem>>) target(%dma_start3A_705 : memref<10240x64xf32, #tpu.memory_space<vmem_shared>>) offsets(%dma_start3A_702 : memref<128xi32, #tpu.memory_space<vmem>>) semaphore(%arg22 : memref<!tpu.dma_semaphore, #tpu.memory_space<semaphore_mem>>) {add = true}
      %mul3A_706 = arith.constant 12 : i32
      %mul3A_707 = arith.muli %mul3A_706, %add3A_273 : i32
      %add3A_708 = arith.constant 10 : i32
      %add3A_709 = arith.addi %mul3A_707, %add3A_708 : i32
      %dma_wait3A_710 = arith.constant 0 : i32
      %dma_wait3A_711 = arith.constant 0 : i32
      %dma_wait3A_712 = arith.constant 0 : i32
      %dma_wait3A_713 = tpu.memref_slice %arg3[%dma_wait3A_710, %dma_wait3A_711, %dma_wait3A_712] : memref<2624x2x128xi32, #tpu.memory_space<hbm>> -> memref<1x2x128xi32, #tpu.memory_space<hbm>>
      %dma_wait3A_714 = tpu.memref_squeeze %dma_wait3A_713 : memref<1x2x128xi32, #tpu.memory_space<hbm>> -> memref<2x128xi32, #tpu.memory_space<hbm>>
      %dma_wait3A_715 = arith.constant 0 : i32
      %dma_wait3A_716 = arith.constant 0 : i32
      %dma_wait3A_717 = tpu.memref_slice %arg3[%dma_wait3A_710, %dma_wait3A_715, %dma_wait3A_716] : memref<2624x2x128xi32, #tpu.memory_space<hbm>> -> memref<1x2x128xi32, #tpu.memory_space<hbm>>
      %dma_wait3A_718 = tpu.memref_squeeze %dma_wait3A_717 : memref<1x2x128xi32, #tpu.memory_space<hbm>> -> memref<2x128xi32, #tpu.memory_space<hbm>>
      tpu.wait_dma2 semaphore(%arg25 : memref<!tpu.dma_semaphore, #tpu.memory_space<semaphore_mem>>) src(%dma_wait3A_718 : memref<2x128xi32, #tpu.memory_space<hbm>>) dst(%arg11 : memref<2x128xi32, #tpu.memory_space<vmem>>)
      %dma_wait3A_719 = arith.constant 1 : i32
      %dma_wait3A_720 = arith.constant 0 : i32
      %dma_wait3A_721 = tpu.memref_slice %arg13[%dma_wait3A_719, %dma_wait3A_720] : memref<2x128xi32, #tpu.memory_space<vmem>> -> memref<1x128xi32, #tpu.memory_space<vmem>>
      %dma_wait3A_722 = tpu.memref_squeeze %dma_wait3A_721 : memref<1x128xi32, #tpu.memory_space<vmem>> -> memref<128xi32, #tpu.memory_space<vmem>>
      %dma_wait3A_723 = arith.constant 0 : i32
      %dma_wait3A_724 = arith.constant 0 : i32
      %dma_wait3A_725 = tpu.memref_slice %arg5[%dma_wait3A_723, %dma_wait3A_724] : memref<10240x64xf32, #tpu.memory_space<vmem_shared>> -> memref<10240x64xf32, #tpu.memory_space<vmem_shared>>
      tpu.wait_indirect_dma semaphore(%arg21 : memref<!tpu.dma_semaphore, #tpu.memory_space<semaphore_mem>>) src(%arg7 : memref<128x64xf32, #tpu.memory_space<vmem>>) dst(%dma_wait3A_725 : memref<10240x64xf32, #tpu.memory_space<vmem_shared>>)
      %dma_start3A_726 = arith.constant 0 : i32
      %dma_start3A_727 = arith.constant 0 : i32
      %dma_start3A_728 = tpu.memref_slice %arg11[%dma_start3A_726, %dma_start3A_727] : memref<2x128xi32, #tpu.memory_space<vmem>> -> memref<1x128xi32, #tpu.memory_space<vmem>>
      %dma_start3A_729 = tpu.memref_squeeze %dma_start3A_728 : memref<1x128xi32, #tpu.memory_space<vmem>> -> memref<128xi32, #tpu.memory_space<vmem>>
      %dma_start3A_730 = arith.constant 0 : i32
      %dma_start3A_731 = arith.constant 0 : i32
      %dma_start3A_732 = tpu.memref_slice %arg6[%dma_start3A_730, %dma_start3A_731] : memref<10240x64xf32, #tpu.memory_space<vmem_shared>> -> memref<10240x64xf32, #tpu.memory_space<vmem_shared>>
      tpu.enqueue_indirect_dma source(%dma_start3A_732 : memref<10240x64xf32, #tpu.memory_space<vmem_shared>>) target(%arg7 : memref<128x64xf32, #tpu.memory_space<vmem>>) offsets(%dma_start3A_729 : memref<128xi32, #tpu.memory_space<vmem>>) semaphore(%arg17 : memref<!tpu.dma_semaphore, #tpu.memory_space<semaphore_mem>>)
      %add3A_733 = arith.constant 4 : i32
      %add3A_734 = arith.addi %add3A_709, %add3A_733 : i32
      %mul3A_735 = arith.constant 16 : i32
      %mul3A_736 = arith.muli %mul3A_735, %add3A_734 : i32
      %add3A_737 = arith.addi %arg1, %mul3A_736 : i32
      %dma_start3A_738 = arith.constant 0 : i32
      %dma_start3A_739 = arith.constant 0 : i32
      %dma_start3A_740 = tpu.memref_slice %arg3[%add3A_737, %dma_start3A_738, %dma_start3A_739] : memref<2624x2x128xi32, #tpu.memory_space<hbm>> -> memref<1x2x128xi32, #tpu.memory_space<hbm>>
      %dma_start3A_741 = tpu.memref_squeeze %dma_start3A_740 : memref<1x2x128xi32, #tpu.memory_space<hbm>> -> memref<2x128xi32, #tpu.memory_space<hbm>>
      %dma_start3A_742 = arith.constant 0 : i32
      %dma_start3A_743 = arith.constant 0 : i32
      %dma_start3A_744 = tpu.memref_slice %arg3[%add3A_737, %dma_start3A_742, %dma_start3A_743] : memref<2624x2x128xi32, #tpu.memory_space<hbm>> -> memref<1x2x128xi32, #tpu.memory_space<hbm>>
      %dma_start3A_745 = tpu.memref_squeeze %dma_start3A_744 : memref<1x2x128xi32, #tpu.memory_space<hbm>> -> memref<2x128xi32, #tpu.memory_space<hbm>>
      tpu.enqueue_dma source(%dma_start3A_745 : memref<2x128xi32, #tpu.memory_space<hbm>>) target(%arg13 : memref<2x128xi32, #tpu.memory_space<vmem>>) target_semaphore(%arg27 : memref<!tpu.dma_semaphore, #tpu.memory_space<semaphore_mem>>)
      %dma_wait3A_746 = arith.constant 0 : i32
      %dma_wait3A_747 = arith.constant 0 : i32
      %dma_wait3A_748 = tpu.memref_slice %arg15[%dma_wait3A_746, %dma_wait3A_747] : memref<2x128xi32, #tpu.memory_space<vmem>> -> memref<1x128xi32, #tpu.memory_space<vmem>>
      %dma_wait3A_749 = tpu.memref_squeeze %dma_wait3A_748 : memref<1x128xi32, #tpu.memory_space<vmem>> -> memref<128xi32, #tpu.memory_space<vmem>>
      %dma_wait3A_750 = arith.constant 0 : i32
      %dma_wait3A_751 = arith.constant 0 : i32
      %dma_wait3A_752 = tpu.memref_slice %arg6[%dma_wait3A_750, %dma_wait3A_751] : memref<10240x64xf32, #tpu.memory_space<vmem_shared>> -> memref<10240x64xf32, #tpu.memory_space<vmem_shared>>
      tpu.wait_indirect_dma semaphore(%arg19 : memref<!tpu.dma_semaphore, #tpu.memory_space<semaphore_mem>>) src(%dma_wait3A_752 : memref<10240x64xf32, #tpu.memory_space<vmem_shared>>) dst(%arg9 : memref<128x64xf32, #tpu.memory_space<vmem>>)
      %dma_start3A_753 = arith.constant 1 : i32
      %dma_start3A_754 = arith.constant 0 : i32
      %dma_start3A_755 = tpu.memref_slice %arg15[%dma_start3A_753, %dma_start3A_754] : memref<2x128xi32, #tpu.memory_space<vmem>> -> memref<1x128xi32, #tpu.memory_space<vmem>>
      %dma_start3A_756 = tpu.memref_squeeze %dma_start3A_755 : memref<1x128xi32, #tpu.memory_space<vmem>> -> memref<128xi32, #tpu.memory_space<vmem>>
      %dma_start3A_757 = arith.constant 0 : i32
      %dma_start3A_758 = arith.constant 0 : i32
      %dma_start3A_759 = tpu.memref_slice %arg5[%dma_start3A_757, %dma_start3A_758] : memref<10240x64xf32, #tpu.memory_space<vmem_shared>> -> memref<10240x64xf32, #tpu.memory_space<vmem_shared>>
      tpu.enqueue_indirect_dma source(%arg9 : memref<128x64xf32, #tpu.memory_space<vmem>>) target(%dma_start3A_759 : memref<10240x64xf32, #tpu.memory_space<vmem_shared>>) offsets(%dma_start3A_756 : memref<128xi32, #tpu.memory_space<vmem>>) semaphore(%arg23 : memref<!tpu.dma_semaphore, #tpu.memory_space<semaphore_mem>>) {add = true}
      %mul3A_760 = arith.constant 12 : i32
      %mul3A_761 = arith.muli %mul3A_760, %add3A_273 : i32
      %add3A_762 = arith.constant 11 : i32
      %add3A_763 = arith.addi %mul3A_761, %add3A_762 : i32
      %dma_wait3A_764 = arith.constant 0 : i32
      %dma_wait3A_765 = arith.constant 0 : i32
      %dma_wait3A_766 = arith.constant 0 : i32
      %dma_wait3A_767 = tpu.memref_slice %arg3[%dma_wait3A_764, %dma_wait3A_765, %dma_wait3A_766] : memref<2624x2x128xi32, #tpu.memory_space<hbm>> -> memref<1x2x128xi32, #tpu.memory_space<hbm>>
      %dma_wait3A_768 = tpu.memref_squeeze %dma_wait3A_767 : memref<1x2x128xi32, #tpu.memory_space<hbm>> -> memref<2x128xi32, #tpu.memory_space<hbm>>
      %dma_wait3A_769 = arith.constant 0 : i32
      %dma_wait3A_770 = arith.constant 0 : i32
      %dma_wait3A_771 = tpu.memref_slice %arg3[%dma_wait3A_764, %dma_wait3A_769, %dma_wait3A_770] : memref<2624x2x128xi32, #tpu.memory_space<hbm>> -> memref<1x2x128xi32, #tpu.memory_space<hbm>>
      %dma_wait3A_772 = tpu.memref_squeeze %dma_wait3A_771 : memref<1x2x128xi32, #tpu.memory_space<hbm>> -> memref<2x128xi32, #tpu.memory_space<hbm>>
      tpu.wait_dma2 semaphore(%arg26 : memref<!tpu.dma_semaphore, #tpu.memory_space<semaphore_mem>>) src(%dma_wait3A_772 : memref<2x128xi32, #tpu.memory_space<hbm>>) dst(%arg12 : memref<2x128xi32, #tpu.memory_space<vmem>>)
      %dma_wait3A_773 = arith.constant 1 : i32
      %dma_wait3A_774 = arith.constant 0 : i32
      %dma_wait3A_775 = tpu.memref_slice %arg14[%dma_wait3A_773, %dma_wait3A_774] : memref<2x128xi32, #tpu.memory_space<vmem>> -> memref<1x128xi32, #tpu.memory_space<vmem>>
      %dma_wait3A_776 = tpu.memref_squeeze %dma_wait3A_775 : memref<1x128xi32, #tpu.memory_space<vmem>> -> memref<128xi32, #tpu.memory_space<vmem>>
      %dma_wait3A_777 = arith.constant 0 : i32
      %dma_wait3A_778 = arith.constant 0 : i32
      %dma_wait3A_779 = tpu.memref_slice %arg5[%dma_wait3A_777, %dma_wait3A_778] : memref<10240x64xf32, #tpu.memory_space<vmem_shared>> -> memref<10240x64xf32, #tpu.memory_space<vmem_shared>>
      tpu.wait_indirect_dma semaphore(%arg22 : memref<!tpu.dma_semaphore, #tpu.memory_space<semaphore_mem>>) src(%arg8 : memref<128x64xf32, #tpu.memory_space<vmem>>) dst(%dma_wait3A_779 : memref<10240x64xf32, #tpu.memory_space<vmem_shared>>)
      %dma_start3A_780 = arith.constant 0 : i32
      %dma_start3A_781 = arith.constant 0 : i32
      %dma_start3A_782 = tpu.memref_slice %arg12[%dma_start3A_780, %dma_start3A_781] : memref<2x128xi32, #tpu.memory_space<vmem>> -> memref<1x128xi32, #tpu.memory_space<vmem>>
      %dma_start3A_783 = tpu.memref_squeeze %dma_start3A_782 : memref<1x128xi32, #tpu.memory_space<vmem>> -> memref<128xi32, #tpu.memory_space<vmem>>
      %dma_start3A_784 = arith.constant 0 : i32
      %dma_start3A_785 = arith.constant 0 : i32
      %dma_start3A_786 = tpu.memref_slice %arg6[%dma_start3A_784, %dma_start3A_785] : memref<10240x64xf32, #tpu.memory_space<vmem_shared>> -> memref<10240x64xf32, #tpu.memory_space<vmem_shared>>
      tpu.enqueue_indirect_dma source(%dma_start3A_786 : memref<10240x64xf32, #tpu.memory_space<vmem_shared>>) target(%arg8 : memref<128x64xf32, #tpu.memory_space<vmem>>) offsets(%dma_start3A_783 : memref<128xi32, #tpu.memory_space<vmem>>) semaphore(%arg18 : memref<!tpu.dma_semaphore, #tpu.memory_space<semaphore_mem>>)
      %add3A_787 = arith.constant 4 : i32
      %add3A_788 = arith.addi %add3A_763, %add3A_787 : i32
      %mul3A_789 = arith.constant 16 : i32
      %mul3A_790 = arith.muli %mul3A_789, %add3A_788 : i32
      %add3A_791 = arith.addi %arg1, %mul3A_790 : i32
      %dma_start3A_792 = arith.constant 0 : i32
      %dma_start3A_793 = arith.constant 0 : i32
      %dma_start3A_794 = tpu.memref_slice %arg3[%add3A_791, %dma_start3A_792, %dma_start3A_793] : memref<2624x2x128xi32, #tpu.memory_space<hbm>> -> memref<1x2x128xi32, #tpu.memory_space<hbm>>
      %dma_start3A_795 = tpu.memref_squeeze %dma_start3A_794 : memref<1x2x128xi32, #tpu.memory_space<hbm>> -> memref<2x128xi32, #tpu.memory_space<hbm>>
      %dma_start3A_796 = arith.constant 0 : i32
      %dma_start3A_797 = arith.constant 0 : i32
      %dma_start3A_798 = tpu.memref_slice %arg3[%add3A_791, %dma_start3A_796, %dma_start3A_797] : memref<2624x2x128xi32, #tpu.memory_space<hbm>> -> memref<1x2x128xi32, #tpu.memory_space<hbm>>
      %dma_start3A_799 = tpu.memref_squeeze %dma_start3A_798 : memref<1x2x128xi32, #tpu.memory_space<hbm>> -> memref<2x128xi32, #tpu.memory_space<hbm>>
      tpu.enqueue_dma source(%dma_start3A_799 : memref<2x128xi32, #tpu.memory_space<hbm>>) target(%arg14 : memref<2x128xi32, #tpu.memory_space<vmem>>) target_semaphore(%arg28 : memref<!tpu.dma_semaphore, #tpu.memory_space<semaphore_mem>>)
      %dma_wait3A_800 = arith.constant 0 : i32
      %dma_wait3A_801 = arith.constant 0 : i32
      %dma_wait3A_802 = tpu.memref_slice %arg16[%dma_wait3A_800, %dma_wait3A_801] : memref<2x128xi32, #tpu.memory_space<vmem>> -> memref<1x128xi32, #tpu.memory_space<vmem>>
      %dma_wait3A_803 = tpu.memref_squeeze %dma_wait3A_802 : memref<1x128xi32, #tpu.memory_space<vmem>> -> memref<128xi32, #tpu.memory_space<vmem>>
      %dma_wait3A_804 = arith.constant 0 : i32
      %dma_wait3A_805 = arith.constant 0 : i32
      %dma_wait3A_806 = tpu.memref_slice %arg6[%dma_wait3A_804, %dma_wait3A_805] : memref<10240x64xf32, #tpu.memory_space<vmem_shared>> -> memref<10240x64xf32, #tpu.memory_space<vmem_shared>>
      tpu.wait_indirect_dma semaphore(%arg20 : memref<!tpu.dma_semaphore, #tpu.memory_space<semaphore_mem>>) src(%dma_wait3A_806 : memref<10240x64xf32, #tpu.memory_space<vmem_shared>>) dst(%arg10 : memref<128x64xf32, #tpu.memory_space<vmem>>)
      %dma_start3A_807 = arith.constant 1 : i32
      %dma_start3A_808 = arith.constant 0 : i32
      %dma_start3A_809 = tpu.memref_slice %arg16[%dma_start3A_807, %dma_start3A_808] : memref<2x128xi32, #tpu.memory_space<vmem>> -> memref<1x128xi32, #tpu.memory_space<vmem>>
      %dma_start3A_810 = tpu.memref_squeeze %dma_start3A_809 : memref<1x128xi32, #tpu.memory_space<vmem>> -> memref<128xi32, #tpu.memory_space<vmem>>
      %dma_start3A_811 = arith.constant 0 : i32
      %dma_start3A_812 = arith.constant 0 : i32
      %dma_start3A_813 = tpu.memref_slice %arg5[%dma_start3A_811, %dma_start3A_812] : memref<10240x64xf32, #tpu.memory_space<vmem_shared>> -> memref<10240x64xf32, #tpu.memory_space<vmem_shared>>
      tpu.enqueue_indirect_dma source(%arg10 : memref<128x64xf32, #tpu.memory_space<vmem>>) target(%dma_start3A_813 : memref<10240x64xf32, #tpu.memory_space<vmem_shared>>) offsets(%dma_start3A_810 : memref<128xi32, #tpu.memory_space<vmem>>) semaphore(%arg24 : memref<!tpu.dma_semaphore, #tpu.memory_space<semaphore_mem>>) {add = true}
      %mul3A_814 = arith.constant 12 : i32
      %mul3A_815 = arith.muli %mul3A_814, %add3A_273 : i32
      %add3A_816 = arith.constant 12 : i32
      %add3A_817 = arith.addi %mul3A_815, %add3A_816 : i32
      %dma_wait3A_818 = arith.constant 0 : i32
      %dma_wait3A_819 = arith.constant 0 : i32
      %dma_wait3A_820 = arith.constant 0 : i32
      %dma_wait3A_821 = tpu.memref_slice %arg3[%dma_wait3A_818, %dma_wait3A_819, %dma_wait3A_820] : memref<2624x2x128xi32, #tpu.memory_space<hbm>> -> memref<1x2x128xi32, #tpu.memory_space<hbm>>
      %dma_wait3A_822 = tpu.memref_squeeze %dma_wait3A_821 : memref<1x2x128xi32, #tpu.memory_space<hbm>> -> memref<2x128xi32, #tpu.memory_space<hbm>>
      %dma_wait3A_823 = arith.constant 0 : i32
      %dma_wait3A_824 = arith.constant 0 : i32
      %dma_wait3A_825 = tpu.memref_slice %arg3[%dma_wait3A_818, %dma_wait3A_823, %dma_wait3A_824] : memref<2624x2x128xi32, #tpu.memory_space<hbm>> -> memref<1x2x128xi32, #tpu.memory_space<hbm>>
      %dma_wait3A_826 = tpu.memref_squeeze %dma_wait3A_825 : memref<1x2x128xi32, #tpu.memory_space<hbm>> -> memref<2x128xi32, #tpu.memory_space<hbm>>
      tpu.wait_dma2 semaphore(%arg27 : memref<!tpu.dma_semaphore, #tpu.memory_space<semaphore_mem>>) src(%dma_wait3A_826 : memref<2x128xi32, #tpu.memory_space<hbm>>) dst(%arg13 : memref<2x128xi32, #tpu.memory_space<vmem>>)
      %dma_wait3A_827 = arith.constant 1 : i32
      %dma_wait3A_828 = arith.constant 0 : i32
      %dma_wait3A_829 = tpu.memref_slice %arg15[%dma_wait3A_827, %dma_wait3A_828] : memref<2x128xi32, #tpu.memory_space<vmem>> -> memref<1x128xi32, #tpu.memory_space<vmem>>
      %dma_wait3A_830 = tpu.memref_squeeze %dma_wait3A_829 : memref<1x128xi32, #tpu.memory_space<vmem>> -> memref<128xi32, #tpu.memory_space<vmem>>
      %dma_wait3A_831 = arith.constant 0 : i32
      %dma_wait3A_832 = arith.constant 0 : i32
      %dma_wait3A_833 = tpu.memref_slice %arg5[%dma_wait3A_831, %dma_wait3A_832] : memref<10240x64xf32, #tpu.memory_space<vmem_shared>> -> memref<10240x64xf32, #tpu.memory_space<vmem_shared>>
      tpu.wait_indirect_dma semaphore(%arg23 : memref<!tpu.dma_semaphore, #tpu.memory_space<semaphore_mem>>) src(%arg9 : memref<128x64xf32, #tpu.memory_space<vmem>>) dst(%dma_wait3A_833 : memref<10240x64xf32, #tpu.memory_space<vmem_shared>>)
      %dma_start3A_834 = arith.constant 0 : i32
      %dma_start3A_835 = arith.constant 0 : i32
      %dma_start3A_836 = tpu.memref_slice %arg13[%dma_start3A_834, %dma_start3A_835] : memref<2x128xi32, #tpu.memory_space<vmem>> -> memref<1x128xi32, #tpu.memory_space<vmem>>
      %dma_start3A_837 = tpu.memref_squeeze %dma_start3A_836 : memref<1x128xi32, #tpu.memory_space<vmem>> -> memref<128xi32, #tpu.memory_space<vmem>>
      %dma_start3A_838 = arith.constant 0 : i32
      %dma_start3A_839 = arith.constant 0 : i32
      %dma_start3A_840 = tpu.memref_slice %arg6[%dma_start3A_838, %dma_start3A_839] : memref<10240x64xf32, #tpu.memory_space<vmem_shared>> -> memref<10240x64xf32, #tpu.memory_space<vmem_shared>>
      tpu.enqueue_indirect_dma source(%dma_start3A_840 : memref<10240x64xf32, #tpu.memory_space<vmem_shared>>) target(%arg9 : memref<128x64xf32, #tpu.memory_space<vmem>>) offsets(%dma_start3A_837 : memref<128xi32, #tpu.memory_space<vmem>>) semaphore(%arg19 : memref<!tpu.dma_semaphore, #tpu.memory_space<semaphore_mem>>)
      %add3A_841 = arith.constant 4 : i32
      %add3A_842 = arith.addi %add3A_817, %add3A_841 : i32
      %mul3A_843 = arith.constant 16 : i32
      %mul3A_844 = arith.muli %mul3A_843, %add3A_842 : i32
      %add3A_845 = arith.addi %arg1, %mul3A_844 : i32
      %dma_start3A_846 = arith.constant 0 : i32
      %dma_start3A_847 = arith.constant 0 : i32
      %dma_start3A_848 = tpu.memref_slice %arg3[%add3A_845, %dma_start3A_846, %dma_start3A_847] : memref<2624x2x128xi32, #tpu.memory_space<hbm>> -> memref<1x2x128xi32, #tpu.memory_space<hbm>>
      %dma_start3A_849 = tpu.memref_squeeze %dma_start3A_848 : memref<1x2x128xi32, #tpu.memory_space<hbm>> -> memref<2x128xi32, #tpu.memory_space<hbm>>
      %dma_start3A_850 = arith.constant 0 : i32
      %dma_start3A_851 = arith.constant 0 : i32
      %dma_start3A_852 = tpu.memref_slice %arg3[%add3A_845, %dma_start3A_850, %dma_start3A_851] : memref<2624x2x128xi32, #tpu.memory_space<hbm>> -> memref<1x2x128xi32, #tpu.memory_space<hbm>>
      %dma_start3A_853 = tpu.memref_squeeze %dma_start3A_852 : memref<1x2x128xi32, #tpu.memory_space<hbm>> -> memref<2x128xi32, #tpu.memory_space<hbm>>
      tpu.enqueue_dma source(%dma_start3A_853 : memref<2x128xi32, #tpu.memory_space<hbm>>) target(%arg15 : memref<2x128xi32, #tpu.memory_space<vmem>>) target_semaphore(%arg29 : memref<!tpu.dma_semaphore, #tpu.memory_space<semaphore_mem>>)
      %dma_wait3A_854 = arith.constant 0 : i32
      %dma_wait3A_855 = arith.constant 0 : i32
      %dma_wait3A_856 = tpu.memref_slice %arg11[%dma_wait3A_854, %dma_wait3A_855] : memref<2x128xi32, #tpu.memory_space<vmem>> -> memref<1x128xi32, #tpu.memory_space<vmem>>
      %dma_wait3A_857 = tpu.memref_squeeze %dma_wait3A_856 : memref<1x128xi32, #tpu.memory_space<vmem>> -> memref<128xi32, #tpu.memory_space<vmem>>
      %dma_wait3A_858 = arith.constant 0 : i32
      %dma_wait3A_859 = arith.constant 0 : i32
      %dma_wait3A_860 = tpu.memref_slice %arg6[%dma_wait3A_858, %dma_wait3A_859] : memref<10240x64xf32, #tpu.memory_space<vmem_shared>> -> memref<10240x64xf32, #tpu.memory_space<vmem_shared>>
      tpu.wait_indirect_dma semaphore(%arg17 : memref<!tpu.dma_semaphore, #tpu.memory_space<semaphore_mem>>) src(%dma_wait3A_860 : memref<10240x64xf32, #tpu.memory_space<vmem_shared>>) dst(%arg7 : memref<128x64xf32, #tpu.memory_space<vmem>>)
      %dma_start3A_861 = arith.constant 1 : i32
      %dma_start3A_862 = arith.constant 0 : i32
      %dma_start3A_863 = tpu.memref_slice %arg11[%dma_start3A_861, %dma_start3A_862] : memref<2x128xi32, #tpu.memory_space<vmem>> -> memref<1x128xi32, #tpu.memory_space<vmem>>
      %dma_start3A_864 = tpu.memref_squeeze %dma_start3A_863 : memref<1x128xi32, #tpu.memory_space<vmem>> -> memref<128xi32, #tpu.memory_space<vmem>>
      %dma_start3A_865 = arith.constant 0 : i32
      %dma_start3A_866 = arith.constant 0 : i32
      %dma_start3A_867 = tpu.memref_slice %arg5[%dma_start3A_865, %dma_start3A_866] : memref<10240x64xf32, #tpu.memory_space<vmem_shared>> -> memref<10240x64xf32, #tpu.memory_space<vmem_shared>>
      tpu.enqueue_indirect_dma source(%arg7 : memref<128x64xf32, #tpu.memory_space<vmem>>) target(%dma_start3A_867 : memref<10240x64xf32, #tpu.memory_space<vmem_shared>>) offsets(%dma_start3A_864 : memref<128xi32, #tpu.memory_space<vmem>>) semaphore(%arg21 : memref<!tpu.dma_semaphore, #tpu.memory_space<semaphore_mem>>) {add = true}
      %mul3A_868 = arith.constant 12 : i32
      %mul3A_869 = arith.muli %mul3A_868, %add3A_273 : i32
      %add3A_870 = arith.constant 13 : i32
      %add3A_871 = arith.addi %mul3A_869, %add3A_870 : i32
      %dma_wait3A_872 = arith.constant 0 : i32
      %dma_wait3A_873 = arith.constant 0 : i32
      %dma_wait3A_874 = arith.constant 0 : i32
      %dma_wait3A_875 = tpu.memref_slice %arg3[%dma_wait3A_872, %dma_wait3A_873, %dma_wait3A_874] : memref<2624x2x128xi32, #tpu.memory_space<hbm>> -> memref<1x2x128xi32, #tpu.memory_space<hbm>>
      %dma_wait3A_876 = tpu.memref_squeeze %dma_wait3A_875 : memref<1x2x128xi32, #tpu.memory_space<hbm>> -> memref<2x128xi32, #tpu.memory_space<hbm>>
      %dma_wait3A_877 = arith.constant 0 : i32
      %dma_wait3A_878 = arith.constant 0 : i32
      %dma_wait3A_879 = tpu.memref_slice %arg3[%dma_wait3A_872, %dma_wait3A_877, %dma_wait3A_878] : memref<2624x2x128xi32, #tpu.memory_space<hbm>> -> memref<1x2x128xi32, #tpu.memory_space<hbm>>
      %dma_wait3A_880 = tpu.memref_squeeze %dma_wait3A_879 : memref<1x2x128xi32, #tpu.memory_space<hbm>> -> memref<2x128xi32, #tpu.memory_space<hbm>>
      tpu.wait_dma2 semaphore(%arg28 : memref<!tpu.dma_semaphore, #tpu.memory_space<semaphore_mem>>) src(%dma_wait3A_880 : memref<2x128xi32, #tpu.memory_space<hbm>>) dst(%arg14 : memref<2x128xi32, #tpu.memory_space<vmem>>)
      %dma_wait3A_881 = arith.constant 1 : i32
      %dma_wait3A_882 = arith.constant 0 : i32
      %dma_wait3A_883 = tpu.memref_slice %arg16[%dma_wait3A_881, %dma_wait3A_882] : memref<2x128xi32, #tpu.memory_space<vmem>> -> memref<1x128xi32, #tpu.memory_space<vmem>>
      %dma_wait3A_884 = tpu.memref_squeeze %dma_wait3A_883 : memref<1x128xi32, #tpu.memory_space<vmem>> -> memref<128xi32, #tpu.memory_space<vmem>>
      %dma_wait3A_885 = arith.constant 0 : i32
      %dma_wait3A_886 = arith.constant 0 : i32
      %dma_wait3A_887 = tpu.memref_slice %arg5[%dma_wait3A_885, %dma_wait3A_886] : memref<10240x64xf32, #tpu.memory_space<vmem_shared>> -> memref<10240x64xf32, #tpu.memory_space<vmem_shared>>
      tpu.wait_indirect_dma semaphore(%arg24 : memref<!tpu.dma_semaphore, #tpu.memory_space<semaphore_mem>>) src(%arg10 : memref<128x64xf32, #tpu.memory_space<vmem>>) dst(%dma_wait3A_887 : memref<10240x64xf32, #tpu.memory_space<vmem_shared>>)
      %dma_start3A_888 = arith.constant 0 : i32
      %dma_start3A_889 = arith.constant 0 : i32
      %dma_start3A_890 = tpu.memref_slice %arg14[%dma_start3A_888, %dma_start3A_889] : memref<2x128xi32, #tpu.memory_space<vmem>> -> memref<1x128xi32, #tpu.memory_space<vmem>>
      %dma_start3A_891 = tpu.memref_squeeze %dma_start3A_890 : memref<1x128xi32, #tpu.memory_space<vmem>> -> memref<128xi32, #tpu.memory_space<vmem>>
      %dma_start3A_892 = arith.constant 0 : i32
      %dma_start3A_893 = arith.constant 0 : i32
      %dma_start3A_894 = tpu.memref_slice %arg6[%dma_start3A_892, %dma_start3A_893] : memref<10240x64xf32, #tpu.memory_space<vmem_shared>> -> memref<10240x64xf32, #tpu.memory_space<vmem_shared>>
      tpu.enqueue_indirect_dma source(%dma_start3A_894 : memref<10240x64xf32, #tpu.memory_space<vmem_shared>>) target(%arg10 : memref<128x64xf32, #tpu.memory_space<vmem>>) offsets(%dma_start3A_891 : memref<128xi32, #tpu.memory_space<vmem>>) semaphore(%arg20 : memref<!tpu.dma_semaphore, #tpu.memory_space<semaphore_mem>>)
      %add3A_895 = arith.constant 4 : i32
      %add3A_896 = arith.addi %add3A_871, %add3A_895 : i32
      %mul3A_897 = arith.constant 16 : i32
      %mul3A_898 = arith.muli %mul3A_897, %add3A_896 : i32
      %add3A_899 = arith.addi %arg1, %mul3A_898 : i32
      %dma_start3A_900 = arith.constant 0 : i32
      %dma_start3A_901 = arith.constant 0 : i32
      %dma_start3A_902 = tpu.memref_slice %arg3[%add3A_899, %dma_start3A_900, %dma_start3A_901] : memref<2624x2x128xi32, #tpu.memory_space<hbm>> -> memref<1x2x128xi32, #tpu.memory_space<hbm>>
      %dma_start3A_903 = tpu.memref_squeeze %dma_start3A_902 : memref<1x2x128xi32, #tpu.memory_space<hbm>> -> memref<2x128xi32, #tpu.memory_space<hbm>>
      %dma_start3A_904 = arith.constant 0 : i32
      %dma_start3A_905 = arith.constant 0 : i32
      %dma_start3A_906 = tpu.memref_slice %arg3[%add3A_899, %dma_start3A_904, %dma_start3A_905] : memref<2624x2x128xi32, #tpu.memory_space<hbm>> -> memref<1x2x128xi32, #tpu.memory_space<hbm>>
      %dma_start3A_907 = tpu.memref_squeeze %dma_start3A_906 : memref<1x2x128xi32, #tpu.memory_space<hbm>> -> memref<2x128xi32, #tpu.memory_space<hbm>>
      tpu.enqueue_dma source(%dma_start3A_907 : memref<2x128xi32, #tpu.memory_space<hbm>>) target(%arg16 : memref<2x128xi32, #tpu.memory_space<vmem>>) target_semaphore(%arg30 : memref<!tpu.dma_semaphore, #tpu.memory_space<semaphore_mem>>)
      %dma_wait3A_908 = arith.constant 0 : i32
      %dma_wait3A_909 = arith.constant 0 : i32
      %dma_wait3A_910 = tpu.memref_slice %arg12[%dma_wait3A_908, %dma_wait3A_909] : memref<2x128xi32, #tpu.memory_space<vmem>> -> memref<1x128xi32, #tpu.memory_space<vmem>>
      %dma_wait3A_911 = tpu.memref_squeeze %dma_wait3A_910 : memref<1x128xi32, #tpu.memory_space<vmem>> -> memref<128xi32, #tpu.memory_space<vmem>>
      %dma_wait3A_912 = arith.constant 0 : i32
      %dma_wait3A_913 = arith.constant 0 : i32
      %dma_wait3A_914 = tpu.memref_slice %arg6[%dma_wait3A_912, %dma_wait3A_913] : memref<10240x64xf32, #tpu.memory_space<vmem_shared>> -> memref<10240x64xf32, #tpu.memory_space<vmem_shared>>
      tpu.wait_indirect_dma semaphore(%arg18 : memref<!tpu.dma_semaphore, #tpu.memory_space<semaphore_mem>>) src(%dma_wait3A_914 : memref<10240x64xf32, #tpu.memory_space<vmem_shared>>) dst(%arg8 : memref<128x64xf32, #tpu.memory_space<vmem>>)
      %dma_start3A_915 = arith.constant 1 : i32
      %dma_start3A_916 = arith.constant 0 : i32
      %dma_start3A_917 = tpu.memref_slice %arg12[%dma_start3A_915, %dma_start3A_916] : memref<2x128xi32, #tpu.memory_space<vmem>> -> memref<1x128xi32, #tpu.memory_space<vmem>>
      %dma_start3A_918 = tpu.memref_squeeze %dma_start3A_917 : memref<1x128xi32, #tpu.memory_space<vmem>> -> memref<128xi32, #tpu.memory_space<vmem>>
      %dma_start3A_919 = arith.constant 0 : i32
      %dma_start3A_920 = arith.constant 0 : i32
      %dma_start3A_921 = tpu.memref_slice %arg5[%dma_start3A_919, %dma_start3A_920] : memref<10240x64xf32, #tpu.memory_space<vmem_shared>> -> memref<10240x64xf32, #tpu.memory_space<vmem_shared>>
      tpu.enqueue_indirect_dma source(%arg8 : memref<128x64xf32, #tpu.memory_space<vmem>>) target(%dma_start3A_921 : memref<10240x64xf32, #tpu.memory_space<vmem_shared>>) offsets(%dma_start3A_918 : memref<128xi32, #tpu.memory_space<vmem>>) semaphore(%arg22 : memref<!tpu.dma_semaphore, #tpu.memory_space<semaphore_mem>>) {add = true}
    }
    %scan3A_186 = arith.constant 13 : i32
    %dma_wait3A_187 = arith.constant 1 : i32
    %dma_wait3A_188 = arith.constant 0 : i32
    %dma_wait3A_189 = tpu.memref_slice %arg11[%dma_wait3A_187, %dma_wait3A_188] : memref<2x128xi32, #tpu.memory_space<vmem>> -> memref<1x128xi32, #tpu.memory_space<vmem>>
    %dma_wait3A_190 = tpu.memref_squeeze %dma_wait3A_189 : memref<1x128xi32, #tpu.memory_space<vmem>> -> memref<128xi32, #tpu.memory_space<vmem>>
    %dma_wait3A_191 = arith.constant 0 : i32
    %dma_wait3A_192 = arith.constant 0 : i32
    %dma_wait3A_193 = tpu.memref_slice %arg5[%dma_wait3A_191, %dma_wait3A_192] : memref<10240x64xf32, #tpu.memory_space<vmem_shared>> -> memref<10240x64xf32, #tpu.memory_space<vmem_shared>>
    tpu.wait_indirect_dma semaphore(%arg21 : memref<!tpu.dma_semaphore, #tpu.memory_space<semaphore_mem>>) src(%arg7 : memref<128x64xf32, #tpu.memory_space<vmem>>) dst(%dma_wait3A_193 : memref<10240x64xf32, #tpu.memory_space<vmem_shared>>)
    %dma_wait3A_194 = arith.constant 0 : i32
    %dma_wait3A_195 = arith.constant 0 : i32
    %dma_wait3A_196 = tpu.memref_slice %arg13[%dma_wait3A_194, %dma_wait3A_195] : memref<2x128xi32, #tpu.memory_space<vmem>> -> memref<1x128xi32, #tpu.memory_space<vmem>>
    %dma_wait3A_197 = tpu.memref_squeeze %dma_wait3A_196 : memref<1x128xi32, #tpu.memory_space<vmem>> -> memref<128xi32, #tpu.memory_space<vmem>>
    %dma_wait3A_198 = arith.constant 0 : i32
    %dma_wait3A_199 = arith.constant 0 : i32
    %dma_wait3A_200 = tpu.memref_slice %arg6[%dma_wait3A_198, %dma_wait3A_199] : memref<10240x64xf32, #tpu.memory_space<vmem_shared>> -> memref<10240x64xf32, #tpu.memory_space<vmem_shared>>
    tpu.wait_indirect_dma semaphore(%arg19 : memref<!tpu.dma_semaphore, #tpu.memory_space<semaphore_mem>>) src(%dma_wait3A_200 : memref<10240x64xf32, #tpu.memory_space<vmem_shared>>) dst(%arg9 : memref<128x64xf32, #tpu.memory_space<vmem>>)
    %dma_start3A_201 = arith.constant 1 : i32
    %dma_start3A_202 = arith.constant 0 : i32
    %dma_start3A_203 = tpu.memref_slice %arg13[%dma_start3A_201, %dma_start3A_202] : memref<2x128xi32, #tpu.memory_space<vmem>> -> memref<1x128xi32, #tpu.memory_space<vmem>>
    %dma_start3A_204 = tpu.memref_squeeze %dma_start3A_203 : memref<1x128xi32, #tpu.memory_space<vmem>> -> memref<128xi32, #tpu.memory_space<vmem>>
    %dma_start3A_205 = arith.constant 0 : i32
    %dma_start3A_206 = arith.constant 0 : i32
    %dma_start3A_207 = tpu.memref_slice %arg5[%dma_start3A_205, %dma_start3A_206] : memref<10240x64xf32, #tpu.memory_space<vmem_shared>> -> memref<10240x64xf32, #tpu.memory_space<vmem_shared>>
    tpu.enqueue_indirect_dma source(%arg9 : memref<128x64xf32, #tpu.memory_space<vmem>>) target(%dma_start3A_207 : memref<10240x64xf32, #tpu.memory_space<vmem_shared>>) offsets(%dma_start3A_204 : memref<128xi32, #tpu.memory_space<vmem>>) semaphore(%arg23 : memref<!tpu.dma_semaphore, #tpu.memory_space<semaphore_mem>>) {add = true}
    %dma_wait3A_208 = arith.constant 1 : i32
    %dma_wait3A_209 = arith.constant 0 : i32
    %dma_wait3A_210 = tpu.memref_slice %arg12[%dma_wait3A_208, %dma_wait3A_209] : memref<2x128xi32, #tpu.memory_space<vmem>> -> memref<1x128xi32, #tpu.memory_space<vmem>>
    %dma_wait3A_211 = tpu.memref_squeeze %dma_wait3A_210 : memref<1x128xi32, #tpu.memory_space<vmem>> -> memref<128xi32, #tpu.memory_space<vmem>>
    %dma_wait3A_212 = arith.constant 0 : i32
    %dma_wait3A_213 = arith.constant 0 : i32
    %dma_wait3A_214 = tpu.memref_slice %arg5[%dma_wait3A_212, %dma_wait3A_213] : memref<10240x64xf32, #tpu.memory_space<vmem_shared>> -> memref<10240x64xf32, #tpu.memory_space<vmem_shared>>
    tpu.wait_indirect_dma semaphore(%arg22 : memref<!tpu.dma_semaphore, #tpu.memory_space<semaphore_mem>>) src(%arg8 : memref<128x64xf32, #tpu.memory_space<vmem>>) dst(%dma_wait3A_214 : memref<10240x64xf32, #tpu.memory_space<vmem_shared>>)
    %dma_wait3A_215 = arith.constant 0 : i32
    %dma_wait3A_216 = arith.constant 0 : i32
    %dma_wait3A_217 = tpu.memref_slice %arg14[%dma_wait3A_215, %dma_wait3A_216] : memref<2x128xi32, #tpu.memory_space<vmem>> -> memref<1x128xi32, #tpu.memory_space<vmem>>
    %dma_wait3A_218 = tpu.memref_squeeze %dma_wait3A_217 : memref<1x128xi32, #tpu.memory_space<vmem>> -> memref<128xi32, #tpu.memory_space<vmem>>
    %dma_wait3A_219 = arith.constant 0 : i32
    %dma_wait3A_220 = arith.constant 0 : i32
    %dma_wait3A_221 = tpu.memref_slice %arg6[%dma_wait3A_219, %dma_wait3A_220] : memref<10240x64xf32, #tpu.memory_space<vmem_shared>> -> memref<10240x64xf32, #tpu.memory_space<vmem_shared>>
    tpu.wait_indirect_dma semaphore(%arg20 : memref<!tpu.dma_semaphore, #tpu.memory_space<semaphore_mem>>) src(%dma_wait3A_221 : memref<10240x64xf32, #tpu.memory_space<vmem_shared>>) dst(%arg10 : memref<128x64xf32, #tpu.memory_space<vmem>>)
    %dma_start3A_222 = arith.constant 1 : i32
    %dma_start3A_223 = arith.constant 0 : i32
    %dma_start3A_224 = tpu.memref_slice %arg14[%dma_start3A_222, %dma_start3A_223] : memref<2x128xi32, #tpu.memory_space<vmem>> -> memref<1x128xi32, #tpu.memory_space<vmem>>
    %dma_start3A_225 = tpu.memref_squeeze %dma_start3A_224 : memref<1x128xi32, #tpu.memory_space<vmem>> -> memref<128xi32, #tpu.memory_space<vmem>>
    %dma_start3A_226 = arith.constant 0 : i32
    %dma_start3A_227 = arith.constant 0 : i32
    %dma_start3A_228 = tpu.memref_slice %arg5[%dma_start3A_226, %dma_start3A_227] : memref<10240x64xf32, #tpu.memory_space<vmem_shared>> -> memref<10240x64xf32, #tpu.memory_space<vmem_shared>>
    tpu.enqueue_indirect_dma source(%arg10 : memref<128x64xf32, #tpu.memory_space<vmem>>) target(%dma_start3A_228 : memref<10240x64xf32, #tpu.memory_space<vmem_shared>>) offsets(%dma_start3A_225 : memref<128xi32, #tpu.memory_space<vmem>>) semaphore(%arg24 : memref<!tpu.dma_semaphore, #tpu.memory_space<semaphore_mem>>) {add = true}
    %dma_wait3A_229 = arith.constant 1 : i32
    %dma_wait3A_230 = arith.constant 0 : i32
    %dma_wait3A_231 = tpu.memref_slice %arg13[%dma_wait3A_229, %dma_wait3A_230] : memref<2x128xi32, #tpu.memory_space<vmem>> -> memref<1x128xi32, #tpu.memory_space<vmem>>
    %dma_wait3A_232 = tpu.memref_squeeze %dma_wait3A_231 : memref<1x128xi32, #tpu.memory_space<vmem>> -> memref<128xi32, #tpu.memory_space<vmem>>
    %dma_wait3A_233 = arith.constant 0 : i32
    %dma_wait3A_234 = arith.constant 0 : i32
    %dma_wait3A_235 = tpu.memref_slice %arg5[%dma_wait3A_233, %dma_wait3A_234] : memref<10240x64xf32, #tpu.memory_space<vmem_shared>> -> memref<10240x64xf32, #tpu.memory_space<vmem_shared>>
    tpu.wait_indirect_dma semaphore(%arg23 : memref<!tpu.dma_semaphore, #tpu.memory_space<semaphore_mem>>) src(%arg9 : memref<128x64xf32, #tpu.memory_space<vmem>>) dst(%dma_wait3A_235 : memref<10240x64xf32, #tpu.memory_space<vmem_shared>>)
    %dma_wait3A_236 = arith.constant 1 : i32
    %dma_wait3A_237 = arith.constant 0 : i32
    %dma_wait3A_238 = tpu.memref_slice %arg14[%dma_wait3A_236, %dma_wait3A_237] : memref<2x128xi32, #tpu.memory_space<vmem>> -> memref<1x128xi32, #tpu.memory_space<vmem>>
    %dma_wait3A_239 = tpu.memref_squeeze %dma_wait3A_238 : memref<1x128xi32, #tpu.memory_space<vmem>> -> memref<128xi32, #tpu.memory_space<vmem>>
    %dma_wait3A_240 = arith.constant 0 : i32
    %dma_wait3A_241 = arith.constant 0 : i32
    %dma_wait3A_242 = tpu.memref_slice %arg5[%dma_wait3A_240, %dma_wait3A_241] : memref<10240x64xf32, #tpu.memory_space<vmem_shared>> -> memref<10240x64xf32, #tpu.memory_space<vmem_shared>>
    tpu.wait_indirect_dma semaphore(%arg24 : memref<!tpu.dma_semaphore, #tpu.memory_space<semaphore_mem>>) src(%arg10 : memref<128x64xf32, #tpu.memory_space<vmem>>) dst(%dma_wait3A_242 : memref<10240x64xf32, #tpu.memory_space<vmem_shared>>)
    %dma_wait3A_243 = arith.constant 0 : i32
    %dma_wait3A_244 = arith.constant 0 : i32
    %dma_wait3A_245 = arith.constant 0 : i32
    %dma_wait3A_246 = tpu.memref_slice %arg3[%dma_wait3A_243, %dma_wait3A_244, %dma_wait3A_245] : memref<2624x2x128xi32, #tpu.memory_space<hbm>> -> memref<1x2x128xi32, #tpu.memory_space<hbm>>
    %dma_wait3A_247 = tpu.memref_squeeze %dma_wait3A_246 : memref<1x2x128xi32, #tpu.memory_space<hbm>> -> memref<2x128xi32, #tpu.memory_space<hbm>>
    %dma_wait3A_248 = arith.constant 0 : i32
    %dma_wait3A_249 = arith.constant 0 : i32
    %dma_wait3A_250 = tpu.memref_slice %arg3[%dma_wait3A_243, %dma_wait3A_248, %dma_wait3A_249] : memref<2624x2x128xi32, #tpu.memory_space<hbm>> -> memref<1x2x128xi32, #tpu.memory_space<hbm>>
    %dma_wait3A_251 = tpu.memref_squeeze %dma_wait3A_250 : memref<1x2x128xi32, #tpu.memory_space<hbm>> -> memref<2x128xi32, #tpu.memory_space<hbm>>
    tpu.wait_dma2 semaphore(%arg29 : memref<!tpu.dma_semaphore, #tpu.memory_space<semaphore_mem>>) src(%dma_wait3A_251 : memref<2x128xi32, #tpu.memory_space<hbm>>) dst(%arg15 : memref<2x128xi32, #tpu.memory_space<vmem>>)
    %dma_wait3A_252 = arith.constant 0 : i32
    %dma_wait3A_253 = arith.constant 0 : i32
    %dma_wait3A_254 = arith.constant 0 : i32
    %dma_wait3A_255 = tpu.memref_slice %arg3[%dma_wait3A_252, %dma_wait3A_253, %dma_wait3A_254] : memref<2624x2x128xi32, #tpu.memory_space<hbm>> -> memref<1x2x128xi32, #tpu.memory_space<hbm>>
    %dma_wait3A_256 = tpu.memref_squeeze %dma_wait3A_255 : memref<1x2x128xi32, #tpu.memory_space<hbm>> -> memref<2x128xi32, #tpu.memory_space<hbm>>
    %dma_wait3A_257 = arith.constant 0 : i32
    %dma_wait3A_258 = arith.constant 0 : i32
    %dma_wait3A_259 = tpu.memref_slice %arg3[%dma_wait3A_252, %dma_wait3A_257, %dma_wait3A_258] : memref<2624x2x128xi32, #tpu.memory_space<hbm>> -> memref<1x2x128xi32, #tpu.memory_space<hbm>>
    %dma_wait3A_260 = tpu.memref_squeeze %dma_wait3A_259 : memref<1x2x128xi32, #tpu.memory_space<hbm>> -> memref<2x128xi32, #tpu.memory_space<hbm>>
    tpu.wait_dma2 semaphore(%arg30 : memref<!tpu.dma_semaphore, #tpu.memory_space<semaphore_mem>>) src(%dma_wait3A_260 : memref<2x128xi32, #tpu.memory_space<hbm>>) dst(%arg16 : memref<2x128xi32, #tpu.memory_space<vmem>>)
    %barrier3A_261 = arith.constant 0 : index
    tpu.barrier barrier_id(%barrier3A_261)
    %mul3A_262 = arith.constant 640 : i32
    %mul3A_263 = arith.muli %arg1, %mul3A_262 : i32
    %mul3A_264 = arith.constant 10240 : i32
    %mul3A_265 = arith.muli %arg0, %mul3A_264 : i32
    %mul3A_266 = arith.constant 640 : i32
    %mul3A_267 = arith.muli %arg1, %mul3A_266 : i32
    %add3A_268 = arith.addi %mul3A_265, %mul3A_267 : i32
    "tpu.region"() ({
      %run_scoped3A = tpu.sem_alloc : memref<!tpu.dma_semaphore, #tpu.memory_space<semaphore_mem>>
      %dma_start3A_269 = arith.constant 0 : i32
      %dma_start3A_270 = tpu.memref_slice %arg4[%add3A_268, %dma_start3A_269] : memref<20480x64xf32, #tpu.memory_space<hbm>> -> memref<640x64xf32, #tpu.memory_space<hbm>>
      %dma_start3A_271 = arith.constant 0 : i32
      %dma_start3A_272 = tpu.memref_slice %arg5[%mul3A_263, %dma_start3A_271] : memref<10240x64xf32, #tpu.memory_space<vmem_shared>> -> memref<640x64xf32, #tpu.memory_space<vmem_shared>>
      tpu.enqueue_dma source(%dma_start3A_272 : memref<640x64xf32, #tpu.memory_space<vmem_shared>>) target(%dma_start3A_270 : memref<640x64xf32, #tpu.memory_space<hbm>>) target_semaphore(%run_scoped3A : memref<!tpu.dma_semaphore, #tpu.memory_space<semaphore_mem>>)
      %dma_wait3A_273 = arith.constant 0 : i32
      %dma_wait3A_274 = tpu.memref_slice %arg4[%add3A_268, %dma_wait3A_273] : memref<20480x64xf32, #tpu.memory_space<hbm>> -> memref<640x64xf32, #tpu.memory_space<hbm>>
      %dma_wait3A_275 = arith.constant 0 : i32
      %dma_wait3A_276 = tpu.memref_slice %arg5[%mul3A_263, %dma_wait3A_275] : memref<10240x64xf32, #tpu.memory_space<vmem_shared>> -> memref<640x64xf32, #tpu.memory_space<vmem_shared>>
      tpu.wait_dma2 semaphore(%run_scoped3A : memref<!tpu.dma_semaphore, #tpu.memory_space<semaphore_mem>>) src(%dma_wait3A_276 : memref<640x64xf32, #tpu.memory_space<vmem_shared>>) dst(%dma_wait3A_274 : memref<640x64xf32, #tpu.memory_space<hbm>>)
      tpu.yield
    }) : () -> ()
    return
  }
}

module attributes {stable_mosaic.version = 14 : i64} {
  func.func @body(%arg0: i32, %arg1: memref<1024x128xf32, #tpu.memory_space<vmem>>, %arg2: memref<128x128xf32, #tpu.memory_space<vmem>>, %arg3: memref<128x128xf32, #tpu.memory_space<vmem>>, %arg4: memref<2x1024x64xf32, #tpu.memory_space<vmem>>, %arg5: memref<1024x128xf32, #tpu.memory_space<vmem>>) attributes {dimension_semantics = [#tpu.dimension_semantics<arbitrary>], iteration_bounds = array<i64: 10>, scalar_prefetch = 0 : i64, scratch_operands = 0 : i64, tpu.core_type = #tpu.core_type<tc>, window_params = [{transform_indices = @transform_0, window_bounds = array<i64: 1024, 128>}, {pipeline_mode = #tpu.pipeline_mode<synchronous>, transform_indices = @transform_1, window_bounds = array<i64: 128, 128>}, {pipeline_mode = #tpu.pipeline_mode<synchronous>, transform_indices = @transform_2, window_bounds = array<i64: 128, 128>}, {transform_indices = @transform_3, window_bounds = array<i64: 2, 1024, 64>}, {transform_indices = @transform_4, window_bounds = array<i64: 1024, 128>}]} {
    %get3A = arith.constant 0 : index
    %get3A_0 = arith.constant 0 : index
    %get3A_1 = vector.load %arg1[%get3A, %get3A_0] : memref<1024x128xf32, #tpu.memory_space<vmem>>, vector<1024x128xf32>
    %get3A_2 = arith.constant 0 : index
    %get3A_3 = arith.constant 0 : index
    %get3A_4 = vector.load %arg2[%get3A_2, %get3A_3] : memref<128x128xf32, #tpu.memory_space<vmem>>, vector<128x128xf32>
    %dot_general3A = arith.constant dense<0.000000e+00> : vector<1024x128xf32>
    %dot_general3A_5 = tpu.matmul %get3A_1, %get3A_4, %dot_general3A {dimension_numbers = #tpu.dot_dimension_numbers<[1], [1], [0], [0], [0, 0, 1, 0], [], []>, transpose_lhs_hint = false} : vector<1024x128xf32>, vector<128x128xf32>, vector<1024x128xf32> -> vector<1024x128xf32>
    %slice3A = vector.extract_strided_slice %dot_general3A_5 {offsets = [0, 0], sizes = [1024, 64], strides = [1, 1]} : vector<1024x128xf32> to vector<1024x64xf32>
    %swap3A = arith.constant 0 : index
    %swap3A_6 = arith.constant 0 : index
    %swap3A_7 = arith.constant 0 : index
    %swap3A_8 = vector.load %arg4[%swap3A, %swap3A_6, %swap3A_7] : memref<2x1024x64xf32, #tpu.memory_space<vmem>>, vector<1x1024x64xf32>
    %swap3A_9 = vector.shape_cast %swap3A_8 : vector<1x1024x64xf32> to vector<1024x64xf32>
    %swap3A_10 = vector.shape_cast %slice3A : vector<1024x64xf32> to vector<1x1024x64xf32>
    tpu.vector_store %arg4[%swap3A, %swap3A_6, %swap3A_7], %swap3A_10 {strides = array<i32>} : memref<2x1024x64xf32, #tpu.memory_space<vmem>>, vector<1x1024x64xf32>,
    %slice3A_11 = vector.extract_strided_slice %dot_general3A_5 {offsets = [0, 64], sizes = [1024, 64], strides = [1, 1]} : vector<1024x128xf32> to vector<1024x64xf32>
    %swap3A_12 = arith.constant 1 : index
    %swap3A_13 = arith.constant 0 : index
    %swap3A_14 = arith.constant 0 : index
    %swap3A_15 = vector.load %arg4[%swap3A_12, %swap3A_13, %swap3A_14] : memref<2x1024x64xf32, #tpu.memory_space<vmem>>, vector<1x1024x64xf32>
    %swap3A_16 = vector.shape_cast %swap3A_15 : vector<1x1024x64xf32> to vector<1024x64xf32>
    %swap3A_17 = vector.shape_cast %slice3A_11 : vector<1024x64xf32> to vector<1x1024x64xf32>
    tpu.vector_store %arg4[%swap3A_12, %swap3A_13, %swap3A_14], %swap3A_17 {strides = array<i32>} : memref<2x1024x64xf32, #tpu.memory_space<vmem>>, vector<1x1024x64xf32>,
    %get3A_18 = arith.constant 0 : index
    %get3A_19 = arith.constant 0 : index
    %get3A_20 = vector.load %arg3[%get3A_18, %get3A_19] : memref<128x128xf32, #tpu.memory_space<vmem>>, vector<128x128xf32>
    %dot_general3A_21 = arith.constant dense<0.000000e+00> : vector<1024x128xf32>
    %dot_general3A_22 = tpu.matmul %get3A_1, %get3A_20, %dot_general3A_21 {dimension_numbers = #tpu.dot_dimension_numbers<[1], [1], [0], [0], [0, 0, 1, 0], [], []>, transpose_lhs_hint = false} : vector<1024x128xf32>, vector<128x128xf32>, vector<1024x128xf32> -> vector<1024x128xf32>
    %swap3A_23 = arith.constant 0 : index
    %swap3A_24 = arith.constant 0 : index
    %swap3A_25 = vector.load %arg5[%swap3A_23, %swap3A_24] : memref<1024x128xf32, #tpu.memory_space<vmem>>, vector<1024x128xf32>
    tpu.vector_store %arg5[%swap3A_23, %swap3A_24], %dot_general3A_22 {strides = array<i32>} : memref<1024x128xf32, #tpu.memory_space<vmem>>, vector<1024x128xf32>,
    return
  }
  func.func @transform_0(%arg0: i32) -> (i32, i32) {
    %c0_i32 = arith.constant 0 : i32
    %c0_i32_0 = arith.constant 0 : i32
    return %arg0, %c0_i32 : i32, i32
  }
  func.func @transform_1(%arg0: i32) -> (i32, i32) {
    %c0_i32 = arith.constant 0 : i32
    %c0_i32_0 = arith.constant 0 : i32
    %c0_i32_1 = arith.constant 0 : i32
    return %c0_i32, %c0_i32_0 : i32, i32
  }
  func.func @transform_2(%arg0: i32) -> (i32, i32) {
    %c0_i32 = arith.constant 0 : i32
    %c0_i32_0 = arith.constant 0 : i32
    %c0_i32_1 = arith.constant 0 : i32
    return %c0_i32, %c0_i32_0 : i32, i32
  }
  func.func @transform_3(%arg0: i32) -> (i32, i32, i32) {
    %c0_i32 = arith.constant 0 : i32
    %c0_i32_0 = arith.constant 0 : i32
    %c0_i32_1 = arith.constant 0 : i32
    return %c0_i32, %arg0, %c0_i32_0 : i32, i32, i32
  }
  func.func @transform_4(%arg0: i32) -> (i32, i32) {
    %c0_i32 = arith.constant 0 : i32
    %c0_i32_0 = arith.constant 0 : i32
    return %arg0, %c0_i32 : i32, i32
  }
}

module attributes {stable_mosaic.version = 14 : i64} {
  func.func @body(%arg0: i32, %arg1: memref<2x1024x64xf32, #tpu.memory_space<vmem>>, %arg2: memref<16x1024xf32, #tpu.memory_space<vmem>>, %arg3: memref<1024x128xf32, #tpu.memory_space<vmem>>, %arg4: memref<1x128xf32, #tpu.memory_space<vmem>>, %arg5: memref<128x128xf32, #tpu.memory_space<vmem>>, %arg6: memref<128x128xf32, #tpu.memory_space<vmem>>, %arg7: memref<2x1024x64xf32, #tpu.memory_space<vmem>>, %arg8: memref<1024x128xf32, #tpu.memory_space<vmem>>) attributes {dimension_semantics = [#tpu.dimension_semantics<arbitrary>], iteration_bounds = array<i64: 10>, scalar_prefetch = 0 : i64, scratch_operands = 0 : i64, tpu.core_type = #tpu.core_type<tc>, window_params = [{transform_indices = @transform_0, window_bounds = array<i64: 2, 1024, 64>}, {transform_indices = @transform_1, window_bounds = array<i64: 16, 1024>}, {transform_indices = @transform_2, window_bounds = array<i64: 1024, 128>}, {pipeline_mode = #tpu.pipeline_mode<synchronous>, transform_indices = @transform_3, window_bounds = array<i64: 1, 128>}, {pipeline_mode = #tpu.pipeline_mode<synchronous>, transform_indices = @transform_4, window_bounds = array<i64: 128, 128>}, {pipeline_mode = #tpu.pipeline_mode<synchronous>, transform_indices = @transform_5, window_bounds = array<i64: 128, 128>}, {transform_indices = @transform_6, window_bounds = array<i64: 2, 1024, 64>}, {transform_indices = @transform_7, window_bounds = array<i64: 1024, 128>}]} {
    %get3A = arith.constant 0 : index
    %get3A_0 = arith.constant 0 : index
    %get3A_1 = vector.load %arg2[%get3A, %get3A_0] : memref<16x1024xf32, #tpu.memory_space<vmem>>, vector<16x1024xf32>
    %reduce_sum3A = arith.constant dense<0.000000e+00> : vector<1024xf32>
    %reduce_sum3A_2 = vector.multi_reduction <add>, %get3A_1, %reduce_sum3A [0] : vector<16x1024xf32> to vector<1024xf32>
    %get3A_3 = arith.constant 0 : index
    %get3A_4 = arith.constant 0 : index
    %get3A_5 = arith.constant 0 : index
    %get3A_6 = vector.load %arg1[%get3A_3, %get3A_4, %get3A_5] : memref<2x1024x64xf32, #tpu.memory_space<vmem>>, vector<1x1024x64xf32>
    %get3A_7 = vector.shape_cast %get3A_6 : vector<1x1024x64xf32> to vector<1024x64xf32>
    %get3A_8 = arith.constant 1 : index
    %get3A_9 = arith.constant 0 : index
    %get3A_10 = arith.constant 0 : index
    %get3A_11 = vector.load %arg1[%get3A_8, %get3A_9, %get3A_10] : memref<2x1024x64xf32, #tpu.memory_space<vmem>>, vector<1x1024x64xf32>
    %get3A_12 = vector.shape_cast %get3A_11 : vector<1x1024x64xf32> to vector<1024x64xf32>
    %concatenate3A = tpu.concatenate %get3A_7, %get3A_12 in 1 : vector<1024x64xf32>, vector<1024x64xf32> -> vector<1024x128xf32>
    %jit3A = arith.constant 1.000000e+00 : f32
    %max3A = vector.broadcast %jit3A : f32 to vector<1024xf32>
    %max3A_13 = arith.maximumf %max3A, %reduce_sum3A_2 : vector<1024xf32>
    %broadcast_in_dim3A = vector.shape_cast %max3A_13 : vector<1024xf32> to vector<1024x1xf32>
    %div3A = vector.broadcast %broadcast_in_dim3A : vector<1024x1xf32> to vector<1024x128xf32>
    %div3A_14 = arith.divf %concatenate3A, %div3A : vector<1024x128xf32>
    %get3A_15 = arith.constant 0 : index
    %get3A_16 = arith.constant 0 : index
    %get3A_17 = vector.load %arg4[%get3A_15, %get3A_16] : memref<1x128xf32, #tpu.memory_space<vmem>>, vector<1x128xf32>
    %add3A = vector.broadcast %get3A_17 : vector<1x128xf32> to vector<1024x128xf32>
    %add3A_18 = arith.addf %div3A_14, %add3A : vector<1024x128xf32>
    %get3A_19 = arith.constant 0 : index
    %get3A_20 = arith.constant 0 : index
    %get3A_21 = vector.load %arg3[%get3A_19, %get3A_20] : memref<1024x128xf32, #tpu.memory_space<vmem>>, vector<1024x128xf32>
    %add3A_22 = arith.addf %add3A_18, %get3A_21 : vector<1024x128xf32>
    %max3A_23 = arith.constant 0.000000e+00 : f32
    %max3A_24 = vector.broadcast %max3A_23 : f32 to vector<1024x128xf32>
    %max3A_25 = arith.maximumf %add3A_22, %max3A_24 : vector<1024x128xf32>
    %get3A_26 = arith.constant 0 : index
    %get3A_27 = arith.constant 0 : index
    %get3A_28 = vector.load %arg5[%get3A_26, %get3A_27] : memref<128x128xf32, #tpu.memory_space<vmem>>, vector<128x128xf32>
    %dot_general3A = arith.constant dense<0.000000e+00> : vector<1024x128xf32>
    %dot_general3A_29 = tpu.matmul %max3A_25, %get3A_28, %dot_general3A {dimension_numbers = #tpu.dot_dimension_numbers<[1], [1], [0], [0], [0, 0, 1, 0], [], []>, transpose_lhs_hint = false} : vector<1024x128xf32>, vector<128x128xf32>, vector<1024x128xf32> -> vector<1024x128xf32>
    %slice3A = vector.extract_strided_slice %dot_general3A_29 {offsets = [0, 0], sizes = [1024, 64], strides = [1, 1]} : vector<1024x128xf32> to vector<1024x64xf32>
    %swap3A = arith.constant 0 : index
    %swap3A_30 = arith.constant 0 : index
    %swap3A_31 = arith.constant 0 : index
    %swap3A_32 = vector.load %arg7[%swap3A, %swap3A_30, %swap3A_31] : memref<2x1024x64xf32, #tpu.memory_space<vmem>>, vector<1x1024x64xf32>
    %swap3A_33 = vector.shape_cast %swap3A_32 : vector<1x1024x64xf32> to vector<1024x64xf32>
    %swap3A_34 = vector.shape_cast %slice3A : vector<1024x64xf32> to vector<1x1024x64xf32>
    tpu.vector_store %arg7[%swap3A, %swap3A_30, %swap3A_31], %swap3A_34 {strides = array<i32>} : memref<2x1024x64xf32, #tpu.memory_space<vmem>>, vector<1x1024x64xf32>,
    %slice3A_35 = vector.extract_strided_slice %dot_general3A_29 {offsets = [0, 64], sizes = [1024, 64], strides = [1, 1]} : vector<1024x128xf32> to vector<1024x64xf32>
    %swap3A_36 = arith.constant 1 : index
    %swap3A_37 = arith.constant 0 : index
    %swap3A_38 = arith.constant 0 : index
    %swap3A_39 = vector.load %arg7[%swap3A_36, %swap3A_37, %swap3A_38] : memref<2x1024x64xf32, #tpu.memory_space<vmem>>, vector<1x1024x64xf32>
    %swap3A_40 = vector.shape_cast %swap3A_39 : vector<1x1024x64xf32> to vector<1024x64xf32>
    %swap3A_41 = vector.shape_cast %slice3A_35 : vector<1024x64xf32> to vector<1x1024x64xf32>
    tpu.vector_store %arg7[%swap3A_36, %swap3A_37, %swap3A_38], %swap3A_41 {strides = array<i32>} : memref<2x1024x64xf32, #tpu.memory_space<vmem>>, vector<1x1024x64xf32>,
    %get3A_42 = arith.constant 0 : index
    %get3A_43 = arith.constant 0 : index
    %get3A_44 = vector.load %arg6[%get3A_42, %get3A_43] : memref<128x128xf32, #tpu.memory_space<vmem>>, vector<128x128xf32>
    %dot_general3A_45 = arith.constant dense<0.000000e+00> : vector<1024x128xf32>
    %dot_general3A_46 = tpu.matmul %max3A_25, %get3A_44, %dot_general3A_45 {dimension_numbers = #tpu.dot_dimension_numbers<[1], [1], [0], [0], [0, 0, 1, 0], [], []>, transpose_lhs_hint = false} : vector<1024x128xf32>, vector<128x128xf32>, vector<1024x128xf32> -> vector<1024x128xf32>
    %swap3A_47 = arith.constant 0 : index
    %swap3A_48 = arith.constant 0 : index
    %swap3A_49 = vector.load %arg8[%swap3A_47, %swap3A_48] : memref<1024x128xf32, #tpu.memory_space<vmem>>, vector<1024x128xf32>
    tpu.vector_store %arg8[%swap3A_47, %swap3A_48], %dot_general3A_46 {strides = array<i32>} : memref<1024x128xf32, #tpu.memory_space<vmem>>, vector<1024x128xf32>,
    return
  }
  func.func @transform_0(%arg0: i32) -> (i32, i32, i32) {
    %c0_i32 = arith.constant 0 : i32
    %c0_i32_0 = arith.constant 0 : i32
    %c0_i32_1 = arith.constant 0 : i32
    return %c0_i32, %arg0, %c0_i32_0 : i32, i32, i32
  }
  func.func @transform_1(%arg0: i32) -> (i32, i32) {
    %c0_i32 = arith.constant 0 : i32
    %c0_i32_0 = arith.constant 0 : i32
    return %c0_i32, %arg0 : i32, i32
  }
  func.func @transform_2(%arg0: i32) -> (i32, i32) {
    %c0_i32 = arith.constant 0 : i32
    %c0_i32_0 = arith.constant 0 : i32
    return %arg0, %c0_i32 : i32, i32
  }
  func.func @transform_3(%arg0: i32) -> (i32, i32) {
    %c0_i32 = arith.constant 0 : i32
    %c0_i32_0 = arith.constant 0 : i32
    %c0_i32_1 = arith.constant 0 : i32
    return %c0_i32, %c0_i32_0 : i32, i32
  }
  func.func @transform_4(%arg0: i32) -> (i32, i32) {
    %c0_i32 = arith.constant 0 : i32
    %c0_i32_0 = arith.constant 0 : i32
    %c0_i32_1 = arith.constant 0 : i32
    return %c0_i32, %c0_i32_0 : i32, i32
  }
  func.func @transform_5(%arg0: i32) -> (i32, i32) {
    %c0_i32 = arith.constant 0 : i32
    %c0_i32_0 = arith.constant 0 : i32
    %c0_i32_1 = arith.constant 0 : i32
    return %c0_i32, %c0_i32_0 : i32, i32
  }
  func.func @transform_6(%arg0: i32) -> (i32, i32, i32) {
    %c0_i32 = arith.constant 0 : i32
    %c0_i32_0 = arith.constant 0 : i32
    %c0_i32_1 = arith.constant 0 : i32
    return %c0_i32, %arg0, %c0_i32_0 : i32, i32, i32
  }
  func.func @transform_7(%arg0: i32) -> (i32, i32) {
    %c0_i32 = arith.constant 0 : i32
    %c0_i32_0 = arith.constant 0 : i32
    return %arg0, %c0_i32 : i32, i32
  }
}

module attributes {stable_mosaic.version = 14 : i64} {
  func.func @body(%arg0: i32, %arg1: memref<2x1024x64xf32, #tpu.memory_space<vmem>>, %arg2: memref<16x1024xf32, #tpu.memory_space<vmem>>, %arg3: memref<1024x128xf32, #tpu.memory_space<vmem>>, %arg4: memref<1x128xf32, #tpu.memory_space<vmem>>, %arg5: memref<1024x128xf32, #tpu.memory_space<vmem>>) attributes {dimension_semantics = [#tpu.dimension_semantics<arbitrary>], iteration_bounds = array<i64: 10>, scalar_prefetch = 0 : i64, scratch_operands = 0 : i64, tpu.core_type = #tpu.core_type<tc>, window_params = [{transform_indices = @transform_0, window_bounds = array<i64: 2, 1024, 64>}, {transform_indices = @transform_1, window_bounds = array<i64: 16, 1024>}, {transform_indices = @transform_2, window_bounds = array<i64: 1024, 128>}, {pipeline_mode = #tpu.pipeline_mode<synchronous>, transform_indices = @transform_3, window_bounds = array<i64: 1, 128>}, {transform_indices = @transform_4, window_bounds = array<i64: 1024, 128>}]} {
    %get3A = arith.constant 0 : index
    %get3A_0 = arith.constant 0 : index
    %get3A_1 = vector.load %arg2[%get3A, %get3A_0] : memref<16x1024xf32, #tpu.memory_space<vmem>>, vector<16x1024xf32>
    %reduce_sum3A = arith.constant dense<0.000000e+00> : vector<1024xf32>
    %reduce_sum3A_2 = vector.multi_reduction <add>, %get3A_1, %reduce_sum3A [0] : vector<16x1024xf32> to vector<1024xf32>
    %get3A_3 = arith.constant 0 : index
    %get3A_4 = arith.constant 0 : index
    %get3A_5 = arith.constant 0 : index
    %get3A_6 = vector.load %arg1[%get3A_3, %get3A_4, %get3A_5] : memref<2x1024x64xf32, #tpu.memory_space<vmem>>, vector<1x1024x64xf32>
    %get3A_7 = vector.shape_cast %get3A_6 : vector<1x1024x64xf32> to vector<1024x64xf32>
    %get3A_8 = arith.constant 1 : index
    %get3A_9 = arith.constant 0 : index
    %get3A_10 = arith.constant 0 : index
    %get3A_11 = vector.load %arg1[%get3A_8, %get3A_9, %get3A_10] : memref<2x1024x64xf32, #tpu.memory_space<vmem>>, vector<1x1024x64xf32>
    %get3A_12 = vector.shape_cast %get3A_11 : vector<1x1024x64xf32> to vector<1024x64xf32>
    %concatenate3A = tpu.concatenate %get3A_7, %get3A_12 in 1 : vector<1024x64xf32>, vector<1024x64xf32> -> vector<1024x128xf32>
    %jit3A = arith.constant 1.000000e+00 : f32
    %max3A = vector.broadcast %jit3A : f32 to vector<1024xf32>
    %max3A_13 = arith.maximumf %max3A, %reduce_sum3A_2 : vector<1024xf32>
    %broadcast_in_dim3A = vector.shape_cast %max3A_13 : vector<1024xf32> to vector<1024x1xf32>
    %div3A = vector.broadcast %broadcast_in_dim3A : vector<1024x1xf32> to vector<1024x128xf32>
    %div3A_14 = arith.divf %concatenate3A, %div3A : vector<1024x128xf32>
    %get3A_15 = arith.constant 0 : index
    %get3A_16 = arith.constant 0 : index
    %get3A_17 = vector.load %arg4[%get3A_15, %get3A_16] : memref<1x128xf32, #tpu.memory_space<vmem>>, vector<1x128xf32>
    %add3A = vector.broadcast %get3A_17 : vector<1x128xf32> to vector<1024x128xf32>
    %add3A_18 = arith.addf %div3A_14, %add3A : vector<1024x128xf32>
    %get3A_19 = arith.constant 0 : index
    %get3A_20 = arith.constant 0 : index
    %get3A_21 = vector.load %arg3[%get3A_19, %get3A_20] : memref<1024x128xf32, #tpu.memory_space<vmem>>, vector<1024x128xf32>
    %add3A_22 = arith.addf %add3A_18, %get3A_21 : vector<1024x128xf32>
    %swap3A = arith.constant 0 : index
    %swap3A_23 = arith.constant 0 : index
    %swap3A_24 = vector.load %arg5[%swap3A, %swap3A_23] : memref<1024x128xf32, #tpu.memory_space<vmem>>, vector<1024x128xf32>
    tpu.vector_store %arg5[%swap3A, %swap3A_23], %add3A_22 {strides = array<i32>} : memref<1024x128xf32, #tpu.memory_space<vmem>>, vector<1024x128xf32>,
    return
  }
  func.func @transform_0(%arg0: i32) -> (i32, i32, i32) {
    %c0_i32 = arith.constant 0 : i32
    %c0_i32_0 = arith.constant 0 : i32
    %c0_i32_1 = arith.constant 0 : i32
    return %c0_i32, %arg0, %c0_i32_0 : i32, i32, i32
  }
  func.func @transform_1(%arg0: i32) -> (i32, i32) {
    %c0_i32 = arith.constant 0 : i32
    %c0_i32_0 = arith.constant 0 : i32
    return %c0_i32, %arg0 : i32, i32
  }
  func.func @transform_2(%arg0: i32) -> (i32, i32) {
    %c0_i32 = arith.constant 0 : i32
    %c0_i32_0 = arith.constant 0 : i32
    return %arg0, %c0_i32 : i32, i32
  }
  func.func @transform_3(%arg0: i32) -> (i32, i32) {
    %c0_i32 = arith.constant 0 : i32
    %c0_i32_0 = arith.constant 0 : i32
    %c0_i32_1 = arith.constant 0 : i32
    return %c0_i32, %c0_i32_0 : i32, i32
  }
  func.func @transform_4(%arg0: i32) -> (i32, i32) {
    %c0_i32 = arith.constant 0 : i32
    %c0_i32_0 = arith.constant 0 : i32
    return %arg0, %c0_i32 : i32, i32
  }
}

</mosaic_0001>

<sc_bundles>
// kernel: kernel.10.cloned.1.call-start
scs
__scs_entry_jumppad:
0x0: {  	(pc) =	sbr.rel $0x88, $3  }
0x1: {  	(tag) =	ssettag $0x0;
	lr =	simm.s32 $0x1  }
0x2: {  	[smem:$0x3F99] =	sst lr;
	_ =	strace $0xD0000000  }
0x3: {  	_ = 	snop  }
0x4: {  	_ = 	snop  }
0x5: {  	_ = 	snop  }
0x6: {  	_ = 	snop  }
0x7: {  	_ = 	snop  }
__scs_overlays_trampoline_lowered:
0x8: {  	[smem:$0x3FA8] =	sst s0  }
0x9: {  	[smem:$0x3FA9] =	sst s1  }
0xa: {  	[smem:$0x3FAA] =	sst s2  }
0xb: {  	[smem:$0x3FAB] =	sst s3  }
0xc: {  	[smem:$0x3FAC] =	sst s4  }
0xd: {  	[smem:$0x3FAD] =	sst s5  }
0xe: {  	[smem:$0x3FAE] =	sst s6  }
0xf: {  	[smem:$0x3FAF] =	sst s7  }
0x10: {  	[smem:$0x3FB0] =	sst s8  }
0x11: {  	[smem:$0x3FB1] =	sst s9;
	s0 =	simm.s32 @!p0 $0x0  }
0x12: {  	s1 =	sld [smem:$0x3F97];
	s0 =	simm.s32 @p0 $0x1  }
0x13: {  	[smem:$0x3FB2] =	sst s0;
	s0 =	simm.s32 @!p1 $0x0  }
0x14: {  	s2 =	sld [smem:$0x3F96];
	s0 =	simm.s32 @p1 $0x1  }
0x15: {  	[smem:$0x3FB3] =	sst s0;
	s0 =	simm.s32 @!p2 $0x0  }
0x16: {  	s3 =	sld [smem:$0x3FDB];
	s0 =	simm.s32 @p2 $0x1  }
0x17: {  	s4 =	simm.s32 $0x1BF5;
	[smem:$0x3FB5] =	sst s0  }
0x18: {  	s0 =	sld [smem:$0x3F98];
	_ =	swait.ge [sflag:s4], $0x0  }
0x19: {  	s7 =	sld [smem:$0x3F99]  }
0x1a: {  	s8 =	sadd.s32 $0xFFFFE003, lr  }
0x1b: {  	s9 =	sadd.s32 $0xFFFFFEF7, lr;
	s5 =	simm.s32 $0xFFFFFFFF;
	p2 =	slt.u32 s8, $0xFFFFF086  }
0x1c: {  	p1 =	slt.u32 s9, $0xF7A;
	s5 =	simm.s32 @!p2 $0x0  }
0x1d: {  	s5 =	simm.s32 @p1 $0x1;
	p0 =	seq.s32 s7, s2  }
0x1e: {  	s7 =	smul.u32 @!p0 $0xF7A, s2;
	p2 =	seq.s32 @!p0 s5, $0x0  }
0x1f: {  	s9 =	smul.u32 $0xF7A, s1;
	s8 =	simm.s32 @!p0 $0x1BF5;
	p2 =	por !p2, p0  }
0x20: {  	[sflag:s8] =	ssyncset.s32 @!p0 $0xFFFFF086;
	s6 =	sadd.s32 @!p0 s3, s7;
	s7 =	simm.s32 @!p0 $0x108  }
0x21: {  	s3 =	sadd.s32 s3, s9;
	s6 =	sadd.s32 @!p0 $0x88, s6;
	s7 =	simm.s32 @p2 $0x1082  }
0x22: {  	[simem:s7], [sflag:s8] =	dma.local @!p0 [hbm:s6], $0xF7A  }
0x23: {  	s9 =	sor.u32 $0xD0000000, s2;
	s6 =	simm.s32 $0x108;
	_ =	swait.ge @!p0 [sflag:s8], $0x0  }
0x24: {  	s3 =	sadd.s32 $0x88, s3;
	s6 =	simm.s32 @!p1 $0x1082;
	[sflag:s4] =	ssyncset.s32 $0xFFFFF086  }
0x25: {  	[simem:s6], [sflag:s4] =	dma.local [hbm:s3], $0xF7A  }
0x26: {  	[smem:$0x3F99] =	sst s1;
	(tag) =	ssettag s2;
	_ =	strace s9  }
0x27: {  	s1 =	sld [smem:$0x3FA9]  }
0x28: {  	s2 =	sld [smem:$0x3FAA]  }
0x29: {  	s4 =	sld [smem:$0x3FAC]  }
0x2a: {  	p0 =	seq.s32 s5, $0x0;
	s5 =	sld [smem:$0x3FAD]  }
0x2b: {  	s6 =	sld [smem:$0x3FAE]  }
0x2c: {  	s7 =	sld [smem:$0x3FAF]  }
0x2d: {  	s3 =	simm.s32 $0x108;
	s8 =	sld [smem:$0x3FB0]  }
0x2e: {  	s3 =	simm.s32 @!p0 $0x1082;
	s9 =	sld [smem:$0x3FB1]  }
0x2f: {  	lr =	sadd.s32 s0, s3;
	s0 =	sld [smem:$0x3FA8]  }
0x30: {  	s3 =	sld [smem:$0x3FAB]  }
0x31: {  	[smem:$0x3FB4] =	sst s10  }
0x32: {  	s10 =	sld [smem:$0x3FB2];
	_ =	sdelay $0x3  }
0x33: {  	p0 =	seq.s32 s10, $0x1;
	s10 =	sld [smem:$0x3FB4];
	_ =	sdelay $0x3  }
0x34: {  	[smem:$0x3FB4] =	sst s10  }
0x35: {  	s10 =	sld [smem:$0x3FB3];
	_ =	sdelay $0x3  }
0x36: {  	p1 =	seq.s32 s10, $0x1;
	s10 =	sld [smem:$0x3FB4];
	_ =	sdelay $0x3  }
0x37: {  	[smem:$0x3FB4] =	sst s10  }
0x38: {  	s10 =	sld [smem:$0x3FB5]  }
0x39: {  	_ = 	snop;
	(pc) =	sbr.ind lr, $3  }
0x3a: {  	_ = 	snop  }
0x3b: {  	_ = 	snop  }
0x3c: {  	p2 =	seq.s32 s10, $0x1;
	s10 =	sld [smem:$0x3FB4]  }
0x3d: {  	_ =	shalt  }
0x3e: {  	_ =	shalt  }
0x3f: {  	_ =	shalt  }
0x40: {  	_ =	shalt  }
0x41: {  	_ =	shalt  }
0x42: {  	_ =	shalt  }
0x43: {  	_ =	shalt  }
0x44: {  	_ =	shalt  }
0x45: {  	_ =	shalt  }
0x46: {  	_ =	shalt  }
0x47: {  	_ =	shalt  }
0x48: {  	_ =	shalt  }
0x49: {  	_ =	shalt  }
0x4a: {  	_ =	shalt  }
0x4b: {  	_ =	shalt  }
0x4c: {  	_ =	shalt  }
0x4d: {  	_ =	shalt  }
0x4e: {  	_ =	shalt  }
0x4f: {  	_ =	shalt  }
0x50: {  	_ =	shalt  }
0x51: {  	_ =	shalt  }
0x52: {  	_ =	shalt  }
0x53: {  	_ =	shalt  }
0x54: {  	_ =	shalt  }
0x55: {  	_ =	shalt  }
0x56: {  	_ =	shalt  }
0x57: {  	_ =	shalt  }
0x58: {  	_ =	shalt  }
0x59: {  	_ =	shalt  }
0x5a: {  	_ =	shalt  }
0x5b: {  	_ =	shalt  }
0x5c: {  	_ =	shalt  }
0x5d: {  	_ =	shalt  }
0x5e: {  	_ =	shalt  }
0x5f: {  	_ =	shalt  }
0x60: {  	_ =	shalt  }
0x61: {  	_ =	shalt  }
0x62: {  	_ =	shalt  }
0x63: {  	_ =	shalt  }
0x64: {  	_ =	shalt  }
0x65: {  	_ =	shalt  }
0x66: {  	_ =	shalt  }
0x67: {  	_ =	shalt  }
0x68: {  	_ =	shalt  }
0x69: {  	_ =	shalt  }
0x6a: {  	_ =	shalt  }
0x6b: {  	_ =	shalt  }
0x6c: {  	_ =	shalt  }
0x6d: {  	_ =	shalt  }
0x6e: {  	_ =	shalt  }
0x6f: {  	_ =	shalt  }
0x70: {  	_ =	shalt  }
0x71: {  	_ =	shalt  }
0x72: {  	_ =	shalt  }
0x73: {  	_ =	shalt  }
0x74: {  	_ =	shalt  }
0x75: {  	_ =	shalt  }
0x76: {  	_ =	shalt  }
0x77: {  	_ =	shalt  }
0x78: {  	_ =	shalt  }
0x79: {  	_ =	shalt  }
0x7a: {  	_ =	shalt  }
0x7b: {  	_ =	shalt  }
0x7c: {  	_ =	shalt  }
0x7d: {  	_ =	shalt  }
0x7e: {  	_ =	shalt  }
0x7f: {  	_ =	shalt  }
0x80: {  	_ =	shalt  }
0x81: {  	_ =	shalt  }
0x82: {  	_ =	shalt  }
0x83: {  	_ =	shalt  }
0x84: {  	_ =	shalt  }
0x85: {  	_ =	shalt  }
0x86: {  	_ =	shalt  }
0x87: {  	_ =	shalt  }
.Lfunc_end0:
.L_simem_size_0:
called_computation.1_lowered:
.L_overlay_start_0:
0x88: {  	s2 =	sld [smem:$0x3FD9]  }
0x89: {  	s3 =	sld [smem:$0x3FFE];
	_ =	sdelay $0x1  }
0x8a: {  	s1 =	srdreg.scid  }
0x8b: {  	s0 =	sand.u32 $0x1, s1  }
0x8c: {  	s17 =	sshll.u32 s0, $0xA;
	s2 =	sadd.s32 s3, s2  }
0x8d: {  	s2 =	sadd.s32 s2, s17  }
0x8e: {  	[smem:$0x3FC0] =	sst s2  }
0x8f: {  	_ = 	snop  }
0x90: {  	s2 =	sld [smem:$0x3FD0];
	(tm) =	ssettm $0x1  }
0x91: {  	s18 =	sld [smem:$0x3FFB];
	_ =	sdelay $0x3  }
0x92: {  	_ =	strace s18  }
0x93: {  	s3 =	sld [smem:$0x3FFC];
	_ =	sdelay $0x3  }
0x94: {  	_ =	strace s3  }
0x95: {  	s3 =	sld [smem:$0x3FFD];
	_ =	sdelay $0x3  }
0x96: {  	_ =	strace s3  }
0x97: {  	_ =	strace $0x8FFFFFFF  }
0x98: {  	s19 =	sld [smem:$0x3FDB];
	_ =	sdelay $0x1  }
0x99: {  	s4 =	simm.s32 $_scs_section_size  }
0x9a: {  	s5 =	simm.s32 $_size__tile_overlayer_lowered;
	s6 =	simm.s32 $_tile_overlayer_lowered  }
0x9b: {  	s22 =	simm.s32 $0x1BFF;
	s21 =	sshll.u32 s6, $0x1;
	s3 =	sadd.s32 s4, s19  }
0x9c: {  	s7 =	simm.s32 $0x0;
	s20 =	sshll.u32 s5, $0x1;
	s5 =	sadd.s32 s21, s3  }
0x9d: {  	[timem:s7], [sflag:s22] =	dma.local [hbm:s5], s20  }
0x9e: {  	_ =	swait.ge [sflag:s22], s20  }
0x9f: {  	s4 =	ssub.s32 $0x0, s20;
	[sflag:s22] =	ssyncset.done $0x0  }
0xa0: {  	[sflag:s22] =	ssyncadd.s32 s4;
	_ =	sdelay $0x1  }
0xa1: {  	s23 =	simm.s32 $0x1B8B  }
0xa2: {  	_ =	swait.ge [sflag:s23], $0x1  }
0xa3: {  	[sflag:s23] =	ssyncset.done $0x0  }
0xa4: {  	s25 =	simm.s32 $0x1B8E;
	s24 =	sld [smem:$0x3FFE];
	[sflag:s23] =	ssyncadd.s32 $0xFFFFFFFF  }
0xa5: {  	s26 =	simm.s32 $execute0_lowered;
	[smem:$0x3FD2] =	sst s25  }
0xa6: {  	s5 =	sshll.u32 s26, $0x1;
	_ =	strace $0x80000049;
	[dreg:$0x1] =	wrdreg $0xFFFFFFFF  }
0xa7: {  	s28 =	simm.s32 $_size_execute0_lowered;
	s3 =	sadd.s32 s3, s5;
	[dreg:$0x0] =	wrdreg $0x0  }
0xa8: {  	s5 =	sshll.u32 s28, $0x1;
	[dreg:$0x2] =	wrdreg s3  }
0xa9: {  	[dreg:$0x3] =	wrdreg s5  }
0xaa: {  	[dreg:$0x4] =	wrdreg $0xC0  }
0xab: {  	_ =	task [dreg:s7], $0x5FFFF  }
0xac: {  	[dreg:$0x1] =	wrdreg $0xFFFFFFFF  }
0xad: {  	[dreg:$0x0] =	wrdreg $0x60  }
0xae: {  	[dreg:$0x2] =	wrdreg s24  }
0xaf: {  	[dreg:$0x3] =	wrdreg s2  }
0xb0: {  	[dreg:$0x4] =	wrdreg $0xA0000  }
0xb1: {  	[dreg:$0x5] =	wrdreg $0x0  }
0xb2: {  	[dreg:$0x6] =	wrdreg $0x9  }
0xb3: {  	_ =	task.clear_ibuf [dreg:s7], $0x7FFFF;
	_ =	strace $0x90000049  }
0xb4: {  	s29 =	simm.s32 $0x9;
	_ =	strace $0x8000004B  }
0xb5: {  	_ =	swait.ge [sflag:s29], $0x1  }
0xb6: {  	[sflag:s29] =	ssyncadd.s32 $0xFFFFFFFF  }
0xb7: {  	_ =	strace $0x9000004B  }
0xb8: {  	_ =	sfence  }
0xb9: {  	s30 =	sld [smem:$0x0];
	_ =	sdelay $0x2  }
0xba: {  	s31 =	sshll.u32 s1, $0xD;
	s1 =	sshrl.u32 s1, $0x2  }
0xbb: {  	s3 =	sand.u32 $0x4000, s31;
	s1 =	sadd.s32 s1, s30  }
0xbc: {  	s0 =	sor.u32 s3, s0;
	s1 =	sshll.u32 s1, $0x11  }
0xbd: {  	s0 =	sor.u32 s1, s0  }
0xbe: {  	s0 =	sadd.s32 $0x8F2B, s0  }
0xbf: {  	[sflag:s0] =	ssyncadd.remote.s32 $0x1  }
0xc0: {  	_ =	sfence.sel $0xFFFF  }
0xc1: {  	[dreg:$0x0] =	wrdreg $0xFFFFFFFF;
	(pc) =	sbr.abs _section_cstart, $3  }
0xc2: {  	[dreg:$0x1] =	wrdreg $0xFFFFFFFF  }
0xc3: {  	_ =	task.clear_ibuf [dreg:s7], $0x2FFFF;
	_ =	strace $0x9FFFFFFF  }
0xc4: {  	(tm) =	ssettm $0x7FFFFFFF  }
0xc5: {  	_ =	shalt  }
tec
execute0_lowered:
.L_overlay_start_1:
0x0: {  	(tag) =	ssettag $0x1  }
0x1: {  	s0 =	rddreg [dreg:$0x0]  }
0x2: {  	s1 =	rddreg [dreg:$0x1]  }
0x3: {  	s22 =	rddreg [dreg:$0x2];
	s4 =	srdreg.scid  }
0x4: {  	s31 =	rddreg [dreg:$0x3];
	s10 =	stileid.u32;
	s28 =	simm.s32 $0x9  }
0x5: {  	s29 =	simm.s32 $0x80;
	s30 =	simm.s32 $0xA;
	s7 =	smul.u32 $0x280, s10  }
0x6: {  	s2 =	simm.s32 $0x8;
	s5 =	sand.u32 $0x1, s4;
	s12 =	smul.u32 $0xA000, s10  }
0x7: {  	s4 =	simm.s32 $0x0;
	s9 =	smul.u32 $0x28000, s10;
	s14 =	sshll.u32 s10, $0x6  }
0x8: {  	s17 =	sshll.u32 s10, $0x5;
	s10 =	simm.s32 $0x18000;
	s6 =	smul.u32 $0x2800, s5  }
0x9: {  	[smem:$0x7FF] =	sst s4;
	s5 =	ssub.s32 $0x2, s5;
	s3 =	sor.u32 $0x1C0F, s14  }
0xa: {  	s1 =	sadd.s32 s1, s17;
	s14 =	simm.s32 $0x1;
	s17 =	simm.s32 $0x2  }
0xb: {  	s8 =	sshrl.u32 s5, $0x1;
	_ =	strace $0x8000004A;
	[dreg:$0x5] =	wrdreg s1  }
0xc: {  	s13 =	sadd.s32 s12, s22;
	s20 =	sadd.s32 $0x200, s1;
	[dreg:$0x7] =	wrdreg s3  }
0xd: {  	s9 =	sshrl.u32 s9, $0x2;
	s21 =	sadd.s32 $0x400, s1;
	[dreg:$0xd] =	wrdreg s20  }
0xe: {  	s23 =	sadd.s32 $0x600, s1;
	s24 =	sadd.s32 $0x800, s1;
	[dreg:$0xe] =	wrdreg s21  }
0xf: {  	s1 =	sadd.s32 $0xA00, s1;
	s6 =	sadd.s32 s7, s6;
	[dreg:$0xf] =	wrdreg s23  }
0x10: {  	s5 =	ssub.s32 s5, s8;
	s15 =	sadd.s32 s9, s31;
	[dreg:$0x10] =	wrdreg s24  }
0x11: {  	s7 =	sadd.s32 s12, s31;
	[dreg:$0x11] =	wrdreg s1;
	s26 =	sshrl.u32 s13, $0x3  }
0x12: {  	s23 =	simm.s32 $0x1C000;
	s24 =	simm.s32 $0x1C100;
	s1 =	simm.s32 $0xB  }
0x13: {  	s13 =	simm.s32 $0x1C400;
	s12 =	simm.s32 $0xC;
	s20 =	simm.s32 $0xD  }
0x14: {  	s8 =	simm.s32 $0xE;
	s21 =	simm.s32 $0x0;
	[dreg:$0x8] =	wrdreg s7  }
0x15: {  	s6 =	sshll.u32 s6, $0x3;
	s16 =	sadd.s32 $0x2000, s15;
	[dreg:$0x14] =	wrdreg s26  }
0x16: {  	s9 =	sadd.s32 $0x4000, s15;
	s18 =	sadd.s32 $0x6000, s15;
	[dreg:$0x9] =	wrdreg s16  }
0x17: {  	s19 =	sadd.s32 $0x8000, s15;
	s25 =	smax.u32 s5, $0x1;
	[dreg:$0xa] =	wrdreg s9  }
0x18: {  	s26 =	simm.s32 $0x14000;
	s5 =	simm.s32 $0x1C300;
	[dreg:$0xb] =	wrdreg s18  }
0x19: {  	s7 =	simm.s32 $0x6;
	s15 =	simm.s32 $0x7;
	[dreg:$0xc] =	wrdreg s19  }
0x1a: {  	s0 =	sadd.s32 s6, s0;
	[dreg:$0x13] =	wrdreg s25;
	s25 =	simm.s32 $0x1C200  }
0x1b: {  	s16 =	simm.s32 $0x1A000;
	s18 =	simm.s32 $0x5;
	s11 =	sadd.s32 $0x1600, s0  }
0x1c: {  	s6 =	simm.s32 $0x3;
	s0 =	sadd.s32 $0x29600, s0;
	[dreg:$0x6] =	wrdreg s11  }
0x1d: {  	v0 =	vimm.f32 $0.0e+00;
	[dreg:$0x12] =	wrdreg s0;
	s0 =	simm.s32 $0x16000;
	s11 =	simm.s32 $0x4  }
.LBB2_1:
0x1e: {  	[dreg:$0x15] =	wrdreg s21  }
0x1f: {  	s9 =	rddreg [dreg:$0x6]  }
0x20: {  	s19 =	simm.s32 $0xF;
	s21 =	rddreg [dreg:$0x14]  }
0x21: {  	[spmem:s21], [sflag:s3] =	dma.local [hbm:s9], $0x1400  }
0x22: {  	_ =	swait.ge [sflag:s19], $0x1400  }
0x23: {  	[sflag:s19] =	ssyncset.done $0x0  }
0x24: {  	s21 =	simm.s32 $0x100;
	s9 =	simm.s32 $0x0;
	[sflag:s19] =	ssyncadd.s32 $0xFFFFEC00  }
.LBB2_2:
0x25: {  	p0 =	sne.s32 s21, $0x7F00;
	[tilespmem:s9+$0x14030] =	vst v0;
	s19 =	smov.u32 s21;
	s21 =	sadd.s32 $0x100, s21  }
.Ltmp0:
0x26: {  	[tilespmem:s9+$0x14020] =	vst v0;
	(pc) =	sbr.rel @p0 .LBB2_2-.Ltmp0, $3  }
0x27: {  	[tilespmem:s9+$0x14000] =	vst v0  }
0x28: {  	[tilespmem:s9+$0x14010] =	vst v0;
	_ =	sdelay $0x1  }
0x29: {  	s9 =	sshra.s32 s19, $0x2  }
0x2a: {  	[tilespmem:s9+$0x14030] =	vst v0  }
0x2b: {  	[tilespmem:s9+$0x14020] =	vst v0  }
0x2c: {  	[tilespmem:s9+$0x14000] =	vst v0  }
0x2d: {  	[tilespmem:s9+$0x14010] =	vst v0;
	s21 =	rddreg [dreg:$0x8];
	s19 =	simm.s32 $0xF  }
0x2e: {  	[spmem:s21] =	stream.linear.scatter [tilespmem:s26], [sflag:$0xF], $0x2000, $0x38;
	[tilespmem:$0x1C600] =	vst v63  }
0x2f: {  	_ =	swait.ge [sflag:s19], $0x2000  }
0x30: {  	[sflag:s19] =	ssyncset.done $0x0  }
0x31: {  	s3 =	rddreg [dreg:$0x9];
	[sflag:s19] =	ssyncadd.s32 $0xFFFFE000  }
0x32: {  	[spmem:s3] =	stream.linear.scatter [tilespmem:s26], [sflag:$0xF], $0x2000, $0x38;
	[tilespmem:$0x1C600] =	vst v63  }
0x33: {  	_ =	swait.ge [sflag:s19], $0x2000  }
0x34: {  	[sflag:s19] =	ssyncset.done $0x0  }
0x35: {  	s21 =	rddreg [dreg:$0xa];
	[sflag:s19] =	ssyncadd.s32 $0xFFFFE000  }
0x36: {  	[spmem:s21] =	stream.linear.scatter [tilespmem:s26], [sflag:$0xF], $0x2000, $0x38;
	[tilespmem:$0x1C600] =	vst v63  }
0x37: {  	_ =	swait.ge [sflag:s19], $0x2000  }
0x38: {  	[sflag:s19] =	ssyncset.done $0x0  }
0x39: {  	s3 =	rddreg [dreg:$0xb];
	[sflag:s19] =	ssyncadd.s32 $0xFFFFE000  }
0x3a: {  	[spmem:s3] =	stream.linear.scatter [tilespmem:s26], [sflag:$0xF], $0x2000, $0x38;
	[tilespmem:$0x1C600] =	vst v63  }
0x3b: {  	_ =	swait.ge [sflag:s19], $0x2000  }
0x3c: {  	[sflag:s19] =	ssyncset.done $0x0  }
0x3d: {  	s21 =	rddreg [dreg:$0xc];
	[sflag:s19] =	ssyncadd.s32 $0xFFFFE000  }
0x3e: {  	[spmem:s21] =	stream.linear.scatter [tilespmem:s26], [sflag:$0xF], $0x2000, $0x38;
	[tilespmem:$0x1C600] =	vst v63  }
0x3f: {  	_ =	swait.ge [sflag:s19], $0x2000  }
0x40: {  	[sflag:s19] =	ssyncset.done $0x0  }
0x41: {  	[sflag:s19] =	ssyncadd.s32 $0xFFFFE000  }
0x42: {  	[bflag:$0x0] =	sbarrier.arrive $0xFFFF  }
0x43: {  	s9 =	simm.s32 $0x0;
	s21 =	rddreg [dreg:$0x5]  }
0x44: {  	[tilespmem:s23], [sflag:$0x9] =	stream.linear.gather [hbm4b:s21+s9], $0x100, $0x38;
	[tilespmem:$0x1C600] =	vst v63  }
0x45: {  	s3 =	rddreg [dreg:$0xd]  }
0x46: {  	[tilespmem:s24], [sflag:$0xA] =	stream.linear.gather [hbm4b:s3+s9], $0x100, $0x38;
	[tilespmem:$0x1C600] =	vst v63  }
0x47: {  	s3 =	rddreg [dreg:$0xe]  }
0x48: {  	[tilespmem:s25], [sflag:$0xB] =	stream.linear.gather [hbm4b:s3+s9], $0x100, $0x38;
	[tilespmem:$0x1C600] =	vst v63  }
0x49: {  	s3 =	rddreg [dreg:$0xf]  }
0x4a: {  	[tilespmem:s5], [sflag:$0xC] =	stream.linear.gather [hbm4b:s3+s9], $0x100, $0x38;
	[tilespmem:$0x1C600] =	vst v63  }
0x4b: {  	_ =	swait.ge [sflag:s28], $0x100  }
0x4c: {  	[sflag:s28] =	ssyncset.done $0x0  }
0x4d: {  	[sflag:s28] =	ssyncadd.s32 $0xFFFFFF00  }
0x4e: {  	[tilespmem:s26], [sflag:$0x1] =	stream.indirect.gather [spmem:s22], $0x40, s23, s29, $0xb8;
	[tilespmem:$0x1C600] =	vst v63  }
0x4f: {  	_ =	swait.ge [sflag:s30], $0x100  }
0x50: {  	[sflag:s30] =	ssyncset.done $0x0  }
0x51: {  	[sflag:s30] =	ssyncadd.s32 $0xFFFFFF00  }
0x52: {  	[tilespmem:s0], [sflag:$0x2] =	stream.indirect.gather [spmem:s22], $0x40, s24, s29, $0xb8;
	[tilespmem:$0x1C600] =	vst v63  }
0x53: {  	_ =	swait.ge [sflag:s1], $0x100  }
0x54: {  	[sflag:s1] =	ssyncset.done $0x0  }
0x55: {  	[sflag:s1] =	ssyncadd.s32 $0xFFFFFF00  }
0x56: {  	[tilespmem:s10], [sflag:$0x3] =	stream.indirect.gather [spmem:s22], $0x40, s25, s29, $0xb8;
	[tilespmem:$0x1C600] =	vst v63  }
0x57: {  	s25 =	rddreg [dreg:$0x10]  }
0x58: {  	[tilespmem:s13], [sflag:$0xD] =	stream.linear.gather [hbm4b:s25+s9], $0x100, $0x38;
	[tilespmem:$0x1C600] =	vst v63  }
0x59: {  	_ =	swait.ge [sflag:s14], $0x2000  }
0x5a: {  	[sflag:s14] =	ssyncset.done $0x0  }
0x5b: {  	s3 =	simm.s32 $0x1C080;
	[sflag:s14] =	ssyncadd.s32 $0xFFFFE000  }
0x5c: {  	[spmem:s31] =	stream.indirect.scatter.add.f32 [tilespmem:s26], [sflag:$0x5], $0x40, s3, s29, $0xb8;
	[tilespmem:$0x1C600] =	vst v63  }
0x5d: {  	_ =	swait.ge [sflag:s12], $0x100  }
0x5e: {  	[sflag:s12] =	ssyncset.done $0x0  }
0x5f: {  	s13 =	simm.s32 $0x1C300;
	[sflag:s12] =	ssyncadd.s32 $0xFFFFFF00  }
0x60: {  	[tilespmem:s16], [sflag:$0x4] =	stream.indirect.gather [spmem:s22], $0x40, s13, s29, $0xb8;
	[tilespmem:$0x1C600] =	vst v63  }
0x61: {  	s23 =	simm.s32 $0x1C500;
	s3 =	rddreg [dreg:$0x11]  }
0x62: {  	[tilespmem:s23], [sflag:$0xE] =	stream.linear.gather [hbm4b:s3+s9], $0x100, $0x38;
	[tilespmem:$0x1C600] =	vst v63  }
0x63: {  	_ =	swait.ge [sflag:s17], $0x2000  }
0x64: {  	[sflag:s17] =	ssyncset.done $0x0  }
0x65: {  	s19 =	simm.s32 $0x1C180;
	[sflag:s17] =	ssyncadd.s32 $0xFFFFE000  }
0x66: {  	[spmem:s31] =	stream.indirect.scatter.add.f32 [tilespmem:s0], [sflag:$0x6], $0x40, s19, s29, $0xb8;
	[tilespmem:$0x1C600] =	vst v63  }
0x67: {  	_ =	swait.ge [sflag:s20], $0x100  }
0x68: {  	[sflag:s20] =	ssyncset.done $0x0  }
0x69: {  	[sflag:s20] =	ssyncadd.s32 $0xFFFFFF00  }
0x6a: {  	_ =	swait.ge [sflag:s18], $0x2000  }
0x6b: {  	[sflag:s18] =	ssyncset.done $0x0  }
0x6c: {  	s5 =	simm.s32 $0x1C400;
	s9 =	sadd.s32 $0x0, s21;
	[sflag:s18] =	ssyncadd.s32 $0xFFFFE000  }
0x6d: {  	[tilespmem:s26], [sflag:$0x1] =	stream.indirect.gather [spmem:s22], $0x40, s5, s29, $0xb8;
	[tilespmem:$0x1C600] =	vst v63  }
0x6e: {  	s24 =	simm.s32 $0x1C000;
	s5 =	sadd.s32 $0xC00, s9  }
0x6f: {  	[tilespmem:s24], [sflag:$0x9] =	stream.linear.gather [hbm4b:s5+s4], $0x100, $0x38;
	[tilespmem:$0x1C600] =	vst v63  }
0x70: {  	_ =	swait.ge [sflag:s6], $0x2000  }
0x71: {  	[sflag:s6] =	ssyncset.done $0x0  }
0x72: {  	s21 =	simm.s32 $0x1C280;
	[sflag:s6] =	ssyncadd.s32 $0xFFFFE000  }
0x73: {  	[spmem:s31] =	stream.indirect.scatter.add.f32 [tilespmem:s10], [sflag:$0x7], $0x40, s21, s29, $0xb8;
	[tilespmem:$0x1C600] =	vst v63  }
0x74: {  	_ =	swait.ge [sflag:s8], $0x100  }
0x75: {  	[sflag:s8] =	ssyncset.done $0x0  }
0x76: {  	[sflag:s8] =	ssyncadd.s32 $0xFFFFFF00  }
0x77: {  	_ =	swait.ge [sflag:s7], $0x2000  }
0x78: {  	[sflag:s7] =	ssyncset.done $0x0  }
0x79: {  	[sflag:s7] =	ssyncadd.s32 $0xFFFFE000  }
0x7a: {  	[tilespmem:s0], [sflag:$0x2] =	stream.indirect.gather [spmem:s22], $0x40, s23, s29, $0xb8;
	[tilespmem:$0x1C600] =	vst v63  }
0x7b: {  	s25 =	simm.s32 $0x1C100;
	s5 =	sadd.s32 $0xE00, s9  }
0x7c: {  	[tilespmem:s25], [sflag:$0xA] =	stream.linear.gather [hbm4b:s5+s4], $0x100, $0x38;
	[tilespmem:$0x1C600] =	vst v63  }
0x7d: {  	_ =	swait.ge [sflag:s11], $0x2000  }
0x7e: {  	[sflag:s11] =	ssyncset.done $0x0  }
0x7f: {  	s3 =	smov.u32 s22;
	s22 =	simm.s32 $0x1C380;
	[sflag:s11] =	ssyncadd.s32 $0xFFFFE000  }
0x80: {  	[spmem:s31] =	stream.indirect.scatter.add.f32 [tilespmem:s16], [sflag:$0x8], $0x40, s22, s29, $0xb8;
	[tilespmem:$0x1C600] =	vst v63  }
0x81: {  	_ =	swait.ge [sflag:s28], $0x100  }
0x82: {  	[sflag:s28] =	ssyncset.done $0x0  }
0x83: {  	[sflag:s28] =	ssyncadd.s32 $0xFFFFFF00  }
0x84: {  	_ =	swait.ge [sflag:s15], $0x2000  }
0x85: {  	[sflag:s15] =	ssyncset.done $0x0  }
0x86: {  	[sflag:s15] =	ssyncadd.s32 $0xFFFFE000  }
0x87: {  	[tilespmem:s10], [sflag:$0x3] =	stream.indirect.gather [spmem:s3], $0x40, s24, s29, $0xb8;
	[tilespmem:$0x1C600] =	vst v63  }
0x88: {  	s21 =	sadd.s32 $0x1000, s9;
	s5 =	simm.s32 $0x1C200  }
0x89: {  	[tilespmem:s5], [sflag:$0xB] =	stream.linear.gather [hbm4b:s21+s4], $0x100, $0x38;
	[tilespmem:$0x1C600] =	vst v63  }
0x8a: {  	_ =	swait.ge [sflag:s14], $0x2000  }
0x8b: {  	[sflag:s14] =	ssyncset.done $0x0  }
0x8c: {  	s21 =	simm.s32 $0x1C480;
	[sflag:s14] =	ssyncadd.s32 $0xFFFFE000  }
0x8d: {  	[spmem:s31] =	stream.indirect.scatter.add.f32 [tilespmem:s26], [sflag:$0x5], $0x40, s21, s29, $0xb8;
	[tilespmem:$0x1C600] =	vst v63  }
0x8e: {  	_ =	swait.ge [sflag:s30], $0x100  }
0x8f: {  	[sflag:s30] =	ssyncset.done $0x0  }
0x90: {  	[sflag:s30] =	ssyncadd.s32 $0xFFFFFF00  }
0x91: {  	_ =	swait.ge [sflag:s2], $0x2000  }
0x92: {  	[sflag:s2] =	ssyncset.done $0x0  }
0x93: {  	[sflag:s2] =	ssyncadd.s32 $0xFFFFE000  }
0x94: {  	[tilespmem:s16], [sflag:$0x4] =	stream.indirect.gather [spmem:s3], $0x40, s25, s29, $0xb8;
	[tilespmem:$0x1C600] =	vst v63  }
0x95: {  	s21 =	sadd.s32 $0x1200, s9  }
0x96: {  	[tilespmem:s13], [sflag:$0xC] =	stream.linear.gather [hbm4b:s21+s4], $0x100, $0x38;
	[tilespmem:$0x1C600] =	vst v63  }
0x97: {  	_ =	swait.ge [sflag:s17], $0x2000  }
0x98: {  	[sflag:s17] =	ssyncset.done $0x0  }
0x99: {  	s21 =	simm.s32 $0x1C580;
	[sflag:s17] =	ssyncadd.s32 $0xFFFFE000  }
0x9a: {  	[spmem:s31] =	stream.indirect.scatter.add.f32 [tilespmem:s0], [sflag:$0x6], $0x40, s21, s29, $0xb8;
	[tilespmem:$0x1C600] =	vst v63  }
0x9b: {  	_ =	swait.ge [sflag:s1], $0x100  }
0x9c: {  	[sflag:s1] =	ssyncset.done $0x0  }
0x9d: {  	[sflag:s1] =	ssyncadd.s32 $0xFFFFFF00  }
0x9e: {  	_ =	swait.ge [sflag:s18], $0x2000  }
0x9f: {  	[sflag:s18] =	ssyncset.done $0x0  }
0xa0: {  	[sflag:s18] =	ssyncadd.s32 $0xFFFFE000  }
0xa1: {  	[tilespmem:s26], [sflag:$0x1] =	stream.indirect.gather [spmem:s3], $0x40, s5, s29, $0xb8;
	[tilespmem:$0x1C600] =	vst v63  }
0xa2: {  	s19 =	sadd.s32 $0x1400, s9;
	s5 =	simm.s32 $0x1C400  }
0xa3: {  	[tilespmem:s5], [sflag:$0xD] =	stream.linear.gather [hbm4b:s19+s4], $0x100, $0x38;
	[tilespmem:$0x1C600] =	vst v63  }
0xa4: {  	_ =	swait.ge [sflag:s6], $0x2000  }
0xa5: {  	[sflag:s6] =	ssyncset.done $0x0  }
0xa6: {  	s19 =	simm.s32 $0x1C080;
	[sflag:s6] =	ssyncadd.s32 $0xFFFFE000  }
0xa7: {  	[spmem:s31] =	stream.indirect.scatter.add.f32 [tilespmem:s10], [sflag:$0x7], $0x40, s19, s29, $0xb8;
	[tilespmem:$0x1C600] =	vst v63  }
0xa8: {  	_ =	swait.ge [sflag:s12], $0x100  }
0xa9: {  	[sflag:s12] =	ssyncset.done $0x0  }
0xaa: {  	[sflag:s12] =	ssyncadd.s32 $0xFFFFFF00  }
0xab: {  	_ =	swait.ge [sflag:s7], $0x2000  }
0xac: {  	[sflag:s7] =	ssyncset.done $0x0  }
0xad: {  	[sflag:s7] =	ssyncadd.s32 $0xFFFFE000  }
0xae: {  	[tilespmem:s0], [sflag:$0x2] =	stream.indirect.gather [spmem:s3], $0x40, s13, s29, $0xb8;
	[tilespmem:$0x1C600] =	vst v63  }
0xaf: {  	s19 =	sadd.s32 $0x1600, s9  }
0xb0: {  	[tilespmem:s23], [sflag:$0xE] =	stream.linear.gather [hbm4b:s19+s4], $0x100, $0x38;
	[tilespmem:$0x1C600] =	vst v63  }
0xb1: {  	_ =	swait.ge [sflag:s11], $0x2000  }
0xb2: {  	[sflag:s11] =	ssyncset.done $0x0  }
0xb3: {  	s19 =	simm.s32 $0x1C180;
	[sflag:s11] =	ssyncadd.s32 $0xFFFFE000  }
0xb4: {  	[spmem:s31] =	stream.indirect.scatter.add.f32 [tilespmem:s16], [sflag:$0x8], $0x40, s19, s29, $0xb8;
	[tilespmem:$0x1C600] =	vst v63  }
0xb5: {  	_ =	swait.ge [sflag:s20], $0x100  }
0xb6: {  	[sflag:s20] =	ssyncset.done $0x0  }
0xb7: {  	[sflag:s20] =	ssyncadd.s32 $0xFFFFFF00  }
0xb8: {  	_ =	swait.ge [sflag:s15], $0x2000  }
0xb9: {  	[sflag:s15] =	ssyncset.done $0x0  }
0xba: {  	[sflag:s15] =	ssyncadd.s32 $0xFFFFE000  }
0xbb: {  	[tilespmem:s10], [sflag:$0x3] =	stream.indirect.gather [spmem:s3], $0x40, s5, s29, $0xb8;
	[tilespmem:$0x1C600] =	vst v63  }
0xbc: {  	s20 =	sadd.s32 $0x1800, s9  }
0xbd: {  	[tilespmem:s24], [sflag:$0x9] =	stream.linear.gather [hbm4b:s20+s4], $0x100, $0x38;
	[tilespmem:$0x1C600] =	vst v63  }
0xbe: {  	_ =	swait.ge [sflag:s14], $0x2000  }
0xbf: {  	[sflag:s14] =	ssyncset.done $0x0  }
0xc0: {  	s20 =	simm.s32 $0x1C280;
	[sflag:s14] =	ssyncadd.s32 $0xFFFFE000  }
0xc1: {  	[spmem:s31] =	stream.indirect.scatter.add.f32 [tilespmem:s26], [sflag:$0x5], $0x40, s20, s29, $0xb8;
	[tilespmem:$0x1C600] =	vst v63  }
0xc2: {  	_ =	swait.ge [sflag:s8], $0x100  }
0xc3: {  	[sflag:s8] =	ssyncset.done $0x0  }
0xc4: {  	[sflag:s8] =	ssyncadd.s32 $0xFFFFFF00  }
0xc5: {  	_ =	swait.ge [sflag:s2], $0x2000  }
0xc6: {  	[sflag:s2] =	ssyncset.done $0x0  }
0xc7: {  	[sflag:s2] =	ssyncadd.s32 $0xFFFFE000  }
0xc8: {  	[tilespmem:s16], [sflag:$0x4] =	stream.indirect.gather [spmem:s3], $0x40, s23, s29, $0xb8;
	[tilespmem:$0x1C600] =	vst v63  }
0xc9: {  	s8 =	sadd.s32 $0x1A00, s9  }
0xca: {  	[tilespmem:s25], [sflag:$0xA] =	stream.linear.gather [hbm4b:s8+s4], $0x100, $0x38;
	[tilespmem:$0x1C600] =	vst v63  }
0xcb: {  	_ =	swait.ge [sflag:s17], $0x2000  }
0xcc: {  	[sflag:s17] =	ssyncset.done $0x0  }
0xcd: {  	[sflag:s17] =	ssyncadd.s32 $0xFFFFE000  }
0xce: {  	[spmem:s31] =	stream.indirect.scatter.add.f32 [tilespmem:s0], [sflag:$0x6], $0x40, s22, s29, $0xb8;
	[tilespmem:$0x1C600] =	vst v63  }
0xcf: {  	_ =	swait.ge [sflag:s28], $0x100  }
0xd0: {  	[sflag:s28] =	ssyncset.done $0x0  }
0xd1: {  	[sflag:s28] =	ssyncadd.s32 $0xFFFFFF00  }
0xd2: {  	_ =	swait.ge [sflag:s18], $0x2000  }
0xd3: {  	[sflag:s18] =	ssyncset.done $0x0  }
0xd4: {  	[sflag:s18] =	ssyncadd.s32 $0xFFFFE000  }
0xd5: {  	[tilespmem:s26], [sflag:$0x1] =	stream.indirect.gather [spmem:s3], $0x40, s24, s29, $0xb8;
	[tilespmem:$0x1C600] =	vst v63  }
0xd6: {  	s21 =	simm.s32 $0x1C200;
	s18 =	sadd.s32 $0x1C00, s9  }
0xd7: {  	[tilespmem:s21], [sflag:$0xB] =	stream.linear.gather [hbm4b:s18+s4], $0x100, $0x38;
	[tilespmem:$0x1C600] =	vst v63  }
0xd8: {  	_ =	swait.ge [sflag:s6], $0x2000  }
0xd9: {  	[sflag:s6] =	ssyncset.done $0x0  }
0xda: {  	s20 =	simm.s32 $0x1C480;
	[sflag:s6] =	ssyncadd.s32 $0xFFFFE000  }
0xdb: {  	[spmem:s31] =	stream.indirect.scatter.add.f32 [tilespmem:s10], [sflag:$0x7], $0x40, s20, s29, $0xb8;
	[tilespmem:$0x1C600] =	vst v63  }
0xdc: {  	_ =	swait.ge [sflag:s30], $0x100  }
0xdd: {  	[sflag:s30] =	ssyncset.done $0x0  }
0xde: {  	[sflag:s30] =	ssyncadd.s32 $0xFFFFFF00  }
0xdf: {  	_ =	swait.ge [sflag:s7], $0x2000  }
0xe0: {  	[sflag:s7] =	ssyncset.done $0x0  }
0xe1: {  	[sflag:s7] =	ssyncadd.s32 $0xFFFFE000  }
0xe2: {  	[tilespmem:s0], [sflag:$0x2] =	stream.indirect.gather [spmem:s3], $0x40, s25, s29, $0xb8;
	[tilespmem:$0x1C600] =	vst v63  }
0xe3: {  	s23 =	sadd.s32 $0x1E00, s9  }
0xe4: {  	[tilespmem:s13], [sflag:$0xC] =	stream.linear.gather [hbm4b:s23+s4], $0x100, $0x38;
	[tilespmem:$0x1C600] =	vst v63  }
0xe5: {  	_ =	swait.ge [sflag:s11], $0x2000  }
0xe6: {  	[sflag:s11] =	ssyncset.done $0x0  }
0xe7: {  	s24 =	simm.s32 $0x1C580;
	[sflag:s11] =	ssyncadd.s32 $0xFFFFE000  }
0xe8: {  	[spmem:s31] =	stream.indirect.scatter.add.f32 [tilespmem:s16], [sflag:$0x8], $0x40, s24, s29, $0xb8;
	[tilespmem:$0x1C600] =	vst v63  }
0xe9: {  	_ =	swait.ge [sflag:s1], $0x100  }
0xea: {  	[sflag:s1] =	ssyncset.done $0x0  }
0xeb: {  	[sflag:s1] =	ssyncadd.s32 $0xFFFFFF00  }
0xec: {  	_ =	swait.ge [sflag:s15], $0x2000  }
0xed: {  	[sflag:s15] =	ssyncset.done $0x0  }
0xee: {  	[sflag:s15] =	ssyncadd.s32 $0xFFFFE000  }
0xef: {  	[tilespmem:s10], [sflag:$0x3] =	stream.indirect.gather [spmem:s3], $0x40, s21, s29, $0xb8;
	[tilespmem:$0x1C600] =	vst v63  }
0xf0: {  	s5 =	simm.s32 $0x1C400;
	s25 =	sadd.s32 $0x2000, s9  }
0xf1: {  	[tilespmem:s5], [sflag:$0xD] =	stream.linear.gather [hbm4b:s25+s4], $0x100, $0x38;
	[tilespmem:$0x1C600] =	vst v63  }
0xf2: {  	_ =	swait.ge [sflag:s14], $0x2000  }
0xf3: {  	[sflag:s14] =	ssyncset.done $0x0  }
0xf4: {  	s30 =	simm.s32 $0x1C080;
	[sflag:s14] =	ssyncadd.s32 $0xFFFFE000  }
0xf5: {  	[spmem:s31] =	stream.indirect.scatter.add.f32 [tilespmem:s26], [sflag:$0x5], $0x40, s30, s29, $0xb8;
	[tilespmem:$0x1C600] =	vst v63  }
0xf6: {  	_ =	swait.ge [sflag:s12], $0x100  }
0xf7: {  	[sflag:s12] =	ssyncset.done $0x0  }
0xf8: {  	[sflag:s12] =	ssyncadd.s32 $0xFFFFFF00  }
0xf9: {  	_ =	swait.ge [sflag:s2], $0x2000  }
0xfa: {  	s22 =	smov.u32 s3;
	[sflag:s2] =	ssyncset.done $0x0  }
0xfb: {  	s28 =	simm.s32 $0x8;
	s18 =	simm.s32 $0x5;
	[sflag:s2] =	ssyncadd.s32 $0xFFFFE000  }
0xfc: {  	[tilespmem:s16], [sflag:$0x4] =	stream.indirect.gather [spmem:s3], $0x40, s13, s29, $0xb8;
	[tilespmem:$0x1C600] =	vst v63  }
0xfd: {  	s6 =	simm.s32 $0x3;
	s9 =	sadd.s32 $0x2200, s9;
	s23 =	simm.s32 $0x1C500  }
0xfe: {  	[tilespmem:s23], [sflag:$0xE] =	stream.linear.gather [hbm4b:s9+s4], $0x100, $0x38;
	[tilespmem:$0x1C600] =	vst v63  }
0xff: {  	s7 =	simm.s32 $0x6;
	s11 =	simm.s32 $0x4;
	_ =	swait.ge [sflag:s17], $0x2000  }
0x100: {  	s15 =	simm.s32 $0x7;
	s21 =	simm.s32 $0x1800;
	[sflag:s17] =	ssyncset.done $0x0  }
0x101: {  	s14 =	simm.s32 $0x1;
	[sflag:s17] =	ssyncadd.s32 $0xFFFFE000;
	s17 =	simm.s32 $0x2  }
.LBB2_4:
0x102: {  	s0 =	simm.s32 $0x1C180;
	s2 =	simm.s32 $0x16000;
	s10 =	simm.s32 $0xD  }
0x103: {  	[spmem:s31] =	stream.indirect.scatter.add.f32 [tilespmem:s2], [sflag:$0x6], $0x40, s0, s29, $0xb8;
	[tilespmem:$0x1C600] =	vst v63  }
0x104: {  	_ =	swait.ge [sflag:s10], $0x100  }
0x105: {  	[sflag:s10] =	ssyncset.done $0x0  }
0x106: {  	[sflag:s10] =	ssyncadd.s32 $0xFFFFFF00  }
0x107: {  	_ =	swait.ge [sflag:s18], $0x2000  }
0x108: {  	s9 =	smov.u32 s21;
	[sflag:s18] =	ssyncset.done $0x0;
	s19 =	rddreg [dreg:$0x5]  }
0x109: {  	s5 =	simm.s32 $0x1C400;
	[sflag:s18] =	ssyncadd.s32 $0xFFFFE000;
	s9 =	sadd.s32 s9, s19  }
0x10a: {  	[tilespmem:s26], [sflag:$0x1] =	stream.indirect.gather [spmem:s22], $0x40, s5, s29, $0xb8;
	[tilespmem:$0x1C600] =	vst v63  }
0x10b: {  	s19 =	sadd.s32 $0xC00, s9;
	s26 =	simm.s32 $0x1C000  }
0x10c: {  	[tilespmem:s26], [sflag:$0x9] =	stream.linear.gather [hbm4b:s19+s4], $0x100, $0x38;
	[tilespmem:$0x1C600] =	vst v63  }
0x10d: {  	_ =	swait.ge [sflag:s6], $0x2000  }
0x10e: {  	s8 =	simm.s32 $0x1C280;
	[sflag:s6] =	ssyncset.done $0x0  }
0x10f: {  	s16 =	simm.s32 $0xE;
	s22 =	simm.s32 $0x18000;
	[sflag:s6] =	ssyncadd.s32 $0xFFFFE000  }
0x110: {  	[spmem:s31] =	stream.indirect.scatter.add.f32 [tilespmem:s22], [sflag:$0x7], $0x40, s8, s29, $0xb8;
	[tilespmem:$0x1C600] =	vst v63  }
0x111: {  	_ =	swait.ge [sflag:s16], $0x100  }
0x112: {  	[sflag:s16] =	ssyncset.done $0x0  }
0x113: {  	[sflag:s16] =	ssyncadd.s32 $0xFFFFFF00  }
0x114: {  	_ =	swait.ge [sflag:s7], $0x2000  }
0x115: {  	[sflag:s7] =	ssyncset.done $0x0  }
0x116: {  	[sflag:s7] =	ssyncadd.s32 $0xFFFFE000  }
0x117: {  	[tilespmem:s2], [sflag:$0x2] =	stream.indirect.gather [spmem:s3], $0x40, s23, s29, $0xb8;
	[tilespmem:$0x1C600] =	vst v63  }
0x118: {  	s12 =	sadd.s32 $0xE00, s9;
	s5 =	simm.s32 $0x1C100  }
0x119: {  	[tilespmem:s5], [sflag:$0xA] =	stream.linear.gather [hbm4b:s12+s4], $0x100, $0x38;
	[tilespmem:$0x1C600] =	vst v63  }
0x11a: {  	_ =	swait.ge [sflag:s11], $0x2000  }
0x11b: {  	[sflag:s11] =	ssyncset.done $0x0  }
0x11c: {  	s1 =	simm.s32 $0x1C380;
	s0 =	simm.s32 $0x1A000;
	[sflag:s11] =	ssyncadd.s32 $0xFFFFE000  }
0x11d: {  	[spmem:s31] =	stream.indirect.scatter.add.f32 [tilespmem:s0], [sflag:$0x8], $0x40, s1, s29, $0xb8;
	[tilespmem:$0x1C600] =	vst v63  }
0x11e: {  	s1 =	simm.s32 $0x9  }
0x11f: {  	_ =	swait.ge [sflag:s1], $0x100  }
0x120: {  	[sflag:s1] =	ssyncset.done $0x0  }
0x121: {  	[sflag:s1] =	ssyncadd.s32 $0xFFFFFF00  }
0x122: {  	_ =	swait.ge [sflag:s15], $0x2000  }
0x123: {  	[sflag:s15] =	ssyncset.done $0x0  }
0x124: {  	[sflag:s15] =	ssyncadd.s32 $0xFFFFE000  }
0x125: {  	[tilespmem:s22], [sflag:$0x3] =	stream.indirect.gather [spmem:s3], $0x40, s26, s29, $0xb8;
	[tilespmem:$0x1C600] =	vst v63  }
0x126: {  	s25 =	simm.s32 $0x1C200;
	s13 =	sadd.s32 $0x1000, s9  }
0x127: {  	[tilespmem:s25], [sflag:$0xB] =	stream.linear.gather [hbm4b:s13+s4], $0x100, $0x38;
	[tilespmem:$0x1C600] =	vst v63  }
0x128: {  	_ =	swait.ge [sflag:s14], $0x2000  }
0x129: {  	s30 =	simm.s32 $0xA;
	[sflag:s14] =	ssyncset.done $0x0  }
0x12a: {  	s8 =	simm.s32 $0x14000;
	s12 =	simm.s32 $0x1C480;
	[sflag:s14] =	ssyncadd.s32 $0xFFFFE000  }
0x12b: {  	[spmem:s31] =	stream.indirect.scatter.add.f32 [tilespmem:s8], [sflag:$0x5], $0x40, s12, s29, $0xb8;
	[tilespmem:$0x1C600] =	vst v63  }
0x12c: {  	_ =	swait.ge [sflag:s30], $0x100  }
0x12d: {  	[sflag:s30] =	ssyncset.done $0x0  }
0x12e: {  	[sflag:s30] =	ssyncadd.s32 $0xFFFFFF00  }
0x12f: {  	_ =	swait.ge [sflag:s28], $0x2000  }
0x130: {  	[sflag:s28] =	ssyncset.done $0x0  }
0x131: {  	[sflag:s28] =	ssyncadd.s32 $0xFFFFE000  }
0x132: {  	[tilespmem:s0], [sflag:$0x4] =	stream.indirect.gather [spmem:s3], $0x40, s5, s29, $0xb8;
	[tilespmem:$0x1C600] =	vst v63  }
0x133: {  	s20 =	sadd.s32 $0x1200, s9;
	s13 =	simm.s32 $0x1C300  }
0x134: {  	[tilespmem:s13], [sflag:$0xC] =	stream.linear.gather [hbm4b:s20+s4], $0x100, $0x38;
	[tilespmem:$0x1C600] =	vst v63  }
0x135: {  	_ =	swait.ge [sflag:s17], $0x2000  }
0x136: {  	[sflag:s17] =	ssyncset.done $0x0  }
0x137: {  	s23 =	simm.s32 $0x1C580;
	s12 =	simm.s32 $0xB;
	[sflag:s17] =	ssyncadd.s32 $0xFFFFE000  }
0x138: {  	[spmem:s31] =	stream.indirect.scatter.add.f32 [tilespmem:s2], [sflag:$0x6], $0x40, s23, s29, $0xb8;
	[tilespmem:$0x1C600] =	vst v63  }
0x139: {  	_ =	swait.ge [sflag:s12], $0x100  }
0x13a: {  	[sflag:s12] =	ssyncset.done $0x0  }
0x13b: {  	[sflag:s12] =	ssyncadd.s32 $0xFFFFFF00  }
0x13c: {  	_ =	swait.ge [sflag:s18], $0x2000  }
0x13d: {  	[sflag:s18] =	ssyncset.done $0x0  }
0x13e: {  	s24 =	simm.s32 $0x14000;
	[sflag:s18] =	ssyncadd.s32 $0xFFFFE000  }
0x13f: {  	[tilespmem:s24], [sflag:$0x1] =	stream.indirect.gather [spmem:s3], $0x40, s25, s29, $0xb8;
	[tilespmem:$0x1C600] =	vst v63  }
0x140: {  	s8 =	sadd.s32 $0x1400, s9;
	s20 =	simm.s32 $0x1C400  }
0x141: {  	[tilespmem:s20], [sflag:$0xD] =	stream.linear.gather [hbm4b:s8+s4], $0x100, $0x38;
	[tilespmem:$0x1C600] =	vst v63  }
0x142: {  	_ =	swait.ge [sflag:s6], $0x2000  }
0x143: {  	[sflag:s6] =	ssyncset.done $0x0  }
0x144: {  	s23 =	simm.s32 $0x1C080;
	s4 =	simm.s32 $0xC;
	[sflag:s6] =	ssyncadd.s32 $0xFFFFE000  }
0x145: {  	[spmem:s31] =	stream.indirect.scatter.add.f32 [tilespmem:s22], [sflag:$0x7], $0x40, s23, s29, $0xb8;
	[tilespmem:$0x1C600] =	vst v63  }
0x146: {  	_ =	swait.ge [sflag:s4], $0x100  }
0x147: {  	[sflag:s4] =	ssyncset.done $0x0  }
0x148: {  	[sflag:s4] =	ssyncadd.s32 $0xFFFFFF00  }
0x149: {  	_ =	swait.ge [sflag:s7], $0x2000  }
0x14a: {  	[sflag:s7] =	ssyncset.done $0x0  }
0x14b: {  	[sflag:s7] =	ssyncadd.s32 $0xFFFFE000  }
0x14c: {  	[tilespmem:s2], [sflag:$0x2] =	stream.indirect.gather [spmem:s3], $0x40, s13, s29, $0xb8;
	[tilespmem:$0x1C600] =	vst v63  }
0x14d: {  	s19 =	sadd.s32 $0x1600, s9;
	s24 =	simm.s32 $0x1C500;
	s8 =	simm.s32 $0x0  }
0x14e: {  	[tilespmem:s24], [sflag:$0xE] =	stream.linear.gather [hbm4b:s19+s8], $0x100, $0x38;
	[tilespmem:$0x1C600] =	vst v63  }
0x14f: {  	_ =	swait.ge [sflag:s11], $0x2000  }
0x150: {  	[sflag:s11] =	ssyncset.done $0x0  }
0x151: {  	s19 =	simm.s32 $0x1C180;
	[sflag:s11] =	ssyncadd.s32 $0xFFFFE000  }
0x152: {  	[spmem:s31] =	stream.indirect.scatter.add.f32 [tilespmem:s0], [sflag:$0x8], $0x40, s19, s29, $0xb8;
	[tilespmem:$0x1C600] =	vst v63  }
0x153: {  	_ =	swait.ge [sflag:s10], $0x100  }
0x154: {  	[sflag:s10] =	ssyncset.done $0x0  }
0x155: {  	[sflag:s10] =	ssyncadd.s32 $0xFFFFFF00  }
0x156: {  	_ =	swait.ge [sflag:s15], $0x2000  }
0x157: {  	[sflag:s15] =	ssyncset.done $0x0  }
0x158: {  	[sflag:s15] =	ssyncadd.s32 $0xFFFFE000  }
0x159: {  	[tilespmem:s22], [sflag:$0x3] =	stream.indirect.gather [spmem:s3], $0x40, s20, s29, $0xb8;
	[tilespmem:$0x1C600] =	vst v63  }
0x15a: {  	s10 =	sadd.s32 $0x1800, s9  }
0x15b: {  	[tilespmem:s26], [sflag:$0x9] =	stream.linear.gather [hbm4b:s10+s8], $0x100, $0x38;
	[tilespmem:$0x1C600] =	vst v63  }
0x15c: {  	_ =	swait.ge [sflag:s14], $0x2000  }
0x15d: {  	[sflag:s14] =	ssyncset.done $0x0  }
0x15e: {  	s19 =	simm.s32 $0x1C280;
	s10 =	simm.s32 $0x14000;
	[sflag:s14] =	ssyncadd.s32 $0xFFFFE000  }
0x15f: {  	[spmem:s31] =	stream.indirect.scatter.add.f32 [tilespmem:s10], [sflag:$0x5], $0x40, s19, s29, $0xb8;
	[tilespmem:$0x1C600] =	vst v63  }
0x160: {  	_ =	swait.ge [sflag:s16], $0x100  }
0x161: {  	[sflag:s16] =	ssyncset.done $0x0  }
0x162: {  	[sflag:s16] =	ssyncadd.s32 $0xFFFFFF00  }
0x163: {  	_ =	swait.ge [sflag:s28], $0x2000  }
0x164: {  	[sflag:s28] =	ssyncset.done $0x0  }
0x165: {  	[sflag:s28] =	ssyncadd.s32 $0xFFFFE000  }
0x166: {  	[tilespmem:s0], [sflag:$0x4] =	stream.indirect.gather [spmem:s3], $0x40, s24, s29, $0xb8;
	[tilespmem:$0x1C600] =	vst v63  }
0x167: {  	s16 =	sadd.s32 $0x1A00, s9  }
0x168: {  	[tilespmem:s5], [sflag:$0xA] =	stream.linear.gather [hbm4b:s16+s8], $0x100, $0x38;
	[tilespmem:$0x1C600] =	vst v63  }
0x169: {  	_ =	swait.ge [sflag:s17], $0x2000  }
0x16a: {  	[sflag:s17] =	ssyncset.done $0x0  }
0x16b: {  	s19 =	simm.s32 $0x1C380;
	[sflag:s17] =	ssyncadd.s32 $0xFFFFE000  }
0x16c: {  	[spmem:s31] =	stream.indirect.scatter.add.f32 [tilespmem:s2], [sflag:$0x6], $0x40, s19, s29, $0xb8;
	[tilespmem:$0x1C600] =	vst v63  }
0x16d: {  	_ =	swait.ge [sflag:s1], $0x100  }
0x16e: {  	[sflag:s1] =	ssyncset.done $0x0  }
0x16f: {  	[sflag:s1] =	ssyncadd.s32 $0xFFFFFF00  }
0x170: {  	_ =	swait.ge [sflag:s18], $0x2000  }
0x171: {  	[sflag:s18] =	ssyncset.done $0x0  }
0x172: {  	s10 =	simm.s32 $0x14000;
	[sflag:s18] =	ssyncadd.s32 $0xFFFFE000  }
0x173: {  	[tilespmem:s10], [sflag:$0x1] =	stream.indirect.gather [spmem:s3], $0x40, s26, s29, $0xb8;
	[tilespmem:$0x1C600] =	vst v63  }
0x174: {  	s16 =	sadd.s32 $0x1C00, s9  }
0x175: {  	[tilespmem:s25], [sflag:$0xB] =	stream.linear.gather [hbm4b:s16+s8], $0x100, $0x38;
	[tilespmem:$0x1C600] =	vst v63  }
0x176: {  	_ =	swait.ge [sflag:s6], $0x2000  }
0x177: {  	[sflag:s6] =	ssyncset.done $0x0  }
0x178: {  	s19 =	simm.s32 $0x1C480;
	[sflag:s6] =	ssyncadd.s32 $0xFFFFE000  }
0x179: {  	[spmem:s31] =	stream.indirect.scatter.add.f32 [tilespmem:s22], [sflag:$0x7], $0x40, s19, s29, $0xb8;
	[tilespmem:$0x1C600] =	vst v63  }
0x17a: {  	_ =	swait.ge [sflag:s30], $0x100  }
0x17b: {  	[sflag:s30] =	ssyncset.done $0x0  }
0x17c: {  	[sflag:s30] =	ssyncadd.s32 $0xFFFFFF00  }
0x17d: {  	_ =	swait.ge [sflag:s7], $0x2000  }
0x17e: {  	[sflag:s7] =	ssyncset.done $0x0  }
0x17f: {  	[sflag:s7] =	ssyncadd.s32 $0xFFFFE000  }
0x180: {  	[tilespmem:s2], [sflag:$0x2] =	stream.indirect.gather [spmem:s3], $0x40, s5, s29, $0xb8;
	[tilespmem:$0x1C600] =	vst v63  }
0x181: {  	s10 =	sadd.s32 $0x1E00, s9  }
0x182: {  	[tilespmem:s13], [sflag:$0xC] =	stream.linear.gather [hbm4b:s10+s8], $0x100, $0x38;
	[tilespmem:$0x1C600] =	vst v63  }
0x183: {  	_ =	swait.ge [sflag:s11], $0x2000  }
0x184: {  	[sflag:s11] =	ssyncset.done $0x0  }
0x185: {  	s19 =	simm.s32 $0x1C580;
	[sflag:s11] =	ssyncadd.s32 $0xFFFFE000  }
0x186: {  	[spmem:s31] =	stream.indirect.scatter.add.f32 [tilespmem:s0], [sflag:$0x8], $0x40, s19, s29, $0xb8;
	[tilespmem:$0x1C600] =	vst v63  }
0x187: {  	_ =	swait.ge [sflag:s12], $0x100  }
0x188: {  	[sflag:s12] =	ssyncset.done $0x0  }
0x189: {  	[sflag:s12] =	ssyncadd.s32 $0xFFFFFF00  }
0x18a: {  	_ =	swait.ge [sflag:s15], $0x2000  }
0x18b: {  	[sflag:s15] =	ssyncset.done $0x0  }
0x18c: {  	[sflag:s15] =	ssyncadd.s32 $0xFFFFE000  }
0x18d: {  	[tilespmem:s22], [sflag:$0x3] =	stream.indirect.gather [spmem:s3], $0x40, s25, s29, $0xb8;
	[tilespmem:$0x1C600] =	vst v63  }
0x18e: {  	s20 =	simm.s32 $0x1C400;
	s30 =	sadd.s32 $0x2000, s9  }
0x18f: {  	[tilespmem:s20], [sflag:$0xD] =	stream.linear.gather [hbm4b:s30+s8], $0x100, $0x38;
	[tilespmem:$0x1C600] =	vst v63  }
0x190: {  	_ =	swait.ge [sflag:s14], $0x2000  }
0x191: {  	[sflag:s14] =	ssyncset.done $0x0  }
0x192: {  	s26 =	simm.s32 $0x14000;
	[sflag:s14] =	ssyncadd.s32 $0xFFFFE000  }
0x193: {  	[spmem:s31] =	stream.indirect.scatter.add.f32 [tilespmem:s26], [sflag:$0x5], $0x40, s23, s29, $0xb8;
	[tilespmem:$0x1C600] =	vst v63  }
0x194: {  	_ =	swait.ge [sflag:s4], $0x100  }
0x195: {  	[sflag:s4] =	ssyncset.done $0x0  }
0x196: {  	[sflag:s4] =	ssyncadd.s32 $0xFFFFFF00  }
0x197: {  	_ =	swait.ge [sflag:s28], $0x2000  }
0x198: {  	[sflag:s28] =	ssyncset.done $0x0  }
0x199: {  	p0 =	sne.s32 s21, $0x12000;
	s9 =	sadd.s32 $0x2200, s9;
	[sflag:s28] =	ssyncadd.s32 $0xFFFFE000  }
0x19a: {  	[tilespmem:s0], [sflag:$0x4] =	stream.indirect.gather [spmem:s3], $0x40, s13, s29, $0xb8;
	[tilespmem:$0x1C600] =	vst v63  }
.Ltmp1:
0x19b: {  	s23 =	simm.s32 $0x1C500;
	s4 =	simm.s32 $0x0;
	(pc) =	sbr.rel @p0 .LBB2_4-.Ltmp1, $4  }
0x19c: {  	[tilespmem:s23], [sflag:$0xE] =	stream.linear.gather [hbm4b:s9+s4], $0x100, $0x38;
	[tilespmem:$0x1C600] =	vst v63  }
0x19d: {  	s21 =	sadd.s32 $0x1800, s21;
	s24 =	simm.s32 $0x1C380;
	_ =	swait.ge [sflag:s17], $0x2000  }
0x19e: {  	s16 =	simm.s32 $0x16000;
	s5 =	simm.s32 $0x1A000;
	[sflag:s17] =	ssyncset.done $0x0  }
0x19f: {  	s10 =	simm.s32 $0x18000;
	s22 =	smov.u32 s3;
	[sflag:s17] =	ssyncadd.s32 $0xFFFFE000  }
0x1a0: {  	s1 =	simm.s32 $0x1C180  }
0x1a1: {  	[spmem:s31] =	stream.indirect.scatter.add.f32 [tilespmem:s16], [sflag:$0x6], $0x40, s1, s29, $0xb8;
	[tilespmem:$0x1C600] =	vst v63  }
0x1a2: {  	_ =	swait.ge [sflag:s18], $0x2000  }
0x1a3: {  	[sflag:s18] =	ssyncset.done $0x0  }
0x1a4: {  	[sflag:s18] =	ssyncadd.s32 $0xFFFFE000  }
0x1a5: {  	_ =	swait.ge [sflag:s6], $0x2000  }
0x1a6: {  	[sflag:s6] =	ssyncset.done $0x0  }
0x1a7: {  	s0 =	simm.s32 $0x1C280;
	[sflag:s6] =	ssyncadd.s32 $0xFFFFE000  }
0x1a8: {  	[spmem:s31] =	stream.indirect.scatter.add.f32 [tilespmem:s10], [sflag:$0x7], $0x40, s0, s29, $0xb8;
	[tilespmem:$0x1C600] =	vst v63  }
0x1a9: {  	_ =	swait.ge [sflag:s7], $0x2000  }
0x1aa: {  	[sflag:s7] =	ssyncset.done $0x0  }
0x1ab: {  	[sflag:s7] =	ssyncadd.s32 $0xFFFFE000  }
0x1ac: {  	_ =	swait.ge [sflag:s11], $0x2000  }
0x1ad: {  	[sflag:s11] =	ssyncset.done $0x0  }
0x1ae: {  	[sflag:s11] =	ssyncadd.s32 $0xFFFFE000  }
0x1af: {  	[spmem:s31] =	stream.indirect.scatter.add.f32 [tilespmem:s5], [sflag:$0x8], $0x40, s24, s29, $0xb8;
	[tilespmem:$0x1C600] =	vst v63  }
0x1b0: {  	_ =	swait.ge [sflag:s15], $0x2000  }
0x1b1: {  	[sflag:s15] =	ssyncset.done $0x0  }
0x1b2: {  	[sflag:s15] =	ssyncadd.s32 $0xFFFFE000  }
0x1b3: {  	_ =	swait.ge [sflag:s28], $0x2000  }
0x1b4: {  	[sflag:s28] =	ssyncset.done $0x0  }
0x1b5: {  	s21 =	simm.s32 $0xD;
	[sflag:s28] =	ssyncadd.s32 $0xFFFFE000  }
0x1b6: {  	_ =	swait.ge [sflag:s21], $0x100  }
0x1b7: {  	[sflag:s21] =	ssyncset.done $0x0  }
0x1b8: {  	s23 =	simm.s32 $0xE;
	[sflag:s21] =	ssyncadd.s32 $0xFFFFFF00  }
0x1b9: {  	_ =	swait.ge [sflag:s23], $0x100  }
0x1ba: {  	[sflag:s23] =	ssyncset.done $0x0  }
0x1bb: {  	[sflag:s23] =	ssyncadd.s32 $0xFFFFFF00  }
0x1bc: {  	[bflag:$0x0] =	sbarrier.arrive $0xFFFF  }
0x1bd: {  	s19 =	simm.s32 $0xF;
	s9 =	rddreg [dreg:$0x8]  }
0x1be: {  	s13 =	simm.s32 $0x1C400;
	s30 =	simm.s32 $0xA;
	s3 =	rddreg [dreg:$0x7]  }
0x1bf: {  	s12 =	simm.s32 $0xC;
	s21 =	rddreg [dreg:$0x12];
	s9 =	sshrl.u32 s9, $0x3  }
0x1c0: {  	[hbm:s21], [sflag:s3] =	dma.local [spmem:s9], $0x1400  }
0x1c1: {  	s20 =	simm.s32 $0xD;
	s8 =	simm.s32 $0xE;
	_ =	swait.ge [sflag:s19], $0x1400  }
0x1c2: {  	s14 =	simm.s32 $0x1;
	s17 =	simm.s32 $0x2;
	s24 =	rddreg [dreg:$0x15]  }
0x1c3: {  	s2 =	simm.s32 $0x8;
	s25 =	rddreg [dreg:$0x13];
	s21 =	sadd.s32 $0x1, s24  }
0x1c4: {  	s1 =	simm.s32 $0xB;
	s16 =	simm.s32 $0x1A000;
	p0 =	sne.s32 s21, s25  }
.Ltmp2:
0x1c5: {  	s18 =	simm.s32 $0x5;
	s6 =	simm.s32 $0x3;
	(pc) =	sbr.rel @p0 .LBB2_1-.Ltmp2, $4  }
0x1c6: {  	s0 =	simm.s32 $0x16000;
	s10 =	simm.s32 $0x18000;
	s7 =	simm.s32 $0x6  }
0x1c7: {  	s11 =	simm.s32 $0x4;
	s5 =	simm.s32 $0x1C300;
	s15 =	simm.s32 $0x7  }
0x1c8: {  	s28 =	simm.s32 $0x9;
	s23 =	simm.s32 $0x1C000;
	[sflag:s19] =	ssyncset.done $0x0  }
0x1c9: {  	[sflag:s19] =	ssyncadd.s32 $0xFFFFEC00;
	s24 =	simm.s32 $0x1C100;
	s25 =	simm.s32 $0x1C200  }
0x1ca: {  	_ =	sfence.sel $0x180000  }
0x1cb: {  	[bflag:$0x0] =	sbarrier.arrive $0xFFFF  }
0x1cc: {  	_ =	strace $0x9000004A  }
0x1cd: {  	s0 =	stileid.u32;
	[bflag:$0x2] =	sbarrier.arrive $0xFFFF  }
0x1ce: {  	p0 =	sne.s32 s0, $0x0;
	s0 =	rddreg [dreg:$0x4]  }
0x1cf: {  	s0 =	sadd.s32 @!p0 $0x100000, s0  }
0x1d0: {  	[sflag:s0] =	ssyncadd.tile.s32 @!p0 $0x1;
	_ =	shalt  }
.Lfunc_end2:
_tile_overlayer_lowered:
.L_overlay_start_2:
0x1d1: {  	(tag) =	ssettag $0x2  }
0x1d2: {  	s0 =	rddreg [dreg:$0x0];
	s2 =	stileid.u32  }
0x1d3: {  	s1 =	rddreg [dreg:$0x1];
	p0 =	sne.s32 s2, $0x0  }
0x1d4: {  	s3 =	rddreg [dreg:$0x2];
	[bflag:$0x3] =	sbarrier.arrive $0xFFFF;
	s2 =	simm.s32 @!p0 $0x1C0F  }
0x1d5: {  	[timem:s3], [sflag:s2] =	dma.local @!p0 [hbm:s0], s1  }
0x1d6: {  	s0 =	simm.s32 @!p0 $0xF  }
0x1d7: {  	_ =	swait.ge @!p0 [sflag:s0], s1  }
0x1d8: {  	s1 =	ssub.s32 @!p0 $0x0, s1;
	[sflag:s0] =	ssyncset.done @!p0 $0x0  }
0x1d9: {  	[sflag:s0] =	ssyncadd.s32 @!p0 s1  }
0x1da: {  	[bflag:$0x3] =	sbarrier.arrive $0xFFFF  }
0x1db: {  	_ =	shalt  }

// kernel: kernel.7.cloned.1.call-start
scs
__scs_entry_jumppad:
0x0: {  	(pc) =	sbr.rel $0x88, $3  }
0x1: {  	(tag) =	ssettag $0x0;
	lr =	simm.s32 $0x1  }
0x2: {  	[smem:$0x3F99] =	sst lr;
	_ =	strace $0xD0000000  }
0x3: {  	_ = 	snop  }
0x4: {  	_ = 	snop  }
0x5: {  	_ = 	snop  }
0x6: {  	_ = 	snop  }
0x7: {  	_ = 	snop  }
__scs_overlays_trampoline_lowered:
0x8: {  	[smem:$0x3FA8] =	sst s0  }
0x9: {  	[smem:$0x3FA9] =	sst s1  }
0xa: {  	[smem:$0x3FAA] =	sst s2  }
0xb: {  	[smem:$0x3FAB] =	sst s3  }
0xc: {  	[smem:$0x3FAC] =	sst s4  }
0xd: {  	[smem:$0x3FAD] =	sst s5  }
0xe: {  	[smem:$0x3FAE] =	sst s6  }
0xf: {  	[smem:$0x3FAF] =	sst s7  }
0x10: {  	[smem:$0x3FB0] =	sst s8  }
0x11: {  	[smem:$0x3FB1] =	sst s9;
	s0 =	simm.s32 @!p0 $0x0  }
0x12: {  	s1 =	sld [smem:$0x3F97];
	s0 =	simm.s32 @p0 $0x1  }
0x13: {  	[smem:$0x3FB2] =	sst s0;
	s0 =	simm.s32 @!p1 $0x0  }
0x14: {  	s2 =	sld [smem:$0x3F96];
	s0 =	simm.s32 @p1 $0x1  }
0x15: {  	[smem:$0x3FB3] =	sst s0;
	s0 =	simm.s32 @!p2 $0x0  }
0x16: {  	s3 =	sld [smem:$0x3FDB];
	s0 =	simm.s32 @p2 $0x1  }
0x17: {  	s4 =	simm.s32 $0x1BF5;
	[smem:$0x3FB5] =	sst s0  }
0x18: {  	s0 =	sld [smem:$0x3F98];
	_ =	swait.ge [sflag:s4], $0x0  }
0x19: {  	s7 =	sld [smem:$0x3F99]  }
0x1a: {  	s8 =	sadd.s32 $0xFFFFE003, lr  }
0x1b: {  	s9 =	sadd.s32 $0xFFFFFEF7, lr;
	s5 =	simm.s32 $0xFFFFFFFF;
	p2 =	slt.u32 s8, $0xFFFFF086  }
0x1c: {  	p1 =	slt.u32 s9, $0xF7A;
	s5 =	simm.s32 @!p2 $0x0  }
0x1d: {  	s5 =	simm.s32 @p1 $0x1;
	p0 =	seq.s32 s7, s2  }
0x1e: {  	s7 =	smul.u32 @!p0 $0xF7A, s2;
	p2 =	seq.s32 @!p0 s5, $0x0  }
0x1f: {  	s9 =	smul.u32 $0xF7A, s1;
	s8 =	simm.s32 @!p0 $0x1BF5;
	p2 =	por !p2, p0  }
0x20: {  	[sflag:s8] =	ssyncset.s32 @!p0 $0xFFFFF086;
	s6 =	sadd.s32 @!p0 s3, s7;
	s7 =	simm.s32 @!p0 $0x108  }
0x21: {  	s3 =	sadd.s32 s3, s9;
	s6 =	sadd.s32 @!p0 $0x88, s6;
	s7 =	simm.s32 @p2 $0x1082  }
0x22: {  	[simem:s7], [sflag:s8] =	dma.local @!p0 [hbm:s6], $0xF7A  }
0x23: {  	s9 =	sor.u32 $0xD0000000, s2;
	s6 =	simm.s32 $0x108;
	_ =	swait.ge @!p0 [sflag:s8], $0x0  }
0x24: {  	s3 =	sadd.s32 $0x88, s3;
	s6 =	simm.s32 @!p1 $0x1082;
	[sflag:s4] =	ssyncset.s32 $0xFFFFF086  }
0x25: {  	[simem:s6], [sflag:s4] =	dma.local [hbm:s3], $0xF7A  }
0x26: {  	[smem:$0x3F99] =	sst s1;
	(tag) =	ssettag s2;
	_ =	strace s9  }
0x27: {  	s1 =	sld [smem:$0x3FA9]  }
0x28: {  	s2 =	sld [smem:$0x3FAA]  }
0x29: {  	s4 =	sld [smem:$0x3FAC]  }
0x2a: {  	p0 =	seq.s32 s5, $0x0;
	s5 =	sld [smem:$0x3FAD]  }
0x2b: {  	s6 =	sld [smem:$0x3FAE]  }
0x2c: {  	s7 =	sld [smem:$0x3FAF]  }
0x2d: {  	s3 =	simm.s32 $0x108;
	s8 =	sld [smem:$0x3FB0]  }
0x2e: {  	s3 =	simm.s32 @!p0 $0x1082;
	s9 =	sld [smem:$0x3FB1]  }
0x2f: {  	lr =	sadd.s32 s0, s3;
	s0 =	sld [smem:$0x3FA8]  }
0x30: {  	s3 =	sld [smem:$0x3FAB]  }
0x31: {  	[smem:$0x3FB4] =	sst s10  }
0x32: {  	s10 =	sld [smem:$0x3FB2];
	_ =	sdelay $0x3  }
0x33: {  	p0 =	seq.s32 s10, $0x1;
	s10 =	sld [smem:$0x3FB4];
	_ =	sdelay $0x3  }
0x34: {  	[smem:$0x3FB4] =	sst s10  }
0x35: {  	s10 =	sld [smem:$0x3FB3];
	_ =	sdelay $0x3  }
0x36: {  	p1 =	seq.s32 s10, $0x1;
	s10 =	sld [smem:$0x3FB4];
	_ =	sdelay $0x3  }
0x37: {  	[smem:$0x3FB4] =	sst s10  }
0x38: {  	s10 =	sld [smem:$0x3FB5]  }
0x39: {  	_ = 	snop;
	(pc) =	sbr.ind lr, $3  }
0x3a: {  	_ = 	snop  }
0x3b: {  	_ = 	snop  }
0x3c: {  	p2 =	seq.s32 s10, $0x1;
	s10 =	sld [smem:$0x3FB4]  }
0x3d: {  	_ =	shalt  }
0x3e: {  	_ =	shalt  }
0x3f: {  	_ =	shalt  }
0x40: {  	_ =	shalt  }
0x41: {  	_ =	shalt  }
0x42: {  	_ =	shalt  }
0x43: {  	_ =	shalt  }
0x44: {  	_ =	shalt  }
0x45: {  	_ =	shalt  }
0x46: {  	_ =	shalt  }
0x47: {  	_ =	shalt  }
0x48: {  	_ =	shalt  }
0x49: {  	_ =	shalt  }
0x4a: {  	_ =	shalt  }
0x4b: {  	_ =	shalt  }
0x4c: {  	_ =	shalt  }
0x4d: {  	_ =	shalt  }
0x4e: {  	_ =	shalt  }
0x4f: {  	_ =	shalt  }
0x50: {  	_ =	shalt  }
0x51: {  	_ =	shalt  }
0x52: {  	_ =	shalt  }
0x53: {  	_ =	shalt  }
0x54: {  	_ =	shalt  }
0x55: {  	_ =	shalt  }
0x56: {  	_ =	shalt  }
0x57: {  	_ =	shalt  }
0x58: {  	_ =	shalt  }
0x59: {  	_ =	shalt  }
0x5a: {  	_ =	shalt  }
0x5b: {  	_ =	shalt  }
0x5c: {  	_ =	shalt  }
0x5d: {  	_ =	shalt  }
0x5e: {  	_ =	shalt  }
0x5f: {  	_ =	shalt  }
0x60: {  	_ =	shalt  }
0x61: {  	_ =	shalt  }
0x62: {  	_ =	shalt  }
0x63: {  	_ =	shalt  }
0x64: {  	_ =	shalt  }
0x65: {  	_ =	shalt  }
0x66: {  	_ =	shalt  }
0x67: {  	_ =	shalt  }
0x68: {  	_ =	shalt  }
0x69: {  	_ =	shalt  }
0x6a: {  	_ =	shalt  }
0x6b: {  	_ =	shalt  }
0x6c: {  	_ =	shalt  }
0x6d: {  	_ =	shalt  }
0x6e: {  	_ =	shalt  }
0x6f: {  	_ =	shalt  }
0x70: {  	_ =	shalt  }
0x71: {  	_ =	shalt  }
0x72: {  	_ =	shalt  }
0x73: {  	_ =	shalt  }
0x74: {  	_ =	shalt  }
0x75: {  	_ =	shalt  }
0x76: {  	_ =	shalt  }
0x77: {  	_ =	shalt  }
0x78: {  	_ =	shalt  }
0x79: {  	_ =	shalt  }
0x7a: {  	_ =	shalt  }
0x7b: {  	_ =	shalt  }
0x7c: {  	_ =	shalt  }
0x7d: {  	_ =	shalt  }
0x7e: {  	_ =	shalt  }
0x7f: {  	_ =	shalt  }
0x80: {  	_ =	shalt  }
0x81: {  	_ =	shalt  }
0x82: {  	_ =	shalt  }
0x83: {  	_ =	shalt  }
0x84: {  	_ =	shalt  }
0x85: {  	_ =	shalt  }
0x86: {  	_ =	shalt  }
0x87: {  	_ =	shalt  }
.Lfunc_end0:
.L_simem_size_0:
called_computation_lowered:
.L_overlay_start_0:
0x88: {  	s2 =	sld [smem:$0x3FD9]  }
0x89: {  	s3 =	sld [smem:$0x3FFE];
	_ =	sdelay $0x1  }
0x8a: {  	s1 =	srdreg.scid  }
0x8b: {  	s0 =	sand.u32 $0x1, s1  }
0x8c: {  	s17 =	sshll.u32 s0, $0xA;
	s2 =	sadd.s32 s3, s2  }
0x8d: {  	s2 =	sadd.s32 s2, s17  }
0x8e: {  	[smem:$0x3FC0] =	sst s2  }
0x8f: {  	_ = 	snop  }
0x90: {  	s2 =	sld [smem:$0x3FD0];
	(tm) =	ssettm $0x1  }
0x91: {  	s18 =	sld [smem:$0x3FFB];
	_ =	sdelay $0x3  }
0x92: {  	_ =	strace s18  }
0x93: {  	s3 =	sld [smem:$0x3FFC];
	_ =	sdelay $0x3  }
0x94: {  	_ =	strace s3  }
0x95: {  	s3 =	sld [smem:$0x3FFD];
	_ =	sdelay $0x3  }
0x96: {  	_ =	strace s3  }
0x97: {  	_ =	strace $0x8FFFFFFF  }
0x98: {  	s19 =	sld [smem:$0x3FDB];
	_ =	sdelay $0x1  }
0x99: {  	s4 =	simm.s32 $_scs_section_size  }
0x9a: {  	s5 =	simm.s32 $_size__tile_overlayer_lowered;
	s6 =	simm.s32 $_tile_overlayer_lowered  }
0x9b: {  	s22 =	simm.s32 $0x1BFF;
	s21 =	sshll.u32 s6, $0x1;
	s3 =	sadd.s32 s4, s19  }
0x9c: {  	s7 =	simm.s32 $0x0;
	s20 =	sshll.u32 s5, $0x1;
	s5 =	sadd.s32 s21, s3  }
0x9d: {  	[timem:s7], [sflag:s22] =	dma.local [hbm:s5], s20  }
0x9e: {  	_ =	swait.ge [sflag:s22], s20  }
0x9f: {  	s4 =	ssub.s32 $0x0, s20;
	[sflag:s22] =	ssyncset.done $0x0  }
0xa0: {  	[sflag:s22] =	ssyncadd.s32 s4;
	_ =	sdelay $0x1  }
0xa1: {  	s23 =	simm.s32 $0x1B8B  }
0xa2: {  	_ =	swait.ge [sflag:s23], $0x1  }
0xa3: {  	[sflag:s23] =	ssyncset.done $0x0  }
0xa4: {  	s25 =	simm.s32 $0x1B8E;
	s24 =	sld [smem:$0x3FFE];
	[sflag:s23] =	ssyncadd.s32 $0xFFFFFFFF  }
0xa5: {  	s26 =	simm.s32 $execute0_lowered;
	[smem:$0x3FD2] =	sst s25  }
0xa6: {  	s5 =	sshll.u32 s26, $0x1;
	_ =	strace $0x80000046;
	[dreg:$0x1] =	wrdreg $0xFFFFFFFF  }
0xa7: {  	s28 =	simm.s32 $_size_execute0_lowered;
	s3 =	sadd.s32 s3, s5;
	[dreg:$0x0] =	wrdreg $0x0  }
0xa8: {  	s5 =	sshll.u32 s28, $0x1;
	[dreg:$0x2] =	wrdreg s3  }
0xa9: {  	[dreg:$0x3] =	wrdreg s5  }
0xaa: {  	[dreg:$0x4] =	wrdreg $0xC0  }
0xab: {  	_ =	task [dreg:s7], $0x5FFFF  }
0xac: {  	[dreg:$0x1] =	wrdreg $0xFFFFFFFF  }
0xad: {  	[dreg:$0x0] =	wrdreg $0x60  }
0xae: {  	[dreg:$0x2] =	wrdreg s24  }
0xaf: {  	[dreg:$0x3] =	wrdreg s2  }
0xb0: {  	[dreg:$0x4] =	wrdreg $0xA0000  }
0xb1: {  	[dreg:$0x5] =	wrdreg $0x0  }
0xb2: {  	[dreg:$0x6] =	wrdreg $0x9  }
0xb3: {  	_ =	task.clear_ibuf [dreg:s7], $0x7FFFF;
	_ =	strace $0x90000046  }
0xb4: {  	s29 =	simm.s32 $0x9;
	_ =	strace $0x80000048  }
0xb5: {  	_ =	swait.ge [sflag:s29], $0x1  }
0xb6: {  	[sflag:s29] =	ssyncadd.s32 $0xFFFFFFFF  }
0xb7: {  	_ =	strace $0x90000048  }
0xb8: {  	_ =	sfence  }
0xb9: {  	s30 =	sld [smem:$0x0];
	_ =	sdelay $0x2  }
0xba: {  	s31 =	sshll.u32 s1, $0xD;
	s1 =	sshrl.u32 s1, $0x2  }
0xbb: {  	s3 =	sand.u32 $0x4000, s31;
	s1 =	sadd.s32 s1, s30  }
0xbc: {  	s0 =	sor.u32 s3, s0;
	s1 =	sshll.u32 s1, $0x11  }
0xbd: {  	s0 =	sor.u32 s1, s0  }
0xbe: {  	s0 =	sadd.s32 $0x8F2B, s0  }
0xbf: {  	[sflag:s0] =	ssyncadd.remote.s32 $0x1  }
0xc0: {  	_ =	sfence.sel $0xFFFF  }
0xc1: {  	[dreg:$0x0] =	wrdreg $0xFFFFFFFF;
	(pc) =	sbr.abs _section_cstart, $3  }
0xc2: {  	[dreg:$0x1] =	wrdreg $0xFFFFFFFF  }
0xc3: {  	_ =	task.clear_ibuf [dreg:s7], $0x2FFFF;
	_ =	strace $0x9FFFFFFF  }
0xc4: {  	(tm) =	ssettm $0x7FFFFFFF  }
0xc5: {  	_ =	shalt  }
tec
execute0_lowered:
.L_overlay_start_1:
0x0: {  	(tag) =	ssettag $0x1  }
0x1: {  	s0 =	rddreg [dreg:$0x0]  }
0x2: {  	s1 =	rddreg [dreg:$0x1]  }
0x3: {  	s3 =	srdreg.scid;
	s2 =	rddreg [dreg:$0x2]  }
0x4: {  	s12 =	stileid.u32;
	s4 =	simm.s32 $0x0;
	s30 =	simm.s32 $0x80  }
0x5: {  	s28 =	simm.s32 $0x16000;
	s29 =	simm.s32 $0x18000;
	s7 =	smul.u32 $0x280, s12  }
0x6: {  	s5 =	sand.u32 $0x1, s3;
	s3 =	rddreg [dreg:$0x3];
	s24 =	smul.u32 $0x500, s12  }
0x7: {  	s31 =	simm.s32 $0x18000;
	[smem:$0x7FF] =	sst s4;
	s9 =	smul.u32 $0xA000, s12  }
0x8: {  	s10 =	smul.u32 $0x28000, s12;
	s11 =	sshll.u32 s12, $0x6;
	s15 =	sshll.u32 s12, $0x5  }
0x9: {  	s12 =	simm.s32 $0xC;
	s6 =	smul.u32 $0x2800, s5;
	_ =	strace $0x80000047  }
0xa: {  	s8 =	ssub.s32 $0x2, s5;
	s20 =	sor.u32 $0x1C0F, s11;
	s1 =	sadd.s32 s1, s15  }
0xb: {  	p0 =	sne.s32 s5, $0x0;
	s5 =	simm.s32 $0x9;
	[dreg:$0xa] =	wrdreg s1  }
0xc: {  	s15 =	simm.s32 $0x1;
	s19 =	sadd.s32 $0x200, s1;
	[dreg:$0x6] =	wrdreg s20  }
0xd: {  	s25 =	sshrl.u32 s8, $0x1;
	s21 =	sadd.s32 $0x400, s1;
	[dreg:$0xd] =	wrdreg s19  }
0xe: {  	s26 =	sadd.s32 s9, s2;
	s22 =	sadd.s32 $0x600, s1;
	[dreg:$0xe] =	wrdreg s21  }
0xf: {  	s10 =	sshrl.u32 s10, $0x2;
	s23 =	sadd.s32 $0x800, s1;
	[dreg:$0xf] =	wrdreg s22  }
0x10: {  	s14 =	sadd.s32 s9, s3;
	s1 =	sadd.s32 $0xA00, s1;
	[dreg:$0x10] =	wrdreg s23  }
0x11: {  	s6 =	sadd.s32 s7, s6;
	s7 =	ssub.s32 s8, s25;
	[dreg:$0x11] =	wrdreg s1  }
0x12: {  	s26 =	sshrl.u32 s26, $0x3;
	s21 =	simm.s32 $0x5;
	s19 =	simm.s32 $0x3  }
0x13: {  	s8 =	simm.s32 $0x0;
	[dreg:$0x7] =	wrdreg s14;
	s22 =	simm.s32 $0x7  }
0x14: {  	s23 =	simm.s32 $0xC;
	s6 =	sshll.u32 s6, $0x3;
	s25 =	smax.u32 s7, $0x1  }
0x15: {  	[dreg:$0x15] =	wrdreg s26;
	s26 =	simm.s32 $0x14000;
	s6 =	sadd.s32 s6, s0  }
0x16: {  	s7 =	simm.s32 $0x1C500;
	[dreg:$0x14] =	wrdreg s25;
	s13 =	sadd.s32 $0x1600, s6  }
0x17: {  	s0 =	sadd.s32 s24, s0;
	s24 =	sadd.s32 $0x2E600, s6;
	[dreg:$0x5] =	wrdreg s13  }
0x18: {  	s0 =	sadd.s32 $0x29600, s0;
	s13 =	sadd.s32 s10, s3;
	[dreg:$0x12] =	wrdreg s24  }
0x19: {  	s25 =	simm.s32 $0x2;
	[dreg:$0x13] =	wrdreg s0;
	s16 =	sadd.s32 $0x2000, s13  }
0x1a: {  	s6 =	simm.s32 $0x6;
	s17 =	sadd.s32 $0x4000, s13;
	[dreg:$0x8] =	wrdreg s16  }
0x1b: {  	s24 =	simm.s32 $0xF;
	s18 =	sadd.s32 $0x6000, s13;
	[dreg:$0x9] =	wrdreg s17  }
0x1c: {  	s0 =	simm.s32 $0xB;
	s9 =	sadd.s32 $0x8000, s13;
	[dreg:$0xb] =	wrdreg s18  }
0x1d: {  	s10 =	simm.s32 $0x9;
	s13 =	simm.s32 $0xA;
	[dreg:$0xc] =	wrdreg s9  }
0x1e: {  	v0 =	vimm.f32 $0.0e+00;
	s9 =	simm.s32 $0x1;
	s18 =	simm.s32 $0x4;
	s17 =	simm.s32 $0x8  }
.LBB2_1:
0x1f: {  	s11 =	rddreg [dreg:$0x5]  }
0x20: {  	s16 =	rddreg [dreg:$0x15]  }
0x21: {  	[spmem:s16], [sflag:s20] =	dma.local [hbm:s11], $0x1400  }
0x22: {  	_ =	swait.ge [sflag:s24], $0x1400  }
0x23: {  	[sflag:s24] =	ssyncset.done $0x0  }
0x24: {  	s16 =	simm.s32 $0x100;
	s11 =	simm.s32 $0x0;
	[sflag:s24] =	ssyncadd.s32 $0xFFFFEC00  }
.LBB2_2:
0x25: {  	p1 =	sne.s32 s16, $0x7F00;
	[tilespmem:s11+$0x14030] =	vst v0;
	s20 =	smov.u32 s16;
	s16 =	sadd.s32 $0x100, s16  }
.Ltmp0:
0x26: {  	[tilespmem:s11+$0x14020] =	vst v0;
	(pc) =	sbr.rel @p1 .LBB2_2-.Ltmp0, $3  }
0x27: {  	[tilespmem:s11+$0x14000] =	vst v0  }
0x28: {  	[tilespmem:s11+$0x14010] =	vst v0;
	_ =	sdelay $0x1  }
0x29: {  	s11 =	sshra.s32 s20, $0x2  }
0x2a: {  	[tilespmem:s11+$0x14030] =	vst v0  }
0x2b: {  	[tilespmem:s11+$0x14020] =	vst v0  }
0x2c: {  	[tilespmem:s11+$0x14000] =	vst v0  }
0x2d: {  	[dreg:$0x16] =	wrdreg s8;
	[tilespmem:s11+$0x14010] =	vst v0  }
0x2e: {  	[spmem:s14] =	stream.linear.scatter [tilespmem:s26], [sflag:$0xF], $0x2000, $0x38;
	[tilespmem:$0x1EE00] =	vst v63  }
0x2f: {  	_ =	swait.ge [sflag:s24], $0x2000  }
0x30: {  	[sflag:s24] =	ssyncset.done $0x0  }
0x31: {  	s8 =	rddreg [dreg:$0x8];
	[sflag:s24] =	ssyncadd.s32 $0xFFFFE000  }
0x32: {  	[spmem:s8] =	stream.linear.scatter [tilespmem:s26], [sflag:$0xF], $0x2000, $0x38;
	[tilespmem:$0x1EE00] =	vst v63  }
0x33: {  	_ =	swait.ge [sflag:s24], $0x2000  }
0x34: {  	[sflag:s24] =	ssyncset.done $0x0  }
0x35: {  	s14 =	rddreg [dreg:$0x9];
	[sflag:s24] =	ssyncadd.s32 $0xFFFFE000  }
0x36: {  	[spmem:s14] =	stream.linear.scatter [tilespmem:s26], [sflag:$0xF], $0x2000, $0x38;
	[tilespmem:$0x1EE00] =	vst v63  }
0x37: {  	_ =	swait.ge [sflag:s24], $0x2000  }
0x38: {  	[sflag:s24] =	ssyncset.done $0x0  }
0x39: {  	s16 =	rddreg [dreg:$0xb];
	[sflag:s24] =	ssyncadd.s32 $0xFFFFE000  }
0x3a: {  	[spmem:s16] =	stream.linear.scatter [tilespmem:s26], [sflag:$0xF], $0x2000, $0x38;
	[tilespmem:$0x1EE00] =	vst v63  }
0x3b: {  	_ =	swait.ge [sflag:s24], $0x2000  }
0x3c: {  	[sflag:s24] =	ssyncset.done $0x0  }
0x3d: {  	s20 =	rddreg [dreg:$0xc];
	[sflag:s24] =	ssyncadd.s32 $0xFFFFE000  }
0x3e: {  	[spmem:s20] =	stream.linear.scatter [tilespmem:s26], [sflag:$0xF], $0x2000, $0x38;
	[tilespmem:$0x1EE00] =	vst v63  }
0x3f: {  	_ =	swait.ge [sflag:s24], $0x2000  }
0x40: {  	[sflag:s24] =	ssyncset.done $0x0  }
0x41: {  	s11 =	simm.s32 $0x40;
	s16 =	simm.s32 $0x0;
	[sflag:s24] =	ssyncadd.s32 $0xFFFFE000  }
.LBB2_4:
0x42: {  	p1 =	sne.s32 s11, $0x9FC0;
	[tilespmem:s16+$0x1C600] =	vst v0;
	s16 =	smov.u32 s11;
	s11 =	sadd.s32 $0x40, s11  }
.Ltmp1:
0x43: {  	(pc) =	sbr.rel @p1 .LBB2_4-.Ltmp1, $2  }
0x44: {  	_ =	sdelay $0x2  }
0x45: {  	s16 =	sshra.s32 s16, $0x2  }
0x46: {  	[tilespmem:s16+$0x1C600] =	vst v0  }
0x47: {  	[bflag:$0x0] =	sbarrier.arrive $0xFFFF  }
0x48: {  	s14 =	simm.s32 $0x1C000;
	s8 =	rddreg [dreg:$0xa]  }
0x49: {  	[tilespmem:s14], [sflag:$0x9] =	stream.linear.gather [hbm4b:s8+s4], $0x100, $0x38;
	[tilespmem:$0x1EE00] =	vst v63  }
0x4a: {  	s16 =	simm.s32 $0x1C100;
	s11 =	rddreg [dreg:$0xd]  }
0x4b: {  	[tilespmem:s16], [sflag:$0xA] =	stream.linear.gather [hbm4b:s11+s4], $0x100, $0x38;
	[tilespmem:$0x1EE00] =	vst v63  }
0x4c: {  	s20 =	simm.s32 $0x1C200;
	s8 =	rddreg [dreg:$0xe]  }
0x4d: {  	[tilespmem:s20], [sflag:$0xB] =	stream.linear.gather [hbm4b:s8+s4], $0x100, $0x38;
	[tilespmem:$0x1EE00] =	vst v63  }
0x4e: {  	s1 =	simm.s32 $0x1C300;
	s24 =	rddreg [dreg:$0xf]  }
0x4f: {  	[tilespmem:s1], [sflag:$0xC] =	stream.linear.gather [hbm4b:s24+s4], $0x100, $0x38;
	[tilespmem:$0x1EE00] =	vst v63  }
0x50: {  	_ =	swait.ge [sflag:s5], $0x100  }
0x51: {  	[sflag:s5] =	ssyncset.done $0x0  }
0x52: {  	[sflag:s5] =	ssyncadd.s32 $0xFFFFFF00  }
0x53: {  	[tilespmem:s26], [sflag:$0x1] =	stream.indirect.gather [spmem:s2], $0x40, s14, s30, $0xb8;
	[tilespmem:$0x1EE00] =	vst v63  }
0x54: {  	_ =	swait.ge [sflag:s13], $0x100  }
0x55: {  	[sflag:s13] =	ssyncset.done $0x0  }
0x56: {  	[sflag:s13] =	ssyncadd.s32 $0xFFFFFF00  }
0x57: {  	[tilespmem:s28], [sflag:$0x2] =	stream.indirect.gather [spmem:s2], $0x40, s16, s30, $0xb8;
	[tilespmem:$0x1EE00] =	vst v63  }
0x58: {  	_ =	swait.ge [sflag:s0], $0x100  }
0x59: {  	[sflag:s0] =	ssyncset.done $0x0  }
0x5a: {  	[sflag:s0] =	ssyncadd.s32 $0xFFFFFF00  }
0x5b: {  	[tilespmem:s29], [sflag:$0x3] =	stream.indirect.gather [spmem:s2], $0x40, s20, s30, $0xb8;
	[tilespmem:$0x1EE00] =	vst v63  }
0x5c: {  	s14 =	simm.s32 $0x1C400;
	s5 =	rddreg [dreg:$0x10]  }
0x5d: {  	[tilespmem:s14], [sflag:$0xD] =	stream.linear.gather [hbm4b:s5+s4], $0x100, $0x38;
	[tilespmem:$0x1EE00] =	vst v63  }
0x5e: {  	_ =	swait.ge [sflag:s9], $0x2000  }
0x5f: {  	[sflag:s9] =	ssyncset.done $0x0  }
0x60: {  	s8 =	simm.s32 $0x1C080;
	[sflag:s9] =	ssyncadd.s32 $0xFFFFE000  }
0x61: {  	[spmem:s3] =	stream.indirect.scatter.add.f32 [tilespmem:s26], [sflag:$0x5], $0x40, s8, s30, $0xb8;
	[tilespmem:$0x1EE00] =	vst v63  }
0x62: {  	v2 =	vld @!p0 [tilespmem:$0x1C080];
	_ =	sdelay $0x6  }
0x63: {  	v1 =	vimm.f32 @!p0 $1.000000000e+00;
	s11 =	simm.s32 @!p0 $0x1C600  }
0x64: {  	[tilespmem:v2+s11+$0x0] =	vst.idx.add.f32.msk @!p0 $0xffff, v1  }
0x65: {  	v2 =	vld @!p0 [tilespmem:$0x1C090];
	_ =	sdelay $0x7  }
0x66: {  	[tilespmem:v2+s11+$0x0] =	vst.idx.add.f32.msk @!p0 $0xffff, v1  }
0x67: {  	v2 =	vld @!p0 [tilespmem:$0x1C0A0];
	_ =	sdelay $0x7  }
0x68: {  	[tilespmem:v2+s11+$0x0] =	vst.idx.add.f32.msk @!p0 $0xffff, v1  }
0x69: {  	v2 =	vld @!p0 [tilespmem:$0x1C0B0];
	_ =	sdelay $0x7  }
0x6a: {  	[tilespmem:v2+s11+$0x0] =	vst.idx.add.f32.msk @!p0 $0xffff, v1  }
0x6b: {  	v2 =	vld @!p0 [tilespmem:$0x1C0C0];
	_ =	sdelay $0x7  }
0x6c: {  	[tilespmem:v2+s11+$0x0] =	vst.idx.add.f32.msk @!p0 $0xffff, v1  }
0x6d: {  	v2 =	vld @!p0 [tilespmem:$0x1C0D0];
	_ =	sdelay $0x7  }
0x6e: {  	[tilespmem:v2+s11+$0x0] =	vst.idx.add.f32.msk @!p0 $0xffff, v1  }
0x6f: {  	v2 =	vld @!p0 [tilespmem:$0x1C0E0];
	_ =	sdelay $0x7  }
0x70: {  	[tilespmem:v2+s11+$0x0] =	vst.idx.add.f32.msk @!p0 $0xffff, v1  }
0x71: {  	v2 =	vld @!p0 [tilespmem:$0x1C0F0];
	_ =	sdelay $0x7  }
0x72: {  	[tilespmem:v2+s11+$0x0] =	vst.idx.add.f32.msk @!p0 $0xffff, v1  }
0x73: {  	_ =	swait.ge [sflag:s12], $0x100  }
0x74: {  	[sflag:s12] =	ssyncset.done $0x0  }
0x75: {  	s9 =	simm.s32 $0x1A000;
	[sflag:s12] =	ssyncadd.s32 $0xFFFFFF00  }
0x76: {  	[tilespmem:s9], [sflag:$0x4] =	stream.indirect.gather [spmem:s2], $0x40, s1, s30, $0xb8;
	[tilespmem:$0x1EE00] =	vst v63  }
0x77: {  	s20 =	simm.s32 $0x1C500;
	s12 =	rddreg [dreg:$0x11]  }
0x78: {  	[tilespmem:s20], [sflag:$0xE] =	stream.linear.gather [hbm4b:s12+s4], $0x100, $0x38;
	[tilespmem:$0x1EE00] =	vst v63  }
0x79: {  	_ =	swait.ge [sflag:s25], $0x2000  }
0x7a: {  	[sflag:s25] =	ssyncset.done $0x0  }
0x7b: {  	s24 =	simm.s32 $0x1C180;
	[sflag:s25] =	ssyncadd.s32 $0xFFFFE000  }
0x7c: {  	[spmem:s3] =	stream.indirect.scatter.add.f32 [tilespmem:s28], [sflag:$0x6], $0x40, s24, s30, $0xb8;
	[tilespmem:$0x1EE00] =	vst v63  }
0x7d: {  	v2 =	vld @!p0 [tilespmem:$0x1C180];
	_ =	sdelay $0x7  }
0x7e: {  	[tilespmem:v2+s11+$0x0] =	vst.idx.add.f32.msk @!p0 $0xffff, v1  }
0x7f: {  	v2 =	vld @!p0 [tilespmem:$0x1C190];
	_ =	sdelay $0x7  }
0x80: {  	[tilespmem:v2+s11+$0x0] =	vst.idx.add.f32.msk @!p0 $0xffff, v1  }
0x81: {  	v2 =	vld @!p0 [tilespmem:$0x1C1A0];
	_ =	sdelay $0x7  }
0x82: {  	[tilespmem:v2+s11+$0x0] =	vst.idx.add.f32.msk @!p0 $0xffff, v1  }
0x83: {  	v2 =	vld @!p0 [tilespmem:$0x1C1B0];
	_ =	sdelay $0x7  }
0x84: {  	[tilespmem:v2+s11+$0x0] =	vst.idx.add.f32.msk @!p0 $0xffff, v1  }
0x85: {  	v2 =	vld @!p0 [tilespmem:$0x1C1C0];
	_ =	sdelay $0x7  }
0x86: {  	[tilespmem:v2+s11+$0x0] =	vst.idx.add.f32.msk @!p0 $0xffff, v1  }
0x87: {  	v2 =	vld @!p0 [tilespmem:$0x1C1D0];
	_ =	sdelay $0x7  }
0x88: {  	[tilespmem:v2+s11+$0x0] =	vst.idx.add.f32.msk @!p0 $0xffff, v1  }
0x89: {  	v2 =	vld @!p0 [tilespmem:$0x1C1E0];
	_ =	sdelay $0x7  }
0x8a: {  	[tilespmem:v2+s11+$0x0] =	vst.idx.add.f32.msk @!p0 $0xffff, v1  }
0x8b: {  	v2 =	vld @!p0 [tilespmem:$0x1C1F0];
	_ =	sdelay $0x7  }
0x8c: {  	s13 =	simm.s32 $0xA;
	s16 =	simm.s32 $0x0;
	s0 =	simm.s32 $0x1A000;
	[tilespmem:v2+s11+$0x0] =	vst.idx.add.f32.msk @!p0 $0xffff, v1  }
.LBB2_6:
0x8d: {  	s9 =	simm.s32 $0xD  }
0x8e: {  	_ =	swait.ge [sflag:s9], $0x100  }
0x8f: {  	[sflag:s9] =	ssyncset.done $0x0  }
0x90: {  	[sflag:s9] =	ssyncadd.s32 $0xFFFFFF00  }
0x91: {  	_ =	swait.ge [sflag:s21], $0x2000  }
0x92: {  	[sflag:s21] =	ssyncset.done $0x0;
	s1 =	rddreg [dreg:$0xa]  }
0x93: {  	[sflag:s21] =	ssyncadd.s32 $0xFFFFE000;
	s20 =	sadd.s32 s16, s1  }
0x94: {  	[tilespmem:s26], [sflag:$0x1] =	stream.indirect.gather [spmem:s2], $0x40, s14, s30, $0xb8;
	[tilespmem:$0x1EE00] =	vst v63  }
0x95: {  	s24 =	sadd.s32 $0xC00, s20;
	s26 =	simm.s32 $0x1C000  }
0x96: {  	[tilespmem:s26], [sflag:$0x9] =	stream.linear.gather [hbm4b:s24+s4], $0x100, $0x38;
	[tilespmem:$0x1EE00] =	vst v63  }
0x97: {  	_ =	swait.ge [sflag:s19], $0x2000  }
0x98: {  	[sflag:s19] =	ssyncset.done $0x0  }
0x99: {  	s14 =	simm.s32 $0x1C280;
	[sflag:s19] =	ssyncadd.s32 $0xFFFFE000  }
0x9a: {  	[spmem:s3] =	stream.indirect.scatter.add.f32 [tilespmem:s29], [sflag:$0x7], $0x40, s14, s30, $0xb8;
	[tilespmem:$0x1EE00] =	vst v63  }
0x9b: {  	v2 =	vld @!p0 [tilespmem:$0x1C280];
	_ =	sdelay $0x7  }
0x9c: {  	[tilespmem:v2+s11+$0x0] =	vst.idx.add.f32.msk @!p0 $0xffff, v1  }
0x9d: {  	v2 =	vld @!p0 [tilespmem:$0x1C290];
	_ =	sdelay $0x7  }
0x9e: {  	[tilespmem:v2+s11+$0x0] =	vst.idx.add.f32.msk @!p0 $0xffff, v1  }
0x9f: {  	v2 =	vld @!p0 [tilespmem:$0x1C2A0];
	_ =	sdelay $0x7  }
0xa0: {  	[tilespmem:v2+s11+$0x0] =	vst.idx.add.f32.msk @!p0 $0xffff, v1  }
0xa1: {  	v2 =	vld @!p0 [tilespmem:$0x1C2B0];
	_ =	sdelay $0x7  }
0xa2: {  	[tilespmem:v2+s11+$0x0] =	vst.idx.add.f32.msk @!p0 $0xffff, v1  }
0xa3: {  	v2 =	vld @!p0 [tilespmem:$0x1C2C0];
	_ =	sdelay $0x7  }
0xa4: {  	[tilespmem:v2+s11+$0x0] =	vst.idx.add.f32.msk @!p0 $0xffff, v1  }
0xa5: {  	v2 =	vld @!p0 [tilespmem:$0x1C2D0];
	_ =	sdelay $0x7  }
0xa6: {  	[tilespmem:v2+s11+$0x0] =	vst.idx.add.f32.msk @!p0 $0xffff, v1  }
0xa7: {  	v2 =	vld @!p0 [tilespmem:$0x1C2E0];
	_ =	sdelay $0x7  }
0xa8: {  	[tilespmem:v2+s11+$0x0] =	vst.idx.add.f32.msk @!p0 $0xffff, v1  }
0xa9: {  	v2 =	vld @!p0 [tilespmem:$0x1C2F0];
	_ =	sdelay $0x7  }
0xaa: {  	s21 =	simm.s32 $0xE;
	[tilespmem:v2+s11+$0x0] =	vst.idx.add.f32.msk @!p0 $0xffff, v1  }
0xab: {  	_ =	swait.ge [sflag:s21], $0x100  }
0xac: {  	[sflag:s21] =	ssyncset.done $0x0  }
0xad: {  	[sflag:s21] =	ssyncadd.s32 $0xFFFFFF00  }
0xae: {  	_ =	swait.ge [sflag:s6], $0x2000  }
0xaf: {  	[sflag:s6] =	ssyncset.done $0x0  }
0xb0: {  	[sflag:s6] =	ssyncadd.s32 $0xFFFFE000  }
0xb1: {  	[tilespmem:s28], [sflag:$0x2] =	stream.indirect.gather [spmem:s2], $0x40, s7, s30, $0xb8;
	[tilespmem:$0x1EE00] =	vst v63  }
0xb2: {  	s5 =	sadd.s32 $0xE00, s20;
	s28 =	simm.s32 $0x1C100  }
0xb3: {  	[tilespmem:s28], [sflag:$0xA] =	stream.linear.gather [hbm4b:s5+s4], $0x100, $0x38;
	[tilespmem:$0x1EE00] =	vst v63  }
0xb4: {  	_ =	swait.ge [sflag:s18], $0x2000  }
0xb5: {  	[sflag:s18] =	ssyncset.done $0x0  }
0xb6: {  	s1 =	simm.s32 $0x1C380;
	[sflag:s18] =	ssyncadd.s32 $0xFFFFE000  }
0xb7: {  	[spmem:s3] =	stream.indirect.scatter.add.f32 [tilespmem:s0], [sflag:$0x8], $0x40, s1, s30, $0xb8;
	[tilespmem:$0x1EE00] =	vst v63  }
0xb8: {  	v2 =	vld @!p0 [tilespmem:$0x1C380];
	_ =	sdelay $0x7  }
0xb9: {  	[tilespmem:v2+s11+$0x0] =	vst.idx.add.f32.msk @!p0 $0xffff, v1  }
0xba: {  	v2 =	vld @!p0 [tilespmem:$0x1C390];
	_ =	sdelay $0x7  }
0xbb: {  	[tilespmem:v2+s11+$0x0] =	vst.idx.add.f32.msk @!p0 $0xffff, v1  }
0xbc: {  	v2 =	vld @!p0 [tilespmem:$0x1C3A0];
	_ =	sdelay $0x7  }
0xbd: {  	[tilespmem:v2+s11+$0x0] =	vst.idx.add.f32.msk @!p0 $0xffff, v1  }
0xbe: {  	v2 =	vld @!p0 [tilespmem:$0x1C3B0];
	_ =	sdelay $0x7  }
0xbf: {  	[tilespmem:v2+s11+$0x0] =	vst.idx.add.f32.msk @!p0 $0xffff, v1  }
0xc0: {  	v2 =	vld @!p0 [tilespmem:$0x1C3C0];
	_ =	sdelay $0x7  }
0xc1: {  	[tilespmem:v2+s11+$0x0] =	vst.idx.add.f32.msk @!p0 $0xffff, v1  }
0xc2: {  	v2 =	vld @!p0 [tilespmem:$0x1C3D0];
	_ =	sdelay $0x7  }
0xc3: {  	[tilespmem:v2+s11+$0x0] =	vst.idx.add.f32.msk @!p0 $0xffff, v1  }
0xc4: {  	v2 =	vld @!p0 [tilespmem:$0x1C3E0];
	_ =	sdelay $0x7  }
0xc5: {  	[tilespmem:v2+s11+$0x0] =	vst.idx.add.f32.msk @!p0 $0xffff, v1  }
0xc6: {  	v2 =	vld @!p0 [tilespmem:$0x1C3F0];
	_ =	sdelay $0x7  }
0xc7: {  	[tilespmem:v2+s11+$0x0] =	vst.idx.add.f32.msk @!p0 $0xffff, v1  }
0xc8: {  	_ =	swait.ge [sflag:s10], $0x100  }
0xc9: {  	[sflag:s10] =	ssyncset.done $0x0  }
0xca: {  	[sflag:s10] =	ssyncadd.s32 $0xFFFFFF00  }
0xcb: {  	_ =	swait.ge [sflag:s22], $0x2000  }
0xcc: {  	[sflag:s22] =	ssyncset.done $0x0  }
0xcd: {  	[sflag:s22] =	ssyncadd.s32 $0xFFFFE000  }
0xce: {  	[tilespmem:s31], [sflag:$0x3] =	stream.indirect.gather [spmem:s2], $0x40, s26, s30, $0xb8;
	[tilespmem:$0x1EE00] =	vst v63  }
0xcf: {  	s8 =	simm.s32 $0x1C200;
	s6 =	sadd.s32 $0x1000, s20  }
0xd0: {  	[tilespmem:s8], [sflag:$0xB] =	stream.linear.gather [hbm4b:s6+s4], $0x100, $0x38;
	[tilespmem:$0x1EE00] =	vst v63  }
0xd1: {  	_ =	swait.ge [sflag:s15], $0x2000  }
0xd2: {  	[sflag:s15] =	ssyncset.done $0x0  }
0xd3: {  	s12 =	simm.s32 $0x14000;
	s24 =	simm.s32 $0x1C480;
	[sflag:s15] =	ssyncadd.s32 $0xFFFFE000  }
0xd4: {  	[spmem:s3] =	stream.indirect.scatter.add.f32 [tilespmem:s12], [sflag:$0x5], $0x40, s24, s30, $0xb8;
	[tilespmem:$0x1EE00] =	vst v63  }
0xd5: {  	v2 =	vld @!p0 [tilespmem:$0x1C480];
	_ =	sdelay $0x7  }
0xd6: {  	[tilespmem:v2+s11+$0x0] =	vst.idx.add.f32.msk @!p0 $0xffff, v1  }
0xd7: {  	v2 =	vld @!p0 [tilespmem:$0x1C490];
	_ =	sdelay $0x7  }
0xd8: {  	[tilespmem:v2+s11+$0x0] =	vst.idx.add.f32.msk @!p0 $0xffff, v1  }
0xd9: {  	v2 =	vld @!p0 [tilespmem:$0x1C4A0];
	_ =	sdelay $0x7  }
0xda: {  	[tilespmem:v2+s11+$0x0] =	vst.idx.add.f32.msk @!p0 $0xffff, v1  }
0xdb: {  	v2 =	vld @!p0 [tilespmem:$0x1C4B0];
	_ =	sdelay $0x7  }
0xdc: {  	[tilespmem:v2+s11+$0x0] =	vst.idx.add.f32.msk @!p0 $0xffff, v1  }
0xdd: {  	v2 =	vld @!p0 [tilespmem:$0x1C4C0];
	_ =	sdelay $0x7  }
0xde: {  	[tilespmem:v2+s11+$0x0] =	vst.idx.add.f32.msk @!p0 $0xffff, v1  }
0xdf: {  	v2 =	vld @!p0 [tilespmem:$0x1C4D0];
	_ =	sdelay $0x7  }
0xe0: {  	[tilespmem:v2+s11+$0x0] =	vst.idx.add.f32.msk @!p0 $0xffff, v1  }
0xe1: {  	v2 =	vld @!p0 [tilespmem:$0x1C4E0];
	_ =	sdelay $0x7  }
0xe2: {  	[tilespmem:v2+s11+$0x0] =	vst.idx.add.f32.msk @!p0 $0xffff, v1  }
0xe3: {  	v2 =	vld @!p0 [tilespmem:$0x1C4F0];
	_ =	sdelay $0x7  }
0xe4: {  	[tilespmem:v2+s11+$0x0] =	vst.idx.add.f32.msk @!p0 $0xffff, v1  }
0xe5: {  	_ =	swait.ge [sflag:s13], $0x100  }
0xe6: {  	[sflag:s13] =	ssyncset.done $0x0  }
0xe7: {  	[sflag:s13] =	ssyncadd.s32 $0xFFFFFF00  }
0xe8: {  	_ =	swait.ge [sflag:s17], $0x2000  }
0xe9: {  	[sflag:s17] =	ssyncset.done $0x0  }
0xea: {  	[sflag:s17] =	ssyncadd.s32 $0xFFFFE000  }
0xeb: {  	[tilespmem:s0], [sflag:$0x4] =	stream.indirect.gather [spmem:s2], $0x40, s28, s30, $0xb8;
	[tilespmem:$0x1EE00] =	vst v63  }
0xec: {  	s5 =	sadd.s32 $0x1200, s20;
	s1 =	simm.s32 $0x1C300  }
0xed: {  	[tilespmem:s1], [sflag:$0xC] =	stream.linear.gather [hbm4b:s5+s4], $0x100, $0x38;
	[tilespmem:$0x1EE00] =	vst v63  }
0xee: {  	_ =	swait.ge [sflag:s25], $0x2000  }
0xef: {  	[sflag:s25] =	ssyncset.done $0x0  }
0xf0: {  	s29 =	simm.s32 $0x16000;
	s5 =	simm.s32 $0x1C580;
	[sflag:s25] =	ssyncadd.s32 $0xFFFFE000  }
0xf1: {  	[spmem:s3] =	stream.indirect.scatter.add.f32 [tilespmem:s29], [sflag:$0x6], $0x40, s5, s30, $0xb8;
	[tilespmem:$0x1EE00] =	vst v63  }
0xf2: {  	v2 =	vld @!p0 [tilespmem:$0x1C580];
	_ =	sdelay $0x7  }
0xf3: {  	[tilespmem:v2+s11+$0x0] =	vst.idx.add.f32.msk @!p0 $0xffff, v1  }
0xf4: {  	v2 =	vld @!p0 [tilespmem:$0x1C590];
	_ =	sdelay $0x7  }
0xf5: {  	[tilespmem:v2+s11+$0x0] =	vst.idx.add.f32.msk @!p0 $0xffff, v1  }
0xf6: {  	v2 =	vld @!p0 [tilespmem:$0x1C5A0];
	_ =	sdelay $0x7  }
0xf7: {  	[tilespmem:v2+s11+$0x0] =	vst.idx.add.f32.msk @!p0 $0xffff, v1  }
0xf8: {  	v2 =	vld @!p0 [tilespmem:$0x1C5B0];
	_ =	sdelay $0x7  }
0xf9: {  	[tilespmem:v2+s11+$0x0] =	vst.idx.add.f32.msk @!p0 $0xffff, v1  }
0xfa: {  	v2 =	vld @!p0 [tilespmem:$0x1C5C0];
	_ =	sdelay $0x7  }
0xfb: {  	[tilespmem:v2+s11+$0x0] =	vst.idx.add.f32.msk @!p0 $0xffff, v1  }
0xfc: {  	v2 =	vld @!p0 [tilespmem:$0x1C5D0];
	_ =	sdelay $0x7  }
0xfd: {  	[tilespmem:v2+s11+$0x0] =	vst.idx.add.f32.msk @!p0 $0xffff, v1  }
0xfe: {  	v2 =	vld @!p0 [tilespmem:$0x1C5E0];
	_ =	sdelay $0x7  }
0xff: {  	[tilespmem:v2+s11+$0x0] =	vst.idx.add.f32.msk @!p0 $0xffff, v1  }
0x100: {  	v2 =	vld @!p0 [tilespmem:$0x1C5F0];
	_ =	sdelay $0x7  }
0x101: {  	s5 =	simm.s32 $0xB;
	[tilespmem:v2+s11+$0x0] =	vst.idx.add.f32.msk @!p0 $0xffff, v1  }
0x102: {  	_ =	swait.ge [sflag:s5], $0x100  }
0x103: {  	[sflag:s5] =	ssyncset.done $0x0  }
0x104: {  	s19 =	simm.s32 $0x5;
	[sflag:s5] =	ssyncadd.s32 $0xFFFFFF00  }
0x105: {  	_ =	swait.ge [sflag:s19], $0x2000  }
0x106: {  	[sflag:s19] =	ssyncset.done $0x0  }
0x107: {  	[sflag:s19] =	ssyncadd.s32 $0xFFFFE000  }
0x108: {  	[tilespmem:s12], [sflag:$0x1] =	stream.indirect.gather [spmem:s2], $0x40, s8, s30, $0xb8;
	[tilespmem:$0x1EE00] =	vst v63  }
0x109: {  	s6 =	sadd.s32 $0x1400, s20;
	s25 =	simm.s32 $0x1C400;
	s19 =	simm.s32 $0x3  }
0x10a: {  	[tilespmem:s25], [sflag:$0xD] =	stream.linear.gather [hbm4b:s6+s4], $0x100, $0x38;
	[tilespmem:$0x1EE00] =	vst v63  }
0x10b: {  	_ =	swait.ge [sflag:s19], $0x2000  }
0x10c: {  	[sflag:s19] =	ssyncset.done $0x0  }
0x10d: {  	s25 =	simm.s32 $0x1C080;
	[sflag:s19] =	ssyncadd.s32 $0xFFFFE000  }
0x10e: {  	[spmem:s3] =	stream.indirect.scatter.add.f32 [tilespmem:s31], [sflag:$0x7], $0x40, s25, s30, $0xb8;
	[tilespmem:$0x1EE00] =	vst v63  }
0x10f: {  	v2 =	vld @!p0 [tilespmem:$0x1C080];
	_ =	sdelay $0x7  }
0x110: {  	[tilespmem:v2+s11+$0x0] =	vst.idx.add.f32.msk @!p0 $0xffff, v1  }
0x111: {  	v2 =	vld @!p0 [tilespmem:$0x1C090];
	_ =	sdelay $0x7  }
0x112: {  	[tilespmem:v2+s11+$0x0] =	vst.idx.add.f32.msk @!p0 $0xffff, v1  }
0x113: {  	v2 =	vld @!p0 [tilespmem:$0x1C0A0];
	_ =	sdelay $0x7  }
0x114: {  	[tilespmem:v2+s11+$0x0] =	vst.idx.add.f32.msk @!p0 $0xffff, v1  }
0x115: {  	v2 =	vld @!p0 [tilespmem:$0x1C0B0];
	_ =	sdelay $0x7  }
0x116: {  	[tilespmem:v2+s11+$0x0] =	vst.idx.add.f32.msk @!p0 $0xffff, v1  }
0x117: {  	v2 =	vld @!p0 [tilespmem:$0x1C0C0];
	_ =	sdelay $0x7  }
0x118: {  	[tilespmem:v2+s11+$0x0] =	vst.idx.add.f32.msk @!p0 $0xffff, v1  }
0x119: {  	v2 =	vld @!p0 [tilespmem:$0x1C0D0];
	_ =	sdelay $0x7  }
0x11a: {  	[tilespmem:v2+s11+$0x0] =	vst.idx.add.f32.msk @!p0 $0xffff, v1  }
0x11b: {  	v2 =	vld @!p0 [tilespmem:$0x1C0E0];
	_ =	sdelay $0x7  }
0x11c: {  	[tilespmem:v2+s11+$0x0] =	vst.idx.add.f32.msk @!p0 $0xffff, v1  }
0x11d: {  	v2 =	vld @!p0 [tilespmem:$0x1C0F0];
	_ =	sdelay $0x7  }
0x11e: {  	[tilespmem:v2+s11+$0x0] =	vst.idx.add.f32.msk @!p0 $0xffff, v1  }
0x11f: {  	_ =	swait.ge [sflag:s23], $0x100  }
0x120: {  	[sflag:s23] =	ssyncset.done $0x0  }
0x121: {  	s24 =	simm.s32 $0x6;
	[sflag:s23] =	ssyncadd.s32 $0xFFFFFF00  }
0x122: {  	_ =	swait.ge [sflag:s24], $0x2000  }
0x123: {  	[sflag:s24] =	ssyncset.done $0x0  }
0x124: {  	[sflag:s24] =	ssyncadd.s32 $0xFFFFE000  }
0x125: {  	[tilespmem:s29], [sflag:$0x2] =	stream.indirect.gather [spmem:s2], $0x40, s1, s30, $0xb8;
	[tilespmem:$0x1EE00] =	vst v63  }
0x126: {  	s24 =	sadd.s32 $0x1600, s20  }
0x127: {  	[tilespmem:s7], [sflag:$0xE] =	stream.linear.gather [hbm4b:s24+s4], $0x100, $0x38;
	[tilespmem:$0x1EE00] =	vst v63  }
0x128: {  	_ =	swait.ge [sflag:s18], $0x2000  }
0x129: {  	[sflag:s18] =	ssyncset.done $0x0  }
0x12a: {  	s0 =	simm.s32 $0x1A000;
	s24 =	simm.s32 $0x1C180;
	[sflag:s18] =	ssyncadd.s32 $0xFFFFE000  }
0x12b: {  	[spmem:s3] =	stream.indirect.scatter.add.f32 [tilespmem:s0], [sflag:$0x8], $0x40, s24, s30, $0xb8;
	[tilespmem:$0x1EE00] =	vst v63  }
0x12c: {  	v2 =	vld @!p0 [tilespmem:$0x1C180];
	_ =	sdelay $0x7  }
0x12d: {  	[tilespmem:v2+s11+$0x0] =	vst.idx.add.f32.msk @!p0 $0xffff, v1  }
0x12e: {  	v2 =	vld @!p0 [tilespmem:$0x1C190];
	_ =	sdelay $0x7  }
0x12f: {  	[tilespmem:v2+s11+$0x0] =	vst.idx.add.f32.msk @!p0 $0xffff, v1  }
0x130: {  	v2 =	vld @!p0 [tilespmem:$0x1C1A0];
	_ =	sdelay $0x7  }
0x131: {  	[tilespmem:v2+s11+$0x0] =	vst.idx.add.f32.msk @!p0 $0xffff, v1  }
0x132: {  	v2 =	vld @!p0 [tilespmem:$0x1C1B0];
	_ =	sdelay $0x7  }
0x133: {  	[tilespmem:v2+s11+$0x0] =	vst.idx.add.f32.msk @!p0 $0xffff, v1  }
0x134: {  	v2 =	vld @!p0 [tilespmem:$0x1C1C0];
	_ =	sdelay $0x7  }
0x135: {  	[tilespmem:v2+s11+$0x0] =	vst.idx.add.f32.msk @!p0 $0xffff, v1  }
0x136: {  	v2 =	vld @!p0 [tilespmem:$0x1C1D0];
	_ =	sdelay $0x7  }
0x137: {  	[tilespmem:v2+s11+$0x0] =	vst.idx.add.f32.msk @!p0 $0xffff, v1  }
0x138: {  	v2 =	vld @!p0 [tilespmem:$0x1C1E0];
	_ =	sdelay $0x7  }
0x139: {  	[tilespmem:v2+s11+$0x0] =	vst.idx.add.f32.msk @!p0 $0xffff, v1  }
0x13a: {  	v2 =	vld @!p0 [tilespmem:$0x1C1F0];
	_ =	sdelay $0x7  }
0x13b: {  	[tilespmem:v2+s11+$0x0] =	vst.idx.add.f32.msk @!p0 $0xffff, v1  }
0x13c: {  	_ =	swait.ge [sflag:s9], $0x100  }
0x13d: {  	[sflag:s9] =	ssyncset.done $0x0  }
0x13e: {  	[sflag:s9] =	ssyncadd.s32 $0xFFFFFF00  }
0x13f: {  	_ =	swait.ge [sflag:s22], $0x2000  }
0x140: {  	[sflag:s22] =	ssyncset.done $0x0  }
0x141: {  	s24 =	simm.s32 $0x1C400;
	[sflag:s22] =	ssyncadd.s32 $0xFFFFE000  }
0x142: {  	[tilespmem:s31], [sflag:$0x3] =	stream.indirect.gather [spmem:s2], $0x40, s24, s30, $0xb8;
	[tilespmem:$0x1EE00] =	vst v63  }
0x143: {  	s9 =	sadd.s32 $0x1800, s20  }
0x144: {  	[tilespmem:s26], [sflag:$0x9] =	stream.linear.gather [hbm4b:s9+s4], $0x100, $0x38;
	[tilespmem:$0x1EE00] =	vst v63  }
0x145: {  	_ =	swait.ge [sflag:s15], $0x2000  }
0x146: {  	[sflag:s15] =	ssyncset.done $0x0  }
0x147: {  	[sflag:s15] =	ssyncadd.s32 $0xFFFFE000  }
0x148: {  	[spmem:s3] =	stream.indirect.scatter.add.f32 [tilespmem:s12], [sflag:$0x5], $0x40, s14, s30, $0xb8;
	[tilespmem:$0x1EE00] =	vst v63  }
0x149: {  	v2 =	vld @!p0 [tilespmem:$0x1C280];
	_ =	sdelay $0x7  }
0x14a: {  	[tilespmem:v2+s11+$0x0] =	vst.idx.add.f32.msk @!p0 $0xffff, v1  }
0x14b: {  	v2 =	vld @!p0 [tilespmem:$0x1C290];
	_ =	sdelay $0x7  }
0x14c: {  	[tilespmem:v2+s11+$0x0] =	vst.idx.add.f32.msk @!p0 $0xffff, v1  }
0x14d: {  	v2 =	vld @!p0 [tilespmem:$0x1C2A0];
	_ =	sdelay $0x7  }
0x14e: {  	[tilespmem:v2+s11+$0x0] =	vst.idx.add.f32.msk @!p0 $0xffff, v1  }
0x14f: {  	v2 =	vld @!p0 [tilespmem:$0x1C2B0];
	_ =	sdelay $0x7  }
0x150: {  	[tilespmem:v2+s11+$0x0] =	vst.idx.add.f32.msk @!p0 $0xffff, v1  }
0x151: {  	v2 =	vld @!p0 [tilespmem:$0x1C2C0];
	_ =	sdelay $0x7  }
0x152: {  	[tilespmem:v2+s11+$0x0] =	vst.idx.add.f32.msk @!p0 $0xffff, v1  }
0x153: {  	v2 =	vld @!p0 [tilespmem:$0x1C2D0];
	_ =	sdelay $0x7  }
0x154: {  	[tilespmem:v2+s11+$0x0] =	vst.idx.add.f32.msk @!p0 $0xffff, v1  }
0x155: {  	v2 =	vld @!p0 [tilespmem:$0x1C2E0];
	_ =	sdelay $0x7  }
0x156: {  	[tilespmem:v2+s11+$0x0] =	vst.idx.add.f32.msk @!p0 $0xffff, v1  }
0x157: {  	v2 =	vld @!p0 [tilespmem:$0x1C2F0];
	_ =	sdelay $0x7  }
0x158: {  	[tilespmem:v2+s11+$0x0] =	vst.idx.add.f32.msk @!p0 $0xffff, v1  }
0x159: {  	_ =	swait.ge [sflag:s21], $0x100  }
0x15a: {  	[sflag:s21] =	ssyncset.done $0x0  }
0x15b: {  	[sflag:s21] =	ssyncadd.s32 $0xFFFFFF00  }
0x15c: {  	_ =	swait.ge [sflag:s17], $0x2000  }
0x15d: {  	[sflag:s17] =	ssyncset.done $0x0  }
0x15e: {  	[sflag:s17] =	ssyncadd.s32 $0xFFFFE000  }
0x15f: {  	[tilespmem:s0], [sflag:$0x4] =	stream.indirect.gather [spmem:s2], $0x40, s7, s30, $0xb8;
	[tilespmem:$0x1EE00] =	vst v63  }
0x160: {  	s6 =	simm.s32 $0x2;
	s14 =	sadd.s32 $0x1A00, s20  }
0x161: {  	[tilespmem:s28], [sflag:$0xA] =	stream.linear.gather [hbm4b:s14+s4], $0x100, $0x38;
	[tilespmem:$0x1EE00] =	vst v63  }
0x162: {  	_ =	swait.ge [sflag:s6], $0x2000  }
0x163: {  	[sflag:s6] =	ssyncset.done $0x0  }
0x164: {  	s24 =	simm.s32 $0x1C380;
	[sflag:s6] =	ssyncadd.s32 $0xFFFFE000  }
0x165: {  	[spmem:s3] =	stream.indirect.scatter.add.f32 [tilespmem:s29], [sflag:$0x6], $0x40, s24, s30, $0xb8;
	[tilespmem:$0x1EE00] =	vst v63  }
0x166: {  	v2 =	vld @!p0 [tilespmem:$0x1C380];
	_ =	sdelay $0x7  }
0x167: {  	[tilespmem:v2+s11+$0x0] =	vst.idx.add.f32.msk @!p0 $0xffff, v1  }
0x168: {  	v2 =	vld @!p0 [tilespmem:$0x1C390];
	_ =	sdelay $0x7  }
0x169: {  	[tilespmem:v2+s11+$0x0] =	vst.idx.add.f32.msk @!p0 $0xffff, v1  }
0x16a: {  	v2 =	vld @!p0 [tilespmem:$0x1C3A0];
	_ =	sdelay $0x7  }
0x16b: {  	[tilespmem:v2+s11+$0x0] =	vst.idx.add.f32.msk @!p0 $0xffff, v1  }
0x16c: {  	v2 =	vld @!p0 [tilespmem:$0x1C3B0];
	_ =	sdelay $0x7  }
0x16d: {  	[tilespmem:v2+s11+$0x0] =	vst.idx.add.f32.msk @!p0 $0xffff, v1  }
0x16e: {  	v2 =	vld @!p0 [tilespmem:$0x1C3C0];
	_ =	sdelay $0x7  }
0x16f: {  	[tilespmem:v2+s11+$0x0] =	vst.idx.add.f32.msk @!p0 $0xffff, v1  }
0x170: {  	v2 =	vld @!p0 [tilespmem:$0x1C3D0];
	_ =	sdelay $0x7  }
0x171: {  	[tilespmem:v2+s11+$0x0] =	vst.idx.add.f32.msk @!p0 $0xffff, v1  }
0x172: {  	v2 =	vld @!p0 [tilespmem:$0x1C3E0];
	_ =	sdelay $0x7  }
0x173: {  	[tilespmem:v2+s11+$0x0] =	vst.idx.add.f32.msk @!p0 $0xffff, v1  }
0x174: {  	v2 =	vld @!p0 [tilespmem:$0x1C3F0];
	_ =	sdelay $0x7  }
0x175: {  	[tilespmem:v2+s11+$0x0] =	vst.idx.add.f32.msk @!p0 $0xffff, v1  }
0x176: {  	_ =	swait.ge [sflag:s10], $0x100  }
0x177: {  	[sflag:s10] =	ssyncset.done $0x0  }
0x178: {  	s21 =	simm.s32 $0x5;
	[sflag:s10] =	ssyncadd.s32 $0xFFFFFF00  }
0x179: {  	_ =	swait.ge [sflag:s21], $0x2000  }
0x17a: {  	[sflag:s21] =	ssyncset.done $0x0  }
0x17b: {  	[sflag:s21] =	ssyncadd.s32 $0xFFFFE000  }
0x17c: {  	[tilespmem:s12], [sflag:$0x1] =	stream.indirect.gather [spmem:s2], $0x40, s26, s30, $0xb8;
	[tilespmem:$0x1EE00] =	vst v63  }
0x17d: {  	s14 =	sadd.s32 $0x1C00, s20  }
0x17e: {  	[tilespmem:s8], [sflag:$0xB] =	stream.linear.gather [hbm4b:s14+s4], $0x100, $0x38;
	[tilespmem:$0x1EE00] =	vst v63  }
0x17f: {  	_ =	swait.ge [sflag:s19], $0x2000  }
0x180: {  	[sflag:s19] =	ssyncset.done $0x0  }
0x181: {  	s24 =	simm.s32 $0x1C480;
	[sflag:s19] =	ssyncadd.s32 $0xFFFFE000  }
0x182: {  	[spmem:s3] =	stream.indirect.scatter.add.f32 [tilespmem:s31], [sflag:$0x7], $0x40, s24, s30, $0xb8;
	[tilespmem:$0x1EE00] =	vst v63  }
0x183: {  	v2 =	vld @!p0 [tilespmem:$0x1C480];
	_ =	sdelay $0x7  }
0x184: {  	[tilespmem:v2+s11+$0x0] =	vst.idx.add.f32.msk @!p0 $0xffff, v1  }
0x185: {  	v2 =	vld @!p0 [tilespmem:$0x1C490];
	_ =	sdelay $0x7  }
0x186: {  	[tilespmem:v2+s11+$0x0] =	vst.idx.add.f32.msk @!p0 $0xffff, v1  }
0x187: {  	v2 =	vld @!p0 [tilespmem:$0x1C4A0];
	_ =	sdelay $0x7  }
0x188: {  	[tilespmem:v2+s11+$0x0] =	vst.idx.add.f32.msk @!p0 $0xffff, v1  }
0x189: {  	v2 =	vld @!p0 [tilespmem:$0x1C4B0];
	_ =	sdelay $0x7  }
0x18a: {  	[tilespmem:v2+s11+$0x0] =	vst.idx.add.f32.msk @!p0 $0xffff, v1  }
0x18b: {  	v2 =	vld @!p0 [tilespmem:$0x1C4C0];
	_ =	sdelay $0x7  }
0x18c: {  	[tilespmem:v2+s11+$0x0] =	vst.idx.add.f32.msk @!p0 $0xffff, v1  }
0x18d: {  	v2 =	vld @!p0 [tilespmem:$0x1C4D0];
	_ =	sdelay $0x7  }
0x18e: {  	[tilespmem:v2+s11+$0x0] =	vst.idx.add.f32.msk @!p0 $0xffff, v1  }
0x18f: {  	v2 =	vld @!p0 [tilespmem:$0x1C4E0];
	_ =	sdelay $0x7  }
0x190: {  	[tilespmem:v2+s11+$0x0] =	vst.idx.add.f32.msk @!p0 $0xffff, v1  }
0x191: {  	v2 =	vld @!p0 [tilespmem:$0x1C4F0];
	_ =	sdelay $0x7  }
0x192: {  	[tilespmem:v2+s11+$0x0] =	vst.idx.add.f32.msk @!p0 $0xffff, v1  }
0x193: {  	_ =	swait.ge [sflag:s13], $0x100  }
0x194: {  	[sflag:s13] =	ssyncset.done $0x0  }
0x195: {  	s6 =	simm.s32 $0x6;
	[sflag:s13] =	ssyncadd.s32 $0xFFFFFF00  }
0x196: {  	_ =	swait.ge [sflag:s6], $0x2000  }
0x197: {  	[sflag:s6] =	ssyncset.done $0x0  }
0x198: {  	[sflag:s6] =	ssyncadd.s32 $0xFFFFE000  }
0x199: {  	[tilespmem:s29], [sflag:$0x2] =	stream.indirect.gather [spmem:s2], $0x40, s28, s30, $0xb8;
	[tilespmem:$0x1EE00] =	vst v63  }
0x19a: {  	s14 =	sadd.s32 $0x1E00, s20  }
0x19b: {  	[tilespmem:s1], [sflag:$0xC] =	stream.linear.gather [hbm4b:s14+s4], $0x100, $0x38;
	[tilespmem:$0x1EE00] =	vst v63  }
0x19c: {  	_ =	swait.ge [sflag:s18], $0x2000  }
0x19d: {  	[sflag:s18] =	ssyncset.done $0x0  }
0x19e: {  	s24 =	simm.s32 $0x1C580;
	[sflag:s18] =	ssyncadd.s32 $0xFFFFE000  }
0x19f: {  	[spmem:s3] =	stream.indirect.scatter.add.f32 [tilespmem:s0], [sflag:$0x8], $0x40, s24, s30, $0xb8;
	[tilespmem:$0x1EE00] =	vst v63  }
0x1a0: {  	v2 =	vld @!p0 [tilespmem:$0x1C580];
	_ =	sdelay $0x7  }
0x1a1: {  	[tilespmem:v2+s11+$0x0] =	vst.idx.add.f32.msk @!p0 $0xffff, v1  }
0x1a2: {  	v2 =	vld @!p0 [tilespmem:$0x1C590];
	_ =	sdelay $0x7  }
0x1a3: {  	[tilespmem:v2+s11+$0x0] =	vst.idx.add.f32.msk @!p0 $0xffff, v1  }
0x1a4: {  	v2 =	vld @!p0 [tilespmem:$0x1C5A0];
	_ =	sdelay $0x7  }
0x1a5: {  	[tilespmem:v2+s11+$0x0] =	vst.idx.add.f32.msk @!p0 $0xffff, v1  }
0x1a6: {  	v2 =	vld @!p0 [tilespmem:$0x1C5B0];
	_ =	sdelay $0x7  }
0x1a7: {  	[tilespmem:v2+s11+$0x0] =	vst.idx.add.f32.msk @!p0 $0xffff, v1  }
0x1a8: {  	v2 =	vld @!p0 [tilespmem:$0x1C5C0];
	_ =	sdelay $0x7  }
0x1a9: {  	[tilespmem:v2+s11+$0x0] =	vst.idx.add.f32.msk @!p0 $0xffff, v1  }
0x1aa: {  	v2 =	vld @!p0 [tilespmem:$0x1C5D0];
	_ =	sdelay $0x7  }
0x1ab: {  	[tilespmem:v2+s11+$0x0] =	vst.idx.add.f32.msk @!p0 $0xffff, v1  }
0x1ac: {  	v2 =	vld @!p0 [tilespmem:$0x1C5E0];
	_ =	sdelay $0x7  }
0x1ad: {  	[tilespmem:v2+s11+$0x0] =	vst.idx.add.f32.msk @!p0 $0xffff, v1  }
0x1ae: {  	v2 =	vld @!p0 [tilespmem:$0x1C5F0];
	_ =	sdelay $0x7  }
0x1af: {  	[tilespmem:v2+s11+$0x0] =	vst.idx.add.f32.msk @!p0 $0xffff, v1  }
0x1b0: {  	_ =	swait.ge [sflag:s5], $0x100  }
0x1b1: {  	[sflag:s5] =	ssyncset.done $0x0  }
0x1b2: {  	[sflag:s5] =	ssyncadd.s32 $0xFFFFFF00  }
0x1b3: {  	_ =	swait.ge [sflag:s22], $0x2000  }
0x1b4: {  	[sflag:s22] =	ssyncset.done $0x0  }
0x1b5: {  	s29 =	simm.s32 $0x18000;
	[sflag:s22] =	ssyncadd.s32 $0xFFFFE000  }
0x1b6: {  	[tilespmem:s29], [sflag:$0x3] =	stream.indirect.gather [spmem:s2], $0x40, s8, s30, $0xb8;
	[tilespmem:$0x1EE00] =	vst v63  }
0x1b7: {  	s12 =	sadd.s32 $0x2000, s20;
	s14 =	simm.s32 $0x1C400  }
0x1b8: {  	[tilespmem:s14], [sflag:$0xD] =	stream.linear.gather [hbm4b:s12+s4], $0x100, $0x38;
	[tilespmem:$0x1EE00] =	vst v63  }
0x1b9: {  	_ =	swait.ge [sflag:s15], $0x2000  }
0x1ba: {  	[sflag:s15] =	ssyncset.done $0x0  }
0x1bb: {  	s26 =	simm.s32 $0x14000;
	[sflag:s15] =	ssyncadd.s32 $0xFFFFE000  }
0x1bc: {  	[spmem:s3] =	stream.indirect.scatter.add.f32 [tilespmem:s26], [sflag:$0x5], $0x40, s25, s30, $0xb8;
	[tilespmem:$0x1EE00] =	vst v63  }
0x1bd: {  	v2 =	vld @!p0 [tilespmem:$0x1C080];
	_ =	sdelay $0x7  }
0x1be: {  	[tilespmem:v2+s11+$0x0] =	vst.idx.add.f32.msk @!p0 $0xffff, v1  }
0x1bf: {  	v2 =	vld @!p0 [tilespmem:$0x1C090];
	_ =	sdelay $0x7  }
0x1c0: {  	[tilespmem:v2+s11+$0x0] =	vst.idx.add.f32.msk @!p0 $0xffff, v1  }
0x1c1: {  	v2 =	vld @!p0 [tilespmem:$0x1C0A0];
	_ =	sdelay $0x7  }
0x1c2: {  	[tilespmem:v2+s11+$0x0] =	vst.idx.add.f32.msk @!p0 $0xffff, v1  }
0x1c3: {  	v2 =	vld @!p0 [tilespmem:$0x1C0B0];
	_ =	sdelay $0x7  }
0x1c4: {  	[tilespmem:v2+s11+$0x0] =	vst.idx.add.f32.msk @!p0 $0xffff, v1  }
0x1c5: {  	v2 =	vld @!p0 [tilespmem:$0x1C0C0];
	_ =	sdelay $0x7  }
0x1c6: {  	[tilespmem:v2+s11+$0x0] =	vst.idx.add.f32.msk @!p0 $0xffff, v1  }
0x1c7: {  	v2 =	vld @!p0 [tilespmem:$0x1C0D0];
	_ =	sdelay $0x7  }
0x1c8: {  	[tilespmem:v2+s11+$0x0] =	vst.idx.add.f32.msk @!p0 $0xffff, v1  }
0x1c9: {  	v2 =	vld @!p0 [tilespmem:$0x1C0E0];
	_ =	sdelay $0x7  }
0x1ca: {  	[tilespmem:v2+s11+$0x0] =	vst.idx.add.f32.msk @!p0 $0xffff, v1  }
0x1cb: {  	v2 =	vld @!p0 [tilespmem:$0x1C0F0];
	_ =	sdelay $0x7  }
0x1cc: {  	[tilespmem:v2+s11+$0x0] =	vst.idx.add.f32.msk @!p0 $0xffff, v1  }
0x1cd: {  	_ =	swait.ge [sflag:s23], $0x100  }
0x1ce: {  	[sflag:s23] =	ssyncset.done $0x0  }
0x1cf: {  	[sflag:s23] =	ssyncadd.s32 $0xFFFFFF00  }
0x1d0: {  	_ =	swait.ge [sflag:s17], $0x2000  }
0x1d1: {  	[sflag:s17] =	ssyncset.done $0x0  }
0x1d2: {  	[sflag:s17] =	ssyncadd.s32 $0xFFFFE000  }
0x1d3: {  	[tilespmem:s0], [sflag:$0x4] =	stream.indirect.gather [spmem:s2], $0x40, s1, s30, $0xb8;
	[tilespmem:$0x1EE00] =	vst v63  }
0x1d4: {  	s20 =	sadd.s32 $0x2200, s20;
	s25 =	simm.s32 $0x2  }
0x1d5: {  	[tilespmem:s7], [sflag:$0xE] =	stream.linear.gather [hbm4b:s20+s4], $0x100, $0x38;
	[tilespmem:$0x1EE00] =	vst v63  }
0x1d6: {  	_ =	swait.ge [sflag:s25], $0x2000  }
0x1d7: {  	[sflag:s25] =	ssyncset.done $0x0  }
0x1d8: {  	s28 =	simm.s32 $0x16000;
	s24 =	simm.s32 $0x1C180;
	[sflag:s25] =	ssyncadd.s32 $0xFFFFE000  }
0x1d9: {  	[spmem:s3] =	stream.indirect.scatter.add.f32 [tilespmem:s28], [sflag:$0x6], $0x40, s24, s30, $0xb8;
	[tilespmem:$0x1EE00] =	vst v63  }
0x1da: {  	v2 =	vld @!p0 [tilespmem:$0x1C180];
	_ =	sdelay $0x7  }
0x1db: {  	[tilespmem:v2+s11+$0x0] =	vst.idx.add.f32.msk @!p0 $0xffff, v1  }
0x1dc: {  	v2 =	vld @!p0 [tilespmem:$0x1C190];
	_ =	sdelay $0x7  }
0x1dd: {  	[tilespmem:v2+s11+$0x0] =	vst.idx.add.f32.msk @!p0 $0xffff, v1  }
0x1de: {  	v2 =	vld @!p0 [tilespmem:$0x1C1A0];
	_ =	sdelay $0x7  }
0x1df: {  	[tilespmem:v2+s11+$0x0] =	vst.idx.add.f32.msk @!p0 $0xffff, v1  }
0x1e0: {  	v2 =	vld @!p0 [tilespmem:$0x1C1B0];
	_ =	sdelay $0x7  }
0x1e1: {  	[tilespmem:v2+s11+$0x0] =	vst.idx.add.f32.msk @!p0 $0xffff, v1  }
0x1e2: {  	v2 =	vld @!p0 [tilespmem:$0x1C1C0];
	_ =	sdelay $0x7  }
0x1e3: {  	[tilespmem:v2+s11+$0x0] =	vst.idx.add.f32.msk @!p0 $0xffff, v1  }
0x1e4: {  	v2 =	vld @!p0 [tilespmem:$0x1C1D0];
	_ =	sdelay $0x7  }
0x1e5: {  	[tilespmem:v2+s11+$0x0] =	vst.idx.add.f32.msk @!p0 $0xffff, v1  }
0x1e6: {  	v2 =	vld @!p0 [tilespmem:$0x1C1E0];
	_ =	sdelay $0x7  }
0x1e7: {  	[tilespmem:v2+s11+$0x0] =	vst.idx.add.f32.msk @!p0 $0xffff, v1  }
0x1e8: {  	v2 =	vld @!p0 [tilespmem:$0x1C1F0];
	_ =	sdelay $0x1  }
0x1e9: {  	s16 =	sadd.s32 $0x1800, s16  }
0x1ea: {  	p1 =	sne.s32 s16, $0x13800  }
.Ltmp2:
0x1eb: {  	_ = 	snop;
	(pc) =	sbr.rel @p1 .LBB2_6-.Ltmp2, $2  }
0x1ec: {  	_ =	sdelay $0x2  }
0x1ed: {  	s9 =	simm.s32 $0x1C280;
	s14 =	simm.s32 $0x1C400;
	s0 =	simm.s32 $0x1A000;
	[tilespmem:v2+s11+$0x0] =	vst.idx.add.f32.msk @!p0 $0xffff, v1  }
0x1ee: {  	_ =	swait.ge [sflag:s21], $0x2000  }
0x1ef: {  	[sflag:s21] =	ssyncset.done $0x0  }
0x1f0: {  	[sflag:s21] =	ssyncadd.s32 $0xFFFFE000  }
0x1f1: {  	_ =	swait.ge [sflag:s19], $0x2000  }
0x1f2: {  	[sflag:s19] =	ssyncset.done $0x0  }
0x1f3: {  	s11 =	simm.s32 @p0 $0x6;
	[sflag:s19] =	ssyncadd.s32 $0xFFFFE000  }
0x1f4: {  	[spmem:s3] =	stream.indirect.scatter.add.f32 [tilespmem:s29], [sflag:$0x7], $0x40, s9, s30, $0xb8;
	[tilespmem:$0x1EE00] =	vst v63  }
0x1f5: {  	_ =	swait.ge @p0 [sflag:s11], $0x2000  }
0x1f6: {  	[sflag:s11] =	ssyncset.done @p0 $0x0  }
0x1f7: {  	[sflag:s11] =	ssyncadd.s32 @p0 $0xFFFFE000;
	s11 =	simm.s32 @p0 $0x4  }
0x1f8: {  	_ =	swait.ge @p0 [sflag:s11], $0x2000  }
0x1f9: {  	s16 =	simm.s32 @p0 $0x1C380;
	[sflag:s11] =	ssyncset.done @p0 $0x0  }
0x1fa: {  	s20 =	simm.s32 @p0 $0x1A000;
	[sflag:s11] =	ssyncadd.s32 @p0 $0xFFFFE000;
	s11 =	simm.s32 @p0 $0x80  }
0x1fb: {  	[spmem:s3] =	stream.indirect.scatter.add.f32 @p0 [tilespmem:s20], [sflag:$0x8], $0x40, s16, s11, $0xb8;
	[tilespmem:$0x1EE00] =	vst v63  }
0x1fc: {  	v1 =	vld @!p0 [tilespmem:$0x1C280];
	_ =	sdelay $0x6  }
0x1fd: {  	v2 =	vimm.f32 @!p0 $1.000000000e+00;
	s11 =	simm.s32 @!p0 $0x1C600  }
0x1fe: {  	[tilespmem:v1+s11+$0x0] =	vst.idx.add.f32.msk @!p0 $0xffff, v2  }
0x1ff: {  	v1 =	vld @!p0 [tilespmem:$0x1C290];
	_ =	sdelay $0x7  }
0x200: {  	[tilespmem:v1+s11+$0x0] =	vst.idx.add.f32.msk @!p0 $0xffff, v2  }
0x201: {  	v1 =	vld @!p0 [tilespmem:$0x1C2A0];
	_ =	sdelay $0x7  }
0x202: {  	[tilespmem:v1+s11+$0x0] =	vst.idx.add.f32.msk @!p0 $0xffff, v2  }
0x203: {  	v1 =	vld @!p0 [tilespmem:$0x1C2B0];
	_ =	sdelay $0x7  }
0x204: {  	[tilespmem:v1+s11+$0x0] =	vst.idx.add.f32.msk @!p0 $0xffff, v2  }
0x205: {  	v1 =	vld @!p0 [tilespmem:$0x1C2C0];
	_ =	sdelay $0x7  }
0x206: {  	[tilespmem:v1+s11+$0x0] =	vst.idx.add.f32.msk @!p0 $0xffff, v2  }
0x207: {  	v1 =	vld @!p0 [tilespmem:$0x1C2D0];
	_ =	sdelay $0x7  }
0x208: {  	[tilespmem:v1+s11+$0x0] =	vst.idx.add.f32.msk @!p0 $0xffff, v2  }
0x209: {  	v1 =	vld @!p0 [tilespmem:$0x1C2E0];
	_ =	sdelay $0x7  }
0x20a: {  	[tilespmem:v1+s11+$0x0] =	vst.idx.add.f32.msk @!p0 $0xffff, v2  }
0x20b: {  	v1 =	vld @!p0 [tilespmem:$0x1C2F0];
	_ =	sdelay $0x7  }
0x20c: {  	s16 =	simm.s32 @!p0 $0x6;
	[tilespmem:v1+s11+$0x0] =	vst.idx.add.f32.msk @!p0 $0xffff, v2  }
0x20d: {  	_ =	swait.ge @!p0 [sflag:s16], $0x2000  }
0x20e: {  	[sflag:s16] =	ssyncset.done @!p0 $0x0  }
0x20f: {  	[sflag:s16] =	ssyncadd.s32 @!p0 $0xFFFFE000;
	s16 =	simm.s32 @!p0 $0x4  }
0x210: {  	_ =	swait.ge @!p0 [sflag:s16], $0x2000  }
0x211: {  	s24 =	simm.s32 @!p0 $0x1A000;
	[sflag:s16] =	ssyncset.done @!p0 $0x0  }
0x212: {  	s20 =	simm.s32 @!p0 $0x1C380;
	[sflag:s16] =	ssyncadd.s32 @!p0 $0xFFFFE000;
	s16 =	simm.s32 @!p0 $0x80  }
0x213: {  	[spmem:s3] =	stream.indirect.scatter.add.f32 @!p0 [tilespmem:s24], [sflag:$0x8], $0x40, s20, s16, $0xb8;
	[tilespmem:$0x1EE00] =	vst v63  }
0x214: {  	v1 =	vld @!p0 [tilespmem:$0x1C380];
	_ =	sdelay $0x7  }
0x215: {  	[tilespmem:v1+s11+$0x0] =	vst.idx.add.f32.msk @!p0 $0xffff, v2  }
0x216: {  	v1 =	vld @!p0 [tilespmem:$0x1C390];
	_ =	sdelay $0x7  }
0x217: {  	[tilespmem:v1+s11+$0x0] =	vst.idx.add.f32.msk @!p0 $0xffff, v2  }
0x218: {  	v1 =	vld @!p0 [tilespmem:$0x1C3A0];
	_ =	sdelay $0x7  }
0x219: {  	[tilespmem:v1+s11+$0x0] =	vst.idx.add.f32.msk @!p0 $0xffff, v2  }
0x21a: {  	v1 =	vld @!p0 [tilespmem:$0x1C3B0];
	_ =	sdelay $0x7  }
0x21b: {  	[tilespmem:v1+s11+$0x0] =	vst.idx.add.f32.msk @!p0 $0xffff, v2  }
0x21c: {  	v1 =	vld @!p0 [tilespmem:$0x1C3C0];
	_ =	sdelay $0x7  }
0x21d: {  	[tilespmem:v1+s11+$0x0] =	vst.idx.add.f32.msk @!p0 $0xffff, v2  }
0x21e: {  	v1 =	vld @!p0 [tilespmem:$0x1C3D0];
	_ =	sdelay $0x7  }
0x21f: {  	[tilespmem:v1+s11+$0x0] =	vst.idx.add.f32.msk @!p0 $0xffff, v2  }
0x220: {  	v1 =	vld @!p0 [tilespmem:$0x1C3E0];
	_ =	sdelay $0x7  }
0x221: {  	[tilespmem:v1+s11+$0x0] =	vst.idx.add.f32.msk @!p0 $0xffff, v2  }
0x222: {  	v1 =	vld @!p0 [tilespmem:$0x1C3F0];
	_ =	sdelay $0x7  }
0x223: {  	[tilespmem:v1+s11+$0x0] =	vst.idx.add.f32.msk @!p0 $0xffff, v2  }
0x224: {  	_ =	swait.ge [sflag:s22], $0x2000  }
0x225: {  	[sflag:s22] =	ssyncset.done $0x0  }
0x226: {  	[sflag:s22] =	ssyncadd.s32 $0xFFFFE000  }
0x227: {  	_ =	swait.ge [sflag:s17], $0x2000  }
0x228: {  	[sflag:s17] =	ssyncset.done $0x0  }
0x229: {  	s0 =	simm.s32 $0xD;
	[sflag:s17] =	ssyncadd.s32 $0xFFFFE000  }
0x22a: {  	_ =	swait.ge [sflag:s0], $0x100  }
0x22b: {  	[sflag:s0] =	ssyncset.done $0x0  }
0x22c: {  	s5 =	simm.s32 $0xE;
	[sflag:s0] =	ssyncadd.s32 $0xFFFFFF00  }
0x22d: {  	_ =	swait.ge [sflag:s5], $0x100  }
0x22e: {  	[sflag:s5] =	ssyncset.done $0x0  }
0x22f: {  	[sflag:s5] =	ssyncadd.s32 $0xFFFFFF00  }
0x230: {  	[bflag:$0x0] =	sbarrier.arrive $0xFFFF  }
0x231: {  	s14 =	rddreg [dreg:$0x7]  }
0x232: {  	s20 =	rddreg [dreg:$0x6]  }
0x233: {  	s12 =	simm.s32 $0xF;
	s9 =	rddreg [dreg:$0x12];
	s8 =	sshrl.u32 s14, $0x3  }
0x234: {  	[hbm:s9], [sflag:s20] =	dma.local [spmem:s8], $0x1400  }
0x235: {  	_ =	swait.ge [sflag:s12], $0x1400  }
0x236: {  	[sflag:s12] =	ssyncset.done $0x0  }
0x237: {  	s16 =	simm.s32 @!p0 $0x0;
	s24 =	rddreg [dreg:$0x13];
	[sflag:s12] =	ssyncadd.s32 $0xFFFFEC00  }
0x238: {  	[hbm4b:s24+s16] =	stream.linear.scatter @!p0 [tilespmem:s11], [sflag:$0xF], $0x2800, $0x38;
	[tilespmem:$0x1EE00] =	vst v63  }
0x239: {  	s11 =	simm.s32 @!p0 $0xF  }
0x23a: {  	_ =	swait.ge @!p0 [sflag:s11], $0x2800  }
0x23b: {  	s8 =	rddreg [dreg:$0x16]  }
0x23c: {  	s13 =	rddreg [dreg:$0x14];
	s8 =	sadd.s32 $0x1, s8  }
0x23d: {  	p1 =	sne.s32 s8, s13  }
.Ltmp3:
0x23e: {  	_ = 	snop;
	(pc) =	sbr.rel @p1 .LBB2_1-.Ltmp3, $4  }
0x23f: {  	_ = 	snop  }
0x240: {  	s0 =	simm.s32 $0xB;
	s5 =	simm.s32 $0x9  }
0x241: {  	s9 =	simm.s32 $0x1;
	s12 =	simm.s32 $0xC;
	[sflag:s11] =	ssyncset.done @!p0 $0x0  }
0x242: {  	s24 =	simm.s32 $0xF;
	[sflag:s11] =	ssyncadd.s32 @!p0 $0xFFFFD800;
	s13 =	simm.s32 $0xA  }
0x243: {  	_ =	sfence.sel $0x180000  }
0x244: {  	[bflag:$0x0] =	sbarrier.arrive $0xFFFF  }
0x245: {  	_ =	strace $0x90000047  }
0x246: {  	s0 =	stileid.u32;
	[bflag:$0x2] =	sbarrier.arrive $0xFFFF  }
0x247: {  	p0 =	sne.s32 s0, $0x0;
	s0 =	rddreg [dreg:$0x4]  }
0x248: {  	s0 =	sadd.s32 @!p0 $0x100000, s0  }
0x249: {  	[sflag:s0] =	ssyncadd.tile.s32 @!p0 $0x1;
	_ =	shalt  }
.Lfunc_end2:
_tile_overlayer_lowered:
.L_overlay_start_2:
0x24a: {  	(tag) =	ssettag $0x2  }
0x24b: {  	s0 =	rddreg [dreg:$0x0];
	s2 =	stileid.u32  }
0x24c: {  	s1 =	rddreg [dreg:$0x1];
	p0 =	sne.s32 s2, $0x0  }
0x24d: {  	s3 =	rddreg [dreg:$0x2];
	[bflag:$0x3] =	sbarrier.arrive $0xFFFF;
	s2 =	simm.s32 @!p0 $0x1C0F  }
0x24e: {  	[timem:s3], [sflag:s2] =	dma.local @!p0 [hbm:s0], s1  }
0x24f: {  	s0 =	simm.s32 @!p0 $0xF  }
0x250: {  	_ =	swait.ge @!p0 [sflag:s0], s1  }
0x251: {  	s1 =	ssub.s32 @!p0 $0x0, s1;
	[sflag:s0] =	ssyncset.done @!p0 $0x0  }
0x252: {  	[sflag:s0] =	ssyncadd.s32 @!p0 s1  }
0x253: {  	[bflag:$0x3] =	sbarrier.arrive $0xFFFF  }
0x254: {  	_ =	shalt  }

</sc_bundles>
